<compile_context>
chip_gen: v7x
topology: tpu7x:2x2x1
jax: 0.10.2.dev20260603
libtpu: 0.0.44.dev20260713+nightly
codegen_flags: <defaults>
</compile_context>

<pallas_src>
import functools

import jax
import jax.numpy as jnp
from jax import lax
from jax.experimental import pallas as pl
from jax.experimental.pallas import tpu as pltpu
from jax.experimental.pallas import tpu_sc as plsc

N = 10000
FT = 128
NNZ = 160000
NCLS = 40
NG = 64

NC, NS = 2, 16
NW = NC * NS
PPT = NNZ // NW
CHUNK = 128
NCH = (PPT + CHUNK - 1) // CHUNK
SROWS = 10240

f32 = jnp.float32
i32 = jnp.int32

_mesh = plsc.VectorSubcoreMesh(core_axis_name="c", subcore_axis_name="s",
                               num_cores=NC, num_subcores=NS)


def _make_seg(W, nbuf=2):
    def body(src, gix, six, z2d, out, gv, sv, rows, g0, g1, acc):
        gsem = [g0, g1]
        cid = lax.axis_index("c")
        sid = lax.axis_index("s")
        wid = cid * NS + sid
        pltpu.sync_copy(gix.at[wid], gv)
        pltpu.sync_copy(six.at[wid], sv)
        rpt = SROWS // NS
        pltpu.sync_copy(z2d.at[pl.ds(0, rpt)], acc.at[pl.ds(sid * rpt, rpt)])
        plsc.subcore_barrier()
        pltpu.async_copy(src.at[gv.at[0]], rows.at[0], gsem[0])
        pltpu.async_copy(src.at[gv.at[1]], rows.at[1], gsem[1])

        @pl.loop(0, NCH, step=nbuf)
        def _grp(c):
            for b in range(nbuf):
                ch = c + b
                pltpu.make_async_copy(src.at[gv.at[ch]], rows.at[b],
                                      gsem[b]).wait()
                pltpu.sync_copy(rows.at[b], acc.at[sv.at[ch]], add=True)

                @pl.when(ch + 2 < NCH)
                def _():
                    pltpu.async_copy(src.at[gv.at[ch + 2]], rows.at[b],
                                     gsem[b])

        plsc.subcore_barrier()
        pltpu.sync_copy(acc.at[pl.ds(sid * rpt, rpt)],
                        out.at[cid, pl.ds(sid * rpt, rpt)])

    return pl.kernel(
        body,
        out_type=jax.ShapeDtypeStruct((NC, SROWS, W), f32),
        mesh=_mesh,
        scratch_types=(
            [pltpu.VMEM((NCH, CHUNK), i32),
             pltpu.VMEM((NCH, CHUNK), i32),
             pltpu.VMEM((nbuf, CHUNK, W), f32)]
            + [pltpu.SemaphoreType.DMA] * nbuf
            + [pltpu.VMEM_SHARED((SROWS, W), f32)]
        ),
    )


_seg = _make_seg(FT)

NCH1 = 79


@functools.partial(
    pl.kernel,
    out_type=jax.ShapeDtypeStruct((2 * SROWS,), f32),
    mesh=_mesh,
    scratch_types=[
        pltpu.VMEM((128,), f32),
        pltpu.VMEM((NCH1, CHUNK), i32),
        pltpu.VMEM((NCH, CHUNK), i32),
        pltpu.VMEM((NCH, CHUNK), i32),
        pltpu.VMEM((4, CHUNK), f32),
        pltpu.SemaphoreType.DMA,
        pltpu.SemaphoreType.DMA,
        pltpu.SemaphoreType.DMA,
        pltpu.SemaphoreType.DMA,
        pltpu.SemaphoreType.DMA,
        pltpu.SemaphoreType.DMA,
        pltpu.SemaphoreType.DMA,
        pltpu.SemaphoreType.DMA,
        pltpu.SemaphoreType.DMA,
        pltpu.VMEM_SHARED((SROWS,), f32),
        pltpu.VMEM_SHARED((SROWS,), f32),
    ],
)
def _deg(ones_in, s1e, gixe, sixn, z1, out, ov, s1v, gv, sv, gbuf,
         d0, g0, g1, g2, g3, s0, s1, s2, s3, aed, ad):
    cid = lax.axis_index("c")
    sid = lax.axis_index("s")
    wid = cid * NS + sid
    rpt = SROWS // NS
    pltpu.sync_copy(ones_in, ov)
    pltpu.sync_copy(s1e.at[sid], s1v)
    pltpu.sync_copy(gixe.at[wid], gv)
    pltpu.sync_copy(sixn.at[wid], sv)
    pltpu.sync_copy(z1, aed.at[pl.ds(sid * rpt, rpt)])
    pltpu.sync_copy(z1, ad.at[pl.ds(sid * rpt, rpt)])
    plsc.subcore_barrier()

    @pl.loop(0, NCH1)
    def _s1(ch):
        pltpu.async_copy(ov, aed.at[s1v.at[ch]], d0, add=True)

    @pl.loop(0, NCH1)
    def _s1d(ch):
        pltpu.make_async_copy(ov, aed.at[s1v.at[0]], d0).wait()

    plsc.subcore_barrier()
    gsem = [g0, g1, g2, g3]
    ssem = [s0, s1, s2, s3]
    pltpu.async_copy(aed.at[gv.at[0]], gbuf.at[0], gsem[0])
    pltpu.async_copy(aed.at[gv.at[1]], gbuf.at[1], gsem[1])

    @pl.loop(0, NCH, step=4)
    def _s2(c):
        for b in range(4):
            ch = c + b
            b2 = (b + 2) % 4
            pltpu.make_async_copy(aed.at[gv.at[ch]], gbuf.at[b],
                                  gsem[b]).wait()
            pltpu.async_copy(gbuf.at[b], ad.at[sv.at[ch]], ssem[b], add=True)

            @pl.when(ch + 2 < NCH)
            def _():
                @pl.when(ch >= 2)
                def _():
                    pltpu.make_async_copy(gbuf.at[b2], ad.at[sv.at[0]],
                                          ssem[b2]).wait()

                pltpu.async_copy(aed.at[gv.at[ch + 2]], gbuf.at[b2],
                                 gsem[b2])

    for b in range(4):
        pltpu.make_async_copy(gbuf.at[b], ad.at[sv.at[0]], ssem[b]).wait()
    plsc.subcore_barrier()
    pltpu.sync_copy(ad.at[pl.ds(sid * rpt, rpt)],
                    out.at[pl.ds(cid * SROWS + sid * rpt, rpt)])


BLK = 2000
GRID = N // BLK


def _row_spec(shape=(BLK, FT)):
    return pl.BlockSpec(shape, lambda i: (i, 0))


def _full_spec(shape):
    return pl.BlockSpec(shape, lambda i: (0, 0))


def _eadd(a, b):
    def body(ar, br, orf):
        orf[...] = ar[...] + br[...]

    spec = pl.BlockSpec((1024, FT), lambda i: (i, 0))
    return pl.pallas_call(
        body, grid=(SROWS // 1024,),
        in_specs=[spec, spec],
        out_specs=spec,
        out_shape=jax.ShapeDtypeStruct((SROWS, FT), f32),
    )(a, b)


def _bn_coeffs(str_, g, b):
    mu = str_[0:1, :] * (1.0 / N)
    var = str_[1:2, :] * (1.0 / N) - mu * mu
    scale = g * lax.rsqrt(var + 1e-5)
    shift = b - mu * scale
    return scale, shift


def _mlp(y0, y1, W1, b1, g1v, b1v, W2, b2, g2v, b2v):
    def body(y0r, y1r, w1r, b1r, g1r, bb1r, w2r, b2r, g2r, bb2r, outr,
             Ss, Ts, st1, st2):
        ph = pl.program_id(0)
        i = pl.program_id(1)
        rs = pl.ds(i * BLK, BLK)

        @pl.when(ph == 0)
        def _():
            @pl.when(i == 0)
            def _():
                st1[...] = jnp.zeros_like(st1)
                st2[...] = jnp.zeros_like(st2)

            x = y0r[...] + y1r[...]
            s = jnp.dot(x, w1r[...], preferred_element_type=f32) + b1r[...]
            Ss[rs, :] = s
            st1[0:1, :] += jnp.sum(s, axis=0, keepdims=True)
            st1[1:2, :] += jnp.sum(s * s, axis=0, keepdims=True)

        @pl.when(ph == 1)
        def _():
            sc, sh = _bn_coeffs(st1, g1r[...], bb1r[...])
            r = jnp.maximum(Ss[rs, :] * sc + sh, 0.0)
            t = jnp.dot(r, w2r[...], preferred_element_type=f32) + b2r[...]
            Ts[rs, :] = t
            st2[0:1, :] += jnp.sum(t, axis=0, keepdims=True)
            st2[1:2, :] += jnp.sum(t * t, axis=0, keepdims=True)

        @pl.when(ph == 2)
        def _():
            sc, sh = _bn_coeffs(st2, g2r[...], bb2r[...])
            outr[...] = jnp.maximum(Ts[rs, :] * sc + sh, 0.0)

    def first_phase(p, i):
        return (i * (p == 0), 0)

    return pl.pallas_call(
        body, grid=(3, GRID),
        in_specs=[pl.BlockSpec((BLK, FT), first_phase),
                  pl.BlockSpec((BLK, FT), first_phase),
                  pl.BlockSpec((FT, FT), lambda p, i: (0, 0)),
                  pl.BlockSpec((1, FT), lambda p, i: (0, 0)),
                  pl.BlockSpec((1, FT), lambda p, i: (0, 0)),
                  pl.BlockSpec((1, FT), lambda p, i: (0, 0)),
                  pl.BlockSpec((FT, FT), lambda p, i: (0, 0)),
                  pl.BlockSpec((1, FT), lambda p, i: (0, 0)),
                  pl.BlockSpec((1, FT), lambda p, i: (0, 0)),
                  pl.BlockSpec((1, FT), lambda p, i: (0, 0))],
        out_specs=pl.BlockSpec((BLK, FT), lambda p, i: (i, 0)),
        out_shape=jax.ShapeDtypeStruct((N, FT), f32),
        scratch_shapes=[pltpu.VMEM((N, FT), f32), pltpu.VMEM((N, FT), f32),
                        pltpu.VMEM((8, FT), f32), pltpu.VMEM((8, FT), f32)],
    )(y0, y1, W1, b1, g1v, b1v, W2, b2, g2v, b2v)


def _head(p00, p01, p10, p11, d0r, d1r, bidr, Wh0, Wh1, bh):
    def body(a0, a1, c0, c1, dr0, dr1, idsr, w0, w1, bhr, outr, accr, cntr):
        i = pl.program_id(0)
        dv = dr0[0, 0, :BLK] + dr1[0, 0, :BLK]
        dsafe = jnp.where(dv == 0.0, 1.0, dv)
        dneg = jnp.where(dv == 0.0, 1.0, 1.0 / dsafe)
        h0 = (a0[...] + a1[...]) * dneg[:, None]
        h1 = (c0[...] + c1[...]) * dneg[:, None]
        o = (jnp.dot(h0, w0[...], preferred_element_type=f32)
             + jnp.dot(h1, w1[...], preferred_element_type=f32) + bhr[...])
        ids = idsr[0, 0, :BLK]
        oh = (lax.broadcasted_iota(i32, (NG, BLK), 0) == ids[None, :]
              ).astype(f32)

        @pl.when(i == 0)
        def _():
            accr[...] = jnp.zeros_like(accr)
            cntr[...] = jnp.zeros_like(cntr)

        accr[...] += jnp.dot(oh, o, preferred_element_type=f32)
        cntr[:, 0:1] += jnp.sum(oh, axis=1, keepdims=True)
        outr[...] = accr[...] / jnp.maximum(cntr[:, 0:1], 1.0)

    return pl.pallas_call(
        body, grid=(GRID,),
        in_specs=[_row_spec(), _row_spec(), _row_spec(), _row_spec(),
                  pl.BlockSpec((1, 1, PADW), lambda i: (i, 0, 0)),
                  pl.BlockSpec((1, 1, PADW), lambda i: (i, 0, 0)),
                  pl.BlockSpec((1, 1, PADW), lambda i: (i, 0, 0)),
                  _full_spec((FT, NCLS)), _full_spec((FT, NCLS)),
                  _full_spec((1, NCLS))],
        out_specs=_full_spec((NG, NCLS)),
        out_shape=jax.ShapeDtypeStruct((NG, NCLS), f32),
        scratch_shapes=[pltpu.VMEM((NG, NCLS), f32),
                        pltpu.VMEM((NG, 8), f32)],
    )(p00, p01, p10, p11, d0r, d1r, bidr, Wh0, Wh1, bh)


def _pad_pairs(idx, pad):
    r = idx.reshape(NW, PPT)
    return jnp.concatenate([r, pad], axis=1).reshape(NW, NCH, CHUNK)


PADW = 2048


def _pad_rows(v):
    return jnp.pad(v.reshape(GRID, BLK),
                   ((0, 0), (0, PADW - BLK))).reshape(GRID, 1, PADW)


def kernel(X, params, H_node_idx, H_edge_idx, all_batch):
    p = params
    lane = jnp.arange(120, dtype=i32)[None, :]
    wrow = jnp.arange(NW, dtype=i32)[:, None]
    gpad = (lane * 97 + wrow * 53) % N
    spad = N + (lane * 7 + wrow * 11) % 240
    gp_n = _pad_pairs(H_node_idx, gpad)
    sp_n = _pad_pairs(H_node_idx, spad)
    gp_e = _pad_pairs(H_edge_idx, gpad)
    sp_e = _pad_pairs(H_edge_idx, spad)
    z2d = jnp.zeros((SROWS // NS, FT), f32)
    z1 = jnp.zeros((SROWS // NS,), f32)
    dpad = SROWS - 224 + (lane[:, :112] + wrow[:16]) % 64
    s1e = jnp.concatenate([H_edge_idx.reshape(NS, NNZ // NS), dpad],
                          axis=1).reshape(NS, NCH1, CHUNK)

    bidr = _pad_rows(all_batch)
    b1_0 = p['b1_0'].reshape(1, FT); b2_0 = p['b2_0'].reshape(1, FT)
    b1_1 = p['b1_1'].reshape(1, FT); b2_1 = p['b2_1'].reshape(1, FT)
    bng_0 = p['bng_0'].reshape(1, FT); bnb_0 = p['bnb_0'].reshape(1, FT)
    bng_1 = p['bng_1'].reshape(1, FT); bnb_1 = p['bnb_1'].reshape(1, FT)
    g_e0 = p['g_e0'].reshape(1, FT); b_e0 = p['b_e0'].reshape(1, FT)
    g_e1 = p['g_e1'].reshape(1, FT); b_e1 = p['b_e1'].reshape(1, FT)
    Wh0 = p['Wh'][:FT]; Wh1 = p['Wh'][FT:]
    bh = p['bh'].reshape(1, NCLS)

    def prop(src):
        ep = _seg(src, gp_n, sp_e, z2d)
        ef = _eadd(ep[0], ep[1])
        return _seg(ef, gp_e, sp_n, z2d)

    dflat = _deg(jnp.ones((CHUNK,), f32), s1e, gp_e, sp_n, z1)
    d0r = _pad_rows(dflat[:N])
    d1r = _pad_rows(dflat[SROWS:SROWS + N])

    y0 = prop(X)
    h0 = _mlp(y0[0], y0[1], p['W1_0'], b1_0, bng_0, bnb_0,
              p['W2_0'], b2_0, g_e0, b_e0)
    y1 = prop(h0)
    h1 = _mlp(y1[0], y1[1], p['W1_1'], b1_1, bng_1, bnb_1,
              p['W2_1'], b2_1, g_e1, b_e1)
    r1 = prop(h1)
    return _head(y1[0], y1[1], r1[0], r1[1], d0r, d1r, bidr, Wh0, Wh1, bh)

# --- scband reference (transcript-rebuilt; emitter-appended) ---
"""Pipeline reference for scband-cp-hgnn-28166395527441 (READ-ONLY COPY).

The authoritative reference and input builder live on the scoring server;
editing this copy changes nothing except your own understanding.
"""

import jax, jax.numpy as jnp
import numpy as np

N_NODES = 10000
N_HEDGES = 10000
NNZ = 160000
FT = 128
HID = 128
NCLS = 40
NGRAPH = 64


def setup_inputs(seed: int = 0) -> dict:
    key = jax.random.key(seed)
    ks = jax.random.split(key, 12)
    X = jax.random.normal(ks[0], (N_NODES, FT), dtype=jnp.float32)
    H_node_idx = jax.random.randint(ks[1], (NNZ,), 0, N_NODES, dtype=jnp.int32)
    H_edge_idx = jax.random.randint(ks[2], (NNZ,), 0, N_HEDGES, dtype=jnp.int32)
    all_batch = jnp.sort(jax.random.randint(ks[3], (N_NODES,), 0, NGRAPH, dtype=jnp.int32))

    def lin(k, fi, fo):
        return (jax.random.normal(k, (fi, fo), dtype=jnp.float32) / np.sqrt(fi)).astype(jnp.float32)

    ones = jnp.ones((HID,), jnp.float32)
    zeros = jnp.zeros((HID,), jnp.float32)
    params = {
        'W1_0': lin(ks[4], FT, HID), 'b1_0': zeros, 'bng_0': ones, 'bnb_0': zeros,
        'W2_0': lin(ks[5], HID, HID), 'b2_0': zeros, 'g_e0': ones, 'b_e0': zeros,
        'W1_1': lin(ks[6], HID, HID), 'b1_1': zeros, 'bng_1': ones, 'bnb_1': zeros,
        'W2_1': lin(ks[7], HID, HID), 'b2_1': zeros, 'g_e1': ones, 'b_e1': zeros,
        'Wh': lin(ks[8], HID * 2, NCLS), 'bh': jnp.zeros((NCLS,), jnp.float32),
    }
    return {'X': X, 'params': params, 'H_node_idx': H_node_idx,
            'H_edge_idx': H_edge_idx, 'all_batch': all_batch}


def _bn(x, g, b):
    mu = jnp.mean(x, axis=0)
    var = jnp.var(x, axis=0)
    return (x - mu) / jnp.sqrt(var + 1e-5) * g + b


def _forward(X, params, H_node_idx, H_edge_idx, all_batch):
    # H is the sparse node-hyperedge incidence matrix [N, M] with nnz ones.
    def ht_mm(Y):  # H^T @ Y : gather node rows, scatter-add into hyperedges
        return jax.ops.segment_sum(Y[H_node_idx], H_edge_idx, num_segments=N_HEDGES)

    def h_mm(Y):  # H @ Y : gather hyperedge rows, scatter-add into nodes
        return jax.ops.segment_sum(Y[H_edge_idx], H_node_idx, num_segments=N_NODES)

    # norm_row(P) with P = H @ H^T (readout_type == 'mean'); P never materialized
    d = h_mm(ht_mm(jnp.ones((N_NODES, 1), jnp.float32)))[:, 0]
    Dneg = jnp.where(d == 0, 1.0, 1.0 / jnp.where(d == 0, 1.0, d))

    def mlp(x, i):  # GIN-style MLP_graph with n_mlp_layers=2
        h = x @ params['W1_%d' % i] + params['b1_%d' % i]
        h = jax.nn.relu(_bn(h, params['bng_%d' % i], params['bnb_%d' % i]))
        return h @ params['W2_%d' % i] + params['b2_%d' % i]

    hidden = []
    Xc = X
    for i in range(2):  # n_layers - 1
        Xc = h_mm(ht_mm(Xc))  # X = H @ (H^T @ X), neighbor_pooling 'sum'
        Xc = mlp(Xc, i)
        Xc = jax.nn.relu(_bn(Xc, params['g_e%d' % i], params['b_e%d' % i]))
        hidden.append(Xc)
    hidden = [Dneg[:, None] * h_mm(ht_mm(h)) for h in hidden]  # norm_row(P) @ h
    glob = jnp.concatenate(hidden, axis=1)
    out = glob @ params['Wh'] + params['bh']
    sums = jax.ops.segment_sum(out, all_batch, num_segments=NGRAPH)
    counts = jax.ops.segment_sum(jnp.ones((N_NODES,), jnp.float32), all_batch, num_segments=NGRAPH)
    readout = sums / jnp.maximum(counts, 1.0)[:, None]
    return readout  # multi_label=False -> raw logits


def reference(X, params, H_node_idx, H_edge_idx, all_batch):
    return _forward(X, params, H_node_idx, H_edge_idx, all_batch)

if __name__ == "__main__":
    import jax
    _d = setup_inputs()
    print(jax.jit(kernel)(*tuple(_d.values())))

</pallas_src>

<mosaic_0001>
#map = affine_map<(d0, d1) -> (0, 0)>
#map1 = affine_map<(d0, d1) -> (0, 0, 0)>
module attributes {stable_mosaic.version = 14 : i64} {
  func.func @body(%arg0: i32, %arg1: i32, %arg2: memref<10240x128xf32, #tpu.memory_space<hbm>>, %arg3: memref<32x40x128xi32, #tpu.memory_space<hbm>>, %arg4: memref<32x40x128xi32, #tpu.memory_space<hbm>>, %arg5: memref<640x128xf32, #tpu.memory_space<hbm>>, %arg6: memref<2x10240x128xf32, #tpu.memory_space<hbm>>, %arg7: memref<40x128xi32, #tpu.memory_space<vmem>>, %arg8: memref<40x128xi32, #tpu.memory_space<vmem>>, %arg9: memref<2x128x128xf32, #tpu.memory_space<vmem>>, %arg10: memref<!tpu.dma_semaphore, #tpu.memory_space<semaphore_mem>>, %arg11: memref<!tpu.dma_semaphore, #tpu.memory_space<semaphore_mem>>, %arg12: memref<10240x128xf32, #tpu.memory_space<vmem_shared>>) attributes {dimension_semantics = [#tpu.dimension_semantics<core_parallel>, #tpu.dimension_semantics<subcore_parallel>], iteration_bounds = array<i64: 2, 16>, scalar_prefetch = 0 : i64, scratch_operands = 6 : i64, tpu.core_type = #tpu.core_type<sc_vector_subcore>, window_params = [{transform_indices = #map}, {transform_indices = #map1}, {transform_indices = #map1}, {transform_indices = #map}, {transform_indices = #map1}]} {
    %mul3A = arith.constant 16 : i32
    %mul3A_0 = arith.muli %arg0, %mul3A : i32
    %add3A = arith.addi %mul3A_0, %arg1 : i32
    "tpu.region"() ({
      %run_scoped3A = tpu.sem_alloc : memref<!tpu.dma_semaphore, #tpu.memory_space<semaphore_mem>>
      %dma_start3A_35 = arith.constant 0 : i32
      %dma_start3A_36 = arith.constant 0 : i32
      %dma_start3A_37 = tpu.memref_slice %arg3[%add3A, %dma_start3A_35, %dma_start3A_36] : memref<32x40x128xi32, #tpu.memory_space<hbm>> -> memref<1x40x128xi32, #tpu.memory_space<hbm>>
      %dma_start3A_38 = tpu.memref_squeeze %dma_start3A_37 : memref<1x40x128xi32, #tpu.memory_space<hbm>> -> memref<40x128xi32, #tpu.memory_space<hbm>>
      %dma_start3A_39 = arith.constant 0 : i32
      %dma_start3A_40 = arith.constant 0 : i32
      %dma_start3A_41 = tpu.memref_slice %arg3[%add3A, %dma_start3A_39, %dma_start3A_40] : memref<32x40x128xi32, #tpu.memory_space<hbm>> -> memref<1x40x128xi32, #tpu.memory_space<hbm>>
      %dma_start3A_42 = tpu.memref_squeeze %dma_start3A_41 : memref<1x40x128xi32, #tpu.memory_space<hbm>> -> memref<40x128xi32, #tpu.memory_space<hbm>>
      tpu.enqueue_dma source(%dma_start3A_42 : memref<40x128xi32, #tpu.memory_space<hbm>>) target(%arg7 : memref<40x128xi32, #tpu.memory_space<vmem>>) target_semaphore(%run_scoped3A : memref<!tpu.dma_semaphore, #tpu.memory_space<semaphore_mem>>)
      %dma_wait3A = arith.constant 0 : i32
      %dma_wait3A_43 = arith.constant 0 : i32
      %dma_wait3A_44 = tpu.memref_slice %arg3[%add3A, %dma_wait3A, %dma_wait3A_43] : memref<32x40x128xi32, #tpu.memory_space<hbm>> -> memref<1x40x128xi32, #tpu.memory_space<hbm>>
      %dma_wait3A_45 = tpu.memref_squeeze %dma_wait3A_44 : memref<1x40x128xi32, #tpu.memory_space<hbm>> -> memref<40x128xi32, #tpu.memory_space<hbm>>
      %dma_wait3A_46 = arith.constant 0 : i32
      %dma_wait3A_47 = arith.constant 0 : i32
      %dma_wait3A_48 = tpu.memref_slice %arg3[%add3A, %dma_wait3A_46, %dma_wait3A_47] : memref<32x40x128xi32, #tpu.memory_space<hbm>> -> memref<1x40x128xi32, #tpu.memory_space<hbm>>
      %dma_wait3A_49 = tpu.memref_squeeze %dma_wait3A_48 : memref<1x40x128xi32, #tpu.memory_space<hbm>> -> memref<40x128xi32, #tpu.memory_space<hbm>>
      tpu.wait_dma2 semaphore(%run_scoped3A : memref<!tpu.dma_semaphore, #tpu.memory_space<semaphore_mem>>) src(%dma_wait3A_49 : memref<40x128xi32, #tpu.memory_space<hbm>>) dst(%arg7 : memref<40x128xi32, #tpu.memory_space<vmem>>)
      tpu.yield
    }) : () -> ()
    "tpu.region"() ({
      %run_scoped3A = tpu.sem_alloc : memref<!tpu.dma_semaphore, #tpu.memory_space<semaphore_mem>>
      %dma_start3A_35 = arith.constant 0 : i32
      %dma_start3A_36 = arith.constant 0 : i32
      %dma_start3A_37 = tpu.memref_slice %arg4[%add3A, %dma_start3A_35, %dma_start3A_36] : memref<32x40x128xi32, #tpu.memory_space<hbm>> -> memref<1x40x128xi32, #tpu.memory_space<hbm>>
      %dma_start3A_38 = tpu.memref_squeeze %dma_start3A_37 : memref<1x40x128xi32, #tpu.memory_space<hbm>> -> memref<40x128xi32, #tpu.memory_space<hbm>>
      %dma_start3A_39 = arith.constant 0 : i32
      %dma_start3A_40 = arith.constant 0 : i32
      %dma_start3A_41 = tpu.memref_slice %arg4[%add3A, %dma_start3A_39, %dma_start3A_40] : memref<32x40x128xi32, #tpu.memory_space<hbm>> -> memref<1x40x128xi32, #tpu.memory_space<hbm>>
      %dma_start3A_42 = tpu.memref_squeeze %dma_start3A_41 : memref<1x40x128xi32, #tpu.memory_space<hbm>> -> memref<40x128xi32, #tpu.memory_space<hbm>>
      tpu.enqueue_dma source(%dma_start3A_42 : memref<40x128xi32, #tpu.memory_space<hbm>>) target(%arg8 : memref<40x128xi32, #tpu.memory_space<vmem>>) target_semaphore(%run_scoped3A : memref<!tpu.dma_semaphore, #tpu.memory_space<semaphore_mem>>)
      %dma_wait3A = arith.constant 0 : i32
      %dma_wait3A_43 = arith.constant 0 : i32
      %dma_wait3A_44 = tpu.memref_slice %arg4[%add3A, %dma_wait3A, %dma_wait3A_43] : memref<32x40x128xi32, #tpu.memory_space<hbm>> -> memref<1x40x128xi32, #tpu.memory_space<hbm>>
      %dma_wait3A_45 = tpu.memref_squeeze %dma_wait3A_44 : memref<1x40x128xi32, #tpu.memory_space<hbm>> -> memref<40x128xi32, #tpu.memory_space<hbm>>
      %dma_wait3A_46 = arith.constant 0 : i32
      %dma_wait3A_47 = arith.constant 0 : i32
      %dma_wait3A_48 = tpu.memref_slice %arg4[%add3A, %dma_wait3A_46, %dma_wait3A_47] : memref<32x40x128xi32, #tpu.memory_space<hbm>> -> memref<1x40x128xi32, #tpu.memory_space<hbm>>
      %dma_wait3A_49 = tpu.memref_squeeze %dma_wait3A_48 : memref<1x40x128xi32, #tpu.memory_space<hbm>> -> memref<40x128xi32, #tpu.memory_space<hbm>>
      tpu.wait_dma2 semaphore(%run_scoped3A : memref<!tpu.dma_semaphore, #tpu.memory_space<semaphore_mem>>) src(%dma_wait3A_49 : memref<40x128xi32, #tpu.memory_space<hbm>>) dst(%arg8 : memref<40x128xi32, #tpu.memory_space<vmem>>)
      tpu.yield
    }) : () -> ()
    %mul3A_1 = arith.constant 640 : i32
    %mul3A_2 = arith.muli %arg1, %mul3A_1 : i32
    "tpu.region"() ({
      %run_scoped3A = tpu.sem_alloc : memref<!tpu.dma_semaphore, #tpu.memory_space<semaphore_mem>>
      %dma_start3A_35 = arith.constant 0 : i32
      %dma_start3A_36 = tpu.memref_slice %arg12[%mul3A_2, %dma_start3A_35] : memref<10240x128xf32, #tpu.memory_space<vmem_shared>> -> memref<640x128xf32, #tpu.memory_space<vmem_shared>>
      %dma_start3A_37 = arith.constant 0 : i32
      %dma_start3A_38 = arith.constant 0 : i32
      %dma_start3A_39 = tpu.memref_slice %arg5[%dma_start3A_37, %dma_start3A_38] : memref<640x128xf32, #tpu.memory_space<hbm>> -> memref<640x128xf32, #tpu.memory_space<hbm>>
      tpu.enqueue_dma source(%dma_start3A_39 : memref<640x128xf32, #tpu.memory_space<hbm>>) target(%dma_start3A_36 : memref<640x128xf32, #tpu.memory_space<vmem_shared>>) target_semaphore(%run_scoped3A : memref<!tpu.dma_semaphore, #tpu.memory_space<semaphore_mem>>)
      %dma_wait3A = arith.constant 0 : i32
      %dma_wait3A_40 = tpu.memref_slice %arg12[%mul3A_2, %dma_wait3A] : memref<10240x128xf32, #tpu.memory_space<vmem_shared>> -> memref<640x128xf32, #tpu.memory_space<vmem_shared>>
      %dma_wait3A_41 = arith.constant 0 : i32
      %dma_wait3A_42 = arith.constant 0 : i32
      %dma_wait3A_43 = tpu.memref_slice %arg5[%dma_wait3A_41, %dma_wait3A_42] : memref<640x128xf32, #tpu.memory_space<hbm>> -> memref<640x128xf32, #tpu.memory_space<hbm>>
      tpu.wait_dma2 semaphore(%run_scoped3A : memref<!tpu.dma_semaphore, #tpu.memory_space<semaphore_mem>>) src(%dma_wait3A_43 : memref<640x128xf32, #tpu.memory_space<hbm>>) dst(%dma_wait3A_40 : memref<640x128xf32, #tpu.memory_space<vmem_shared>>)
      tpu.yield
    }) : () -> ()
    %barrier3A = arith.constant 0 : index
    tpu.barrier barrier_id(%barrier3A)
    %dma_start3A = arith.constant 0 : i32
    %dma_start3A_3 = arith.constant 0 : i32
    %dma_start3A_4 = arith.constant 0 : i32
    %dma_start3A_5 = arith.constant 0 : i32
    %dma_start3A_6 = tpu.memref_slice %arg9[%dma_start3A_3, %dma_start3A_4, %dma_start3A_5] : memref<2x128x128xf32, #tpu.memory_space<vmem>> -> memref<1x128x128xf32, #tpu.memory_space<vmem>>
    %dma_start3A_7 = tpu.memref_squeeze %dma_start3A_6 : memref<1x128x128xf32, #tpu.memory_space<vmem>> -> memref<128x128xf32, #tpu.memory_space<vmem>>
    %dma_start3A_8 = arith.constant 0 : i32
    %dma_start3A_9 = tpu.memref_slice %arg7[%dma_start3A, %dma_start3A_8] : memref<40x128xi32, #tpu.memory_space<vmem>> -> memref<1x128xi32, #tpu.memory_space<vmem>>
    %dma_start3A_10 = tpu.memref_squeeze %dma_start3A_9 : memref<1x128xi32, #tpu.memory_space<vmem>> -> memref<128xi32, #tpu.memory_space<vmem>>
    %dma_start3A_11 = arith.constant 0 : i32
    %dma_start3A_12 = arith.constant 0 : i32
    %dma_start3A_13 = tpu.memref_slice %arg2[%dma_start3A_11, %dma_start3A_12] : memref<10240x128xf32, #tpu.memory_space<hbm>> -> memref<10240x128xf32, #tpu.memory_space<hbm>>
    tpu.enqueue_indirect_dma source(%dma_start3A_13 : memref<10240x128xf32, #tpu.memory_space<hbm>>) target(%dma_start3A_7 : memref<128x128xf32, #tpu.memory_space<vmem>>) offsets(%dma_start3A_10 : memref<128xi32, #tpu.memory_space<vmem>>) semaphore(%arg10 : memref<!tpu.dma_semaphore, #tpu.memory_space<semaphore_mem>>)
    %dma_start3A_14 = arith.constant 1 : i32
    %dma_start3A_15 = arith.constant 1 : i32
    %dma_start3A_16 = arith.constant 0 : i32
    %dma_start3A_17 = arith.constant 0 : i32
    %dma_start3A_18 = tpu.memref_slice %arg9[%dma_start3A_15, %dma_start3A_16, %dma_start3A_17] : memref<2x128x128xf32, #tpu.memory_space<vmem>> -> memref<1x128x128xf32, #tpu.memory_space<vmem>>
    %dma_start3A_19 = tpu.memref_squeeze %dma_start3A_18 : memref<1x128x128xf32, #tpu.memory_space<vmem>> -> memref<128x128xf32, #tpu.memory_space<vmem>>
    %dma_start3A_20 = arith.constant 0 : i32
    %dma_start3A_21 = tpu.memref_slice %arg7[%dma_start3A_14, %dma_start3A_20] : memref<40x128xi32, #tpu.memory_space<vmem>> -> memref<1x128xi32, #tpu.memory_space<vmem>>
    %dma_start3A_22 = tpu.memref_squeeze %dma_start3A_21 : memref<1x128xi32, #tpu.memory_space<vmem>> -> memref<128xi32, #tpu.memory_space<vmem>>
    %dma_start3A_23 = arith.constant 0 : i32
    %dma_start3A_24 = arith.constant 0 : i32
    %dma_start3A_25 = tpu.memref_slice %arg2[%dma_start3A_23, %dma_start3A_24] : memref<10240x128xf32, #tpu.memory_space<hbm>> -> memref<10240x128xf32, #tpu.memory_space<hbm>>
    tpu.enqueue_indirect_dma source(%dma_start3A_25 : memref<10240x128xf32, #tpu.memory_space<hbm>>) target(%dma_start3A_19 : memref<128x128xf32, #tpu.memory_space<vmem>>) offsets(%dma_start3A_22 : memref<128xi32, #tpu.memory_space<vmem>>) semaphore(%arg11 : memref<!tpu.dma_semaphore, #tpu.memory_space<semaphore_mem>>)
    %scan3A = arith.constant 0 : i32
    %scan3A_26 = arith.constant 20 : i32
    %scan3A_27 = arith.addi %scan3A, %scan3A_26 : i32
    %scan3A_28 = arith.constant 1 : i32
    scf.for %scan3A_35 = %scan3A to %scan3A_27 step %scan3A_28  : i32 {
      %mul3A_36 = arith.constant 2 : i32
      %mul3A_37 = arith.muli %scan3A_35, %mul3A_36 : i32
      %add3A_38 = arith.constant 0 : i32
      %add3A_39 = arith.addi %add3A_38, %mul3A_37 : i32
      %add3A_40 = arith.constant 0 : i32
      %add3A_41 = arith.addi %add3A_39, %add3A_40 : i32
      %dma_wait3A = arith.constant 0 : i32
      %dma_wait3A_42 = arith.constant 0 : i32
      %dma_wait3A_43 = arith.constant 0 : i32
      %dma_wait3A_44 = tpu.memref_slice %arg9[%dma_wait3A, %dma_wait3A_42, %dma_wait3A_43] : memref<2x128x128xf32, #tpu.memory_space<vmem>> -> memref<1x128x128xf32, #tpu.memory_space<vmem>>
      %dma_wait3A_45 = tpu.memref_squeeze %dma_wait3A_44 : memref<1x128x128xf32, #tpu.memory_space<vmem>> -> memref<128x128xf32, #tpu.memory_space<vmem>>
      %dma_wait3A_46 = arith.constant 0 : i32
      %dma_wait3A_47 = tpu.memref_slice %arg7[%add3A_41, %dma_wait3A_46] : memref<40x128xi32, #tpu.memory_space<vmem>> -> memref<1x128xi32, #tpu.memory_space<vmem>>
      %dma_wait3A_48 = tpu.memref_squeeze %dma_wait3A_47 : memref<1x128xi32, #tpu.memory_space<vmem>> -> memref<128xi32, #tpu.memory_space<vmem>>
      %dma_wait3A_49 = arith.constant 0 : i32
      %dma_wait3A_50 = arith.constant 0 : i32
      %dma_wait3A_51 = tpu.memref_slice %arg2[%dma_wait3A_49, %dma_wait3A_50] : memref<10240x128xf32, #tpu.memory_space<hbm>> -> memref<10240x128xf32, #tpu.memory_space<hbm>>
      tpu.wait_indirect_dma semaphore(%arg10 : memref<!tpu.dma_semaphore, #tpu.memory_space<semaphore_mem>>) src(%dma_wait3A_51 : memref<10240x128xf32, #tpu.memory_space<hbm>>) dst(%dma_wait3A_45 : memref<128x128xf32, #tpu.memory_space<vmem>>)
      %run_scoped3A = arith.constant 0 : i32
      "tpu.region"() ({
        %run_scoped3A_77 = tpu.sem_alloc : memref<!tpu.dma_semaphore, #tpu.memory_space<semaphore_mem>>
        %dma_start3A_78 = arith.constant 0 : i32
        %dma_start3A_79 = arith.constant 0 : i32
        %dma_start3A_80 = tpu.memref_slice %arg9[%run_scoped3A, %dma_start3A_78, %dma_start3A_79] : memref<2x128x128xf32, #tpu.memory_space<vmem>> -> memref<1x128x128xf32, #tpu.memory_space<vmem>>
        %dma_start3A_81 = tpu.memref_squeeze %dma_start3A_80 : memref<1x128x128xf32, #tpu.memory_space<vmem>> -> memref<128x128xf32, #tpu.memory_space<vmem>>
        %dma_start3A_82 = arith.constant 0 : i32
        %dma_start3A_83 = tpu.memref_slice %arg8[%add3A_41, %dma_start3A_82] : memref<40x128xi32, #tpu.memory_space<vmem>> -> memref<1x128xi32, #tpu.memory_space<vmem>>
        %dma_start3A_84 = tpu.memref_squeeze %dma_start3A_83 : memref<1x128xi32, #tpu.memory_space<vmem>> -> memref<128xi32, #tpu.memory_space<vmem>>
        %dma_start3A_85 = arith.constant 0 : i32
        %dma_start3A_86 = arith.constant 0 : i32
        %dma_start3A_87 = tpu.memref_slice %arg12[%dma_start3A_85, %dma_start3A_86] : memref<10240x128xf32, #tpu.memory_space<vmem_shared>> -> memref<10240x128xf32, #tpu.memory_space<vmem_shared>>
        tpu.enqueue_indirect_dma source(%dma_start3A_81 : memref<128x128xf32, #tpu.memory_space<vmem>>) target(%dma_start3A_87 : memref<10240x128xf32, #tpu.memory_space<vmem_shared>>) offsets(%dma_start3A_84 : memref<128xi32, #tpu.memory_space<vmem>>) semaphore(%run_scoped3A_77 : memref<!tpu.dma_semaphore, #tpu.memory_space<semaphore_mem>>) {add = true}
        %dma_wait3A_88 = arith.constant 0 : i32
        %dma_wait3A_89 = arith.constant 0 : i32
        %dma_wait3A_90 = tpu.memref_slice %arg9[%run_scoped3A, %dma_wait3A_88, %dma_wait3A_89] : memref<2x128x128xf32, #tpu.memory_space<vmem>> -> memref<1x128x128xf32, #tpu.memory_space<vmem>>
        %dma_wait3A_91 = tpu.memref_squeeze %dma_wait3A_90 : memref<1x128x128xf32, #tpu.memory_space<vmem>> -> memref<128x128xf32, #tpu.memory_space<vmem>>
        %dma_wait3A_92 = arith.constant 0 : i32
        %dma_wait3A_93 = tpu.memref_slice %arg8[%add3A_41, %dma_wait3A_92] : memref<40x128xi32, #tpu.memory_space<vmem>> -> memref<1x128xi32, #tpu.memory_space<vmem>>
        %dma_wait3A_94 = tpu.memref_squeeze %dma_wait3A_93 : memref<1x128xi32, #tpu.memory_space<vmem>> -> memref<128xi32, #tpu.memory_space<vmem>>
        %dma_wait3A_95 = arith.constant 0 : i32
        %dma_wait3A_96 = arith.constant 0 : i32
        %dma_wait3A_97 = tpu.memref_slice %arg12[%dma_wait3A_95, %dma_wait3A_96] : memref<10240x128xf32, #tpu.memory_space<vmem_shared>> -> memref<10240x128xf32, #tpu.memory_space<vmem_shared>>
        tpu.wait_indirect_dma semaphore(%run_scoped3A_77 : memref<!tpu.dma_semaphore, #tpu.memory_space<semaphore_mem>>) src(%dma_wait3A_91 : memref<128x128xf32, #tpu.memory_space<vmem>>) dst(%dma_wait3A_97 : memref<10240x128xf32, #tpu.memory_space<vmem_shared>>)
        tpu.yield
      }) : () -> ()
      %add3A_52 = arith.constant 2 : i32
      %add3A_53 = arith.addi %add3A_41, %add3A_52 : i32
      %lt3A = arith.constant 40 : i32
      %lt3A_54 = arith.cmpi slt, %add3A_53, %lt3A : i32
      %convert_element_type3A = arith.extui %lt3A_54 : i1 to i32
      %cond3A = arith.constant 0 : i32
      %cond3A_55 = arith.cmpi ne, %convert_element_type3A, %cond3A : i32
      scf.if %cond3A_55 {
        %add3A_77 = arith.constant 2 : i32
        %add3A_78 = arith.addi %add3A_41, %add3A_77 : i32
        %dma_start3A_79 = arith.constant 0 : i32
        %dma_start3A_80 = arith.constant 0 : i32
        %dma_start3A_81 = arith.constant 0 : i32
        %dma_start3A_82 = tpu.memref_slice %arg9[%dma_start3A_79, %dma_start3A_80, %dma_start3A_81] : memref<2x128x128xf32, #tpu.memory_space<vmem>> -> memref<1x128x128xf32, #tpu.memory_space<vmem>>
        %dma_start3A_83 = tpu.memref_squeeze %dma_start3A_82 : memref<1x128x128xf32, #tpu.memory_space<vmem>> -> memref<128x128xf32, #tpu.memory_space<vmem>>
        %dma_start3A_84 = arith.constant 0 : i32
        %dma_start3A_85 = tpu.memref_slice %arg7[%add3A_78, %dma_start3A_84] : memref<40x128xi32, #tpu.memory_space<vmem>> -> memref<1x128xi32, #tpu.memory_space<vmem>>
        %dma_start3A_86 = tpu.memref_squeeze %dma_start3A_85 : memref<1x128xi32, #tpu.memory_space<vmem>> -> memref<128xi32, #tpu.memory_space<vmem>>
        %dma_start3A_87 = arith.constant 0 : i32
        %dma_start3A_88 = arith.constant 0 : i32
        %dma_start3A_89 = tpu.memref_slice %arg2[%dma_start3A_87, %dma_start3A_88] : memref<10240x128xf32, #tpu.memory_space<hbm>> -> memref<10240x128xf32, #tpu.memory_space<hbm>>
        tpu.enqueue_indirect_dma source(%dma_start3A_89 : memref<10240x128xf32, #tpu.memory_space<hbm>>) target(%dma_start3A_83 : memref<128x128xf32, #tpu.memory_space<vmem>>) offsets(%dma_start3A_86 : memref<128xi32, #tpu.memory_space<vmem>>) semaphore(%arg10 : memref<!tpu.dma_semaphore, #tpu.memory_space<semaphore_mem>>)
      } else {
      }
      %add3A_56 = arith.constant 1 : i32
      %add3A_57 = arith.addi %add3A_39, %add3A_56 : i32
      %dma_wait3A_58 = arith.constant 1 : i32
      %dma_wait3A_59 = arith.constant 0 : i32
      %dma_wait3A_60 = arith.constant 0 : i32
      %dma_wait3A_61 = tpu.memref_slice %arg9[%dma_wait3A_58, %dma_wait3A_59, %dma_wait3A_60] : memref<2x128x128xf32, #tpu.memory_space<vmem>> -> memref<1x128x128xf32, #tpu.memory_space<vmem>>
      %dma_wait3A_62 = tpu.memref_squeeze %dma_wait3A_61 : memref<1x128x128xf32, #tpu.memory_space<vmem>> -> memref<128x128xf32, #tpu.memory_space<vmem>>
      %dma_wait3A_63 = arith.constant 0 : i32
      %dma_wait3A_64 = tpu.memref_slice %arg7[%add3A_57, %dma_wait3A_63] : memref<40x128xi32, #tpu.memory_space<vmem>> -> memref<1x128xi32, #tpu.memory_space<vmem>>
      %dma_wait3A_65 = tpu.memref_squeeze %dma_wait3A_64 : memref<1x128xi32, #tpu.memory_space<vmem>> -> memref<128xi32, #tpu.memory_space<vmem>>
      %dma_wait3A_66 = arith.constant 0 : i32
      %dma_wait3A_67 = arith.constant 0 : i32
      %dma_wait3A_68 = tpu.memref_slice %arg2[%dma_wait3A_66, %dma_wait3A_67] : memref<10240x128xf32, #tpu.memory_space<hbm>> -> memref<10240x128xf32, #tpu.memory_space<hbm>>
      tpu.wait_indirect_dma semaphore(%arg11 : memref<!tpu.dma_semaphore, #tpu.memory_space<semaphore_mem>>) src(%dma_wait3A_68 : memref<10240x128xf32, #tpu.memory_space<hbm>>) dst(%dma_wait3A_62 : memref<128x128xf32, #tpu.memory_space<vmem>>)
      %run_scoped3A_69 = arith.constant 1 : i32
      "tpu.region"() ({
        %run_scoped3A_77 = tpu.sem_alloc : memref<!tpu.dma_semaphore, #tpu.memory_space<semaphore_mem>>
        %dma_start3A_78 = arith.constant 0 : i32
        %dma_start3A_79 = arith.constant 0 : i32
        %dma_start3A_80 = tpu.memref_slice %arg9[%run_scoped3A_69, %dma_start3A_78, %dma_start3A_79] : memref<2x128x128xf32, #tpu.memory_space<vmem>> -> memref<1x128x128xf32, #tpu.memory_space<vmem>>
        %dma_start3A_81 = tpu.memref_squeeze %dma_start3A_80 : memref<1x128x128xf32, #tpu.memory_space<vmem>> -> memref<128x128xf32, #tpu.memory_space<vmem>>
        %dma_start3A_82 = arith.constant 0 : i32
        %dma_start3A_83 = tpu.memref_slice %arg8[%add3A_57, %dma_start3A_82] : memref<40x128xi32, #tpu.memory_space<vmem>> -> memref<1x128xi32, #tpu.memory_space<vmem>>
        %dma_start3A_84 = tpu.memref_squeeze %dma_start3A_83 : memref<1x128xi32, #tpu.memory_space<vmem>> -> memref<128xi32, #tpu.memory_space<vmem>>
        %dma_start3A_85 = arith.constant 0 : i32
        %dma_start3A_86 = arith.constant 0 : i32
        %dma_start3A_87 = tpu.memref_slice %arg12[%dma_start3A_85, %dma_start3A_86] : memref<10240x128xf32, #tpu.memory_space<vmem_shared>> -> memref<10240x128xf32, #tpu.memory_space<vmem_shared>>
        tpu.enqueue_indirect_dma source(%dma_start3A_81 : memref<128x128xf32, #tpu.memory_space<vmem>>) target(%dma_start3A_87 : memref<10240x128xf32, #tpu.memory_space<vmem_shared>>) offsets(%dma_start3A_84 : memref<128xi32, #tpu.memory_space<vmem>>) semaphore(%run_scoped3A_77 : memref<!tpu.dma_semaphore, #tpu.memory_space<semaphore_mem>>) {add = true}
        %dma_wait3A_88 = arith.constant 0 : i32
        %dma_wait3A_89 = arith.constant 0 : i32
        %dma_wait3A_90 = tpu.memref_slice %arg9[%run_scoped3A_69, %dma_wait3A_88, %dma_wait3A_89] : memref<2x128x128xf32, #tpu.memory_space<vmem>> -> memref<1x128x128xf32, #tpu.memory_space<vmem>>
        %dma_wait3A_91 = tpu.memref_squeeze %dma_wait3A_90 : memref<1x128x128xf32, #tpu.memory_space<vmem>> -> memref<128x128xf32, #tpu.memory_space<vmem>>
        %dma_wait3A_92 = arith.constant 0 : i32
        %dma_wait3A_93 = tpu.memref_slice %arg8[%add3A_57, %dma_wait3A_92] : memref<40x128xi32, #tpu.memory_space<vmem>> -> memref<1x128xi32, #tpu.memory_space<vmem>>
        %dma_wait3A_94 = tpu.memref_squeeze %dma_wait3A_93 : memref<1x128xi32, #tpu.memory_space<vmem>> -> memref<128xi32, #tpu.memory_space<vmem>>
        %dma_wait3A_95 = arith.constant 0 : i32
        %dma_wait3A_96 = arith.constant 0 : i32
        %dma_wait3A_97 = tpu.memref_slice %arg12[%dma_wait3A_95, %dma_wait3A_96] : memref<10240x128xf32, #tpu.memory_space<vmem_shared>> -> memref<10240x128xf32, #tpu.memory_space<vmem_shared>>
        tpu.wait_indirect_dma semaphore(%run_scoped3A_77 : memref<!tpu.dma_semaphore, #tpu.memory_space<semaphore_mem>>) src(%dma_wait3A_91 : memref<128x128xf32, #tpu.memory_space<vmem>>) dst(%dma_wait3A_97 : memref<10240x128xf32, #tpu.memory_space<vmem_shared>>)
        tpu.yield
      }) : () -> ()
      %add3A_70 = arith.constant 2 : i32
      %add3A_71 = arith.addi %add3A_57, %add3A_70 : i32
      %lt3A_72 = arith.constant 40 : i32
      %lt3A_73 = arith.cmpi slt, %add3A_71, %lt3A_72 : i32
      %convert_element_type3A_74 = arith.extui %lt3A_73 : i1 to i32
      %cond3A_75 = arith.constant 0 : i32
      %cond3A_76 = arith.cmpi ne, %convert_element_type3A_74, %cond3A_75 : i32
      scf.if %cond3A_76 {
        %add3A_77 = arith.constant 2 : i32
        %add3A_78 = arith.addi %add3A_57, %add3A_77 : i32
        %dma_start3A_79 = arith.constant 1 : i32
        %dma_start3A_80 = arith.constant 0 : i32
        %dma_start3A_81 = arith.constant 0 : i32
        %dma_start3A_82 = tpu.memref_slice %arg9[%dma_start3A_79, %dma_start3A_80, %dma_start3A_81] : memref<2x128x128xf32, #tpu.memory_space<vmem>> -> memref<1x128x128xf32, #tpu.memory_space<vmem>>
        %dma_start3A_83 = tpu.memref_squeeze %dma_start3A_82 : memref<1x128x128xf32, #tpu.memory_space<vmem>> -> memref<128x128xf32, #tpu.memory_space<vmem>>
        %dma_start3A_84 = arith.constant 0 : i32
        %dma_start3A_85 = tpu.memref_slice %arg7[%add3A_78, %dma_start3A_84] : memref<40x128xi32, #tpu.memory_space<vmem>> -> memref<1x128xi32, #tpu.memory_space<vmem>>
        %dma_start3A_86 = tpu.memref_squeeze %dma_start3A_85 : memref<1x128xi32, #tpu.memory_space<vmem>> -> memref<128xi32, #tpu.memory_space<vmem>>
        %dma_start3A_87 = arith.constant 0 : i32
        %dma_start3A_88 = arith.constant 0 : i32
        %dma_start3A_89 = tpu.memref_slice %arg2[%dma_start3A_87, %dma_start3A_88] : memref<10240x128xf32, #tpu.memory_space<hbm>> -> memref<10240x128xf32, #tpu.memory_space<hbm>>
        tpu.enqueue_indirect_dma source(%dma_start3A_89 : memref<10240x128xf32, #tpu.memory_space<hbm>>) target(%dma_start3A_83 : memref<128x128xf32, #tpu.memory_space<vmem>>) offsets(%dma_start3A_86 : memref<128xi32, #tpu.memory_space<vmem>>) semaphore(%arg11 : memref<!tpu.dma_semaphore, #tpu.memory_space<semaphore_mem>>)
      } else {
      }
    }
    %scan3A_29 = arith.constant 20 : i32
    %barrier3A_30 = arith.constant 0 : index
    tpu.barrier barrier_id(%barrier3A_30)
    %mul3A_31 = arith.constant 640 : i32
    %mul3A_32 = arith.muli %arg1, %mul3A_31 : i32
    %mul3A_33 = arith.constant 640 : i32
    %mul3A_34 = arith.muli %arg1, %mul3A_33 : i32
    "tpu.region"() ({
      %run_scoped3A = tpu.sem_alloc : memref<!tpu.dma_semaphore, #tpu.memory_space<semaphore_mem>>
      %dma_start3A_35 = arith.constant 0 : i32
      %dma_start3A_36 = tpu.memref_slice %arg6[%arg0, %mul3A_34, %dma_start3A_35] : memref<2x10240x128xf32, #tpu.memory_space<hbm>> -> memref<1x640x128xf32, #tpu.memory_space<hbm>>
      %dma_start3A_37 = tpu.memref_squeeze %dma_start3A_36 : memref<1x640x128xf32, #tpu.memory_space<hbm>> -> memref<640x128xf32, #tpu.memory_space<hbm>>
      %dma_start3A_38 = arith.constant 0 : i32
      %dma_start3A_39 = tpu.memref_slice %arg12[%mul3A_32, %dma_start3A_38] : memref<10240x128xf32, #tpu.memory_space<vmem_shared>> -> memref<640x128xf32, #tpu.memory_space<vmem_shared>>
      tpu.enqueue_dma source(%dma_start3A_39 : memref<640x128xf32, #tpu.memory_space<vmem_shared>>) target(%dma_start3A_37 : memref<640x128xf32, #tpu.memory_space<hbm>>) target_semaphore(%run_scoped3A : memref<!tpu.dma_semaphore, #tpu.memory_space<semaphore_mem>>)
      %dma_wait3A = arith.constant 0 : i32
      %dma_wait3A_40 = tpu.memref_slice %arg6[%arg0, %mul3A_34, %dma_wait3A] : memref<2x10240x128xf32, #tpu.memory_space<hbm>> -> memref<1x640x128xf32, #tpu.memory_space<hbm>>
      %dma_wait3A_41 = tpu.memref_squeeze %dma_wait3A_40 : memref<1x640x128xf32, #tpu.memory_space<hbm>> -> memref<640x128xf32, #tpu.memory_space<hbm>>
      %dma_wait3A_42 = arith.constant 0 : i32
      %dma_wait3A_43 = tpu.memref_slice %arg12[%mul3A_32, %dma_wait3A_42] : memref<10240x128xf32, #tpu.memory_space<vmem_shared>> -> memref<640x128xf32, #tpu.memory_space<vmem_shared>>
      tpu.wait_dma2 semaphore(%run_scoped3A : memref<!tpu.dma_semaphore, #tpu.memory_space<semaphore_mem>>) src(%dma_wait3A_43 : memref<640x128xf32, #tpu.memory_space<vmem_shared>>) dst(%dma_wait3A_41 : memref<640x128xf32, #tpu.memory_space<hbm>>)
      tpu.yield
    }) : () -> ()
    return
  }
}

#map = affine_map<(d0, d1) -> (0, 0)>
#map1 = affine_map<(d0, d1) -> (0, 0, 0)>
module attributes {stable_mosaic.version = 14 : i64} {
  func.func @body(%arg0: i32, %arg1: i32, %arg2: memref<10000x128xf32, #tpu.memory_space<hbm>>, %arg3: memref<32x40x128xi32, #tpu.memory_space<hbm>>, %arg4: memref<32x40x128xi32, #tpu.memory_space<hbm>>, %arg5: memref<640x128xf32, #tpu.memory_space<hbm>>, %arg6: memref<2x10240x128xf32, #tpu.memory_space<hbm>>, %arg7: memref<40x128xi32, #tpu.memory_space<vmem>>, %arg8: memref<40x128xi32, #tpu.memory_space<vmem>>, %arg9: memref<2x128x128xf32, #tpu.memory_space<vmem>>, %arg10: memref<!tpu.dma_semaphore, #tpu.memory_space<semaphore_mem>>, %arg11: memref<!tpu.dma_semaphore, #tpu.memory_space<semaphore_mem>>, %arg12: memref<10240x128xf32, #tpu.memory_space<vmem_shared>>) attributes {dimension_semantics = [#tpu.dimension_semantics<core_parallel>, #tpu.dimension_semantics<subcore_parallel>], iteration_bounds = array<i64: 2, 16>, scalar_prefetch = 0 : i64, scratch_operands = 6 : i64, tpu.core_type = #tpu.core_type<sc_vector_subcore>, window_params = [{transform_indices = #map}, {transform_indices = #map1}, {transform_indices = #map1}, {transform_indices = #map}, {transform_indices = #map1}]} {
    %mul3A = arith.constant 16 : i32
    %mul3A_0 = arith.muli %arg0, %mul3A : i32
    %add3A = arith.addi %mul3A_0, %arg1 : i32
    "tpu.region"() ({
      %run_scoped3A = tpu.sem_alloc : memref<!tpu.dma_semaphore, #tpu.memory_space<semaphore_mem>>
      %dma_start3A_35 = arith.constant 0 : i32
      %dma_start3A_36 = arith.constant 0 : i32
      %dma_start3A_37 = tpu.memref_slice %arg3[%add3A, %dma_start3A_35, %dma_start3A_36] : memref<32x40x128xi32, #tpu.memory_space<hbm>> -> memref<1x40x128xi32, #tpu.memory_space<hbm>>
      %dma_start3A_38 = tpu.memref_squeeze %dma_start3A_37 : memref<1x40x128xi32, #tpu.memory_space<hbm>> -> memref<40x128xi32, #tpu.memory_space<hbm>>
      %dma_start3A_39 = arith.constant 0 : i32
      %dma_start3A_40 = arith.constant 0 : i32
      %dma_start3A_41 = tpu.memref_slice %arg3[%add3A, %dma_start3A_39, %dma_start3A_40] : memref<32x40x128xi32, #tpu.memory_space<hbm>> -> memref<1x40x128xi32, #tpu.memory_space<hbm>>
      %dma_start3A_42 = tpu.memref_squeeze %dma_start3A_41 : memref<1x40x128xi32, #tpu.memory_space<hbm>> -> memref<40x128xi32, #tpu.memory_space<hbm>>
      tpu.enqueue_dma source(%dma_start3A_42 : memref<40x128xi32, #tpu.memory_space<hbm>>) target(%arg7 : memref<40x128xi32, #tpu.memory_space<vmem>>) target_semaphore(%run_scoped3A : memref<!tpu.dma_semaphore, #tpu.memory_space<semaphore_mem>>)
      %dma_wait3A = arith.constant 0 : i32
      %dma_wait3A_43 = arith.constant 0 : i32
      %dma_wait3A_44 = tpu.memref_slice %arg3[%add3A, %dma_wait3A, %dma_wait3A_43] : memref<32x40x128xi32, #tpu.memory_space<hbm>> -> memref<1x40x128xi32, #tpu.memory_space<hbm>>
      %dma_wait3A_45 = tpu.memref_squeeze %dma_wait3A_44 : memref<1x40x128xi32, #tpu.memory_space<hbm>> -> memref<40x128xi32, #tpu.memory_space<hbm>>
      %dma_wait3A_46 = arith.constant 0 : i32
      %dma_wait3A_47 = arith.constant 0 : i32
      %dma_wait3A_48 = tpu.memref_slice %arg3[%add3A, %dma_wait3A_46, %dma_wait3A_47] : memref<32x40x128xi32, #tpu.memory_space<hbm>> -> memref<1x40x128xi32, #tpu.memory_space<hbm>>
      %dma_wait3A_49 = tpu.memref_squeeze %dma_wait3A_48 : memref<1x40x128xi32, #tpu.memory_space<hbm>> -> memref<40x128xi32, #tpu.memory_space<hbm>>
      tpu.wait_dma2 semaphore(%run_scoped3A : memref<!tpu.dma_semaphore, #tpu.memory_space<semaphore_mem>>) src(%dma_wait3A_49 : memref<40x128xi32, #tpu.memory_space<hbm>>) dst(%arg7 : memref<40x128xi32, #tpu.memory_space<vmem>>)
      tpu.yield
    }) : () -> ()
    "tpu.region"() ({
      %run_scoped3A = tpu.sem_alloc : memref<!tpu.dma_semaphore, #tpu.memory_space<semaphore_mem>>
      %dma_start3A_35 = arith.constant 0 : i32
      %dma_start3A_36 = arith.constant 0 : i32
      %dma_start3A_37 = tpu.memref_slice %arg4[%add3A, %dma_start3A_35, %dma_start3A_36] : memref<32x40x128xi32, #tpu.memory_space<hbm>> -> memref<1x40x128xi32, #tpu.memory_space<hbm>>
      %dma_start3A_38 = tpu.memref_squeeze %dma_start3A_37 : memref<1x40x128xi32, #tpu.memory_space<hbm>> -> memref<40x128xi32, #tpu.memory_space<hbm>>
      %dma_start3A_39 = arith.constant 0 : i32
      %dma_start3A_40 = arith.constant 0 : i32
      %dma_start3A_41 = tpu.memref_slice %arg4[%add3A, %dma_start3A_39, %dma_start3A_40] : memref<32x40x128xi32, #tpu.memory_space<hbm>> -> memref<1x40x128xi32, #tpu.memory_space<hbm>>
      %dma_start3A_42 = tpu.memref_squeeze %dma_start3A_41 : memref<1x40x128xi32, #tpu.memory_space<hbm>> -> memref<40x128xi32, #tpu.memory_space<hbm>>
      tpu.enqueue_dma source(%dma_start3A_42 : memref<40x128xi32, #tpu.memory_space<hbm>>) target(%arg8 : memref<40x128xi32, #tpu.memory_space<vmem>>) target_semaphore(%run_scoped3A : memref<!tpu.dma_semaphore, #tpu.memory_space<semaphore_mem>>)
      %dma_wait3A = arith.constant 0 : i32
      %dma_wait3A_43 = arith.constant 0 : i32
      %dma_wait3A_44 = tpu.memref_slice %arg4[%add3A, %dma_wait3A, %dma_wait3A_43] : memref<32x40x128xi32, #tpu.memory_space<hbm>> -> memref<1x40x128xi32, #tpu.memory_space<hbm>>
      %dma_wait3A_45 = tpu.memref_squeeze %dma_wait3A_44 : memref<1x40x128xi32, #tpu.memory_space<hbm>> -> memref<40x128xi32, #tpu.memory_space<hbm>>
      %dma_wait3A_46 = arith.constant 0 : i32
      %dma_wait3A_47 = arith.constant 0 : i32
      %dma_wait3A_48 = tpu.memref_slice %arg4[%add3A, %dma_wait3A_46, %dma_wait3A_47] : memref<32x40x128xi32, #tpu.memory_space<hbm>> -> memref<1x40x128xi32, #tpu.memory_space<hbm>>
      %dma_wait3A_49 = tpu.memref_squeeze %dma_wait3A_48 : memref<1x40x128xi32, #tpu.memory_space<hbm>> -> memref<40x128xi32, #tpu.memory_space<hbm>>
      tpu.wait_dma2 semaphore(%run_scoped3A : memref<!tpu.dma_semaphore, #tpu.memory_space<semaphore_mem>>) src(%dma_wait3A_49 : memref<40x128xi32, #tpu.memory_space<hbm>>) dst(%arg8 : memref<40x128xi32, #tpu.memory_space<vmem>>)
      tpu.yield
    }) : () -> ()
    %mul3A_1 = arith.constant 640 : i32
    %mul3A_2 = arith.muli %arg1, %mul3A_1 : i32
    "tpu.region"() ({
      %run_scoped3A = tpu.sem_alloc : memref<!tpu.dma_semaphore, #tpu.memory_space<semaphore_mem>>
      %dma_start3A_35 = arith.constant 0 : i32
      %dma_start3A_36 = tpu.memref_slice %arg12[%mul3A_2, %dma_start3A_35] : memref<10240x128xf32, #tpu.memory_space<vmem_shared>> -> memref<640x128xf32, #tpu.memory_space<vmem_shared>>
      %dma_start3A_37 = arith.constant 0 : i32
      %dma_start3A_38 = arith.constant 0 : i32
      %dma_start3A_39 = tpu.memref_slice %arg5[%dma_start3A_37, %dma_start3A_38] : memref<640x128xf32, #tpu.memory_space<hbm>> -> memref<640x128xf32, #tpu.memory_space<hbm>>
      tpu.enqueue_dma source(%dma_start3A_39 : memref<640x128xf32, #tpu.memory_space<hbm>>) target(%dma_start3A_36 : memref<640x128xf32, #tpu.memory_space<vmem_shared>>) target_semaphore(%run_scoped3A : memref<!tpu.dma_semaphore, #tpu.memory_space<semaphore_mem>>)
      %dma_wait3A = arith.constant 0 : i32
      %dma_wait3A_40 = tpu.memref_slice %arg12[%mul3A_2, %dma_wait3A] : memref<10240x128xf32, #tpu.memory_space<vmem_shared>> -> memref<640x128xf32, #tpu.memory_space<vmem_shared>>
      %dma_wait3A_41 = arith.constant 0 : i32
      %dma_wait3A_42 = arith.constant 0 : i32
      %dma_wait3A_43 = tpu.memref_slice %arg5[%dma_wait3A_41, %dma_wait3A_42] : memref<640x128xf32, #tpu.memory_space<hbm>> -> memref<640x128xf32, #tpu.memory_space<hbm>>
      tpu.wait_dma2 semaphore(%run_scoped3A : memref<!tpu.dma_semaphore, #tpu.memory_space<semaphore_mem>>) src(%dma_wait3A_43 : memref<640x128xf32, #tpu.memory_space<hbm>>) dst(%dma_wait3A_40 : memref<640x128xf32, #tpu.memory_space<vmem_shared>>)
      tpu.yield
    }) : () -> ()
    %barrier3A = arith.constant 0 : index
    tpu.barrier barrier_id(%barrier3A)
    %dma_start3A = arith.constant 0 : i32
    %dma_start3A_3 = arith.constant 0 : i32
    %dma_start3A_4 = arith.constant 0 : i32
    %dma_start3A_5 = arith.constant 0 : i32
    %dma_start3A_6 = tpu.memref_slice %arg9[%dma_start3A_3, %dma_start3A_4, %dma_start3A_5] : memref<2x128x128xf32, #tpu.memory_space<vmem>> -> memref<1x128x128xf32, #tpu.memory_space<vmem>>
    %dma_start3A_7 = tpu.memref_squeeze %dma_start3A_6 : memref<1x128x128xf32, #tpu.memory_space<vmem>> -> memref<128x128xf32, #tpu.memory_space<vmem>>
    %dma_start3A_8 = arith.constant 0 : i32
    %dma_start3A_9 = tpu.memref_slice %arg7[%dma_start3A, %dma_start3A_8] : memref<40x128xi32, #tpu.memory_space<vmem>> -> memref<1x128xi32, #tpu.memory_space<vmem>>
    %dma_start3A_10 = tpu.memref_squeeze %dma_start3A_9 : memref<1x128xi32, #tpu.memory_space<vmem>> -> memref<128xi32, #tpu.memory_space<vmem>>
    %dma_start3A_11 = arith.constant 0 : i32
    %dma_start3A_12 = arith.constant 0 : i32
    %dma_start3A_13 = tpu.memref_slice %arg2[%dma_start3A_11, %dma_start3A_12] : memref<10000x128xf32, #tpu.memory_space<hbm>> -> memref<10000x128xf32, #tpu.memory_space<hbm>>
    tpu.enqueue_indirect_dma source(%dma_start3A_13 : memref<10000x128xf32, #tpu.memory_space<hbm>>) target(%dma_start3A_7 : memref<128x128xf32, #tpu.memory_space<vmem>>) offsets(%dma_start3A_10 : memref<128xi32, #tpu.memory_space<vmem>>) semaphore(%arg10 : memref<!tpu.dma_semaphore, #tpu.memory_space<semaphore_mem>>)
    %dma_start3A_14 = arith.constant 1 : i32
    %dma_start3A_15 = arith.constant 1 : i32
    %dma_start3A_16 = arith.constant 0 : i32
    %dma_start3A_17 = arith.constant 0 : i32
    %dma_start3A_18 = tpu.memref_slice %arg9[%dma_start3A_15, %dma_start3A_16, %dma_start3A_17] : memref<2x128x128xf32, #tpu.memory_space<vmem>> -> memref<1x128x128xf32, #tpu.memory_space<vmem>>
    %dma_start3A_19 = tpu.memref_squeeze %dma_start3A_18 : memref<1x128x128xf32, #tpu.memory_space<vmem>> -> memref<128x128xf32, #tpu.memory_space<vmem>>
    %dma_start3A_20 = arith.constant 0 : i32
    %dma_start3A_21 = tpu.memref_slice %arg7[%dma_start3A_14, %dma_start3A_20] : memref<40x128xi32, #tpu.memory_space<vmem>> -> memref<1x128xi32, #tpu.memory_space<vmem>>
    %dma_start3A_22 = tpu.memref_squeeze %dma_start3A_21 : memref<1x128xi32, #tpu.memory_space<vmem>> -> memref<128xi32, #tpu.memory_space<vmem>>
    %dma_start3A_23 = arith.constant 0 : i32
    %dma_start3A_24 = arith.constant 0 : i32
    %dma_start3A_25 = tpu.memref_slice %arg2[%dma_start3A_23, %dma_start3A_24] : memref<10000x128xf32, #tpu.memory_space<hbm>> -> memref<10000x128xf32, #tpu.memory_space<hbm>>
    tpu.enqueue_indirect_dma source(%dma_start3A_25 : memref<10000x128xf32, #tpu.memory_space<hbm>>) target(%dma_start3A_19 : memref<128x128xf32, #tpu.memory_space<vmem>>) offsets(%dma_start3A_22 : memref<128xi32, #tpu.memory_space<vmem>>) semaphore(%arg11 : memref<!tpu.dma_semaphore, #tpu.memory_space<semaphore_mem>>)
    %scan3A = arith.constant 0 : i32
    %scan3A_26 = arith.constant 20 : i32
    %scan3A_27 = arith.addi %scan3A, %scan3A_26 : i32
    %scan3A_28 = arith.constant 1 : i32
    scf.for %scan3A_35 = %scan3A to %scan3A_27 step %scan3A_28  : i32 {
      %mul3A_36 = arith.constant 2 : i32
      %mul3A_37 = arith.muli %scan3A_35, %mul3A_36 : i32
      %add3A_38 = arith.constant 0 : i32
      %add3A_39 = arith.addi %add3A_38, %mul3A_37 : i32
      %add3A_40 = arith.constant 0 : i32
      %add3A_41 = arith.addi %add3A_39, %add3A_40 : i32
      %dma_wait3A = arith.constant 0 : i32
      %dma_wait3A_42 = arith.constant 0 : i32
      %dma_wait3A_43 = arith.constant 0 : i32
      %dma_wait3A_44 = tpu.memref_slice %arg9[%dma_wait3A, %dma_wait3A_42, %dma_wait3A_43] : memref<2x128x128xf32, #tpu.memory_space<vmem>> -> memref<1x128x128xf32, #tpu.memory_space<vmem>>
      %dma_wait3A_45 = tpu.memref_squeeze %dma_wait3A_44 : memref<1x128x128xf32, #tpu.memory_space<vmem>> -> memref<128x128xf32, #tpu.memory_space<vmem>>
      %dma_wait3A_46 = arith.constant 0 : i32
      %dma_wait3A_47 = tpu.memref_slice %arg7[%add3A_41, %dma_wait3A_46] : memref<40x128xi32, #tpu.memory_space<vmem>> -> memref<1x128xi32, #tpu.memory_space<vmem>>
      %dma_wait3A_48 = tpu.memref_squeeze %dma_wait3A_47 : memref<1x128xi32, #tpu.memory_space<vmem>> -> memref<128xi32, #tpu.memory_space<vmem>>
      %dma_wait3A_49 = arith.constant 0 : i32
      %dma_wait3A_50 = arith.constant 0 : i32
      %dma_wait3A_51 = tpu.memref_slice %arg2[%dma_wait3A_49, %dma_wait3A_50] : memref<10000x128xf32, #tpu.memory_space<hbm>> -> memref<10000x128xf32, #tpu.memory_space<hbm>>
      tpu.wait_indirect_dma semaphore(%arg10 : memref<!tpu.dma_semaphore, #tpu.memory_space<semaphore_mem>>) src(%dma_wait3A_51 : memref<10000x128xf32, #tpu.memory_space<hbm>>) dst(%dma_wait3A_45 : memref<128x128xf32, #tpu.memory_space<vmem>>)
      %run_scoped3A = arith.constant 0 : i32
      "tpu.region"() ({
        %run_scoped3A_77 = tpu.sem_alloc : memref<!tpu.dma_semaphore, #tpu.memory_space<semaphore_mem>>
        %dma_start3A_78 = arith.constant 0 : i32
        %dma_start3A_79 = arith.constant 0 : i32
        %dma_start3A_80 = tpu.memref_slice %arg9[%run_scoped3A, %dma_start3A_78, %dma_start3A_79] : memref<2x128x128xf32, #tpu.memory_space<vmem>> -> memref<1x128x128xf32, #tpu.memory_space<vmem>>
        %dma_start3A_81 = tpu.memref_squeeze %dma_start3A_80 : memref<1x128x128xf32, #tpu.memory_space<vmem>> -> memref<128x128xf32, #tpu.memory_space<vmem>>
        %dma_start3A_82 = arith.constant 0 : i32
        %dma_start3A_83 = tpu.memref_slice %arg8[%add3A_41, %dma_start3A_82] : memref<40x128xi32, #tpu.memory_space<vmem>> -> memref<1x128xi32, #tpu.memory_space<vmem>>
        %dma_start3A_84 = tpu.memref_squeeze %dma_start3A_83 : memref<1x128xi32, #tpu.memory_space<vmem>> -> memref<128xi32, #tpu.memory_space<vmem>>
        %dma_start3A_85 = arith.constant 0 : i32
        %dma_start3A_86 = arith.constant 0 : i32
        %dma_start3A_87 = tpu.memref_slice %arg12[%dma_start3A_85, %dma_start3A_86] : memref<10240x128xf32, #tpu.memory_space<vmem_shared>> -> memref<10240x128xf32, #tpu.memory_space<vmem_shared>>
        tpu.enqueue_indirect_dma source(%dma_start3A_81 : memref<128x128xf32, #tpu.memory_space<vmem>>) target(%dma_start3A_87 : memref<10240x128xf32, #tpu.memory_space<vmem_shared>>) offsets(%dma_start3A_84 : memref<128xi32, #tpu.memory_space<vmem>>) semaphore(%run_scoped3A_77 : memref<!tpu.dma_semaphore, #tpu.memory_space<semaphore_mem>>) {add = true}
        %dma_wait3A_88 = arith.constant 0 : i32
        %dma_wait3A_89 = arith.constant 0 : i32
        %dma_wait3A_90 = tpu.memref_slice %arg9[%run_scoped3A, %dma_wait3A_88, %dma_wait3A_89] : memref<2x128x128xf32, #tpu.memory_space<vmem>> -> memref<1x128x128xf32, #tpu.memory_space<vmem>>
        %dma_wait3A_91 = tpu.memref_squeeze %dma_wait3A_90 : memref<1x128x128xf32, #tpu.memory_space<vmem>> -> memref<128x128xf32, #tpu.memory_space<vmem>>
        %dma_wait3A_92 = arith.constant 0 : i32
        %dma_wait3A_93 = tpu.memref_slice %arg8[%add3A_41, %dma_wait3A_92] : memref<40x128xi32, #tpu.memory_space<vmem>> -> memref<1x128xi32, #tpu.memory_space<vmem>>
        %dma_wait3A_94 = tpu.memref_squeeze %dma_wait3A_93 : memref<1x128xi32, #tpu.memory_space<vmem>> -> memref<128xi32, #tpu.memory_space<vmem>>
        %dma_wait3A_95 = arith.constant 0 : i32
        %dma_wait3A_96 = arith.constant 0 : i32
        %dma_wait3A_97 = tpu.memref_slice %arg12[%dma_wait3A_95, %dma_wait3A_96] : memref<10240x128xf32, #tpu.memory_space<vmem_shared>> -> memref<10240x128xf32, #tpu.memory_space<vmem_shared>>
        tpu.wait_indirect_dma semaphore(%run_scoped3A_77 : memref<!tpu.dma_semaphore, #tpu.memory_space<semaphore_mem>>) src(%dma_wait3A_91 : memref<128x128xf32, #tpu.memory_space<vmem>>) dst(%dma_wait3A_97 : memref<10240x128xf32, #tpu.memory_space<vmem_shared>>)
        tpu.yield
      }) : () -> ()
      %add3A_52 = arith.constant 2 : i32
      %add3A_53 = arith.addi %add3A_41, %add3A_52 : i32
      %lt3A = arith.constant 40 : i32
      %lt3A_54 = arith.cmpi slt, %add3A_53, %lt3A : i32
      %convert_element_type3A = arith.extui %lt3A_54 : i1 to i32
      %cond3A = arith.constant 0 : i32
      %cond3A_55 = arith.cmpi ne, %convert_element_type3A, %cond3A : i32
      scf.if %cond3A_55 {
        %add3A_77 = arith.constant 2 : i32
        %add3A_78 = arith.addi %add3A_41, %add3A_77 : i32
        %dma_start3A_79 = arith.constant 0 : i32
        %dma_start3A_80 = arith.constant 0 : i32
        %dma_start3A_81 = arith.constant 0 : i32
        %dma_start3A_82 = tpu.memref_slice %arg9[%dma_start3A_79, %dma_start3A_80, %dma_start3A_81] : memref<2x128x128xf32, #tpu.memory_space<vmem>> -> memref<1x128x128xf32, #tpu.memory_space<vmem>>
        %dma_start3A_83 = tpu.memref_squeeze %dma_start3A_82 : memref<1x128x128xf32, #tpu.memory_space<vmem>> -> memref<128x128xf32, #tpu.memory_space<vmem>>
        %dma_start3A_84 = arith.constant 0 : i32
        %dma_start3A_85 = tpu.memref_slice %arg7[%add3A_78, %dma_start3A_84] : memref<40x128xi32, #tpu.memory_space<vmem>> -> memref<1x128xi32, #tpu.memory_space<vmem>>
        %dma_start3A_86 = tpu.memref_squeeze %dma_start3A_85 : memref<1x128xi32, #tpu.memory_space<vmem>> -> memref<128xi32, #tpu.memory_space<vmem>>
        %dma_start3A_87 = arith.constant 0 : i32
        %dma_start3A_88 = arith.constant 0 : i32
        %dma_start3A_89 = tpu.memref_slice %arg2[%dma_start3A_87, %dma_start3A_88] : memref<10000x128xf32, #tpu.memory_space<hbm>> -> memref<10000x128xf32, #tpu.memory_space<hbm>>
        tpu.enqueue_indirect_dma source(%dma_start3A_89 : memref<10000x128xf32, #tpu.memory_space<hbm>>) target(%dma_start3A_83 : memref<128x128xf32, #tpu.memory_space<vmem>>) offsets(%dma_start3A_86 : memref<128xi32, #tpu.memory_space<vmem>>) semaphore(%arg10 : memref<!tpu.dma_semaphore, #tpu.memory_space<semaphore_mem>>)
      } else {
      }
      %add3A_56 = arith.constant 1 : i32
      %add3A_57 = arith.addi %add3A_39, %add3A_56 : i32
      %dma_wait3A_58 = arith.constant 1 : i32
      %dma_wait3A_59 = arith.constant 0 : i32
      %dma_wait3A_60 = arith.constant 0 : i32
      %dma_wait3A_61 = tpu.memref_slice %arg9[%dma_wait3A_58, %dma_wait3A_59, %dma_wait3A_60] : memref<2x128x128xf32, #tpu.memory_space<vmem>> -> memref<1x128x128xf32, #tpu.memory_space<vmem>>
      %dma_wait3A_62 = tpu.memref_squeeze %dma_wait3A_61 : memref<1x128x128xf32, #tpu.memory_space<vmem>> -> memref<128x128xf32, #tpu.memory_space<vmem>>
      %dma_wait3A_63 = arith.constant 0 : i32
      %dma_wait3A_64 = tpu.memref_slice %arg7[%add3A_57, %dma_wait3A_63] : memref<40x128xi32, #tpu.memory_space<vmem>> -> memref<1x128xi32, #tpu.memory_space<vmem>>
      %dma_wait3A_65 = tpu.memref_squeeze %dma_wait3A_64 : memref<1x128xi32, #tpu.memory_space<vmem>> -> memref<128xi32, #tpu.memory_space<vmem>>
      %dma_wait3A_66 = arith.constant 0 : i32
      %dma_wait3A_67 = arith.constant 0 : i32
      %dma_wait3A_68 = tpu.memref_slice %arg2[%dma_wait3A_66, %dma_wait3A_67] : memref<10000x128xf32, #tpu.memory_space<hbm>> -> memref<10000x128xf32, #tpu.memory_space<hbm>>
      tpu.wait_indirect_dma semaphore(%arg11 : memref<!tpu.dma_semaphore, #tpu.memory_space<semaphore_mem>>) src(%dma_wait3A_68 : memref<10000x128xf32, #tpu.memory_space<hbm>>) dst(%dma_wait3A_62 : memref<128x128xf32, #tpu.memory_space<vmem>>)
      %run_scoped3A_69 = arith.constant 1 : i32
      "tpu.region"() ({
        %run_scoped3A_77 = tpu.sem_alloc : memref<!tpu.dma_semaphore, #tpu.memory_space<semaphore_mem>>
        %dma_start3A_78 = arith.constant 0 : i32
        %dma_start3A_79 = arith.constant 0 : i32
        %dma_start3A_80 = tpu.memref_slice %arg9[%run_scoped3A_69, %dma_start3A_78, %dma_start3A_79] : memref<2x128x128xf32, #tpu.memory_space<vmem>> -> memref<1x128x128xf32, #tpu.memory_space<vmem>>
        %dma_start3A_81 = tpu.memref_squeeze %dma_start3A_80 : memref<1x128x128xf32, #tpu.memory_space<vmem>> -> memref<128x128xf32, #tpu.memory_space<vmem>>
        %dma_start3A_82 = arith.constant 0 : i32
        %dma_start3A_83 = tpu.memref_slice %arg8[%add3A_57, %dma_start3A_82] : memref<40x128xi32, #tpu.memory_space<vmem>> -> memref<1x128xi32, #tpu.memory_space<vmem>>
        %dma_start3A_84 = tpu.memref_squeeze %dma_start3A_83 : memref<1x128xi32, #tpu.memory_space<vmem>> -> memref<128xi32, #tpu.memory_space<vmem>>
        %dma_start3A_85 = arith.constant 0 : i32
        %dma_start3A_86 = arith.constant 0 : i32
        %dma_start3A_87 = tpu.memref_slice %arg12[%dma_start3A_85, %dma_start3A_86] : memref<10240x128xf32, #tpu.memory_space<vmem_shared>> -> memref<10240x128xf32, #tpu.memory_space<vmem_shared>>
        tpu.enqueue_indirect_dma source(%dma_start3A_81 : memref<128x128xf32, #tpu.memory_space<vmem>>) target(%dma_start3A_87 : memref<10240x128xf32, #tpu.memory_space<vmem_shared>>) offsets(%dma_start3A_84 : memref<128xi32, #tpu.memory_space<vmem>>) semaphore(%run_scoped3A_77 : memref<!tpu.dma_semaphore, #tpu.memory_space<semaphore_mem>>) {add = true}
        %dma_wait3A_88 = arith.constant 0 : i32
        %dma_wait3A_89 = arith.constant 0 : i32
        %dma_wait3A_90 = tpu.memref_slice %arg9[%run_scoped3A_69, %dma_wait3A_88, %dma_wait3A_89] : memref<2x128x128xf32, #tpu.memory_space<vmem>> -> memref<1x128x128xf32, #tpu.memory_space<vmem>>
        %dma_wait3A_91 = tpu.memref_squeeze %dma_wait3A_90 : memref<1x128x128xf32, #tpu.memory_space<vmem>> -> memref<128x128xf32, #tpu.memory_space<vmem>>
        %dma_wait3A_92 = arith.constant 0 : i32
        %dma_wait3A_93 = tpu.memref_slice %arg8[%add3A_57, %dma_wait3A_92] : memref<40x128xi32, #tpu.memory_space<vmem>> -> memref<1x128xi32, #tpu.memory_space<vmem>>
        %dma_wait3A_94 = tpu.memref_squeeze %dma_wait3A_93 : memref<1x128xi32, #tpu.memory_space<vmem>> -> memref<128xi32, #tpu.memory_space<vmem>>
        %dma_wait3A_95 = arith.constant 0 : i32
        %dma_wait3A_96 = arith.constant 0 : i32
        %dma_wait3A_97 = tpu.memref_slice %arg12[%dma_wait3A_95, %dma_wait3A_96] : memref<10240x128xf32, #tpu.memory_space<vmem_shared>> -> memref<10240x128xf32, #tpu.memory_space<vmem_shared>>
        tpu.wait_indirect_dma semaphore(%run_scoped3A_77 : memref<!tpu.dma_semaphore, #tpu.memory_space<semaphore_mem>>) src(%dma_wait3A_91 : memref<128x128xf32, #tpu.memory_space<vmem>>) dst(%dma_wait3A_97 : memref<10240x128xf32, #tpu.memory_space<vmem_shared>>)
        tpu.yield
      }) : () -> ()
      %add3A_70 = arith.constant 2 : i32
      %add3A_71 = arith.addi %add3A_57, %add3A_70 : i32
      %lt3A_72 = arith.constant 40 : i32
      %lt3A_73 = arith.cmpi slt, %add3A_71, %lt3A_72 : i32
      %convert_element_type3A_74 = arith.extui %lt3A_73 : i1 to i32
      %cond3A_75 = arith.constant 0 : i32
      %cond3A_76 = arith.cmpi ne, %convert_element_type3A_74, %cond3A_75 : i32
      scf.if %cond3A_76 {
        %add3A_77 = arith.constant 2 : i32
        %add3A_78 = arith.addi %add3A_57, %add3A_77 : i32
        %dma_start3A_79 = arith.constant 1 : i32
        %dma_start3A_80 = arith.constant 0 : i32
        %dma_start3A_81 = arith.constant 0 : i32
        %dma_start3A_82 = tpu.memref_slice %arg9[%dma_start3A_79, %dma_start3A_80, %dma_start3A_81] : memref<2x128x128xf32, #tpu.memory_space<vmem>> -> memref<1x128x128xf32, #tpu.memory_space<vmem>>
        %dma_start3A_83 = tpu.memref_squeeze %dma_start3A_82 : memref<1x128x128xf32, #tpu.memory_space<vmem>> -> memref<128x128xf32, #tpu.memory_space<vmem>>
        %dma_start3A_84 = arith.constant 0 : i32
        %dma_start3A_85 = tpu.memref_slice %arg7[%add3A_78, %dma_start3A_84] : memref<40x128xi32, #tpu.memory_space<vmem>> -> memref<1x128xi32, #tpu.memory_space<vmem>>
        %dma_start3A_86 = tpu.memref_squeeze %dma_start3A_85 : memref<1x128xi32, #tpu.memory_space<vmem>> -> memref<128xi32, #tpu.memory_space<vmem>>
        %dma_start3A_87 = arith.constant 0 : i32
        %dma_start3A_88 = arith.constant 0 : i32
        %dma_start3A_89 = tpu.memref_slice %arg2[%dma_start3A_87, %dma_start3A_88] : memref<10000x128xf32, #tpu.memory_space<hbm>> -> memref<10000x128xf32, #tpu.memory_space<hbm>>
        tpu.enqueue_indirect_dma source(%dma_start3A_89 : memref<10000x128xf32, #tpu.memory_space<hbm>>) target(%dma_start3A_83 : memref<128x128xf32, #tpu.memory_space<vmem>>) offsets(%dma_start3A_86 : memref<128xi32, #tpu.memory_space<vmem>>) semaphore(%arg11 : memref<!tpu.dma_semaphore, #tpu.memory_space<semaphore_mem>>)
      } else {
      }
    }
    %scan3A_29 = arith.constant 20 : i32
    %barrier3A_30 = arith.constant 0 : index
    tpu.barrier barrier_id(%barrier3A_30)
    %mul3A_31 = arith.constant 640 : i32
    %mul3A_32 = arith.muli %arg1, %mul3A_31 : i32
    %mul3A_33 = arith.constant 640 : i32
    %mul3A_34 = arith.muli %arg1, %mul3A_33 : i32
    "tpu.region"() ({
      %run_scoped3A = tpu.sem_alloc : memref<!tpu.dma_semaphore, #tpu.memory_space<semaphore_mem>>
      %dma_start3A_35 = arith.constant 0 : i32
      %dma_start3A_36 = tpu.memref_slice %arg6[%arg0, %mul3A_34, %dma_start3A_35] : memref<2x10240x128xf32, #tpu.memory_space<hbm>> -> memref<1x640x128xf32, #tpu.memory_space<hbm>>
      %dma_start3A_37 = tpu.memref_squeeze %dma_start3A_36 : memref<1x640x128xf32, #tpu.memory_space<hbm>> -> memref<640x128xf32, #tpu.memory_space<hbm>>
      %dma_start3A_38 = arith.constant 0 : i32
      %dma_start3A_39 = tpu.memref_slice %arg12[%mul3A_32, %dma_start3A_38] : memref<10240x128xf32, #tpu.memory_space<vmem_shared>> -> memref<640x128xf32, #tpu.memory_space<vmem_shared>>
      tpu.enqueue_dma source(%dma_start3A_39 : memref<640x128xf32, #tpu.memory_space<vmem_shared>>) target(%dma_start3A_37 : memref<640x128xf32, #tpu.memory_space<hbm>>) target_semaphore(%run_scoped3A : memref<!tpu.dma_semaphore, #tpu.memory_space<semaphore_mem>>)
      %dma_wait3A = arith.constant 0 : i32
      %dma_wait3A_40 = tpu.memref_slice %arg6[%arg0, %mul3A_34, %dma_wait3A] : memref<2x10240x128xf32, #tpu.memory_space<hbm>> -> memref<1x640x128xf32, #tpu.memory_space<hbm>>
      %dma_wait3A_41 = tpu.memref_squeeze %dma_wait3A_40 : memref<1x640x128xf32, #tpu.memory_space<hbm>> -> memref<640x128xf32, #tpu.memory_space<hbm>>
      %dma_wait3A_42 = arith.constant 0 : i32
      %dma_wait3A_43 = tpu.memref_slice %arg12[%mul3A_32, %dma_wait3A_42] : memref<10240x128xf32, #tpu.memory_space<vmem_shared>> -> memref<640x128xf32, #tpu.memory_space<vmem_shared>>
      tpu.wait_dma2 semaphore(%run_scoped3A : memref<!tpu.dma_semaphore, #tpu.memory_space<semaphore_mem>>) src(%dma_wait3A_43 : memref<640x128xf32, #tpu.memory_space<vmem_shared>>) dst(%dma_wait3A_41 : memref<640x128xf32, #tpu.memory_space<hbm>>)
      tpu.yield
    }) : () -> ()
    return
  }
}

#map = affine_map<(d0, d1) -> (0, 0)>
#map1 = affine_map<(d0, d1) -> (0, 0, 0)>
module attributes {stable_mosaic.version = 14 : i64} {
  func.func @body(%arg0: i32, %arg1: i32, %arg2: memref<10240x128xf32, #tpu.memory_space<hbm>>, %arg3: memref<32x40x128xi32, #tpu.memory_space<hbm>>, %arg4: memref<32x40x128xi32, #tpu.memory_space<hbm>>, %arg5: memref<640x128xf32, #tpu.memory_space<hbm>>, %arg6: memref<2x10240x128xf32, #tpu.memory_space<hbm>>, %arg7: memref<40x128xi32, #tpu.memory_space<vmem>>, %arg8: memref<40x128xi32, #tpu.memory_space<vmem>>, %arg9: memref<2x128x128xf32, #tpu.memory_space<vmem>>, %arg10: memref<!tpu.dma_semaphore, #tpu.memory_space<semaphore_mem>>, %arg11: memref<!tpu.dma_semaphore, #tpu.memory_space<semaphore_mem>>, %arg12: memref<10240x128xf32, #tpu.memory_space<vmem_shared>>) attributes {dimension_semantics = [#tpu.dimension_semantics<core_parallel>, #tpu.dimension_semantics<subcore_parallel>], iteration_bounds = array<i64: 2, 16>, scalar_prefetch = 0 : i64, scratch_operands = 6 : i64, tpu.core_type = #tpu.core_type<sc_vector_subcore>, window_params = [{transform_indices = #map}, {transform_indices = #map1}, {transform_indices = #map1}, {transform_indices = #map}, {transform_indices = #map1}]} {
    %mul3A = arith.constant 16 : i32
    %mul3A_0 = arith.muli %arg0, %mul3A : i32
    %add3A = arith.addi %mul3A_0, %arg1 : i32
    "tpu.region"() ({
      %run_scoped3A = tpu.sem_alloc : memref<!tpu.dma_semaphore, #tpu.memory_space<semaphore_mem>>
      %dma_start3A_35 = arith.constant 0 : i32
      %dma_start3A_36 = arith.constant 0 : i32
      %dma_start3A_37 = tpu.memref_slice %arg3[%add3A, %dma_start3A_35, %dma_start3A_36] : memref<32x40x128xi32, #tpu.memory_space<hbm>> -> memref<1x40x128xi32, #tpu.memory_space<hbm>>
      %dma_start3A_38 = tpu.memref_squeeze %dma_start3A_37 : memref<1x40x128xi32, #tpu.memory_space<hbm>> -> memref<40x128xi32, #tpu.memory_space<hbm>>
      %dma_start3A_39 = arith.constant 0 : i32
      %dma_start3A_40 = arith.constant 0 : i32
      %dma_start3A_41 = tpu.memref_slice %arg3[%add3A, %dma_start3A_39, %dma_start3A_40] : memref<32x40x128xi32, #tpu.memory_space<hbm>> -> memref<1x40x128xi32, #tpu.memory_space<hbm>>
      %dma_start3A_42 = tpu.memref_squeeze %dma_start3A_41 : memref<1x40x128xi32, #tpu.memory_space<hbm>> -> memref<40x128xi32, #tpu.memory_space<hbm>>
      tpu.enqueue_dma source(%dma_start3A_42 : memref<40x128xi32, #tpu.memory_space<hbm>>) target(%arg7 : memref<40x128xi32, #tpu.memory_space<vmem>>) target_semaphore(%run_scoped3A : memref<!tpu.dma_semaphore, #tpu.memory_space<semaphore_mem>>)
      %dma_wait3A = arith.constant 0 : i32
      %dma_wait3A_43 = arith.constant 0 : i32
      %dma_wait3A_44 = tpu.memref_slice %arg3[%add3A, %dma_wait3A, %dma_wait3A_43] : memref<32x40x128xi32, #tpu.memory_space<hbm>> -> memref<1x40x128xi32, #tpu.memory_space<hbm>>
      %dma_wait3A_45 = tpu.memref_squeeze %dma_wait3A_44 : memref<1x40x128xi32, #tpu.memory_space<hbm>> -> memref<40x128xi32, #tpu.memory_space<hbm>>
      %dma_wait3A_46 = arith.constant 0 : i32
      %dma_wait3A_47 = arith.constant 0 : i32
      %dma_wait3A_48 = tpu.memref_slice %arg3[%add3A, %dma_wait3A_46, %dma_wait3A_47] : memref<32x40x128xi32, #tpu.memory_space<hbm>> -> memref<1x40x128xi32, #tpu.memory_space<hbm>>
      %dma_wait3A_49 = tpu.memref_squeeze %dma_wait3A_48 : memref<1x40x128xi32, #tpu.memory_space<hbm>> -> memref<40x128xi32, #tpu.memory_space<hbm>>
      tpu.wait_dma2 semaphore(%run_scoped3A : memref<!tpu.dma_semaphore, #tpu.memory_space<semaphore_mem>>) src(%dma_wait3A_49 : memref<40x128xi32, #tpu.memory_space<hbm>>) dst(%arg7 : memref<40x128xi32, #tpu.memory_space<vmem>>)
      tpu.yield
    }) : () -> ()
    "tpu.region"() ({
      %run_scoped3A = tpu.sem_alloc : memref<!tpu.dma_semaphore, #tpu.memory_space<semaphore_mem>>
      %dma_start3A_35 = arith.constant 0 : i32
      %dma_start3A_36 = arith.constant 0 : i32
      %dma_start3A_37 = tpu.memref_slice %arg4[%add3A, %dma_start3A_35, %dma_start3A_36] : memref<32x40x128xi32, #tpu.memory_space<hbm>> -> memref<1x40x128xi32, #tpu.memory_space<hbm>>
      %dma_start3A_38 = tpu.memref_squeeze %dma_start3A_37 : memref<1x40x128xi32, #tpu.memory_space<hbm>> -> memref<40x128xi32, #tpu.memory_space<hbm>>
      %dma_start3A_39 = arith.constant 0 : i32
      %dma_start3A_40 = arith.constant 0 : i32
      %dma_start3A_41 = tpu.memref_slice %arg4[%add3A, %dma_start3A_39, %dma_start3A_40] : memref<32x40x128xi32, #tpu.memory_space<hbm>> -> memref<1x40x128xi32, #tpu.memory_space<hbm>>
      %dma_start3A_42 = tpu.memref_squeeze %dma_start3A_41 : memref<1x40x128xi32, #tpu.memory_space<hbm>> -> memref<40x128xi32, #tpu.memory_space<hbm>>
      tpu.enqueue_dma source(%dma_start3A_42 : memref<40x128xi32, #tpu.memory_space<hbm>>) target(%arg8 : memref<40x128xi32, #tpu.memory_space<vmem>>) target_semaphore(%run_scoped3A : memref<!tpu.dma_semaphore, #tpu.memory_space<semaphore_mem>>)
      %dma_wait3A = arith.constant 0 : i32
      %dma_wait3A_43 = arith.constant 0 : i32
      %dma_wait3A_44 = tpu.memref_slice %arg4[%add3A, %dma_wait3A, %dma_wait3A_43] : memref<32x40x128xi32, #tpu.memory_space<hbm>> -> memref<1x40x128xi32, #tpu.memory_space<hbm>>
      %dma_wait3A_45 = tpu.memref_squeeze %dma_wait3A_44 : memref<1x40x128xi32, #tpu.memory_space<hbm>> -> memref<40x128xi32, #tpu.memory_space<hbm>>
      %dma_wait3A_46 = arith.constant 0 : i32
      %dma_wait3A_47 = arith.constant 0 : i32
      %dma_wait3A_48 = tpu.memref_slice %arg4[%add3A, %dma_wait3A_46, %dma_wait3A_47] : memref<32x40x128xi32, #tpu.memory_space<hbm>> -> memref<1x40x128xi32, #tpu.memory_space<hbm>>
      %dma_wait3A_49 = tpu.memref_squeeze %dma_wait3A_48 : memref<1x40x128xi32, #tpu.memory_space<hbm>> -> memref<40x128xi32, #tpu.memory_space<hbm>>
      tpu.wait_dma2 semaphore(%run_scoped3A : memref<!tpu.dma_semaphore, #tpu.memory_space<semaphore_mem>>) src(%dma_wait3A_49 : memref<40x128xi32, #tpu.memory_space<hbm>>) dst(%arg8 : memref<40x128xi32, #tpu.memory_space<vmem>>)
      tpu.yield
    }) : () -> ()
    %mul3A_1 = arith.constant 640 : i32
    %mul3A_2 = arith.muli %arg1, %mul3A_1 : i32
    "tpu.region"() ({
      %run_scoped3A = tpu.sem_alloc : memref<!tpu.dma_semaphore, #tpu.memory_space<semaphore_mem>>
      %dma_start3A_35 = arith.constant 0 : i32
      %dma_start3A_36 = tpu.memref_slice %arg12[%mul3A_2, %dma_start3A_35] : memref<10240x128xf32, #tpu.memory_space<vmem_shared>> -> memref<640x128xf32, #tpu.memory_space<vmem_shared>>
      %dma_start3A_37 = arith.constant 0 : i32
      %dma_start3A_38 = arith.constant 0 : i32
      %dma_start3A_39 = tpu.memref_slice %arg5[%dma_start3A_37, %dma_start3A_38] : memref<640x128xf32, #tpu.memory_space<hbm>> -> memref<640x128xf32, #tpu.memory_space<hbm>>
      tpu.enqueue_dma source(%dma_start3A_39 : memref<640x128xf32, #tpu.memory_space<hbm>>) target(%dma_start3A_36 : memref<640x128xf32, #tpu.memory_space<vmem_shared>>) target_semaphore(%run_scoped3A : memref<!tpu.dma_semaphore, #tpu.memory_space<semaphore_mem>>)
      %dma_wait3A = arith.constant 0 : i32
      %dma_wait3A_40 = tpu.memref_slice %arg12[%mul3A_2, %dma_wait3A] : memref<10240x128xf32, #tpu.memory_space<vmem_shared>> -> memref<640x128xf32, #tpu.memory_space<vmem_shared>>
      %dma_wait3A_41 = arith.constant 0 : i32
      %dma_wait3A_42 = arith.constant 0 : i32
      %dma_wait3A_43 = tpu.memref_slice %arg5[%dma_wait3A_41, %dma_wait3A_42] : memref<640x128xf32, #tpu.memory_space<hbm>> -> memref<640x128xf32, #tpu.memory_space<hbm>>
      tpu.wait_dma2 semaphore(%run_scoped3A : memref<!tpu.dma_semaphore, #tpu.memory_space<semaphore_mem>>) src(%dma_wait3A_43 : memref<640x128xf32, #tpu.memory_space<hbm>>) dst(%dma_wait3A_40 : memref<640x128xf32, #tpu.memory_space<vmem_shared>>)
      tpu.yield
    }) : () -> ()
    %barrier3A = arith.constant 0 : index
    tpu.barrier barrier_id(%barrier3A)
    %dma_start3A = arith.constant 0 : i32
    %dma_start3A_3 = arith.constant 0 : i32
    %dma_start3A_4 = arith.constant 0 : i32
    %dma_start3A_5 = arith.constant 0 : i32
    %dma_start3A_6 = tpu.memref_slice %arg9[%dma_start3A_3, %dma_start3A_4, %dma_start3A_5] : memref<2x128x128xf32, #tpu.memory_space<vmem>> -> memref<1x128x128xf32, #tpu.memory_space<vmem>>
    %dma_start3A_7 = tpu.memref_squeeze %dma_start3A_6 : memref<1x128x128xf32, #tpu.memory_space<vmem>> -> memref<128x128xf32, #tpu.memory_space<vmem>>
    %dma_start3A_8 = arith.constant 0 : i32
    %dma_start3A_9 = tpu.memref_slice %arg7[%dma_start3A, %dma_start3A_8] : memref<40x128xi32, #tpu.memory_space<vmem>> -> memref<1x128xi32, #tpu.memory_space<vmem>>
    %dma_start3A_10 = tpu.memref_squeeze %dma_start3A_9 : memref<1x128xi32, #tpu.memory_space<vmem>> -> memref<128xi32, #tpu.memory_space<vmem>>
    %dma_start3A_11 = arith.constant 0 : i32
    %dma_start3A_12 = arith.constant 0 : i32
    %dma_start3A_13 = tpu.memref_slice %arg2[%dma_start3A_11, %dma_start3A_12] : memref<10240x128xf32, #tpu.memory_space<hbm>> -> memref<10240x128xf32, #tpu.memory_space<hbm>>
    tpu.enqueue_indirect_dma source(%dma_start3A_13 : memref<10240x128xf32, #tpu.memory_space<hbm>>) target(%dma_start3A_7 : memref<128x128xf32, #tpu.memory_space<vmem>>) offsets(%dma_start3A_10 : memref<128xi32, #tpu.memory_space<vmem>>) semaphore(%arg10 : memref<!tpu.dma_semaphore, #tpu.memory_space<semaphore_mem>>)
    %dma_start3A_14 = arith.constant 1 : i32
    %dma_start3A_15 = arith.constant 1 : i32
    %dma_start3A_16 = arith.constant 0 : i32
    %dma_start3A_17 = arith.constant 0 : i32
    %dma_start3A_18 = tpu.memref_slice %arg9[%dma_start3A_15, %dma_start3A_16, %dma_start3A_17] : memref<2x128x128xf32, #tpu.memory_space<vmem>> -> memref<1x128x128xf32, #tpu.memory_space<vmem>>
    %dma_start3A_19 = tpu.memref_squeeze %dma_start3A_18 : memref<1x128x128xf32, #tpu.memory_space<vmem>> -> memref<128x128xf32, #tpu.memory_space<vmem>>
    %dma_start3A_20 = arith.constant 0 : i32
    %dma_start3A_21 = tpu.memref_slice %arg7[%dma_start3A_14, %dma_start3A_20] : memref<40x128xi32, #tpu.memory_space<vmem>> -> memref<1x128xi32, #tpu.memory_space<vmem>>
    %dma_start3A_22 = tpu.memref_squeeze %dma_start3A_21 : memref<1x128xi32, #tpu.memory_space<vmem>> -> memref<128xi32, #tpu.memory_space<vmem>>
    %dma_start3A_23 = arith.constant 0 : i32
    %dma_start3A_24 = arith.constant 0 : i32
    %dma_start3A_25 = tpu.memref_slice %arg2[%dma_start3A_23, %dma_start3A_24] : memref<10240x128xf32, #tpu.memory_space<hbm>> -> memref<10240x128xf32, #tpu.memory_space<hbm>>
    tpu.enqueue_indirect_dma source(%dma_start3A_25 : memref<10240x128xf32, #tpu.memory_space<hbm>>) target(%dma_start3A_19 : memref<128x128xf32, #tpu.memory_space<vmem>>) offsets(%dma_start3A_22 : memref<128xi32, #tpu.memory_space<vmem>>) semaphore(%arg11 : memref<!tpu.dma_semaphore, #tpu.memory_space<semaphore_mem>>)
    %scan3A = arith.constant 0 : i32
    %scan3A_26 = arith.constant 20 : i32
    %scan3A_27 = arith.addi %scan3A, %scan3A_26 : i32
    %scan3A_28 = arith.constant 1 : i32
    scf.for %scan3A_35 = %scan3A to %scan3A_27 step %scan3A_28  : i32 {
      %mul3A_36 = arith.constant 2 : i32
      %mul3A_37 = arith.muli %scan3A_35, %mul3A_36 : i32
      %add3A_38 = arith.constant 0 : i32
      %add3A_39 = arith.addi %add3A_38, %mul3A_37 : i32
      %add3A_40 = arith.constant 0 : i32
      %add3A_41 = arith.addi %add3A_39, %add3A_40 : i32
      %dma_wait3A = arith.constant 0 : i32
      %dma_wait3A_42 = arith.constant 0 : i32
      %dma_wait3A_43 = arith.constant 0 : i32
      %dma_wait3A_44 = tpu.memref_slice %arg9[%dma_wait3A, %dma_wait3A_42, %dma_wait3A_43] : memref<2x128x128xf32, #tpu.memory_space<vmem>> -> memref<1x128x128xf32, #tpu.memory_space<vmem>>
      %dma_wait3A_45 = tpu.memref_squeeze %dma_wait3A_44 : memref<1x128x128xf32, #tpu.memory_space<vmem>> -> memref<128x128xf32, #tpu.memory_space<vmem>>
      %dma_wait3A_46 = arith.constant 0 : i32
      %dma_wait3A_47 = tpu.memref_slice %arg7[%add3A_41, %dma_wait3A_46] : memref<40x128xi32, #tpu.memory_space<vmem>> -> memref<1x128xi32, #tpu.memory_space<vmem>>
      %dma_wait3A_48 = tpu.memref_squeeze %dma_wait3A_47 : memref<1x128xi32, #tpu.memory_space<vmem>> -> memref<128xi32, #tpu.memory_space<vmem>>
      %dma_wait3A_49 = arith.constant 0 : i32
      %dma_wait3A_50 = arith.constant 0 : i32
      %dma_wait3A_51 = tpu.memref_slice %arg2[%dma_wait3A_49, %dma_wait3A_50] : memref<10240x128xf32, #tpu.memory_space<hbm>> -> memref<10240x128xf32, #tpu.memory_space<hbm>>
      tpu.wait_indirect_dma semaphore(%arg10 : memref<!tpu.dma_semaphore, #tpu.memory_space<semaphore_mem>>) src(%dma_wait3A_51 : memref<10240x128xf32, #tpu.memory_space<hbm>>) dst(%dma_wait3A_45 : memref<128x128xf32, #tpu.memory_space<vmem>>)
      %run_scoped3A = arith.constant 0 : i32
      "tpu.region"() ({
        %run_scoped3A_77 = tpu.sem_alloc : memref<!tpu.dma_semaphore, #tpu.memory_space<semaphore_mem>>
        %dma_start3A_78 = arith.constant 0 : i32
        %dma_start3A_79 = arith.constant 0 : i32
        %dma_start3A_80 = tpu.memref_slice %arg9[%run_scoped3A, %dma_start3A_78, %dma_start3A_79] : memref<2x128x128xf32, #tpu.memory_space<vmem>> -> memref<1x128x128xf32, #tpu.memory_space<vmem>>
        %dma_start3A_81 = tpu.memref_squeeze %dma_start3A_80 : memref<1x128x128xf32, #tpu.memory_space<vmem>> -> memref<128x128xf32, #tpu.memory_space<vmem>>
        %dma_start3A_82 = arith.constant 0 : i32
        %dma_start3A_83 = tpu.memref_slice %arg8[%add3A_41, %dma_start3A_82] : memref<40x128xi32, #tpu.memory_space<vmem>> -> memref<1x128xi32, #tpu.memory_space<vmem>>
        %dma_start3A_84 = tpu.memref_squeeze %dma_start3A_83 : memref<1x128xi32, #tpu.memory_space<vmem>> -> memref<128xi32, #tpu.memory_space<vmem>>
        %dma_start3A_85 = arith.constant 0 : i32
        %dma_start3A_86 = arith.constant 0 : i32
        %dma_start3A_87 = tpu.memref_slice %arg12[%dma_start3A_85, %dma_start3A_86] : memref<10240x128xf32, #tpu.memory_space<vmem_shared>> -> memref<10240x128xf32, #tpu.memory_space<vmem_shared>>
        tpu.enqueue_indirect_dma source(%dma_start3A_81 : memref<128x128xf32, #tpu.memory_space<vmem>>) target(%dma_start3A_87 : memref<10240x128xf32, #tpu.memory_space<vmem_shared>>) offsets(%dma_start3A_84 : memref<128xi32, #tpu.memory_space<vmem>>) semaphore(%run_scoped3A_77 : memref<!tpu.dma_semaphore, #tpu.memory_space<semaphore_mem>>) {add = true}
        %dma_wait3A_88 = arith.constant 0 : i32
        %dma_wait3A_89 = arith.constant 0 : i32
        %dma_wait3A_90 = tpu.memref_slice %arg9[%run_scoped3A, %dma_wait3A_88, %dma_wait3A_89] : memref<2x128x128xf32, #tpu.memory_space<vmem>> -> memref<1x128x128xf32, #tpu.memory_space<vmem>>
        %dma_wait3A_91 = tpu.memref_squeeze %dma_wait3A_90 : memref<1x128x128xf32, #tpu.memory_space<vmem>> -> memref<128x128xf32, #tpu.memory_space<vmem>>
        %dma_wait3A_92 = arith.constant 0 : i32
        %dma_wait3A_93 = tpu.memref_slice %arg8[%add3A_41, %dma_wait3A_92] : memref<40x128xi32, #tpu.memory_space<vmem>> -> memref<1x128xi32, #tpu.memory_space<vmem>>
        %dma_wait3A_94 = tpu.memref_squeeze %dma_wait3A_93 : memref<1x128xi32, #tpu.memory_space<vmem>> -> memref<128xi32, #tpu.memory_space<vmem>>
        %dma_wait3A_95 = arith.constant 0 : i32
        %dma_wait3A_96 = arith.constant 0 : i32
        %dma_wait3A_97 = tpu.memref_slice %arg12[%dma_wait3A_95, %dma_wait3A_96] : memref<10240x128xf32, #tpu.memory_space<vmem_shared>> -> memref<10240x128xf32, #tpu.memory_space<vmem_shared>>
        tpu.wait_indirect_dma semaphore(%run_scoped3A_77 : memref<!tpu.dma_semaphore, #tpu.memory_space<semaphore_mem>>) src(%dma_wait3A_91 : memref<128x128xf32, #tpu.memory_space<vmem>>) dst(%dma_wait3A_97 : memref<10240x128xf32, #tpu.memory_space<vmem_shared>>)
        tpu.yield
      }) : () -> ()
      %add3A_52 = arith.constant 2 : i32
      %add3A_53 = arith.addi %add3A_41, %add3A_52 : i32
      %lt3A = arith.constant 40 : i32
      %lt3A_54 = arith.cmpi slt, %add3A_53, %lt3A : i32
      %convert_element_type3A = arith.extui %lt3A_54 : i1 to i32
      %cond3A = arith.constant 0 : i32
      %cond3A_55 = arith.cmpi ne, %convert_element_type3A, %cond3A : i32
      scf.if %cond3A_55 {
        %add3A_77 = arith.constant 2 : i32
        %add3A_78 = arith.addi %add3A_41, %add3A_77 : i32
        %dma_start3A_79 = arith.constant 0 : i32
        %dma_start3A_80 = arith.constant 0 : i32
        %dma_start3A_81 = arith.constant 0 : i32
        %dma_start3A_82 = tpu.memref_slice %arg9[%dma_start3A_79, %dma_start3A_80, %dma_start3A_81] : memref<2x128x128xf32, #tpu.memory_space<vmem>> -> memref<1x128x128xf32, #tpu.memory_space<vmem>>
        %dma_start3A_83 = tpu.memref_squeeze %dma_start3A_82 : memref<1x128x128xf32, #tpu.memory_space<vmem>> -> memref<128x128xf32, #tpu.memory_space<vmem>>
        %dma_start3A_84 = arith.constant 0 : i32
        %dma_start3A_85 = tpu.memref_slice %arg7[%add3A_78, %dma_start3A_84] : memref<40x128xi32, #tpu.memory_space<vmem>> -> memref<1x128xi32, #tpu.memory_space<vmem>>
        %dma_start3A_86 = tpu.memref_squeeze %dma_start3A_85 : memref<1x128xi32, #tpu.memory_space<vmem>> -> memref<128xi32, #tpu.memory_space<vmem>>
        %dma_start3A_87 = arith.constant 0 : i32
        %dma_start3A_88 = arith.constant 0 : i32
        %dma_start3A_89 = tpu.memref_slice %arg2[%dma_start3A_87, %dma_start3A_88] : memref<10240x128xf32, #tpu.memory_space<hbm>> -> memref<10240x128xf32, #tpu.memory_space<hbm>>
        tpu.enqueue_indirect_dma source(%dma_start3A_89 : memref<10240x128xf32, #tpu.memory_space<hbm>>) target(%dma_start3A_83 : memref<128x128xf32, #tpu.memory_space<vmem>>) offsets(%dma_start3A_86 : memref<128xi32, #tpu.memory_space<vmem>>) semaphore(%arg10 : memref<!tpu.dma_semaphore, #tpu.memory_space<semaphore_mem>>)
      } else {
      }
      %add3A_56 = arith.constant 1 : i32
      %add3A_57 = arith.addi %add3A_39, %add3A_56 : i32
      %dma_wait3A_58 = arith.constant 1 : i32
      %dma_wait3A_59 = arith.constant 0 : i32
      %dma_wait3A_60 = arith.constant 0 : i32
      %dma_wait3A_61 = tpu.memref_slice %arg9[%dma_wait3A_58, %dma_wait3A_59, %dma_wait3A_60] : memref<2x128x128xf32, #tpu.memory_space<vmem>> -> memref<1x128x128xf32, #tpu.memory_space<vmem>>
      %dma_wait3A_62 = tpu.memref_squeeze %dma_wait3A_61 : memref<1x128x128xf32, #tpu.memory_space<vmem>> -> memref<128x128xf32, #tpu.memory_space<vmem>>
      %dma_wait3A_63 = arith.constant 0 : i32
      %dma_wait3A_64 = tpu.memref_slice %arg7[%add3A_57, %dma_wait3A_63] : memref<40x128xi32, #tpu.memory_space<vmem>> -> memref<1x128xi32, #tpu.memory_space<vmem>>
      %dma_wait3A_65 = tpu.memref_squeeze %dma_wait3A_64 : memref<1x128xi32, #tpu.memory_space<vmem>> -> memref<128xi32, #tpu.memory_space<vmem>>
      %dma_wait3A_66 = arith.constant 0 : i32
      %dma_wait3A_67 = arith.constant 0 : i32
      %dma_wait3A_68 = tpu.memref_slice %arg2[%dma_wait3A_66, %dma_wait3A_67] : memref<10240x128xf32, #tpu.memory_space<hbm>> -> memref<10240x128xf32, #tpu.memory_space<hbm>>
      tpu.wait_indirect_dma semaphore(%arg11 : memref<!tpu.dma_semaphore, #tpu.memory_space<semaphore_mem>>) src(%dma_wait3A_68 : memref<10240x128xf32, #tpu.memory_space<hbm>>) dst(%dma_wait3A_62 : memref<128x128xf32, #tpu.memory_space<vmem>>)
      %run_scoped3A_69 = arith.constant 1 : i32
      "tpu.region"() ({
        %run_scoped3A_77 = tpu.sem_alloc : memref<!tpu.dma_semaphore, #tpu.memory_space<semaphore_mem>>
        %dma_start3A_78 = arith.constant 0 : i32
        %dma_start3A_79 = arith.constant 0 : i32
        %dma_start3A_80 = tpu.memref_slice %arg9[%run_scoped3A_69, %dma_start3A_78, %dma_start3A_79] : memref<2x128x128xf32, #tpu.memory_space<vmem>> -> memref<1x128x128xf32, #tpu.memory_space<vmem>>
        %dma_start3A_81 = tpu.memref_squeeze %dma_start3A_80 : memref<1x128x128xf32, #tpu.memory_space<vmem>> -> memref<128x128xf32, #tpu.memory_space<vmem>>
        %dma_start3A_82 = arith.constant 0 : i32
        %dma_start3A_83 = tpu.memref_slice %arg8[%add3A_57, %dma_start3A_82] : memref<40x128xi32, #tpu.memory_space<vmem>> -> memref<1x128xi32, #tpu.memory_space<vmem>>
        %dma_start3A_84 = tpu.memref_squeeze %dma_start3A_83 : memref<1x128xi32, #tpu.memory_space<vmem>> -> memref<128xi32, #tpu.memory_space<vmem>>
        %dma_start3A_85 = arith.constant 0 : i32
        %dma_start3A_86 = arith.constant 0 : i32
        %dma_start3A_87 = tpu.memref_slice %arg12[%dma_start3A_85, %dma_start3A_86] : memref<10240x128xf32, #tpu.memory_space<vmem_shared>> -> memref<10240x128xf32, #tpu.memory_space<vmem_shared>>
        tpu.enqueue_indirect_dma source(%dma_start3A_81 : memref<128x128xf32, #tpu.memory_space<vmem>>) target(%dma_start3A_87 : memref<10240x128xf32, #tpu.memory_space<vmem_shared>>) offsets(%dma_start3A_84 : memref<128xi32, #tpu.memory_space<vmem>>) semaphore(%run_scoped3A_77 : memref<!tpu.dma_semaphore, #tpu.memory_space<semaphore_mem>>) {add = true}
        %dma_wait3A_88 = arith.constant 0 : i32
        %dma_wait3A_89 = arith.constant 0 : i32
        %dma_wait3A_90 = tpu.memref_slice %arg9[%run_scoped3A_69, %dma_wait3A_88, %dma_wait3A_89] : memref<2x128x128xf32, #tpu.memory_space<vmem>> -> memref<1x128x128xf32, #tpu.memory_space<vmem>>
        %dma_wait3A_91 = tpu.memref_squeeze %dma_wait3A_90 : memref<1x128x128xf32, #tpu.memory_space<vmem>> -> memref<128x128xf32, #tpu.memory_space<vmem>>
        %dma_wait3A_92 = arith.constant 0 : i32
        %dma_wait3A_93 = tpu.memref_slice %arg8[%add3A_57, %dma_wait3A_92] : memref<40x128xi32, #tpu.memory_space<vmem>> -> memref<1x128xi32, #tpu.memory_space<vmem>>
        %dma_wait3A_94 = tpu.memref_squeeze %dma_wait3A_93 : memref<1x128xi32, #tpu.memory_space<vmem>> -> memref<128xi32, #tpu.memory_space<vmem>>
        %dma_wait3A_95 = arith.constant 0 : i32
        %dma_wait3A_96 = arith.constant 0 : i32
        %dma_wait3A_97 = tpu.memref_slice %arg12[%dma_wait3A_95, %dma_wait3A_96] : memref<10240x128xf32, #tpu.memory_space<vmem_shared>> -> memref<10240x128xf32, #tpu.memory_space<vmem_shared>>
        tpu.wait_indirect_dma semaphore(%run_scoped3A_77 : memref<!tpu.dma_semaphore, #tpu.memory_space<semaphore_mem>>) src(%dma_wait3A_91 : memref<128x128xf32, #tpu.memory_space<vmem>>) dst(%dma_wait3A_97 : memref<10240x128xf32, #tpu.memory_space<vmem_shared>>)
        tpu.yield
      }) : () -> ()
      %add3A_70 = arith.constant 2 : i32
      %add3A_71 = arith.addi %add3A_57, %add3A_70 : i32
      %lt3A_72 = arith.constant 40 : i32
      %lt3A_73 = arith.cmpi slt, %add3A_71, %lt3A_72 : i32
      %convert_element_type3A_74 = arith.extui %lt3A_73 : i1 to i32
      %cond3A_75 = arith.constant 0 : i32
      %cond3A_76 = arith.cmpi ne, %convert_element_type3A_74, %cond3A_75 : i32
      scf.if %cond3A_76 {
        %add3A_77 = arith.constant 2 : i32
        %add3A_78 = arith.addi %add3A_57, %add3A_77 : i32
        %dma_start3A_79 = arith.constant 1 : i32
        %dma_start3A_80 = arith.constant 0 : i32
        %dma_start3A_81 = arith.constant 0 : i32
        %dma_start3A_82 = tpu.memref_slice %arg9[%dma_start3A_79, %dma_start3A_80, %dma_start3A_81] : memref<2x128x128xf32, #tpu.memory_space<vmem>> -> memref<1x128x128xf32, #tpu.memory_space<vmem>>
        %dma_start3A_83 = tpu.memref_squeeze %dma_start3A_82 : memref<1x128x128xf32, #tpu.memory_space<vmem>> -> memref<128x128xf32, #tpu.memory_space<vmem>>
        %dma_start3A_84 = arith.constant 0 : i32
        %dma_start3A_85 = tpu.memref_slice %arg7[%add3A_78, %dma_start3A_84] : memref<40x128xi32, #tpu.memory_space<vmem>> -> memref<1x128xi32, #tpu.memory_space<vmem>>
        %dma_start3A_86 = tpu.memref_squeeze %dma_start3A_85 : memref<1x128xi32, #tpu.memory_space<vmem>> -> memref<128xi32, #tpu.memory_space<vmem>>
        %dma_start3A_87 = arith.constant 0 : i32
        %dma_start3A_88 = arith.constant 0 : i32
        %dma_start3A_89 = tpu.memref_slice %arg2[%dma_start3A_87, %dma_start3A_88] : memref<10240x128xf32, #tpu.memory_space<hbm>> -> memref<10240x128xf32, #tpu.memory_space<hbm>>
        tpu.enqueue_indirect_dma source(%dma_start3A_89 : memref<10240x128xf32, #tpu.memory_space<hbm>>) target(%dma_start3A_83 : memref<128x128xf32, #tpu.memory_space<vmem>>) offsets(%dma_start3A_86 : memref<128xi32, #tpu.memory_space<vmem>>) semaphore(%arg11 : memref<!tpu.dma_semaphore, #tpu.memory_space<semaphore_mem>>)
      } else {
      }
    }
    %scan3A_29 = arith.constant 20 : i32
    %barrier3A_30 = arith.constant 0 : index
    tpu.barrier barrier_id(%barrier3A_30)
    %mul3A_31 = arith.constant 640 : i32
    %mul3A_32 = arith.muli %arg1, %mul3A_31 : i32
    %mul3A_33 = arith.constant 640 : i32
    %mul3A_34 = arith.muli %arg1, %mul3A_33 : i32
    "tpu.region"() ({
      %run_scoped3A = tpu.sem_alloc : memref<!tpu.dma_semaphore, #tpu.memory_space<semaphore_mem>>
      %dma_start3A_35 = arith.constant 0 : i32
      %dma_start3A_36 = tpu.memref_slice %arg6[%arg0, %mul3A_34, %dma_start3A_35] : memref<2x10240x128xf32, #tpu.memory_space<hbm>> -> memref<1x640x128xf32, #tpu.memory_space<hbm>>
      %dma_start3A_37 = tpu.memref_squeeze %dma_start3A_36 : memref<1x640x128xf32, #tpu.memory_space<hbm>> -> memref<640x128xf32, #tpu.memory_space<hbm>>
      %dma_start3A_38 = arith.constant 0 : i32
      %dma_start3A_39 = tpu.memref_slice %arg12[%mul3A_32, %dma_start3A_38] : memref<10240x128xf32, #tpu.memory_space<vmem_shared>> -> memref<640x128xf32, #tpu.memory_space<vmem_shared>>
      tpu.enqueue_dma source(%dma_start3A_39 : memref<640x128xf32, #tpu.memory_space<vmem_shared>>) target(%dma_start3A_37 : memref<640x128xf32, #tpu.memory_space<hbm>>) target_semaphore(%run_scoped3A : memref<!tpu.dma_semaphore, #tpu.memory_space<semaphore_mem>>)
      %dma_wait3A = arith.constant 0 : i32
      %dma_wait3A_40 = tpu.memref_slice %arg6[%arg0, %mul3A_34, %dma_wait3A] : memref<2x10240x128xf32, #tpu.memory_space<hbm>> -> memref<1x640x128xf32, #tpu.memory_space<hbm>>
      %dma_wait3A_41 = tpu.memref_squeeze %dma_wait3A_40 : memref<1x640x128xf32, #tpu.memory_space<hbm>> -> memref<640x128xf32, #tpu.memory_space<hbm>>
      %dma_wait3A_42 = arith.constant 0 : i32
      %dma_wait3A_43 = tpu.memref_slice %arg12[%mul3A_32, %dma_wait3A_42] : memref<10240x128xf32, #tpu.memory_space<vmem_shared>> -> memref<640x128xf32, #tpu.memory_space<vmem_shared>>
      tpu.wait_dma2 semaphore(%run_scoped3A : memref<!tpu.dma_semaphore, #tpu.memory_space<semaphore_mem>>) src(%dma_wait3A_43 : memref<640x128xf32, #tpu.memory_space<vmem_shared>>) dst(%dma_wait3A_41 : memref<640x128xf32, #tpu.memory_space<hbm>>)
      tpu.yield
    }) : () -> ()
    return
  }
}

#map = affine_map<(d0, d1) -> (0, 0)>
#map1 = affine_map<(d0, d1) -> (0, 0, 0)>
module attributes {stable_mosaic.version = 14 : i64} {
  func.func @body(%arg0: i32, %arg1: i32, %arg2: memref<10000x128xf32, #tpu.memory_space<hbm>>, %arg3: memref<32x40x128xi32, #tpu.memory_space<hbm>>, %arg4: memref<32x40x128xi32, #tpu.memory_space<hbm>>, %arg5: memref<640x128xf32, #tpu.memory_space<hbm>>, %arg6: memref<2x10240x128xf32, #tpu.memory_space<hbm>>, %arg7: memref<40x128xi32, #tpu.memory_space<vmem>>, %arg8: memref<40x128xi32, #tpu.memory_space<vmem>>, %arg9: memref<2x128x128xf32, #tpu.memory_space<vmem>>, %arg10: memref<!tpu.dma_semaphore, #tpu.memory_space<semaphore_mem>>, %arg11: memref<!tpu.dma_semaphore, #tpu.memory_space<semaphore_mem>>, %arg12: memref<10240x128xf32, #tpu.memory_space<vmem_shared>>) attributes {dimension_semantics = [#tpu.dimension_semantics<core_parallel>, #tpu.dimension_semantics<subcore_parallel>], iteration_bounds = array<i64: 2, 16>, scalar_prefetch = 0 : i64, scratch_operands = 6 : i64, tpu.core_type = #tpu.core_type<sc_vector_subcore>, window_params = [{transform_indices = #map}, {transform_indices = #map1}, {transform_indices = #map1}, {transform_indices = #map}, {transform_indices = #map1}]} {
    %mul3A = arith.constant 16 : i32
    %mul3A_0 = arith.muli %arg0, %mul3A : i32
    %add3A = arith.addi %mul3A_0, %arg1 : i32
    "tpu.region"() ({
      %run_scoped3A = tpu.sem_alloc : memref<!tpu.dma_semaphore, #tpu.memory_space<semaphore_mem>>
      %dma_start3A_35 = arith.constant 0 : i32
      %dma_start3A_36 = arith.constant 0 : i32
      %dma_start3A_37 = tpu.memref_slice %arg3[%add3A, %dma_start3A_35, %dma_start3A_36] : memref<32x40x128xi32, #tpu.memory_space<hbm>> -> memref<1x40x128xi32, #tpu.memory_space<hbm>>
      %dma_start3A_38 = tpu.memref_squeeze %dma_start3A_37 : memref<1x40x128xi32, #tpu.memory_space<hbm>> -> memref<40x128xi32, #tpu.memory_space<hbm>>
      %dma_start3A_39 = arith.constant 0 : i32
      %dma_start3A_40 = arith.constant 0 : i32
      %dma_start3A_41 = tpu.memref_slice %arg3[%add3A, %dma_start3A_39, %dma_start3A_40] : memref<32x40x128xi32, #tpu.memory_space<hbm>> -> memref<1x40x128xi32, #tpu.memory_space<hbm>>
      %dma_start3A_42 = tpu.memref_squeeze %dma_start3A_41 : memref<1x40x128xi32, #tpu.memory_space<hbm>> -> memref<40x128xi32, #tpu.memory_space<hbm>>
      tpu.enqueue_dma source(%dma_start3A_42 : memref<40x128xi32, #tpu.memory_space<hbm>>) target(%arg7 : memref<40x128xi32, #tpu.memory_space<vmem>>) target_semaphore(%run_scoped3A : memref<!tpu.dma_semaphore, #tpu.memory_space<semaphore_mem>>)
      %dma_wait3A = arith.constant 0 : i32
      %dma_wait3A_43 = arith.constant 0 : i32
      %dma_wait3A_44 = tpu.memref_slice %arg3[%add3A, %dma_wait3A, %dma_wait3A_43] : memref<32x40x128xi32, #tpu.memory_space<hbm>> -> memref<1x40x128xi32, #tpu.memory_space<hbm>>
      %dma_wait3A_45 = tpu.memref_squeeze %dma_wait3A_44 : memref<1x40x128xi32, #tpu.memory_space<hbm>> -> memref<40x128xi32, #tpu.memory_space<hbm>>
      %dma_wait3A_46 = arith.constant 0 : i32
      %dma_wait3A_47 = arith.constant 0 : i32
      %dma_wait3A_48 = tpu.memref_slice %arg3[%add3A, %dma_wait3A_46, %dma_wait3A_47] : memref<32x40x128xi32, #tpu.memory_space<hbm>> -> memref<1x40x128xi32, #tpu.memory_space<hbm>>
      %dma_wait3A_49 = tpu.memref_squeeze %dma_wait3A_48 : memref<1x40x128xi32, #tpu.memory_space<hbm>> -> memref<40x128xi32, #tpu.memory_space<hbm>>
      tpu.wait_dma2 semaphore(%run_scoped3A : memref<!tpu.dma_semaphore, #tpu.memory_space<semaphore_mem>>) src(%dma_wait3A_49 : memref<40x128xi32, #tpu.memory_space<hbm>>) dst(%arg7 : memref<40x128xi32, #tpu.memory_space<vmem>>)
      tpu.yield
    }) : () -> ()
    "tpu.region"() ({
      %run_scoped3A = tpu.sem_alloc : memref<!tpu.dma_semaphore, #tpu.memory_space<semaphore_mem>>
      %dma_start3A_35 = arith.constant 0 : i32
      %dma_start3A_36 = arith.constant 0 : i32
      %dma_start3A_37 = tpu.memref_slice %arg4[%add3A, %dma_start3A_35, %dma_start3A_36] : memref<32x40x128xi32, #tpu.memory_space<hbm>> -> memref<1x40x128xi32, #tpu.memory_space<hbm>>
      %dma_start3A_38 = tpu.memref_squeeze %dma_start3A_37 : memref<1x40x128xi32, #tpu.memory_space<hbm>> -> memref<40x128xi32, #tpu.memory_space<hbm>>
      %dma_start3A_39 = arith.constant 0 : i32
      %dma_start3A_40 = arith.constant 0 : i32
      %dma_start3A_41 = tpu.memref_slice %arg4[%add3A, %dma_start3A_39, %dma_start3A_40] : memref<32x40x128xi32, #tpu.memory_space<hbm>> -> memref<1x40x128xi32, #tpu.memory_space<hbm>>
      %dma_start3A_42 = tpu.memref_squeeze %dma_start3A_41 : memref<1x40x128xi32, #tpu.memory_space<hbm>> -> memref<40x128xi32, #tpu.memory_space<hbm>>
      tpu.enqueue_dma source(%dma_start3A_42 : memref<40x128xi32, #tpu.memory_space<hbm>>) target(%arg8 : memref<40x128xi32, #tpu.memory_space<vmem>>) target_semaphore(%run_scoped3A : memref<!tpu.dma_semaphore, #tpu.memory_space<semaphore_mem>>)
      %dma_wait3A = arith.constant 0 : i32
      %dma_wait3A_43 = arith.constant 0 : i32
      %dma_wait3A_44 = tpu.memref_slice %arg4[%add3A, %dma_wait3A, %dma_wait3A_43] : memref<32x40x128xi32, #tpu.memory_space<hbm>> -> memref<1x40x128xi32, #tpu.memory_space<hbm>>
      %dma_wait3A_45 = tpu.memref_squeeze %dma_wait3A_44 : memref<1x40x128xi32, #tpu.memory_space<hbm>> -> memref<40x128xi32, #tpu.memory_space<hbm>>
      %dma_wait3A_46 = arith.constant 0 : i32
      %dma_wait3A_47 = arith.constant 0 : i32
      %dma_wait3A_48 = tpu.memref_slice %arg4[%add3A, %dma_wait3A_46, %dma_wait3A_47] : memref<32x40x128xi32, #tpu.memory_space<hbm>> -> memref<1x40x128xi32, #tpu.memory_space<hbm>>
      %dma_wait3A_49 = tpu.memref_squeeze %dma_wait3A_48 : memref<1x40x128xi32, #tpu.memory_space<hbm>> -> memref<40x128xi32, #tpu.memory_space<hbm>>
      tpu.wait_dma2 semaphore(%run_scoped3A : memref<!tpu.dma_semaphore, #tpu.memory_space<semaphore_mem>>) src(%dma_wait3A_49 : memref<40x128xi32, #tpu.memory_space<hbm>>) dst(%arg8 : memref<40x128xi32, #tpu.memory_space<vmem>>)
      tpu.yield
    }) : () -> ()
    %mul3A_1 = arith.constant 640 : i32
    %mul3A_2 = arith.muli %arg1, %mul3A_1 : i32
    "tpu.region"() ({
      %run_scoped3A = tpu.sem_alloc : memref<!tpu.dma_semaphore, #tpu.memory_space<semaphore_mem>>
      %dma_start3A_35 = arith.constant 0 : i32
      %dma_start3A_36 = tpu.memref_slice %arg12[%mul3A_2, %dma_start3A_35] : memref<10240x128xf32, #tpu.memory_space<vmem_shared>> -> memref<640x128xf32, #tpu.memory_space<vmem_shared>>
      %dma_start3A_37 = arith.constant 0 : i32
      %dma_start3A_38 = arith.constant 0 : i32
      %dma_start3A_39 = tpu.memref_slice %arg5[%dma_start3A_37, %dma_start3A_38] : memref<640x128xf32, #tpu.memory_space<hbm>> -> memref<640x128xf32, #tpu.memory_space<hbm>>
      tpu.enqueue_dma source(%dma_start3A_39 : memref<640x128xf32, #tpu.memory_space<hbm>>) target(%dma_start3A_36 : memref<640x128xf32, #tpu.memory_space<vmem_shared>>) target_semaphore(%run_scoped3A : memref<!tpu.dma_semaphore, #tpu.memory_space<semaphore_mem>>)
      %dma_wait3A = arith.constant 0 : i32
      %dma_wait3A_40 = tpu.memref_slice %arg12[%mul3A_2, %dma_wait3A] : memref<10240x128xf32, #tpu.memory_space<vmem_shared>> -> memref<640x128xf32, #tpu.memory_space<vmem_shared>>
      %dma_wait3A_41 = arith.constant 0 : i32
      %dma_wait3A_42 = arith.constant 0 : i32
      %dma_wait3A_43 = tpu.memref_slice %arg5[%dma_wait3A_41, %dma_wait3A_42] : memref<640x128xf32, #tpu.memory_space<hbm>> -> memref<640x128xf32, #tpu.memory_space<hbm>>
      tpu.wait_dma2 semaphore(%run_scoped3A : memref<!tpu.dma_semaphore, #tpu.memory_space<semaphore_mem>>) src(%dma_wait3A_43 : memref<640x128xf32, #tpu.memory_space<hbm>>) dst(%dma_wait3A_40 : memref<640x128xf32, #tpu.memory_space<vmem_shared>>)
      tpu.yield
    }) : () -> ()
    %barrier3A = arith.constant 0 : index
    tpu.barrier barrier_id(%barrier3A)
    %dma_start3A = arith.constant 0 : i32
    %dma_start3A_3 = arith.constant 0 : i32
    %dma_start3A_4 = arith.constant 0 : i32
    %dma_start3A_5 = arith.constant 0 : i32
    %dma_start3A_6 = tpu.memref_slice %arg9[%dma_start3A_3, %dma_start3A_4, %dma_start3A_5] : memref<2x128x128xf32, #tpu.memory_space<vmem>> -> memref<1x128x128xf32, #tpu.memory_space<vmem>>
    %dma_start3A_7 = tpu.memref_squeeze %dma_start3A_6 : memref<1x128x128xf32, #tpu.memory_space<vmem>> -> memref<128x128xf32, #tpu.memory_space<vmem>>
    %dma_start3A_8 = arith.constant 0 : i32
    %dma_start3A_9 = tpu.memref_slice %arg7[%dma_start3A, %dma_start3A_8] : memref<40x128xi32, #tpu.memory_space<vmem>> -> memref<1x128xi32, #tpu.memory_space<vmem>>
    %dma_start3A_10 = tpu.memref_squeeze %dma_start3A_9 : memref<1x128xi32, #tpu.memory_space<vmem>> -> memref<128xi32, #tpu.memory_space<vmem>>
    %dma_start3A_11 = arith.constant 0 : i32
    %dma_start3A_12 = arith.constant 0 : i32
    %dma_start3A_13 = tpu.memref_slice %arg2[%dma_start3A_11, %dma_start3A_12] : memref<10000x128xf32, #tpu.memory_space<hbm>> -> memref<10000x128xf32, #tpu.memory_space<hbm>>
    tpu.enqueue_indirect_dma source(%dma_start3A_13 : memref<10000x128xf32, #tpu.memory_space<hbm>>) target(%dma_start3A_7 : memref<128x128xf32, #tpu.memory_space<vmem>>) offsets(%dma_start3A_10 : memref<128xi32, #tpu.memory_space<vmem>>) semaphore(%arg10 : memref<!tpu.dma_semaphore, #tpu.memory_space<semaphore_mem>>)
    %dma_start3A_14 = arith.constant 1 : i32
    %dma_start3A_15 = arith.constant 1 : i32
    %dma_start3A_16 = arith.constant 0 : i32
    %dma_start3A_17 = arith.constant 0 : i32
    %dma_start3A_18 = tpu.memref_slice %arg9[%dma_start3A_15, %dma_start3A_16, %dma_start3A_17] : memref<2x128x128xf32, #tpu.memory_space<vmem>> -> memref<1x128x128xf32, #tpu.memory_space<vmem>>
    %dma_start3A_19 = tpu.memref_squeeze %dma_start3A_18 : memref<1x128x128xf32, #tpu.memory_space<vmem>> -> memref<128x128xf32, #tpu.memory_space<vmem>>
    %dma_start3A_20 = arith.constant 0 : i32
    %dma_start3A_21 = tpu.memref_slice %arg7[%dma_start3A_14, %dma_start3A_20] : memref<40x128xi32, #tpu.memory_space<vmem>> -> memref<1x128xi32, #tpu.memory_space<vmem>>
    %dma_start3A_22 = tpu.memref_squeeze %dma_start3A_21 : memref<1x128xi32, #tpu.memory_space<vmem>> -> memref<128xi32, #tpu.memory_space<vmem>>
    %dma_start3A_23 = arith.constant 0 : i32
    %dma_start3A_24 = arith.constant 0 : i32
    %dma_start3A_25 = tpu.memref_slice %arg2[%dma_start3A_23, %dma_start3A_24] : memref<10000x128xf32, #tpu.memory_space<hbm>> -> memref<10000x128xf32, #tpu.memory_space<hbm>>
    tpu.enqueue_indirect_dma source(%dma_start3A_25 : memref<10000x128xf32, #tpu.memory_space<hbm>>) target(%dma_start3A_19 : memref<128x128xf32, #tpu.memory_space<vmem>>) offsets(%dma_start3A_22 : memref<128xi32, #tpu.memory_space<vmem>>) semaphore(%arg11 : memref<!tpu.dma_semaphore, #tpu.memory_space<semaphore_mem>>)
    %scan3A = arith.constant 0 : i32
    %scan3A_26 = arith.constant 20 : i32
    %scan3A_27 = arith.addi %scan3A, %scan3A_26 : i32
    %scan3A_28 = arith.constant 1 : i32
    scf.for %scan3A_35 = %scan3A to %scan3A_27 step %scan3A_28  : i32 {
      %mul3A_36 = arith.constant 2 : i32
      %mul3A_37 = arith.muli %scan3A_35, %mul3A_36 : i32
      %add3A_38 = arith.constant 0 : i32
      %add3A_39 = arith.addi %add3A_38, %mul3A_37 : i32
      %add3A_40 = arith.constant 0 : i32
      %add3A_41 = arith.addi %add3A_39, %add3A_40 : i32
      %dma_wait3A = arith.constant 0 : i32
      %dma_wait3A_42 = arith.constant 0 : i32
      %dma_wait3A_43 = arith.constant 0 : i32
      %dma_wait3A_44 = tpu.memref_slice %arg9[%dma_wait3A, %dma_wait3A_42, %dma_wait3A_43] : memref<2x128x128xf32, #tpu.memory_space<vmem>> -> memref<1x128x128xf32, #tpu.memory_space<vmem>>
      %dma_wait3A_45 = tpu.memref_squeeze %dma_wait3A_44 : memref<1x128x128xf32, #tpu.memory_space<vmem>> -> memref<128x128xf32, #tpu.memory_space<vmem>>
      %dma_wait3A_46 = arith.constant 0 : i32
      %dma_wait3A_47 = tpu.memref_slice %arg7[%add3A_41, %dma_wait3A_46] : memref<40x128xi32, #tpu.memory_space<vmem>> -> memref<1x128xi32, #tpu.memory_space<vmem>>
      %dma_wait3A_48 = tpu.memref_squeeze %dma_wait3A_47 : memref<1x128xi32, #tpu.memory_space<vmem>> -> memref<128xi32, #tpu.memory_space<vmem>>
      %dma_wait3A_49 = arith.constant 0 : i32
      %dma_wait3A_50 = arith.constant 0 : i32
      %dma_wait3A_51 = tpu.memref_slice %arg2[%dma_wait3A_49, %dma_wait3A_50] : memref<10000x128xf32, #tpu.memory_space<hbm>> -> memref<10000x128xf32, #tpu.memory_space<hbm>>
      tpu.wait_indirect_dma semaphore(%arg10 : memref<!tpu.dma_semaphore, #tpu.memory_space<semaphore_mem>>) src(%dma_wait3A_51 : memref<10000x128xf32, #tpu.memory_space<hbm>>) dst(%dma_wait3A_45 : memref<128x128xf32, #tpu.memory_space<vmem>>)
      %run_scoped3A = arith.constant 0 : i32
      "tpu.region"() ({
        %run_scoped3A_77 = tpu.sem_alloc : memref<!tpu.dma_semaphore, #tpu.memory_space<semaphore_mem>>
        %dma_start3A_78 = arith.constant 0 : i32
        %dma_start3A_79 = arith.constant 0 : i32
        %dma_start3A_80 = tpu.memref_slice %arg9[%run_scoped3A, %dma_start3A_78, %dma_start3A_79] : memref<2x128x128xf32, #tpu.memory_space<vmem>> -> memref<1x128x128xf32, #tpu.memory_space<vmem>>
        %dma_start3A_81 = tpu.memref_squeeze %dma_start3A_80 : memref<1x128x128xf32, #tpu.memory_space<vmem>> -> memref<128x128xf32, #tpu.memory_space<vmem>>
        %dma_start3A_82 = arith.constant 0 : i32
        %dma_start3A_83 = tpu.memref_slice %arg8[%add3A_41, %dma_start3A_82] : memref<40x128xi32, #tpu.memory_space<vmem>> -> memref<1x128xi32, #tpu.memory_space<vmem>>
        %dma_start3A_84 = tpu.memref_squeeze %dma_start3A_83 : memref<1x128xi32, #tpu.memory_space<vmem>> -> memref<128xi32, #tpu.memory_space<vmem>>
        %dma_start3A_85 = arith.constant 0 : i32
        %dma_start3A_86 = arith.constant 0 : i32
        %dma_start3A_87 = tpu.memref_slice %arg12[%dma_start3A_85, %dma_start3A_86] : memref<10240x128xf32, #tpu.memory_space<vmem_shared>> -> memref<10240x128xf32, #tpu.memory_space<vmem_shared>>
        tpu.enqueue_indirect_dma source(%dma_start3A_81 : memref<128x128xf32, #tpu.memory_space<vmem>>) target(%dma_start3A_87 : memref<10240x128xf32, #tpu.memory_space<vmem_shared>>) offsets(%dma_start3A_84 : memref<128xi32, #tpu.memory_space<vmem>>) semaphore(%run_scoped3A_77 : memref<!tpu.dma_semaphore, #tpu.memory_space<semaphore_mem>>) {add = true}
        %dma_wait3A_88 = arith.constant 0 : i32
        %dma_wait3A_89 = arith.constant 0 : i32
        %dma_wait3A_90 = tpu.memref_slice %arg9[%run_scoped3A, %dma_wait3A_88, %dma_wait3A_89] : memref<2x128x128xf32, #tpu.memory_space<vmem>> -> memref<1x128x128xf32, #tpu.memory_space<vmem>>
        %dma_wait3A_91 = tpu.memref_squeeze %dma_wait3A_90 : memref<1x128x128xf32, #tpu.memory_space<vmem>> -> memref<128x128xf32, #tpu.memory_space<vmem>>
        %dma_wait3A_92 = arith.constant 0 : i32
        %dma_wait3A_93 = tpu.memref_slice %arg8[%add3A_41, %dma_wait3A_92] : memref<40x128xi32, #tpu.memory_space<vmem>> -> memref<1x128xi32, #tpu.memory_space<vmem>>
        %dma_wait3A_94 = tpu.memref_squeeze %dma_wait3A_93 : memref<1x128xi32, #tpu.memory_space<vmem>> -> memref<128xi32, #tpu.memory_space<vmem>>
        %dma_wait3A_95 = arith.constant 0 : i32
        %dma_wait3A_96 = arith.constant 0 : i32
        %dma_wait3A_97 = tpu.memref_slice %arg12[%dma_wait3A_95, %dma_wait3A_96] : memref<10240x128xf32, #tpu.memory_space<vmem_shared>> -> memref<10240x128xf32, #tpu.memory_space<vmem_shared>>
        tpu.wait_indirect_dma semaphore(%run_scoped3A_77 : memref<!tpu.dma_semaphore, #tpu.memory_space<semaphore_mem>>) src(%dma_wait3A_91 : memref<128x128xf32, #tpu.memory_space<vmem>>) dst(%dma_wait3A_97 : memref<10240x128xf32, #tpu.memory_space<vmem_shared>>)
        tpu.yield
      }) : () -> ()
      %add3A_52 = arith.constant 2 : i32
      %add3A_53 = arith.addi %add3A_41, %add3A_52 : i32
      %lt3A = arith.constant 40 : i32
      %lt3A_54 = arith.cmpi slt, %add3A_53, %lt3A : i32
      %convert_element_type3A = arith.extui %lt3A_54 : i1 to i32
      %cond3A = arith.constant 0 : i32
      %cond3A_55 = arith.cmpi ne, %convert_element_type3A, %cond3A : i32
      scf.if %cond3A_55 {
        %add3A_77 = arith.constant 2 : i32
        %add3A_78 = arith.addi %add3A_41, %add3A_77 : i32
        %dma_start3A_79 = arith.constant 0 : i32
        %dma_start3A_80 = arith.constant 0 : i32
        %dma_start3A_81 = arith.constant 0 : i32
        %dma_start3A_82 = tpu.memref_slice %arg9[%dma_start3A_79, %dma_start3A_80, %dma_start3A_81] : memref<2x128x128xf32, #tpu.memory_space<vmem>> -> memref<1x128x128xf32, #tpu.memory_space<vmem>>
        %dma_start3A_83 = tpu.memref_squeeze %dma_start3A_82 : memref<1x128x128xf32, #tpu.memory_space<vmem>> -> memref<128x128xf32, #tpu.memory_space<vmem>>
        %dma_start3A_84 = arith.constant 0 : i32
        %dma_start3A_85 = tpu.memref_slice %arg7[%add3A_78, %dma_start3A_84] : memref<40x128xi32, #tpu.memory_space<vmem>> -> memref<1x128xi32, #tpu.memory_space<vmem>>
        %dma_start3A_86 = tpu.memref_squeeze %dma_start3A_85 : memref<1x128xi32, #tpu.memory_space<vmem>> -> memref<128xi32, #tpu.memory_space<vmem>>
        %dma_start3A_87 = arith.constant 0 : i32
        %dma_start3A_88 = arith.constant 0 : i32
        %dma_start3A_89 = tpu.memref_slice %arg2[%dma_start3A_87, %dma_start3A_88] : memref<10000x128xf32, #tpu.memory_space<hbm>> -> memref<10000x128xf32, #tpu.memory_space<hbm>>
        tpu.enqueue_indirect_dma source(%dma_start3A_89 : memref<10000x128xf32, #tpu.memory_space<hbm>>) target(%dma_start3A_83 : memref<128x128xf32, #tpu.memory_space<vmem>>) offsets(%dma_start3A_86 : memref<128xi32, #tpu.memory_space<vmem>>) semaphore(%arg10 : memref<!tpu.dma_semaphore, #tpu.memory_space<semaphore_mem>>)
      } else {
      }
      %add3A_56 = arith.constant 1 : i32
      %add3A_57 = arith.addi %add3A_39, %add3A_56 : i32
      %dma_wait3A_58 = arith.constant 1 : i32
      %dma_wait3A_59 = arith.constant 0 : i32
      %dma_wait3A_60 = arith.constant 0 : i32
      %dma_wait3A_61 = tpu.memref_slice %arg9[%dma_wait3A_58, %dma_wait3A_59, %dma_wait3A_60] : memref<2x128x128xf32, #tpu.memory_space<vmem>> -> memref<1x128x128xf32, #tpu.memory_space<vmem>>
      %dma_wait3A_62 = tpu.memref_squeeze %dma_wait3A_61 : memref<1x128x128xf32, #tpu.memory_space<vmem>> -> memref<128x128xf32, #tpu.memory_space<vmem>>
      %dma_wait3A_63 = arith.constant 0 : i32
      %dma_wait3A_64 = tpu.memref_slice %arg7[%add3A_57, %dma_wait3A_63] : memref<40x128xi32, #tpu.memory_space<vmem>> -> memref<1x128xi32, #tpu.memory_space<vmem>>
      %dma_wait3A_65 = tpu.memref_squeeze %dma_wait3A_64 : memref<1x128xi32, #tpu.memory_space<vmem>> -> memref<128xi32, #tpu.memory_space<vmem>>
      %dma_wait3A_66 = arith.constant 0 : i32
      %dma_wait3A_67 = arith.constant 0 : i32
      %dma_wait3A_68 = tpu.memref_slice %arg2[%dma_wait3A_66, %dma_wait3A_67] : memref<10000x128xf32, #tpu.memory_space<hbm>> -> memref<10000x128xf32, #tpu.memory_space<hbm>>
      tpu.wait_indirect_dma semaphore(%arg11 : memref<!tpu.dma_semaphore, #tpu.memory_space<semaphore_mem>>) src(%dma_wait3A_68 : memref<10000x128xf32, #tpu.memory_space<hbm>>) dst(%dma_wait3A_62 : memref<128x128xf32, #tpu.memory_space<vmem>>)
      %run_scoped3A_69 = arith.constant 1 : i32
      "tpu.region"() ({
        %run_scoped3A_77 = tpu.sem_alloc : memref<!tpu.dma_semaphore, #tpu.memory_space<semaphore_mem>>
        %dma_start3A_78 = arith.constant 0 : i32
        %dma_start3A_79 = arith.constant 0 : i32
        %dma_start3A_80 = tpu.memref_slice %arg9[%run_scoped3A_69, %dma_start3A_78, %dma_start3A_79] : memref<2x128x128xf32, #tpu.memory_space<vmem>> -> memref<1x128x128xf32, #tpu.memory_space<vmem>>
        %dma_start3A_81 = tpu.memref_squeeze %dma_start3A_80 : memref<1x128x128xf32, #tpu.memory_space<vmem>> -> memref<128x128xf32, #tpu.memory_space<vmem>>
        %dma_start3A_82 = arith.constant 0 : i32
        %dma_start3A_83 = tpu.memref_slice %arg8[%add3A_57, %dma_start3A_82] : memref<40x128xi32, #tpu.memory_space<vmem>> -> memref<1x128xi32, #tpu.memory_space<vmem>>
        %dma_start3A_84 = tpu.memref_squeeze %dma_start3A_83 : memref<1x128xi32, #tpu.memory_space<vmem>> -> memref<128xi32, #tpu.memory_space<vmem>>
        %dma_start3A_85 = arith.constant 0 : i32
        %dma_start3A_86 = arith.constant 0 : i32
        %dma_start3A_87 = tpu.memref_slice %arg12[%dma_start3A_85, %dma_start3A_86] : memref<10240x128xf32, #tpu.memory_space<vmem_shared>> -> memref<10240x128xf32, #tpu.memory_space<vmem_shared>>
        tpu.enqueue_indirect_dma source(%dma_start3A_81 : memref<128x128xf32, #tpu.memory_space<vmem>>) target(%dma_start3A_87 : memref<10240x128xf32, #tpu.memory_space<vmem_shared>>) offsets(%dma_start3A_84 : memref<128xi32, #tpu.memory_space<vmem>>) semaphore(%run_scoped3A_77 : memref<!tpu.dma_semaphore, #tpu.memory_space<semaphore_mem>>) {add = true}
        %dma_wait3A_88 = arith.constant 0 : i32
        %dma_wait3A_89 = arith.constant 0 : i32
        %dma_wait3A_90 = tpu.memref_slice %arg9[%run_scoped3A_69, %dma_wait3A_88, %dma_wait3A_89] : memref<2x128x128xf32, #tpu.memory_space<vmem>> -> memref<1x128x128xf32, #tpu.memory_space<vmem>>
        %dma_wait3A_91 = tpu.memref_squeeze %dma_wait3A_90 : memref<1x128x128xf32, #tpu.memory_space<vmem>> -> memref<128x128xf32, #tpu.memory_space<vmem>>
        %dma_wait3A_92 = arith.constant 0 : i32
        %dma_wait3A_93 = tpu.memref_slice %arg8[%add3A_57, %dma_wait3A_92] : memref<40x128xi32, #tpu.memory_space<vmem>> -> memref<1x128xi32, #tpu.memory_space<vmem>>
        %dma_wait3A_94 = tpu.memref_squeeze %dma_wait3A_93 : memref<1x128xi32, #tpu.memory_space<vmem>> -> memref<128xi32, #tpu.memory_space<vmem>>
        %dma_wait3A_95 = arith.constant 0 : i32
        %dma_wait3A_96 = arith.constant 0 : i32
        %dma_wait3A_97 = tpu.memref_slice %arg12[%dma_wait3A_95, %dma_wait3A_96] : memref<10240x128xf32, #tpu.memory_space<vmem_shared>> -> memref<10240x128xf32, #tpu.memory_space<vmem_shared>>
        tpu.wait_indirect_dma semaphore(%run_scoped3A_77 : memref<!tpu.dma_semaphore, #tpu.memory_space<semaphore_mem>>) src(%dma_wait3A_91 : memref<128x128xf32, #tpu.memory_space<vmem>>) dst(%dma_wait3A_97 : memref<10240x128xf32, #tpu.memory_space<vmem_shared>>)
        tpu.yield
      }) : () -> ()
      %add3A_70 = arith.constant 2 : i32
      %add3A_71 = arith.addi %add3A_57, %add3A_70 : i32
      %lt3A_72 = arith.constant 40 : i32
      %lt3A_73 = arith.cmpi slt, %add3A_71, %lt3A_72 : i32
      %convert_element_type3A_74 = arith.extui %lt3A_73 : i1 to i32
      %cond3A_75 = arith.constant 0 : i32
      %cond3A_76 = arith.cmpi ne, %convert_element_type3A_74, %cond3A_75 : i32
      scf.if %cond3A_76 {
        %add3A_77 = arith.constant 2 : i32
        %add3A_78 = arith.addi %add3A_57, %add3A_77 : i32
        %dma_start3A_79 = arith.constant 1 : i32
        %dma_start3A_80 = arith.constant 0 : i32
        %dma_start3A_81 = arith.constant 0 : i32
        %dma_start3A_82 = tpu.memref_slice %arg9[%dma_start3A_79, %dma_start3A_80, %dma_start3A_81] : memref<2x128x128xf32, #tpu.memory_space<vmem>> -> memref<1x128x128xf32, #tpu.memory_space<vmem>>
        %dma_start3A_83 = tpu.memref_squeeze %dma_start3A_82 : memref<1x128x128xf32, #tpu.memory_space<vmem>> -> memref<128x128xf32, #tpu.memory_space<vmem>>
        %dma_start3A_84 = arith.constant 0 : i32
        %dma_start3A_85 = tpu.memref_slice %arg7[%add3A_78, %dma_start3A_84] : memref<40x128xi32, #tpu.memory_space<vmem>> -> memref<1x128xi32, #tpu.memory_space<vmem>>
        %dma_start3A_86 = tpu.memref_squeeze %dma_start3A_85 : memref<1x128xi32, #tpu.memory_space<vmem>> -> memref<128xi32, #tpu.memory_space<vmem>>
        %dma_start3A_87 = arith.constant 0 : i32
        %dma_start3A_88 = arith.constant 0 : i32
        %dma_start3A_89 = tpu.memref_slice %arg2[%dma_start3A_87, %dma_start3A_88] : memref<10000x128xf32, #tpu.memory_space<hbm>> -> memref<10000x128xf32, #tpu.memory_space<hbm>>
        tpu.enqueue_indirect_dma source(%dma_start3A_89 : memref<10000x128xf32, #tpu.memory_space<hbm>>) target(%dma_start3A_83 : memref<128x128xf32, #tpu.memory_space<vmem>>) offsets(%dma_start3A_86 : memref<128xi32, #tpu.memory_space<vmem>>) semaphore(%arg11 : memref<!tpu.dma_semaphore, #tpu.memory_space<semaphore_mem>>)
      } else {
      }
    }
    %scan3A_29 = arith.constant 20 : i32
    %barrier3A_30 = arith.constant 0 : index
    tpu.barrier barrier_id(%barrier3A_30)
    %mul3A_31 = arith.constant 640 : i32
    %mul3A_32 = arith.muli %arg1, %mul3A_31 : i32
    %mul3A_33 = arith.constant 640 : i32
    %mul3A_34 = arith.muli %arg1, %mul3A_33 : i32
    "tpu.region"() ({
      %run_scoped3A = tpu.sem_alloc : memref<!tpu.dma_semaphore, #tpu.memory_space<semaphore_mem>>
      %dma_start3A_35 = arith.constant 0 : i32
      %dma_start3A_36 = tpu.memref_slice %arg6[%arg0, %mul3A_34, %dma_start3A_35] : memref<2x10240x128xf32, #tpu.memory_space<hbm>> -> memref<1x640x128xf32, #tpu.memory_space<hbm>>
      %dma_start3A_37 = tpu.memref_squeeze %dma_start3A_36 : memref<1x640x128xf32, #tpu.memory_space<hbm>> -> memref<640x128xf32, #tpu.memory_space<hbm>>
      %dma_start3A_38 = arith.constant 0 : i32
      %dma_start3A_39 = tpu.memref_slice %arg12[%mul3A_32, %dma_start3A_38] : memref<10240x128xf32, #tpu.memory_space<vmem_shared>> -> memref<640x128xf32, #tpu.memory_space<vmem_shared>>
      tpu.enqueue_dma source(%dma_start3A_39 : memref<640x128xf32, #tpu.memory_space<vmem_shared>>) target(%dma_start3A_37 : memref<640x128xf32, #tpu.memory_space<hbm>>) target_semaphore(%run_scoped3A : memref<!tpu.dma_semaphore, #tpu.memory_space<semaphore_mem>>)
      %dma_wait3A = arith.constant 0 : i32
      %dma_wait3A_40 = tpu.memref_slice %arg6[%arg0, %mul3A_34, %dma_wait3A] : memref<2x10240x128xf32, #tpu.memory_space<hbm>> -> memref<1x640x128xf32, #tpu.memory_space<hbm>>
      %dma_wait3A_41 = tpu.memref_squeeze %dma_wait3A_40 : memref<1x640x128xf32, #tpu.memory_space<hbm>> -> memref<640x128xf32, #tpu.memory_space<hbm>>
      %dma_wait3A_42 = arith.constant 0 : i32
      %dma_wait3A_43 = tpu.memref_slice %arg12[%mul3A_32, %dma_wait3A_42] : memref<10240x128xf32, #tpu.memory_space<vmem_shared>> -> memref<640x128xf32, #tpu.memory_space<vmem_shared>>
      tpu.wait_dma2 semaphore(%run_scoped3A : memref<!tpu.dma_semaphore, #tpu.memory_space<semaphore_mem>>) src(%dma_wait3A_43 : memref<640x128xf32, #tpu.memory_space<vmem_shared>>) dst(%dma_wait3A_41 : memref<640x128xf32, #tpu.memory_space<hbm>>)
      tpu.yield
    }) : () -> ()
    return
  }
}

#map = affine_map<(d0, d1) -> (0, 0)>
#map1 = affine_map<(d0, d1) -> (0, 0, 0)>
module attributes {stable_mosaic.version = 14 : i64} {
  func.func @body(%arg0: i32, %arg1: i32, %arg2: memref<10000x128xf32, #tpu.memory_space<hbm>>, %arg3: memref<32x40x128xi32, #tpu.memory_space<hbm>>, %arg4: memref<32x40x128xi32, #tpu.memory_space<hbm>>, %arg5: memref<640x128xf32, #tpu.memory_space<hbm>>, %arg6: memref<2x10240x128xf32, #tpu.memory_space<hbm>>, %arg7: memref<40x128xi32, #tpu.memory_space<vmem>>, %arg8: memref<40x128xi32, #tpu.memory_space<vmem>>, %arg9: memref<2x128x128xf32, #tpu.memory_space<vmem>>, %arg10: memref<!tpu.dma_semaphore, #tpu.memory_space<semaphore_mem>>, %arg11: memref<!tpu.dma_semaphore, #tpu.memory_space<semaphore_mem>>, %arg12: memref<10240x128xf32, #tpu.memory_space<vmem_shared>>) attributes {dimension_semantics = [#tpu.dimension_semantics<core_parallel>, #tpu.dimension_semantics<subcore_parallel>], iteration_bounds = array<i64: 2, 16>, scalar_prefetch = 0 : i64, scratch_operands = 6 : i64, tpu.core_type = #tpu.core_type<sc_vector_subcore>, window_params = [{transform_indices = #map}, {transform_indices = #map1}, {transform_indices = #map1}, {transform_indices = #map}, {transform_indices = #map1}]} {
    %mul3A = arith.constant 16 : i32
    %mul3A_0 = arith.muli %arg0, %mul3A : i32
    %add3A = arith.addi %mul3A_0, %arg1 : i32
    "tpu.region"() ({
      %run_scoped3A = tpu.sem_alloc : memref<!tpu.dma_semaphore, #tpu.memory_space<semaphore_mem>>
      %dma_start3A_35 = arith.constant 0 : i32
      %dma_start3A_36 = arith.constant 0 : i32
      %dma_start3A_37 = tpu.memref_slice %arg3[%add3A, %dma_start3A_35, %dma_start3A_36] : memref<32x40x128xi32, #tpu.memory_space<hbm>> -> memref<1x40x128xi32, #tpu.memory_space<hbm>>
      %dma_start3A_38 = tpu.memref_squeeze %dma_start3A_37 : memref<1x40x128xi32, #tpu.memory_space<hbm>> -> memref<40x128xi32, #tpu.memory_space<hbm>>
      %dma_start3A_39 = arith.constant 0 : i32
      %dma_start3A_40 = arith.constant 0 : i32
      %dma_start3A_41 = tpu.memref_slice %arg3[%add3A, %dma_start3A_39, %dma_start3A_40] : memref<32x40x128xi32, #tpu.memory_space<hbm>> -> memref<1x40x128xi32, #tpu.memory_space<hbm>>
      %dma_start3A_42 = tpu.memref_squeeze %dma_start3A_41 : memref<1x40x128xi32, #tpu.memory_space<hbm>> -> memref<40x128xi32, #tpu.memory_space<hbm>>
      tpu.enqueue_dma source(%dma_start3A_42 : memref<40x128xi32, #tpu.memory_space<hbm>>) target(%arg7 : memref<40x128xi32, #tpu.memory_space<vmem>>) target_semaphore(%run_scoped3A : memref<!tpu.dma_semaphore, #tpu.memory_space<semaphore_mem>>)
      %dma_wait3A = arith.constant 0 : i32
      %dma_wait3A_43 = arith.constant 0 : i32
      %dma_wait3A_44 = tpu.memref_slice %arg3[%add3A, %dma_wait3A, %dma_wait3A_43] : memref<32x40x128xi32, #tpu.memory_space<hbm>> -> memref<1x40x128xi32, #tpu.memory_space<hbm>>
      %dma_wait3A_45 = tpu.memref_squeeze %dma_wait3A_44 : memref<1x40x128xi32, #tpu.memory_space<hbm>> -> memref<40x128xi32, #tpu.memory_space<hbm>>
      %dma_wait3A_46 = arith.constant 0 : i32
      %dma_wait3A_47 = arith.constant 0 : i32
      %dma_wait3A_48 = tpu.memref_slice %arg3[%add3A, %dma_wait3A_46, %dma_wait3A_47] : memref<32x40x128xi32, #tpu.memory_space<hbm>> -> memref<1x40x128xi32, #tpu.memory_space<hbm>>
      %dma_wait3A_49 = tpu.memref_squeeze %dma_wait3A_48 : memref<1x40x128xi32, #tpu.memory_space<hbm>> -> memref<40x128xi32, #tpu.memory_space<hbm>>
      tpu.wait_dma2 semaphore(%run_scoped3A : memref<!tpu.dma_semaphore, #tpu.memory_space<semaphore_mem>>) src(%dma_wait3A_49 : memref<40x128xi32, #tpu.memory_space<hbm>>) dst(%arg7 : memref<40x128xi32, #tpu.memory_space<vmem>>)
      tpu.yield
    }) : () -> ()
    "tpu.region"() ({
      %run_scoped3A = tpu.sem_alloc : memref<!tpu.dma_semaphore, #tpu.memory_space<semaphore_mem>>
      %dma_start3A_35 = arith.constant 0 : i32
      %dma_start3A_36 = arith.constant 0 : i32
      %dma_start3A_37 = tpu.memref_slice %arg4[%add3A, %dma_start3A_35, %dma_start3A_36] : memref<32x40x128xi32, #tpu.memory_space<hbm>> -> memref<1x40x128xi32, #tpu.memory_space<hbm>>
      %dma_start3A_38 = tpu.memref_squeeze %dma_start3A_37 : memref<1x40x128xi32, #tpu.memory_space<hbm>> -> memref<40x128xi32, #tpu.memory_space<hbm>>
      %dma_start3A_39 = arith.constant 0 : i32
      %dma_start3A_40 = arith.constant 0 : i32
      %dma_start3A_41 = tpu.memref_slice %arg4[%add3A, %dma_start3A_39, %dma_start3A_40] : memref<32x40x128xi32, #tpu.memory_space<hbm>> -> memref<1x40x128xi32, #tpu.memory_space<hbm>>
      %dma_start3A_42 = tpu.memref_squeeze %dma_start3A_41 : memref<1x40x128xi32, #tpu.memory_space<hbm>> -> memref<40x128xi32, #tpu.memory_space<hbm>>
      tpu.enqueue_dma source(%dma_start3A_42 : memref<40x128xi32, #tpu.memory_space<hbm>>) target(%arg8 : memref<40x128xi32, #tpu.memory_space<vmem>>) target_semaphore(%run_scoped3A : memref<!tpu.dma_semaphore, #tpu.memory_space<semaphore_mem>>)
      %dma_wait3A = arith.constant 0 : i32
      %dma_wait3A_43 = arith.constant 0 : i32
      %dma_wait3A_44 = tpu.memref_slice %arg4[%add3A, %dma_wait3A, %dma_wait3A_43] : memref<32x40x128xi32, #tpu.memory_space<hbm>> -> memref<1x40x128xi32, #tpu.memory_space<hbm>>
      %dma_wait3A_45 = tpu.memref_squeeze %dma_wait3A_44 : memref<1x40x128xi32, #tpu.memory_space<hbm>> -> memref<40x128xi32, #tpu.memory_space<hbm>>
      %dma_wait3A_46 = arith.constant 0 : i32
      %dma_wait3A_47 = arith.constant 0 : i32
      %dma_wait3A_48 = tpu.memref_slice %arg4[%add3A, %dma_wait3A_46, %dma_wait3A_47] : memref<32x40x128xi32, #tpu.memory_space<hbm>> -> memref<1x40x128xi32, #tpu.memory_space<hbm>>
      %dma_wait3A_49 = tpu.memref_squeeze %dma_wait3A_48 : memref<1x40x128xi32, #tpu.memory_space<hbm>> -> memref<40x128xi32, #tpu.memory_space<hbm>>
      tpu.wait_dma2 semaphore(%run_scoped3A : memref<!tpu.dma_semaphore, #tpu.memory_space<semaphore_mem>>) src(%dma_wait3A_49 : memref<40x128xi32, #tpu.memory_space<hbm>>) dst(%arg8 : memref<40x128xi32, #tpu.memory_space<vmem>>)
      tpu.yield
    }) : () -> ()
    %mul3A_1 = arith.constant 640 : i32
    %mul3A_2 = arith.muli %arg1, %mul3A_1 : i32
    "tpu.region"() ({
      %run_scoped3A = tpu.sem_alloc : memref<!tpu.dma_semaphore, #tpu.memory_space<semaphore_mem>>
      %dma_start3A_35 = arith.constant 0 : i32
      %dma_start3A_36 = tpu.memref_slice %arg12[%mul3A_2, %dma_start3A_35] : memref<10240x128xf32, #tpu.memory_space<vmem_shared>> -> memref<640x128xf32, #tpu.memory_space<vmem_shared>>
      %dma_start3A_37 = arith.constant 0 : i32
      %dma_start3A_38 = arith.constant 0 : i32
      %dma_start3A_39 = tpu.memref_slice %arg5[%dma_start3A_37, %dma_start3A_38] : memref<640x128xf32, #tpu.memory_space<hbm>> -> memref<640x128xf32, #tpu.memory_space<hbm>>
      tpu.enqueue_dma source(%dma_start3A_39 : memref<640x128xf32, #tpu.memory_space<hbm>>) target(%dma_start3A_36 : memref<640x128xf32, #tpu.memory_space<vmem_shared>>) target_semaphore(%run_scoped3A : memref<!tpu.dma_semaphore, #tpu.memory_space<semaphore_mem>>)
      %dma_wait3A = arith.constant 0 : i32
      %dma_wait3A_40 = tpu.memref_slice %arg12[%mul3A_2, %dma_wait3A] : memref<10240x128xf32, #tpu.memory_space<vmem_shared>> -> memref<640x128xf32, #tpu.memory_space<vmem_shared>>
      %dma_wait3A_41 = arith.constant 0 : i32
      %dma_wait3A_42 = arith.constant 0 : i32
      %dma_wait3A_43 = tpu.memref_slice %arg5[%dma_wait3A_41, %dma_wait3A_42] : memref<640x128xf32, #tpu.memory_space<hbm>> -> memref<640x128xf32, #tpu.memory_space<hbm>>
      tpu.wait_dma2 semaphore(%run_scoped3A : memref<!tpu.dma_semaphore, #tpu.memory_space<semaphore_mem>>) src(%dma_wait3A_43 : memref<640x128xf32, #tpu.memory_space<hbm>>) dst(%dma_wait3A_40 : memref<640x128xf32, #tpu.memory_space<vmem_shared>>)
      tpu.yield
    }) : () -> ()
    %barrier3A = arith.constant 0 : index
    tpu.barrier barrier_id(%barrier3A)
    %dma_start3A = arith.constant 0 : i32
    %dma_start3A_3 = arith.constant 0 : i32
    %dma_start3A_4 = arith.constant 0 : i32
    %dma_start3A_5 = arith.constant 0 : i32
    %dma_start3A_6 = tpu.memref_slice %arg9[%dma_start3A_3, %dma_start3A_4, %dma_start3A_5] : memref<2x128x128xf32, #tpu.memory_space<vmem>> -> memref<1x128x128xf32, #tpu.memory_space<vmem>>
    %dma_start3A_7 = tpu.memref_squeeze %dma_start3A_6 : memref<1x128x128xf32, #tpu.memory_space<vmem>> -> memref<128x128xf32, #tpu.memory_space<vmem>>
    %dma_start3A_8 = arith.constant 0 : i32
    %dma_start3A_9 = tpu.memref_slice %arg7[%dma_start3A, %dma_start3A_8] : memref<40x128xi32, #tpu.memory_space<vmem>> -> memref<1x128xi32, #tpu.memory_space<vmem>>
    %dma_start3A_10 = tpu.memref_squeeze %dma_start3A_9 : memref<1x128xi32, #tpu.memory_space<vmem>> -> memref<128xi32, #tpu.memory_space<vmem>>
    %dma_start3A_11 = arith.constant 0 : i32
    %dma_start3A_12 = arith.constant 0 : i32
    %dma_start3A_13 = tpu.memref_slice %arg2[%dma_start3A_11, %dma_start3A_12] : memref<10000x128xf32, #tpu.memory_space<hbm>> -> memref<10000x128xf32, #tpu.memory_space<hbm>>
    tpu.enqueue_indirect_dma source(%dma_start3A_13 : memref<10000x128xf32, #tpu.memory_space<hbm>>) target(%dma_start3A_7 : memref<128x128xf32, #tpu.memory_space<vmem>>) offsets(%dma_start3A_10 : memref<128xi32, #tpu.memory_space<vmem>>) semaphore(%arg10 : memref<!tpu.dma_semaphore, #tpu.memory_space<semaphore_mem>>)
    %dma_start3A_14 = arith.constant 1 : i32
    %dma_start3A_15 = arith.constant 1 : i32
    %dma_start3A_16 = arith.constant 0 : i32
    %dma_start3A_17 = arith.constant 0 : i32
    %dma_start3A_18 = tpu.memref_slice %arg9[%dma_start3A_15, %dma_start3A_16, %dma_start3A_17] : memref<2x128x128xf32, #tpu.memory_space<vmem>> -> memref<1x128x128xf32, #tpu.memory_space<vmem>>
    %dma_start3A_19 = tpu.memref_squeeze %dma_start3A_18 : memref<1x128x128xf32, #tpu.memory_space<vmem>> -> memref<128x128xf32, #tpu.memory_space<vmem>>
    %dma_start3A_20 = arith.constant 0 : i32
    %dma_start3A_21 = tpu.memref_slice %arg7[%dma_start3A_14, %dma_start3A_20] : memref<40x128xi32, #tpu.memory_space<vmem>> -> memref<1x128xi32, #tpu.memory_space<vmem>>
    %dma_start3A_22 = tpu.memref_squeeze %dma_start3A_21 : memref<1x128xi32, #tpu.memory_space<vmem>> -> memref<128xi32, #tpu.memory_space<vmem>>
    %dma_start3A_23 = arith.constant 0 : i32
    %dma_start3A_24 = arith.constant 0 : i32
    %dma_start3A_25 = tpu.memref_slice %arg2[%dma_start3A_23, %dma_start3A_24] : memref<10000x128xf32, #tpu.memory_space<hbm>> -> memref<10000x128xf32, #tpu.memory_space<hbm>>
    tpu.enqueue_indirect_dma source(%dma_start3A_25 : memref<10000x128xf32, #tpu.memory_space<hbm>>) target(%dma_start3A_19 : memref<128x128xf32, #tpu.memory_space<vmem>>) offsets(%dma_start3A_22 : memref<128xi32, #tpu.memory_space<vmem>>) semaphore(%arg11 : memref<!tpu.dma_semaphore, #tpu.memory_space<semaphore_mem>>)
    %scan3A = arith.constant 0 : i32
    %scan3A_26 = arith.constant 20 : i32
    %scan3A_27 = arith.addi %scan3A, %scan3A_26 : i32
    %scan3A_28 = arith.constant 1 : i32
    scf.for %scan3A_35 = %scan3A to %scan3A_27 step %scan3A_28  : i32 {
      %mul3A_36 = arith.constant 2 : i32
      %mul3A_37 = arith.muli %scan3A_35, %mul3A_36 : i32
      %add3A_38 = arith.constant 0 : i32
      %add3A_39 = arith.addi %add3A_38, %mul3A_37 : i32
      %add3A_40 = arith.constant 0 : i32
      %add3A_41 = arith.addi %add3A_39, %add3A_40 : i32
      %dma_wait3A = arith.constant 0 : i32
      %dma_wait3A_42 = arith.constant 0 : i32
      %dma_wait3A_43 = arith.constant 0 : i32
      %dma_wait3A_44 = tpu.memref_slice %arg9[%dma_wait3A, %dma_wait3A_42, %dma_wait3A_43] : memref<2x128x128xf32, #tpu.memory_space<vmem>> -> memref<1x128x128xf32, #tpu.memory_space<vmem>>
      %dma_wait3A_45 = tpu.memref_squeeze %dma_wait3A_44 : memref<1x128x128xf32, #tpu.memory_space<vmem>> -> memref<128x128xf32, #tpu.memory_space<vmem>>
      %dma_wait3A_46 = arith.constant 0 : i32
      %dma_wait3A_47 = tpu.memref_slice %arg7[%add3A_41, %dma_wait3A_46] : memref<40x128xi32, #tpu.memory_space<vmem>> -> memref<1x128xi32, #tpu.memory_space<vmem>>
      %dma_wait3A_48 = tpu.memref_squeeze %dma_wait3A_47 : memref<1x128xi32, #tpu.memory_space<vmem>> -> memref<128xi32, #tpu.memory_space<vmem>>
      %dma_wait3A_49 = arith.constant 0 : i32
      %dma_wait3A_50 = arith.constant 0 : i32
      %dma_wait3A_51 = tpu.memref_slice %arg2[%dma_wait3A_49, %dma_wait3A_50] : memref<10000x128xf32, #tpu.memory_space<hbm>> -> memref<10000x128xf32, #tpu.memory_space<hbm>>
      tpu.wait_indirect_dma semaphore(%arg10 : memref<!tpu.dma_semaphore, #tpu.memory_space<semaphore_mem>>) src(%dma_wait3A_51 : memref<10000x128xf32, #tpu.memory_space<hbm>>) dst(%dma_wait3A_45 : memref<128x128xf32, #tpu.memory_space<vmem>>)
      %run_scoped3A = arith.constant 0 : i32
      "tpu.region"() ({
        %run_scoped3A_77 = tpu.sem_alloc : memref<!tpu.dma_semaphore, #tpu.memory_space<semaphore_mem>>
        %dma_start3A_78 = arith.constant 0 : i32
        %dma_start3A_79 = arith.constant 0 : i32
        %dma_start3A_80 = tpu.memref_slice %arg9[%run_scoped3A, %dma_start3A_78, %dma_start3A_79] : memref<2x128x128xf32, #tpu.memory_space<vmem>> -> memref<1x128x128xf32, #tpu.memory_space<vmem>>
        %dma_start3A_81 = tpu.memref_squeeze %dma_start3A_80 : memref<1x128x128xf32, #tpu.memory_space<vmem>> -> memref<128x128xf32, #tpu.memory_space<vmem>>
        %dma_start3A_82 = arith.constant 0 : i32
        %dma_start3A_83 = tpu.memref_slice %arg8[%add3A_41, %dma_start3A_82] : memref<40x128xi32, #tpu.memory_space<vmem>> -> memref<1x128xi32, #tpu.memory_space<vmem>>
        %dma_start3A_84 = tpu.memref_squeeze %dma_start3A_83 : memref<1x128xi32, #tpu.memory_space<vmem>> -> memref<128xi32, #tpu.memory_space<vmem>>
        %dma_start3A_85 = arith.constant 0 : i32
        %dma_start3A_86 = arith.constant 0 : i32
        %dma_start3A_87 = tpu.memref_slice %arg12[%dma_start3A_85, %dma_start3A_86] : memref<10240x128xf32, #tpu.memory_space<vmem_shared>> -> memref<10240x128xf32, #tpu.memory_space<vmem_shared>>
        tpu.enqueue_indirect_dma source(%dma_start3A_81 : memref<128x128xf32, #tpu.memory_space<vmem>>) target(%dma_start3A_87 : memref<10240x128xf32, #tpu.memory_space<vmem_shared>>) offsets(%dma_start3A_84 : memref<128xi32, #tpu.memory_space<vmem>>) semaphore(%run_scoped3A_77 : memref<!tpu.dma_semaphore, #tpu.memory_space<semaphore_mem>>) {add = true}
        %dma_wait3A_88 = arith.constant 0 : i32
        %dma_wait3A_89 = arith.constant 0 : i32
        %dma_wait3A_90 = tpu.memref_slice %arg9[%run_scoped3A, %dma_wait3A_88, %dma_wait3A_89] : memref<2x128x128xf32, #tpu.memory_space<vmem>> -> memref<1x128x128xf32, #tpu.memory_space<vmem>>
        %dma_wait3A_91 = tpu.memref_squeeze %dma_wait3A_90 : memref<1x128x128xf32, #tpu.memory_space<vmem>> -> memref<128x128xf32, #tpu.memory_space<vmem>>
        %dma_wait3A_92 = arith.constant 0 : i32
        %dma_wait3A_93 = tpu.memref_slice %arg8[%add3A_41, %dma_wait3A_92] : memref<40x128xi32, #tpu.memory_space<vmem>> -> memref<1x128xi32, #tpu.memory_space<vmem>>
        %dma_wait3A_94 = tpu.memref_squeeze %dma_wait3A_93 : memref<1x128xi32, #tpu.memory_space<vmem>> -> memref<128xi32, #tpu.memory_space<vmem>>
        %dma_wait3A_95 = arith.constant 0 : i32
        %dma_wait3A_96 = arith.constant 0 : i32
        %dma_wait3A_97 = tpu.memref_slice %arg12[%dma_wait3A_95, %dma_wait3A_96] : memref<10240x128xf32, #tpu.memory_space<vmem_shared>> -> memref<10240x128xf32, #tpu.memory_space<vmem_shared>>
        tpu.wait_indirect_dma semaphore(%run_scoped3A_77 : memref<!tpu.dma_semaphore, #tpu.memory_space<semaphore_mem>>) src(%dma_wait3A_91 : memref<128x128xf32, #tpu.memory_space<vmem>>) dst(%dma_wait3A_97 : memref<10240x128xf32, #tpu.memory_space<vmem_shared>>)
        tpu.yield
      }) : () -> ()
      %add3A_52 = arith.constant 2 : i32
      %add3A_53 = arith.addi %add3A_41, %add3A_52 : i32
      %lt3A = arith.constant 40 : i32
      %lt3A_54 = arith.cmpi slt, %add3A_53, %lt3A : i32
      %convert_element_type3A = arith.extui %lt3A_54 : i1 to i32
      %cond3A = arith.constant 0 : i32
      %cond3A_55 = arith.cmpi ne, %convert_element_type3A, %cond3A : i32
      scf.if %cond3A_55 {
        %add3A_77 = arith.constant 2 : i32
        %add3A_78 = arith.addi %add3A_41, %add3A_77 : i32
        %dma_start3A_79 = arith.constant 0 : i32
        %dma_start3A_80 = arith.constant 0 : i32
        %dma_start3A_81 = arith.constant 0 : i32
        %dma_start3A_82 = tpu.memref_slice %arg9[%dma_start3A_79, %dma_start3A_80, %dma_start3A_81] : memref<2x128x128xf32, #tpu.memory_space<vmem>> -> memref<1x128x128xf32, #tpu.memory_space<vmem>>
        %dma_start3A_83 = tpu.memref_squeeze %dma_start3A_82 : memref<1x128x128xf32, #tpu.memory_space<vmem>> -> memref<128x128xf32, #tpu.memory_space<vmem>>
        %dma_start3A_84 = arith.constant 0 : i32
        %dma_start3A_85 = tpu.memref_slice %arg7[%add3A_78, %dma_start3A_84] : memref<40x128xi32, #tpu.memory_space<vmem>> -> memref<1x128xi32, #tpu.memory_space<vmem>>
        %dma_start3A_86 = tpu.memref_squeeze %dma_start3A_85 : memref<1x128xi32, #tpu.memory_space<vmem>> -> memref<128xi32, #tpu.memory_space<vmem>>
        %dma_start3A_87 = arith.constant 0 : i32
        %dma_start3A_88 = arith.constant 0 : i32
        %dma_start3A_89 = tpu.memref_slice %arg2[%dma_start3A_87, %dma_start3A_88] : memref<10000x128xf32, #tpu.memory_space<hbm>> -> memref<10000x128xf32, #tpu.memory_space<hbm>>
        tpu.enqueue_indirect_dma source(%dma_start3A_89 : memref<10000x128xf32, #tpu.memory_space<hbm>>) target(%dma_start3A_83 : memref<128x128xf32, #tpu.memory_space<vmem>>) offsets(%dma_start3A_86 : memref<128xi32, #tpu.memory_space<vmem>>) semaphore(%arg10 : memref<!tpu.dma_semaphore, #tpu.memory_space<semaphore_mem>>)
      } else {
      }
      %add3A_56 = arith.constant 1 : i32
      %add3A_57 = arith.addi %add3A_39, %add3A_56 : i32
      %dma_wait3A_58 = arith.constant 1 : i32
      %dma_wait3A_59 = arith.constant 0 : i32
      %dma_wait3A_60 = arith.constant 0 : i32
      %dma_wait3A_61 = tpu.memref_slice %arg9[%dma_wait3A_58, %dma_wait3A_59, %dma_wait3A_60] : memref<2x128x128xf32, #tpu.memory_space<vmem>> -> memref<1x128x128xf32, #tpu.memory_space<vmem>>
      %dma_wait3A_62 = tpu.memref_squeeze %dma_wait3A_61 : memref<1x128x128xf32, #tpu.memory_space<vmem>> -> memref<128x128xf32, #tpu.memory_space<vmem>>
      %dma_wait3A_63 = arith.constant 0 : i32
      %dma_wait3A_64 = tpu.memref_slice %arg7[%add3A_57, %dma_wait3A_63] : memref<40x128xi32, #tpu.memory_space<vmem>> -> memref<1x128xi32, #tpu.memory_space<vmem>>
      %dma_wait3A_65 = tpu.memref_squeeze %dma_wait3A_64 : memref<1x128xi32, #tpu.memory_space<vmem>> -> memref<128xi32, #tpu.memory_space<vmem>>
      %dma_wait3A_66 = arith.constant 0 : i32
      %dma_wait3A_67 = arith.constant 0 : i32
      %dma_wait3A_68 = tpu.memref_slice %arg2[%dma_wait3A_66, %dma_wait3A_67] : memref<10000x128xf32, #tpu.memory_space<hbm>> -> memref<10000x128xf32, #tpu.memory_space<hbm>>
      tpu.wait_indirect_dma semaphore(%arg11 : memref<!tpu.dma_semaphore, #tpu.memory_space<semaphore_mem>>) src(%dma_wait3A_68 : memref<10000x128xf32, #tpu.memory_space<hbm>>) dst(%dma_wait3A_62 : memref<128x128xf32, #tpu.memory_space<vmem>>)
      %run_scoped3A_69 = arith.constant 1 : i32
      "tpu.region"() ({
        %run_scoped3A_77 = tpu.sem_alloc : memref<!tpu.dma_semaphore, #tpu.memory_space<semaphore_mem>>
        %dma_start3A_78 = arith.constant 0 : i32
        %dma_start3A_79 = arith.constant 0 : i32
        %dma_start3A_80 = tpu.memref_slice %arg9[%run_scoped3A_69, %dma_start3A_78, %dma_start3A_79] : memref<2x128x128xf32, #tpu.memory_space<vmem>> -> memref<1x128x128xf32, #tpu.memory_space<vmem>>
        %dma_start3A_81 = tpu.memref_squeeze %dma_start3A_80 : memref<1x128x128xf32, #tpu.memory_space<vmem>> -> memref<128x128xf32, #tpu.memory_space<vmem>>
        %dma_start3A_82 = arith.constant 0 : i32
        %dma_start3A_83 = tpu.memref_slice %arg8[%add3A_57, %dma_start3A_82] : memref<40x128xi32, #tpu.memory_space<vmem>> -> memref<1x128xi32, #tpu.memory_space<vmem>>
        %dma_start3A_84 = tpu.memref_squeeze %dma_start3A_83 : memref<1x128xi32, #tpu.memory_space<vmem>> -> memref<128xi32, #tpu.memory_space<vmem>>
        %dma_start3A_85 = arith.constant 0 : i32
        %dma_start3A_86 = arith.constant 0 : i32
        %dma_start3A_87 = tpu.memref_slice %arg12[%dma_start3A_85, %dma_start3A_86] : memref<10240x128xf32, #tpu.memory_space<vmem_shared>> -> memref<10240x128xf32, #tpu.memory_space<vmem_shared>>
        tpu.enqueue_indirect_dma source(%dma_start3A_81 : memref<128x128xf32, #tpu.memory_space<vmem>>) target(%dma_start3A_87 : memref<10240x128xf32, #tpu.memory_space<vmem_shared>>) offsets(%dma_start3A_84 : memref<128xi32, #tpu.memory_space<vmem>>) semaphore(%run_scoped3A_77 : memref<!tpu.dma_semaphore, #tpu.memory_space<semaphore_mem>>) {add = true}
        %dma_wait3A_88 = arith.constant 0 : i32
        %dma_wait3A_89 = arith.constant 0 : i32
        %dma_wait3A_90 = tpu.memref_slice %arg9[%run_scoped3A_69, %dma_wait3A_88, %dma_wait3A_89] : memref<2x128x128xf32, #tpu.memory_space<vmem>> -> memref<1x128x128xf32, #tpu.memory_space<vmem>>
        %dma_wait3A_91 = tpu.memref_squeeze %dma_wait3A_90 : memref<1x128x128xf32, #tpu.memory_space<vmem>> -> memref<128x128xf32, #tpu.memory_space<vmem>>
        %dma_wait3A_92 = arith.constant 0 : i32
        %dma_wait3A_93 = tpu.memref_slice %arg8[%add3A_57, %dma_wait3A_92] : memref<40x128xi32, #tpu.memory_space<vmem>> -> memref<1x128xi32, #tpu.memory_space<vmem>>
        %dma_wait3A_94 = tpu.memref_squeeze %dma_wait3A_93 : memref<1x128xi32, #tpu.memory_space<vmem>> -> memref<128xi32, #tpu.memory_space<vmem>>
        %dma_wait3A_95 = arith.constant 0 : i32
        %dma_wait3A_96 = arith.constant 0 : i32
        %dma_wait3A_97 = tpu.memref_slice %arg12[%dma_wait3A_95, %dma_wait3A_96] : memref<10240x128xf32, #tpu.memory_space<vmem_shared>> -> memref<10240x128xf32, #tpu.memory_space<vmem_shared>>
        tpu.wait_indirect_dma semaphore(%run_scoped3A_77 : memref<!tpu.dma_semaphore, #tpu.memory_space<semaphore_mem>>) src(%dma_wait3A_91 : memref<128x128xf32, #tpu.memory_space<vmem>>) dst(%dma_wait3A_97 : memref<10240x128xf32, #tpu.memory_space<vmem_shared>>)
        tpu.yield
      }) : () -> ()
      %add3A_70 = arith.constant 2 : i32
      %add3A_71 = arith.addi %add3A_57, %add3A_70 : i32
      %lt3A_72 = arith.constant 40 : i32
      %lt3A_73 = arith.cmpi slt, %add3A_71, %lt3A_72 : i32
      %convert_element_type3A_74 = arith.extui %lt3A_73 : i1 to i32
      %cond3A_75 = arith.constant 0 : i32
      %cond3A_76 = arith.cmpi ne, %convert_element_type3A_74, %cond3A_75 : i32
      scf.if %cond3A_76 {
        %add3A_77 = arith.constant 2 : i32
        %add3A_78 = arith.addi %add3A_57, %add3A_77 : i32
        %dma_start3A_79 = arith.constant 1 : i32
        %dma_start3A_80 = arith.constant 0 : i32
        %dma_start3A_81 = arith.constant 0 : i32
        %dma_start3A_82 = tpu.memref_slice %arg9[%dma_start3A_79, %dma_start3A_80, %dma_start3A_81] : memref<2x128x128xf32, #tpu.memory_space<vmem>> -> memref<1x128x128xf32, #tpu.memory_space<vmem>>
        %dma_start3A_83 = tpu.memref_squeeze %dma_start3A_82 : memref<1x128x128xf32, #tpu.memory_space<vmem>> -> memref<128x128xf32, #tpu.memory_space<vmem>>
        %dma_start3A_84 = arith.constant 0 : i32
        %dma_start3A_85 = tpu.memref_slice %arg7[%add3A_78, %dma_start3A_84] : memref<40x128xi32, #tpu.memory_space<vmem>> -> memref<1x128xi32, #tpu.memory_space<vmem>>
        %dma_start3A_86 = tpu.memref_squeeze %dma_start3A_85 : memref<1x128xi32, #tpu.memory_space<vmem>> -> memref<128xi32, #tpu.memory_space<vmem>>
        %dma_start3A_87 = arith.constant 0 : i32
        %dma_start3A_88 = arith.constant 0 : i32
        %dma_start3A_89 = tpu.memref_slice %arg2[%dma_start3A_87, %dma_start3A_88] : memref<10000x128xf32, #tpu.memory_space<hbm>> -> memref<10000x128xf32, #tpu.memory_space<hbm>>
        tpu.enqueue_indirect_dma source(%dma_start3A_89 : memref<10000x128xf32, #tpu.memory_space<hbm>>) target(%dma_start3A_83 : memref<128x128xf32, #tpu.memory_space<vmem>>) offsets(%dma_start3A_86 : memref<128xi32, #tpu.memory_space<vmem>>) semaphore(%arg11 : memref<!tpu.dma_semaphore, #tpu.memory_space<semaphore_mem>>)
      } else {
      }
    }
    %scan3A_29 = arith.constant 20 : i32
    %barrier3A_30 = arith.constant 0 : index
    tpu.barrier barrier_id(%barrier3A_30)
    %mul3A_31 = arith.constant 640 : i32
    %mul3A_32 = arith.muli %arg1, %mul3A_31 : i32
    %mul3A_33 = arith.constant 640 : i32
    %mul3A_34 = arith.muli %arg1, %mul3A_33 : i32
    "tpu.region"() ({
      %run_scoped3A = tpu.sem_alloc : memref<!tpu.dma_semaphore, #tpu.memory_space<semaphore_mem>>
      %dma_start3A_35 = arith.constant 0 : i32
      %dma_start3A_36 = tpu.memref_slice %arg6[%arg0, %mul3A_34, %dma_start3A_35] : memref<2x10240x128xf32, #tpu.memory_space<hbm>> -> memref<1x640x128xf32, #tpu.memory_space<hbm>>
      %dma_start3A_37 = tpu.memref_squeeze %dma_start3A_36 : memref<1x640x128xf32, #tpu.memory_space<hbm>> -> memref<640x128xf32, #tpu.memory_space<hbm>>
      %dma_start3A_38 = arith.constant 0 : i32
      %dma_start3A_39 = tpu.memref_slice %arg12[%mul3A_32, %dma_start3A_38] : memref<10240x128xf32, #tpu.memory_space<vmem_shared>> -> memref<640x128xf32, #tpu.memory_space<vmem_shared>>
      tpu.enqueue_dma source(%dma_start3A_39 : memref<640x128xf32, #tpu.memory_space<vmem_shared>>) target(%dma_start3A_37 : memref<640x128xf32, #tpu.memory_space<hbm>>) target_semaphore(%run_scoped3A : memref<!tpu.dma_semaphore, #tpu.memory_space<semaphore_mem>>)
      %dma_wait3A = arith.constant 0 : i32
      %dma_wait3A_40 = tpu.memref_slice %arg6[%arg0, %mul3A_34, %dma_wait3A] : memref<2x10240x128xf32, #tpu.memory_space<hbm>> -> memref<1x640x128xf32, #tpu.memory_space<hbm>>
      %dma_wait3A_41 = tpu.memref_squeeze %dma_wait3A_40 : memref<1x640x128xf32, #tpu.memory_space<hbm>> -> memref<640x128xf32, #tpu.memory_space<hbm>>
      %dma_wait3A_42 = arith.constant 0 : i32
      %dma_wait3A_43 = tpu.memref_slice %arg12[%mul3A_32, %dma_wait3A_42] : memref<10240x128xf32, #tpu.memory_space<vmem_shared>> -> memref<640x128xf32, #tpu.memory_space<vmem_shared>>
      tpu.wait_dma2 semaphore(%run_scoped3A : memref<!tpu.dma_semaphore, #tpu.memory_space<semaphore_mem>>) src(%dma_wait3A_43 : memref<640x128xf32, #tpu.memory_space<vmem_shared>>) dst(%dma_wait3A_41 : memref<640x128xf32, #tpu.memory_space<hbm>>)
      tpu.yield
    }) : () -> ()
    return
  }
}

#map = affine_map<(d0, d1) -> (0)>
#map1 = affine_map<(d0, d1) -> (0, 0, 0)>
module attributes {stable_mosaic.version = 14 : i64} {
  func.func @_deg(%arg0: i32, %arg1: i32, %arg2: memref<128xf32, #tpu.memory_space<hbm>>, %arg3: memref<16x79x128xi32, #tpu.memory_space<hbm>>, %arg4: memref<32x40x128xi32, #tpu.memory_space<hbm>>, %arg5: memref<32x40x128xi32, #tpu.memory_space<hbm>>, %arg6: memref<640xf32, #tpu.memory_space<hbm>>, %arg7: memref<20480xf32, #tpu.memory_space<hbm>>, %arg8: memref<128xf32, #tpu.memory_space<vmem>>, %arg9: memref<79x128xi32, #tpu.memory_space<vmem>>, %arg10: memref<40x128xi32, #tpu.memory_space<vmem>>, %arg11: memref<40x128xi32, #tpu.memory_space<vmem>>, %arg12: memref<4x128xf32, #tpu.memory_space<vmem>>, %arg13: memref<!tpu.dma_semaphore, #tpu.memory_space<semaphore_mem>>, %arg14: memref<!tpu.dma_semaphore, #tpu.memory_space<semaphore_mem>>, %arg15: memref<!tpu.dma_semaphore, #tpu.memory_space<semaphore_mem>>, %arg16: memref<!tpu.dma_semaphore, #tpu.memory_space<semaphore_mem>>, %arg17: memref<!tpu.dma_semaphore, #tpu.memory_space<semaphore_mem>>, %arg18: memref<!tpu.dma_semaphore, #tpu.memory_space<semaphore_mem>>, %arg19: memref<!tpu.dma_semaphore, #tpu.memory_space<semaphore_mem>>, %arg20: memref<!tpu.dma_semaphore, #tpu.memory_space<semaphore_mem>>, %arg21: memref<!tpu.dma_semaphore, #tpu.memory_space<semaphore_mem>>, %arg22: memref<10240xf32, #tpu.memory_space<vmem_shared>>, %arg23: memref<10240xf32, #tpu.memory_space<vmem_shared>>) attributes {dimension_semantics = [#tpu.dimension_semantics<core_parallel>, #tpu.dimension_semantics<subcore_parallel>], iteration_bounds = array<i64: 2, 16>, scalar_prefetch = 0 : i64, scratch_operands = 16 : i64, tpu.core_type = #tpu.core_type<sc_vector_subcore>, window_params = [{transform_indices = #map}, {transform_indices = #map1}, {transform_indices = #map1}, {transform_indices = #map1}, {transform_indices = #map}, {transform_indices = #map}]} {
    %mul3A = arith.constant 16 : i32
    %mul3A_0 = arith.muli %arg0, %mul3A : i32
    %add3A = arith.addi %mul3A_0, %arg1 : i32
    "tpu.region"() ({
      %run_scoped3A = tpu.sem_alloc : memref<!tpu.dma_semaphore, #tpu.memory_space<semaphore_mem>>
      tpu.enqueue_dma source(%arg2 : memref<128xf32, #tpu.memory_space<hbm>>) target(%arg8 : memref<128xf32, #tpu.memory_space<vmem>>) target_semaphore(%run_scoped3A : memref<!tpu.dma_semaphore, #tpu.memory_space<semaphore_mem>>)
      tpu.wait_dma2 semaphore(%run_scoped3A : memref<!tpu.dma_semaphore, #tpu.memory_space<semaphore_mem>>) src(%arg2 : memref<128xf32, #tpu.memory_space<hbm>>) dst(%arg8 : memref<128xf32, #tpu.memory_space<vmem>>)
      tpu.yield
    }) : () -> ()
    "tpu.region"() ({
      %run_scoped3A = tpu.sem_alloc : memref<!tpu.dma_semaphore, #tpu.memory_space<semaphore_mem>>
      %dma_start3A_86 = arith.constant 0 : i32
      %dma_start3A_87 = arith.constant 0 : i32
      %dma_start3A_88 = tpu.memref_slice %arg3[%arg1, %dma_start3A_86, %dma_start3A_87] : memref<16x79x128xi32, #tpu.memory_space<hbm>> -> memref<1x79x128xi32, #tpu.memory_space<hbm>>
      %dma_start3A_89 = tpu.memref_squeeze %dma_start3A_88 : memref<1x79x128xi32, #tpu.memory_space<hbm>> -> memref<79x128xi32, #tpu.memory_space<hbm>>
      %dma_start3A_90 = arith.constant 0 : i32
      %dma_start3A_91 = arith.constant 0 : i32
      %dma_start3A_92 = tpu.memref_slice %arg3[%arg1, %dma_start3A_90, %dma_start3A_91] : memref<16x79x128xi32, #tpu.memory_space<hbm>> -> memref<1x79x128xi32, #tpu.memory_space<hbm>>
      %dma_start3A_93 = tpu.memref_squeeze %dma_start3A_92 : memref<1x79x128xi32, #tpu.memory_space<hbm>> -> memref<79x128xi32, #tpu.memory_space<hbm>>
      tpu.enqueue_dma source(%dma_start3A_93 : memref<79x128xi32, #tpu.memory_space<hbm>>) target(%arg9 : memref<79x128xi32, #tpu.memory_space<vmem>>) target_semaphore(%run_scoped3A : memref<!tpu.dma_semaphore, #tpu.memory_space<semaphore_mem>>)
      %dma_wait3A_94 = arith.constant 0 : i32
      %dma_wait3A_95 = arith.constant 0 : i32
      %dma_wait3A_96 = tpu.memref_slice %arg3[%arg1, %dma_wait3A_94, %dma_wait3A_95] : memref<16x79x128xi32, #tpu.memory_space<hbm>> -> memref<1x79x128xi32, #tpu.memory_space<hbm>>
      %dma_wait3A_97 = tpu.memref_squeeze %dma_wait3A_96 : memref<1x79x128xi32, #tpu.memory_space<hbm>> -> memref<79x128xi32, #tpu.memory_space<hbm>>
      %dma_wait3A_98 = arith.constant 0 : i32
      %dma_wait3A_99 = arith.constant 0 : i32
      %dma_wait3A_100 = tpu.memref_slice %arg3[%arg1, %dma_wait3A_98, %dma_wait3A_99] : memref<16x79x128xi32, #tpu.memory_space<hbm>> -> memref<1x79x128xi32, #tpu.memory_space<hbm>>
      %dma_wait3A_101 = tpu.memref_squeeze %dma_wait3A_100 : memref<1x79x128xi32, #tpu.memory_space<hbm>> -> memref<79x128xi32, #tpu.memory_space<hbm>>
      tpu.wait_dma2 semaphore(%run_scoped3A : memref<!tpu.dma_semaphore, #tpu.memory_space<semaphore_mem>>) src(%dma_wait3A_101 : memref<79x128xi32, #tpu.memory_space<hbm>>) dst(%arg9 : memref<79x128xi32, #tpu.memory_space<vmem>>)
      tpu.yield
    }) : () -> ()
    "tpu.region"() ({
      %run_scoped3A = tpu.sem_alloc : memref<!tpu.dma_semaphore, #tpu.memory_space<semaphore_mem>>
      %dma_start3A_86 = arith.constant 0 : i32
      %dma_start3A_87 = arith.constant 0 : i32
      %dma_start3A_88 = tpu.memref_slice %arg4[%add3A, %dma_start3A_86, %dma_start3A_87] : memref<32x40x128xi32, #tpu.memory_space<hbm>> -> memref<1x40x128xi32, #tpu.memory_space<hbm>>
      %dma_start3A_89 = tpu.memref_squeeze %dma_start3A_88 : memref<1x40x128xi32, #tpu.memory_space<hbm>> -> memref<40x128xi32, #tpu.memory_space<hbm>>
      %dma_start3A_90 = arith.constant 0 : i32
      %dma_start3A_91 = arith.constant 0 : i32
      %dma_start3A_92 = tpu.memref_slice %arg4[%add3A, %dma_start3A_90, %dma_start3A_91] : memref<32x40x128xi32, #tpu.memory_space<hbm>> -> memref<1x40x128xi32, #tpu.memory_space<hbm>>
      %dma_start3A_93 = tpu.memref_squeeze %dma_start3A_92 : memref<1x40x128xi32, #tpu.memory_space<hbm>> -> memref<40x128xi32, #tpu.memory_space<hbm>>
      tpu.enqueue_dma source(%dma_start3A_93 : memref<40x128xi32, #tpu.memory_space<hbm>>) target(%arg10 : memref<40x128xi32, #tpu.memory_space<vmem>>) target_semaphore(%run_scoped3A : memref<!tpu.dma_semaphore, #tpu.memory_space<semaphore_mem>>)
      %dma_wait3A_94 = arith.constant 0 : i32
      %dma_wait3A_95 = arith.constant 0 : i32
      %dma_wait3A_96 = tpu.memref_slice %arg4[%add3A, %dma_wait3A_94, %dma_wait3A_95] : memref<32x40x128xi32, #tpu.memory_space<hbm>> -> memref<1x40x128xi32, #tpu.memory_space<hbm>>
      %dma_wait3A_97 = tpu.memref_squeeze %dma_wait3A_96 : memref<1x40x128xi32, #tpu.memory_space<hbm>> -> memref<40x128xi32, #tpu.memory_space<hbm>>
      %dma_wait3A_98 = arith.constant 0 : i32
      %dma_wait3A_99 = arith.constant 0 : i32
      %dma_wait3A_100 = tpu.memref_slice %arg4[%add3A, %dma_wait3A_98, %dma_wait3A_99] : memref<32x40x128xi32, #tpu.memory_space<hbm>> -> memref<1x40x128xi32, #tpu.memory_space<hbm>>
      %dma_wait3A_101 = tpu.memref_squeeze %dma_wait3A_100 : memref<1x40x128xi32, #tpu.memory_space<hbm>> -> memref<40x128xi32, #tpu.memory_space<hbm>>
      tpu.wait_dma2 semaphore(%run_scoped3A : memref<!tpu.dma_semaphore, #tpu.memory_space<semaphore_mem>>) src(%dma_wait3A_101 : memref<40x128xi32, #tpu.memory_space<hbm>>) dst(%arg10 : memref<40x128xi32, #tpu.memory_space<vmem>>)
      tpu.yield
    }) : () -> ()
    "tpu.region"() ({
      %run_scoped3A = tpu.sem_alloc : memref<!tpu.dma_semaphore, #tpu.memory_space<semaphore_mem>>
      %dma_start3A_86 = arith.constant 0 : i32
      %dma_start3A_87 = arith.constant 0 : i32
      %dma_start3A_88 = tpu.memref_slice %arg5[%add3A, %dma_start3A_86, %dma_start3A_87] : memref<32x40x128xi32, #tpu.memory_space<hbm>> -> memref<1x40x128xi32, #tpu.memory_space<hbm>>
      %dma_start3A_89 = tpu.memref_squeeze %dma_start3A_88 : memref<1x40x128xi32, #tpu.memory_space<hbm>> -> memref<40x128xi32, #tpu.memory_space<hbm>>
      %dma_start3A_90 = arith.constant 0 : i32
      %dma_start3A_91 = arith.constant 0 : i32
      %dma_start3A_92 = tpu.memref_slice %arg5[%add3A, %dma_start3A_90, %dma_start3A_91] : memref<32x40x128xi32, #tpu.memory_space<hbm>> -> memref<1x40x128xi32, #tpu.memory_space<hbm>>
      %dma_start3A_93 = tpu.memref_squeeze %dma_start3A_92 : memref<1x40x128xi32, #tpu.memory_space<hbm>> -> memref<40x128xi32, #tpu.memory_space<hbm>>
      tpu.enqueue_dma source(%dma_start3A_93 : memref<40x128xi32, #tpu.memory_space<hbm>>) target(%arg11 : memref<40x128xi32, #tpu.memory_space<vmem>>) target_semaphore(%run_scoped3A : memref<!tpu.dma_semaphore, #tpu.memory_space<semaphore_mem>>)
      %dma_wait3A_94 = arith.constant 0 : i32
      %dma_wait3A_95 = arith.constant 0 : i32
      %dma_wait3A_96 = tpu.memref_slice %arg5[%add3A, %dma_wait3A_94, %dma_wait3A_95] : memref<32x40x128xi32, #tpu.memory_space<hbm>> -> memref<1x40x128xi32, #tpu.memory_space<hbm>>
      %dma_wait3A_97 = tpu.memref_squeeze %dma_wait3A_96 : memref<1x40x128xi32, #tpu.memory_space<hbm>> -> memref<40x128xi32, #tpu.memory_space<hbm>>
      %dma_wait3A_98 = arith.constant 0 : i32
      %dma_wait3A_99 = arith.constant 0 : i32
      %dma_wait3A_100 = tpu.memref_slice %arg5[%add3A, %dma_wait3A_98, %dma_wait3A_99] : memref<32x40x128xi32, #tpu.memory_space<hbm>> -> memref<1x40x128xi32, #tpu.memory_space<hbm>>
      %dma_wait3A_101 = tpu.memref_squeeze %dma_wait3A_100 : memref<1x40x128xi32, #tpu.memory_space<hbm>> -> memref<40x128xi32, #tpu.memory_space<hbm>>
      tpu.wait_dma2 semaphore(%run_scoped3A : memref<!tpu.dma_semaphore, #tpu.memory_space<semaphore_mem>>) src(%dma_wait3A_101 : memref<40x128xi32, #tpu.memory_space<hbm>>) dst(%arg11 : memref<40x128xi32, #tpu.memory_space<vmem>>)
      tpu.yield
    }) : () -> ()
    %mul3A_1 = arith.constant 640 : i32
    %mul3A_2 = arith.muli %arg1, %mul3A_1 : i32
    "tpu.region"() ({
      %run_scoped3A = tpu.sem_alloc : memref<!tpu.dma_semaphore, #tpu.memory_space<semaphore_mem>>
      %dma_start3A_86 = tpu.memref_slice %arg22[%mul3A_2] : memref<10240xf32, #tpu.memory_space<vmem_shared>> -> memref<640xf32, #tpu.memory_space<vmem_shared>>
      tpu.enqueue_dma source(%arg6 : memref<640xf32, #tpu.memory_space<hbm>>) target(%dma_start3A_86 : memref<640xf32, #tpu.memory_space<vmem_shared>>) target_semaphore(%run_scoped3A : memref<!tpu.dma_semaphore, #tpu.memory_space<semaphore_mem>>)
      %dma_wait3A_87 = tpu.memref_slice %arg22[%mul3A_2] : memref<10240xf32, #tpu.memory_space<vmem_shared>> -> memref<640xf32, #tpu.memory_space<vmem_shared>>
      tpu.wait_dma2 semaphore(%run_scoped3A : memref<!tpu.dma_semaphore, #tpu.memory_space<semaphore_mem>>) src(%arg6 : memref<640xf32, #tpu.memory_space<hbm>>) dst(%dma_wait3A_87 : memref<640xf32, #tpu.memory_space<vmem_shared>>)
      tpu.yield
    }) : () -> ()
    %mul3A_3 = arith.constant 640 : i32
    %mul3A_4 = arith.muli %arg1, %mul3A_3 : i32
    "tpu.region"() ({
      %run_scoped3A = tpu.sem_alloc : memref<!tpu.dma_semaphore, #tpu.memory_space<semaphore_mem>>
      %dma_start3A_86 = tpu.memref_slice %arg23[%mul3A_4] : memref<10240xf32, #tpu.memory_space<vmem_shared>> -> memref<640xf32, #tpu.memory_space<vmem_shared>>
      tpu.enqueue_dma source(%arg6 : memref<640xf32, #tpu.memory_space<hbm>>) target(%dma_start3A_86 : memref<640xf32, #tpu.memory_space<vmem_shared>>) target_semaphore(%run_scoped3A : memref<!tpu.dma_semaphore, #tpu.memory_space<semaphore_mem>>)
      %dma_wait3A_87 = tpu.memref_slice %arg23[%mul3A_4] : memref<10240xf32, #tpu.memory_space<vmem_shared>> -> memref<640xf32, #tpu.memory_space<vmem_shared>>
      tpu.wait_dma2 semaphore(%run_scoped3A : memref<!tpu.dma_semaphore, #tpu.memory_space<semaphore_mem>>) src(%arg6 : memref<640xf32, #tpu.memory_space<hbm>>) dst(%dma_wait3A_87 : memref<640xf32, #tpu.memory_space<vmem_shared>>)
      tpu.yield
    }) : () -> ()
    %barrier3A = arith.constant 0 : index
    tpu.barrier barrier_id(%barrier3A)
    %scan3A = arith.constant 0 : i32
    %scan3A_5 = arith.constant 79 : i32
    %scan3A_6 = arith.addi %scan3A, %scan3A_5 : i32
    %scan3A_7 = arith.constant 1 : i32
    scf.for %scan3A_86 = %scan3A to %scan3A_6 step %scan3A_7  : i32 {
      %mul3A_87 = arith.constant 1 : i32
      %mul3A_88 = arith.muli %scan3A_86, %mul3A_87 : i32
      %add3A_89 = arith.constant 0 : i32
      %add3A_90 = arith.addi %add3A_89, %mul3A_88 : i32
      %dma_start3A_91 = arith.constant 0 : i32
      %dma_start3A_92 = tpu.memref_slice %arg9[%add3A_90, %dma_start3A_91] : memref<79x128xi32, #tpu.memory_space<vmem>> -> memref<1x128xi32, #tpu.memory_space<vmem>>
      %dma_start3A_93 = tpu.memref_squeeze %dma_start3A_92 : memref<1x128xi32, #tpu.memory_space<vmem>> -> memref<128xi32, #tpu.memory_space<vmem>>
      %dma_start3A_94 = arith.constant 0 : i32
      %dma_start3A_95 = tpu.memref_slice %arg22[%dma_start3A_94] : memref<10240xf32, #tpu.memory_space<vmem_shared>> -> memref<10240xf32, #tpu.memory_space<vmem_shared>>
      tpu.enqueue_indirect_dma source(%arg8 : memref<128xf32, #tpu.memory_space<vmem>>) target(%dma_start3A_95 : memref<10240xf32, #tpu.memory_space<vmem_shared>>) offsets(%dma_start3A_93 : memref<128xi32, #tpu.memory_space<vmem>>) semaphore(%arg13 : memref<!tpu.dma_semaphore, #tpu.memory_space<semaphore_mem>>) {add = true}
    }
    %scan3A_8 = arith.constant 79 : i32
    %scan3A_9 = arith.constant 0 : i32
    %scan3A_10 = arith.constant 79 : i32
    %scan3A_11 = arith.addi %scan3A_9, %scan3A_10 : i32
    %scan3A_12 = arith.constant 1 : i32
    scf.for %scan3A_86 = %scan3A_9 to %scan3A_11 step %scan3A_12  : i32 {
      %mul3A_87 = arith.constant 1 : i32
      %mul3A_88 = arith.muli %scan3A_86, %mul3A_87 : i32
      %add3A_89 = arith.constant 0 : i32
      %add3A_90 = arith.addi %add3A_89, %mul3A_88 : i32
      %dma_wait3A_91 = arith.constant 0 : i32
      %dma_wait3A_92 = arith.constant 0 : i32
      %dma_wait3A_93 = tpu.memref_slice %arg9[%dma_wait3A_91, %dma_wait3A_92] : memref<79x128xi32, #tpu.memory_space<vmem>> -> memref<1x128xi32, #tpu.memory_space<vmem>>
      %dma_wait3A_94 = tpu.memref_squeeze %dma_wait3A_93 : memref<1x128xi32, #tpu.memory_space<vmem>> -> memref<128xi32, #tpu.memory_space<vmem>>
      %dma_wait3A_95 = arith.constant 0 : i32
      %dma_wait3A_96 = tpu.memref_slice %arg22[%dma_wait3A_95] : memref<10240xf32, #tpu.memory_space<vmem_shared>> -> memref<10240xf32, #tpu.memory_space<vmem_shared>>
      tpu.wait_indirect_dma semaphore(%arg13 : memref<!tpu.dma_semaphore, #tpu.memory_space<semaphore_mem>>) src(%arg8 : memref<128xf32, #tpu.memory_space<vmem>>) dst(%dma_wait3A_96 : memref<10240xf32, #tpu.memory_space<vmem_shared>>)
    }
    %scan3A_13 = arith.constant 79 : i32
    %barrier3A_14 = arith.constant 0 : index
    tpu.barrier barrier_id(%barrier3A_14)
    %dma_start3A = arith.constant 0 : i32
    %dma_start3A_15 = arith.constant 0 : i32
    %dma_start3A_16 = arith.constant 0 : i32
    %dma_start3A_17 = tpu.memref_slice %arg12[%dma_start3A_15, %dma_start3A_16] : memref<4x128xf32, #tpu.memory_space<vmem>> -> memref<1x128xf32, #tpu.memory_space<vmem>>
    %dma_start3A_18 = tpu.memref_squeeze %dma_start3A_17 : memref<1x128xf32, #tpu.memory_space<vmem>> -> memref<128xf32, #tpu.memory_space<vmem>>
    %dma_start3A_19 = arith.constant 0 : i32
    %dma_start3A_20 = tpu.memref_slice %arg10[%dma_start3A, %dma_start3A_19] : memref<40x128xi32, #tpu.memory_space<vmem>> -> memref<1x128xi32, #tpu.memory_space<vmem>>
    %dma_start3A_21 = tpu.memref_squeeze %dma_start3A_20 : memref<1x128xi32, #tpu.memory_space<vmem>> -> memref<128xi32, #tpu.memory_space<vmem>>
    %dma_start3A_22 = arith.constant 0 : i32
    %dma_start3A_23 = tpu.memref_slice %arg22[%dma_start3A_22] : memref<10240xf32, #tpu.memory_space<vmem_shared>> -> memref<10240xf32, #tpu.memory_space<vmem_shared>>
    tpu.enqueue_indirect_dma source(%dma_start3A_23 : memref<10240xf32, #tpu.memory_space<vmem_shared>>) target(%dma_start3A_18 : memref<128xf32, #tpu.memory_space<vmem>>) offsets(%dma_start3A_21 : memref<128xi32, #tpu.memory_space<vmem>>) semaphore(%arg14 : memref<!tpu.dma_semaphore, #tpu.memory_space<semaphore_mem>>)
    %dma_start3A_24 = arith.constant 1 : i32
    %dma_start3A_25 = arith.constant 1 : i32
    %dma_start3A_26 = arith.constant 0 : i32
    %dma_start3A_27 = tpu.memref_slice %arg12[%dma_start3A_25, %dma_start3A_26] : memref<4x128xf32, #tpu.memory_space<vmem>> -> memref<1x128xf32, #tpu.memory_space<vmem>>
    %dma_start3A_28 = tpu.memref_squeeze %dma_start3A_27 : memref<1x128xf32, #tpu.memory_space<vmem>> -> memref<128xf32, #tpu.memory_space<vmem>>
    %dma_start3A_29 = arith.constant 0 : i32
    %dma_start3A_30 = tpu.memref_slice %arg10[%dma_start3A_24, %dma_start3A_29] : memref<40x128xi32, #tpu.memory_space<vmem>> -> memref<1x128xi32, #tpu.memory_space<vmem>>
    %dma_start3A_31 = tpu.memref_squeeze %dma_start3A_30 : memref<1x128xi32, #tpu.memory_space<vmem>> -> memref<128xi32, #tpu.memory_space<vmem>>
    %dma_start3A_32 = arith.constant 0 : i32
    %dma_start3A_33 = tpu.memref_slice %arg22[%dma_start3A_32] : memref<10240xf32, #tpu.memory_space<vmem_shared>> -> memref<10240xf32, #tpu.memory_space<vmem_shared>>
    tpu.enqueue_indirect_dma source(%dma_start3A_33 : memref<10240xf32, #tpu.memory_space<vmem_shared>>) target(%dma_start3A_28 : memref<128xf32, #tpu.memory_space<vmem>>) offsets(%dma_start3A_31 : memref<128xi32, #tpu.memory_space<vmem>>) semaphore(%arg15 : memref<!tpu.dma_semaphore, #tpu.memory_space<semaphore_mem>>)
    %scan3A_34 = arith.constant 0 : i32
    %scan3A_35 = arith.constant 10 : i32
    %scan3A_36 = arith.addi %scan3A_34, %scan3A_35 : i32
    %scan3A_37 = arith.constant 1 : i32
    scf.for %scan3A_86 = %scan3A_34 to %scan3A_36 step %scan3A_37  : i32 {
      %mul3A_87 = arith.constant 4 : i32
      %mul3A_88 = arith.muli %scan3A_86, %mul3A_87 : i32
      %add3A_89 = arith.constant 0 : i32
      %add3A_90 = arith.addi %add3A_89, %mul3A_88 : i32
      %add3A_91 = arith.constant 0 : i32
      %add3A_92 = arith.addi %add3A_90, %add3A_91 : i32
      %dma_wait3A_93 = arith.constant 0 : i32
      %dma_wait3A_94 = arith.constant 0 : i32
      %dma_wait3A_95 = tpu.memref_slice %arg12[%dma_wait3A_93, %dma_wait3A_94] : memref<4x128xf32, #tpu.memory_space<vmem>> -> memref<1x128xf32, #tpu.memory_space<vmem>>
      %dma_wait3A_96 = tpu.memref_squeeze %dma_wait3A_95 : memref<1x128xf32, #tpu.memory_space<vmem>> -> memref<128xf32, #tpu.memory_space<vmem>>
      %dma_wait3A_97 = arith.constant 0 : i32
      %dma_wait3A_98 = tpu.memref_slice %arg10[%add3A_92, %dma_wait3A_97] : memref<40x128xi32, #tpu.memory_space<vmem>> -> memref<1x128xi32, #tpu.memory_space<vmem>>
      %dma_wait3A_99 = tpu.memref_squeeze %dma_wait3A_98 : memref<1x128xi32, #tpu.memory_space<vmem>> -> memref<128xi32, #tpu.memory_space<vmem>>
      %dma_wait3A_100 = arith.constant 0 : i32
      %dma_wait3A_101 = tpu.memref_slice %arg22[%dma_wait3A_100] : memref<10240xf32, #tpu.memory_space<vmem_shared>> -> memref<10240xf32, #tpu.memory_space<vmem_shared>>
      tpu.wait_indirect_dma semaphore(%arg14 : memref<!tpu.dma_semaphore, #tpu.memory_space<semaphore_mem>>) src(%dma_wait3A_101 : memref<10240xf32, #tpu.memory_space<vmem_shared>>) dst(%dma_wait3A_96 : memref<128xf32, #tpu.memory_space<vmem>>)
      %dma_start3A_102 = arith.constant 0 : i32
      %dma_start3A_103 = arith.constant 0 : i32
      %dma_start3A_104 = tpu.memref_slice %arg12[%dma_start3A_102, %dma_start3A_103] : memref<4x128xf32, #tpu.memory_space<vmem>> -> memref<1x128xf32, #tpu.memory_space<vmem>>
      %dma_start3A_105 = tpu.memref_squeeze %dma_start3A_104 : memref<1x128xf32, #tpu.memory_space<vmem>> -> memref<128xf32, #tpu.memory_space<vmem>>
      %dma_start3A_106 = arith.constant 0 : i32
      %dma_start3A_107 = tpu.memref_slice %arg11[%add3A_92, %dma_start3A_106] : memref<40x128xi32, #tpu.memory_space<vmem>> -> memref<1x128xi32, #tpu.memory_space<vmem>>
      %dma_start3A_108 = tpu.memref_squeeze %dma_start3A_107 : memref<1x128xi32, #tpu.memory_space<vmem>> -> memref<128xi32, #tpu.memory_space<vmem>>
      %dma_start3A_109 = arith.constant 0 : i32
      %dma_start3A_110 = tpu.memref_slice %arg23[%dma_start3A_109] : memref<10240xf32, #tpu.memory_space<vmem_shared>> -> memref<10240xf32, #tpu.memory_space<vmem_shared>>
      tpu.enqueue_indirect_dma source(%dma_start3A_105 : memref<128xf32, #tpu.memory_space<vmem>>) target(%dma_start3A_110 : memref<10240xf32, #tpu.memory_space<vmem_shared>>) offsets(%dma_start3A_108 : memref<128xi32, #tpu.memory_space<vmem>>) semaphore(%arg18 : memref<!tpu.dma_semaphore, #tpu.memory_space<semaphore_mem>>) {add = true}
      %add3A_111 = arith.constant 2 : i32
      %add3A_112 = arith.addi %add3A_92, %add3A_111 : i32
      %lt3A = arith.constant 40 : i32
      %lt3A_113 = arith.cmpi slt, %add3A_112, %lt3A : i32
      %convert_element_type3A = arith.extui %lt3A_113 : i1 to i32
      %cond3A = arith.constant 0 : i32
      %cond3A_114 = arith.cmpi ne, %convert_element_type3A, %cond3A : i32
      scf.if %cond3A_114 {
        %ge3A = arith.constant 2 : i32
        %ge3A_196 = arith.cmpi sge, %add3A_92, %ge3A : i32
        %convert_element_type3A_197 = arith.extui %ge3A_196 : i1 to i32
        %cond3A_198 = arith.constant 0 : i32
        %cond3A_199 = arith.cmpi ne, %convert_element_type3A_197, %cond3A_198 : i32
        scf.if %cond3A_199 {
          %dma_wait3A_211 = arith.constant 2 : i32
          %dma_wait3A_212 = arith.constant 0 : i32
          %dma_wait3A_213 = arith.constant 0 : i32
          %dma_wait3A_214 = tpu.memref_slice %arg12[%dma_wait3A_211, %dma_wait3A_213] : memref<4x128xf32, #tpu.memory_space<vmem>> -> memref<1x128xf32, #tpu.memory_space<vmem>>
          %dma_wait3A_215 = tpu.memref_squeeze %dma_wait3A_214 : memref<1x128xf32, #tpu.memory_space<vmem>> -> memref<128xf32, #tpu.memory_space<vmem>>
          %dma_wait3A_216 = arith.constant 0 : i32
          %dma_wait3A_217 = tpu.memref_slice %arg11[%dma_wait3A_212, %dma_wait3A_216] : memref<40x128xi32, #tpu.memory_space<vmem>> -> memref<1x128xi32, #tpu.memory_space<vmem>>
          %dma_wait3A_218 = tpu.memref_squeeze %dma_wait3A_217 : memref<1x128xi32, #tpu.memory_space<vmem>> -> memref<128xi32, #tpu.memory_space<vmem>>
          %dma_wait3A_219 = arith.constant 0 : i32
          %dma_wait3A_220 = tpu.memref_slice %arg23[%dma_wait3A_219] : memref<10240xf32, #tpu.memory_space<vmem_shared>> -> memref<10240xf32, #tpu.memory_space<vmem_shared>>
          tpu.wait_indirect_dma semaphore(%arg20 : memref<!tpu.dma_semaphore, #tpu.memory_space<semaphore_mem>>) src(%dma_wait3A_215 : memref<128xf32, #tpu.memory_space<vmem>>) dst(%dma_wait3A_220 : memref<10240xf32, #tpu.memory_space<vmem_shared>>)
        } else {
        }
        %add3A_200 = arith.constant 2 : i32
        %add3A_201 = arith.addi %add3A_92, %add3A_200 : i32
        %dma_start3A_202 = arith.constant 2 : i32
        %dma_start3A_203 = arith.constant 0 : i32
        %dma_start3A_204 = tpu.memref_slice %arg12[%dma_start3A_202, %dma_start3A_203] : memref<4x128xf32, #tpu.memory_space<vmem>> -> memref<1x128xf32, #tpu.memory_space<vmem>>
        %dma_start3A_205 = tpu.memref_squeeze %dma_start3A_204 : memref<1x128xf32, #tpu.memory_space<vmem>> -> memref<128xf32, #tpu.memory_space<vmem>>
        %dma_start3A_206 = arith.constant 0 : i32
        %dma_start3A_207 = tpu.memref_slice %arg10[%add3A_201, %dma_start3A_206] : memref<40x128xi32, #tpu.memory_space<vmem>> -> memref<1x128xi32, #tpu.memory_space<vmem>>
        %dma_start3A_208 = tpu.memref_squeeze %dma_start3A_207 : memref<1x128xi32, #tpu.memory_space<vmem>> -> memref<128xi32, #tpu.memory_space<vmem>>
        %dma_start3A_209 = arith.constant 0 : i32
        %dma_start3A_210 = tpu.memref_slice %arg22[%dma_start3A_209] : memref<10240xf32, #tpu.memory_space<vmem_shared>> -> memref<10240xf32, #tpu.memory_space<vmem_shared>>
        tpu.enqueue_indirect_dma source(%dma_start3A_210 : memref<10240xf32, #tpu.memory_space<vmem_shared>>) target(%dma_start3A_205 : memref<128xf32, #tpu.memory_space<vmem>>) offsets(%dma_start3A_208 : memref<128xi32, #tpu.memory_space<vmem>>) semaphore(%arg16 : memref<!tpu.dma_semaphore, #tpu.memory_space<semaphore_mem>>)
      } else {
      }
      %add3A_115 = arith.constant 1 : i32
      %add3A_116 = arith.addi %add3A_90, %add3A_115 : i32
      %dma_wait3A_117 = arith.constant 1 : i32
      %dma_wait3A_118 = arith.constant 0 : i32
      %dma_wait3A_119 = tpu.memref_slice %arg12[%dma_wait3A_117, %dma_wait3A_118] : memref<4x128xf32, #tpu.memory_space<vmem>> -> memref<1x128xf32, #tpu.memory_space<vmem>>
      %dma_wait3A_120 = tpu.memref_squeeze %dma_wait3A_119 : memref<1x128xf32, #tpu.memory_space<vmem>> -> memref<128xf32, #tpu.memory_space<vmem>>
      %dma_wait3A_121 = arith.constant 0 : i32
      %dma_wait3A_122 = tpu.memref_slice %arg10[%add3A_116, %dma_wait3A_121] : memref<40x128xi32, #tpu.memory_space<vmem>> -> memref<1x128xi32, #tpu.memory_space<vmem>>
      %dma_wait3A_123 = tpu.memref_squeeze %dma_wait3A_122 : memref<1x128xi32, #tpu.memory_space<vmem>> -> memref<128xi32, #tpu.memory_space<vmem>>
      %dma_wait3A_124 = arith.constant 0 : i32
      %dma_wait3A_125 = tpu.memref_slice %arg22[%dma_wait3A_124] : memref<10240xf32, #tpu.memory_space<vmem_shared>> -> memref<10240xf32, #tpu.memory_space<vmem_shared>>
      tpu.wait_indirect_dma semaphore(%arg15 : memref<!tpu.dma_semaphore, #tpu.memory_space<semaphore_mem>>) src(%dma_wait3A_125 : memref<10240xf32, #tpu.memory_space<vmem_shared>>) dst(%dma_wait3A_120 : memref<128xf32, #tpu.memory_space<vmem>>)
      %dma_start3A_126 = arith.constant 1 : i32
      %dma_start3A_127 = arith.constant 0 : i32
      %dma_start3A_128 = tpu.memref_slice %arg12[%dma_start3A_126, %dma_start3A_127] : memref<4x128xf32, #tpu.memory_space<vmem>> -> memref<1x128xf32, #tpu.memory_space<vmem>>
      %dma_start3A_129 = tpu.memref_squeeze %dma_start3A_128 : memref<1x128xf32, #tpu.memory_space<vmem>> -> memref<128xf32, #tpu.memory_space<vmem>>
      %dma_start3A_130 = arith.constant 0 : i32
      %dma_start3A_131 = tpu.memref_slice %arg11[%add3A_116, %dma_start3A_130] : memref<40x128xi32, #tpu.memory_space<vmem>> -> memref<1x128xi32, #tpu.memory_space<vmem>>
      %dma_start3A_132 = tpu.memref_squeeze %dma_start3A_131 : memref<1x128xi32, #tpu.memory_space<vmem>> -> memref<128xi32, #tpu.memory_space<vmem>>
      %dma_start3A_133 = arith.constant 0 : i32
      %dma_start3A_134 = tpu.memref_slice %arg23[%dma_start3A_133] : memref<10240xf32, #tpu.memory_space<vmem_shared>> -> memref<10240xf32, #tpu.memory_space<vmem_shared>>
      tpu.enqueue_indirect_dma source(%dma_start3A_129 : memref<128xf32, #tpu.memory_space<vmem>>) target(%dma_start3A_134 : memref<10240xf32, #tpu.memory_space<vmem_shared>>) offsets(%dma_start3A_132 : memref<128xi32, #tpu.memory_space<vmem>>) semaphore(%arg19 : memref<!tpu.dma_semaphore, #tpu.memory_space<semaphore_mem>>) {add = true}
      %add3A_135 = arith.constant 2 : i32
      %add3A_136 = arith.addi %add3A_116, %add3A_135 : i32
      %lt3A_137 = arith.constant 40 : i32
      %lt3A_138 = arith.cmpi slt, %add3A_136, %lt3A_137 : i32
      %convert_element_type3A_139 = arith.extui %lt3A_138 : i1 to i32
      %cond3A_140 = arith.constant 0 : i32
      %cond3A_141 = arith.cmpi ne, %convert_element_type3A_139, %cond3A_140 : i32
      scf.if %cond3A_141 {
        %ge3A = arith.constant 2 : i32
        %ge3A_196 = arith.cmpi sge, %add3A_116, %ge3A : i32
        %convert_element_type3A_197 = arith.extui %ge3A_196 : i1 to i32
        %cond3A_198 = arith.constant 0 : i32
        %cond3A_199 = arith.cmpi ne, %convert_element_type3A_197, %cond3A_198 : i32
        scf.if %cond3A_199 {
          %dma_wait3A_211 = arith.constant 3 : i32
          %dma_wait3A_212 = arith.constant 0 : i32
          %dma_wait3A_213 = arith.constant 0 : i32
          %dma_wait3A_214 = tpu.memref_slice %arg12[%dma_wait3A_211, %dma_wait3A_213] : memref<4x128xf32, #tpu.memory_space<vmem>> -> memref<1x128xf32, #tpu.memory_space<vmem>>
          %dma_wait3A_215 = tpu.memref_squeeze %dma_wait3A_214 : memref<1x128xf32, #tpu.memory_space<vmem>> -> memref<128xf32, #tpu.memory_space<vmem>>
          %dma_wait3A_216 = arith.constant 0 : i32
          %dma_wait3A_217 = tpu.memref_slice %arg11[%dma_wait3A_212, %dma_wait3A_216] : memref<40x128xi32, #tpu.memory_space<vmem>> -> memref<1x128xi32, #tpu.memory_space<vmem>>
          %dma_wait3A_218 = tpu.memref_squeeze %dma_wait3A_217 : memref<1x128xi32, #tpu.memory_space<vmem>> -> memref<128xi32, #tpu.memory_space<vmem>>
          %dma_wait3A_219 = arith.constant 0 : i32
          %dma_wait3A_220 = tpu.memref_slice %arg23[%dma_wait3A_219] : memref<10240xf32, #tpu.memory_space<vmem_shared>> -> memref<10240xf32, #tpu.memory_space<vmem_shared>>
          tpu.wait_indirect_dma semaphore(%arg21 : memref<!tpu.dma_semaphore, #tpu.memory_space<semaphore_mem>>) src(%dma_wait3A_215 : memref<128xf32, #tpu.memory_space<vmem>>) dst(%dma_wait3A_220 : memref<10240xf32, #tpu.memory_space<vmem_shared>>)
        } else {
        }
        %add3A_200 = arith.constant 2 : i32
        %add3A_201 = arith.addi %add3A_116, %add3A_200 : i32
        %dma_start3A_202 = arith.constant 3 : i32
        %dma_start3A_203 = arith.constant 0 : i32
        %dma_start3A_204 = tpu.memref_slice %arg12[%dma_start3A_202, %dma_start3A_203] : memref<4x128xf32, #tpu.memory_space<vmem>> -> memref<1x128xf32, #tpu.memory_space<vmem>>
        %dma_start3A_205 = tpu.memref_squeeze %dma_start3A_204 : memref<1x128xf32, #tpu.memory_space<vmem>> -> memref<128xf32, #tpu.memory_space<vmem>>
        %dma_start3A_206 = arith.constant 0 : i32
        %dma_start3A_207 = tpu.memref_slice %arg10[%add3A_201, %dma_start3A_206] : memref<40x128xi32, #tpu.memory_space<vmem>> -> memref<1x128xi32, #tpu.memory_space<vmem>>
        %dma_start3A_208 = tpu.memref_squeeze %dma_start3A_207 : memref<1x128xi32, #tpu.memory_space<vmem>> -> memref<128xi32, #tpu.memory_space<vmem>>
        %dma_start3A_209 = arith.constant 0 : i32
        %dma_start3A_210 = tpu.memref_slice %arg22[%dma_start3A_209] : memref<10240xf32, #tpu.memory_space<vmem_shared>> -> memref<10240xf32, #tpu.memory_space<vmem_shared>>
        tpu.enqueue_indirect_dma source(%dma_start3A_210 : memref<10240xf32, #tpu.memory_space<vmem_shared>>) target(%dma_start3A_205 : memref<128xf32, #tpu.memory_space<vmem>>) offsets(%dma_start3A_208 : memref<128xi32, #tpu.memory_space<vmem>>) semaphore(%arg17 : memref<!tpu.dma_semaphore, #tpu.memory_space<semaphore_mem>>)
      } else {
      }
      %add3A_142 = arith.constant 2 : i32
      %add3A_143 = arith.addi %add3A_90, %add3A_142 : i32
      %dma_wait3A_144 = arith.constant 2 : i32
      %dma_wait3A_145 = arith.constant 0 : i32
      %dma_wait3A_146 = tpu.memref_slice %arg12[%dma_wait3A_144, %dma_wait3A_145] : memref<4x128xf32, #tpu.memory_space<vmem>> -> memref<1x128xf32, #tpu.memory_space<vmem>>
      %dma_wait3A_147 = tpu.memref_squeeze %dma_wait3A_146 : memref<1x128xf32, #tpu.memory_space<vmem>> -> memref<128xf32, #tpu.memory_space<vmem>>
      %dma_wait3A_148 = arith.constant 0 : i32
      %dma_wait3A_149 = tpu.memref_slice %arg10[%add3A_143, %dma_wait3A_148] : memref<40x128xi32, #tpu.memory_space<vmem>> -> memref<1x128xi32, #tpu.memory_space<vmem>>
      %dma_wait3A_150 = tpu.memref_squeeze %dma_wait3A_149 : memref<1x128xi32, #tpu.memory_space<vmem>> -> memref<128xi32, #tpu.memory_space<vmem>>
      %dma_wait3A_151 = arith.constant 0 : i32
      %dma_wait3A_152 = tpu.memref_slice %arg22[%dma_wait3A_151] : memref<10240xf32, #tpu.memory_space<vmem_shared>> -> memref<10240xf32, #tpu.memory_space<vmem_shared>>
      tpu.wait_indirect_dma semaphore(%arg16 : memref<!tpu.dma_semaphore, #tpu.memory_space<semaphore_mem>>) src(%dma_wait3A_152 : memref<10240xf32, #tpu.memory_space<vmem_shared>>) dst(%dma_wait3A_147 : memref<128xf32, #tpu.memory_space<vmem>>)
      %dma_start3A_153 = arith.constant 2 : i32
      %dma_start3A_154 = arith.constant 0 : i32
      %dma_start3A_155 = tpu.memref_slice %arg12[%dma_start3A_153, %dma_start3A_154] : memref<4x128xf32, #tpu.memory_space<vmem>> -> memref<1x128xf32, #tpu.memory_space<vmem>>
      %dma_start3A_156 = tpu.memref_squeeze %dma_start3A_155 : memref<1x128xf32, #tpu.memory_space<vmem>> -> memref<128xf32, #tpu.memory_space<vmem>>
      %dma_start3A_157 = arith.constant 0 : i32
      %dma_start3A_158 = tpu.memref_slice %arg11[%add3A_143, %dma_start3A_157] : memref<40x128xi32, #tpu.memory_space<vmem>> -> memref<1x128xi32, #tpu.memory_space<vmem>>
      %dma_start3A_159 = tpu.memref_squeeze %dma_start3A_158 : memref<1x128xi32, #tpu.memory_space<vmem>> -> memref<128xi32, #tpu.memory_space<vmem>>
      %dma_start3A_160 = arith.constant 0 : i32
      %dma_start3A_161 = tpu.memref_slice %arg23[%dma_start3A_160] : memref<10240xf32, #tpu.memory_space<vmem_shared>> -> memref<10240xf32, #tpu.memory_space<vmem_shared>>
      tpu.enqueue_indirect_dma source(%dma_start3A_156 : memref<128xf32, #tpu.memory_space<vmem>>) target(%dma_start3A_161 : memref<10240xf32, #tpu.memory_space<vmem_shared>>) offsets(%dma_start3A_159 : memref<128xi32, #tpu.memory_space<vmem>>) semaphore(%arg20 : memref<!tpu.dma_semaphore, #tpu.memory_space<semaphore_mem>>) {add = true}
      %add3A_162 = arith.constant 2 : i32
      %add3A_163 = arith.addi %add3A_143, %add3A_162 : i32
      %lt3A_164 = arith.constant 40 : i32
      %lt3A_165 = arith.cmpi slt, %add3A_163, %lt3A_164 : i32
      %convert_element_type3A_166 = arith.extui %lt3A_165 : i1 to i32
      %cond3A_167 = arith.constant 0 : i32
      %cond3A_168 = arith.cmpi ne, %convert_element_type3A_166, %cond3A_167 : i32
      scf.if %cond3A_168 {
        %ge3A = arith.constant 2 : i32
        %ge3A_196 = arith.cmpi sge, %add3A_143, %ge3A : i32
        %convert_element_type3A_197 = arith.extui %ge3A_196 : i1 to i32
        %cond3A_198 = arith.constant 0 : i32
        %cond3A_199 = arith.cmpi ne, %convert_element_type3A_197, %cond3A_198 : i32
        scf.if %cond3A_199 {
          %dma_wait3A_211 = arith.constant 0 : i32
          %dma_wait3A_212 = arith.constant 0 : i32
          %dma_wait3A_213 = arith.constant 0 : i32
          %dma_wait3A_214 = tpu.memref_slice %arg12[%dma_wait3A_211, %dma_wait3A_213] : memref<4x128xf32, #tpu.memory_space<vmem>> -> memref<1x128xf32, #tpu.memory_space<vmem>>
          %dma_wait3A_215 = tpu.memref_squeeze %dma_wait3A_214 : memref<1x128xf32, #tpu.memory_space<vmem>> -> memref<128xf32, #tpu.memory_space<vmem>>
          %dma_wait3A_216 = arith.constant 0 : i32
          %dma_wait3A_217 = tpu.memref_slice %arg11[%dma_wait3A_212, %dma_wait3A_216] : memref<40x128xi32, #tpu.memory_space<vmem>> -> memref<1x128xi32, #tpu.memory_space<vmem>>
          %dma_wait3A_218 = tpu.memref_squeeze %dma_wait3A_217 : memref<1x128xi32, #tpu.memory_space<vmem>> -> memref<128xi32, #tpu.memory_space<vmem>>
          %dma_wait3A_219 = arith.constant 0 : i32
          %dma_wait3A_220 = tpu.memref_slice %arg23[%dma_wait3A_219] : memref<10240xf32, #tpu.memory_space<vmem_shared>> -> memref<10240xf32, #tpu.memory_space<vmem_shared>>
          tpu.wait_indirect_dma semaphore(%arg18 : memref<!tpu.dma_semaphore, #tpu.memory_space<semaphore_mem>>) src(%dma_wait3A_215 : memref<128xf32, #tpu.memory_space<vmem>>) dst(%dma_wait3A_220 : memref<10240xf32, #tpu.memory_space<vmem_shared>>)
        } else {
        }
        %add3A_200 = arith.constant 2 : i32
        %add3A_201 = arith.addi %add3A_143, %add3A_200 : i32
        %dma_start3A_202 = arith.constant 0 : i32
        %dma_start3A_203 = arith.constant 0 : i32
        %dma_start3A_204 = tpu.memref_slice %arg12[%dma_start3A_202, %dma_start3A_203] : memref<4x128xf32, #tpu.memory_space<vmem>> -> memref<1x128xf32, #tpu.memory_space<vmem>>
        %dma_start3A_205 = tpu.memref_squeeze %dma_start3A_204 : memref<1x128xf32, #tpu.memory_space<vmem>> -> memref<128xf32, #tpu.memory_space<vmem>>
        %dma_start3A_206 = arith.constant 0 : i32
        %dma_start3A_207 = tpu.memref_slice %arg10[%add3A_201, %dma_start3A_206] : memref<40x128xi32, #tpu.memory_space<vmem>> -> memref<1x128xi32, #tpu.memory_space<vmem>>
        %dma_start3A_208 = tpu.memref_squeeze %dma_start3A_207 : memref<1x128xi32, #tpu.memory_space<vmem>> -> memref<128xi32, #tpu.memory_space<vmem>>
        %dma_start3A_209 = arith.constant 0 : i32
        %dma_start3A_210 = tpu.memref_slice %arg22[%dma_start3A_209] : memref<10240xf32, #tpu.memory_space<vmem_shared>> -> memref<10240xf32, #tpu.memory_space<vmem_shared>>
        tpu.enqueue_indirect_dma source(%dma_start3A_210 : memref<10240xf32, #tpu.memory_space<vmem_shared>>) target(%dma_start3A_205 : memref<128xf32, #tpu.memory_space<vmem>>) offsets(%dma_start3A_208 : memref<128xi32, #tpu.memory_space<vmem>>) semaphore(%arg14 : memref<!tpu.dma_semaphore, #tpu.memory_space<semaphore_mem>>)
      } else {
      }
      %add3A_169 = arith.constant 3 : i32
      %add3A_170 = arith.addi %add3A_90, %add3A_169 : i32
      %dma_wait3A_171 = arith.constant 3 : i32
      %dma_wait3A_172 = arith.constant 0 : i32
      %dma_wait3A_173 = tpu.memref_slice %arg12[%dma_wait3A_171, %dma_wait3A_172] : memref<4x128xf32, #tpu.memory_space<vmem>> -> memref<1x128xf32, #tpu.memory_space<vmem>>
      %dma_wait3A_174 = tpu.memref_squeeze %dma_wait3A_173 : memref<1x128xf32, #tpu.memory_space<vmem>> -> memref<128xf32, #tpu.memory_space<vmem>>
      %dma_wait3A_175 = arith.constant 0 : i32
      %dma_wait3A_176 = tpu.memref_slice %arg10[%add3A_170, %dma_wait3A_175] : memref<40x128xi32, #tpu.memory_space<vmem>> -> memref<1x128xi32, #tpu.memory_space<vmem>>
      %dma_wait3A_177 = tpu.memref_squeeze %dma_wait3A_176 : memref<1x128xi32, #tpu.memory_space<vmem>> -> memref<128xi32, #tpu.memory_space<vmem>>
      %dma_wait3A_178 = arith.constant 0 : i32
      %dma_wait3A_179 = tpu.memref_slice %arg22[%dma_wait3A_178] : memref<10240xf32, #tpu.memory_space<vmem_shared>> -> memref<10240xf32, #tpu.memory_space<vmem_shared>>
      tpu.wait_indirect_dma semaphore(%arg17 : memref<!tpu.dma_semaphore, #tpu.memory_space<semaphore_mem>>) src(%dma_wait3A_179 : memref<10240xf32, #tpu.memory_space<vmem_shared>>) dst(%dma_wait3A_174 : memref<128xf32, #tpu.memory_space<vmem>>)
      %dma_start3A_180 = arith.constant 3 : i32
      %dma_start3A_181 = arith.constant 0 : i32
      %dma_start3A_182 = tpu.memref_slice %arg12[%dma_start3A_180, %dma_start3A_181] : memref<4x128xf32, #tpu.memory_space<vmem>> -> memref<1x128xf32, #tpu.memory_space<vmem>>
      %dma_start3A_183 = tpu.memref_squeeze %dma_start3A_182 : memref<1x128xf32, #tpu.memory_space<vmem>> -> memref<128xf32, #tpu.memory_space<vmem>>
      %dma_start3A_184 = arith.constant 0 : i32
      %dma_start3A_185 = tpu.memref_slice %arg11[%add3A_170, %dma_start3A_184] : memref<40x128xi32, #tpu.memory_space<vmem>> -> memref<1x128xi32, #tpu.memory_space<vmem>>
      %dma_start3A_186 = tpu.memref_squeeze %dma_start3A_185 : memref<1x128xi32, #tpu.memory_space<vmem>> -> memref<128xi32, #tpu.memory_space<vmem>>
      %dma_start3A_187 = arith.constant 0 : i32
      %dma_start3A_188 = tpu.memref_slice %arg23[%dma_start3A_187] : memref<10240xf32, #tpu.memory_space<vmem_shared>> -> memref<10240xf32, #tpu.memory_space<vmem_shared>>
      tpu.enqueue_indirect_dma source(%dma_start3A_183 : memref<128xf32, #tpu.memory_space<vmem>>) target(%dma_start3A_188 : memref<10240xf32, #tpu.memory_space<vmem_shared>>) offsets(%dma_start3A_186 : memref<128xi32, #tpu.memory_space<vmem>>) semaphore(%arg21 : memref<!tpu.dma_semaphore, #tpu.memory_space<semaphore_mem>>) {add = true}
      %add3A_189 = arith.constant 2 : i32
      %add3A_190 = arith.addi %add3A_170, %add3A_189 : i32
      %lt3A_191 = arith.constant 40 : i32
      %lt3A_192 = arith.cmpi slt, %add3A_190, %lt3A_191 : i32
      %convert_element_type3A_193 = arith.extui %lt3A_192 : i1 to i32
      %cond3A_194 = arith.constant 0 : i32
      %cond3A_195 = arith.cmpi ne, %convert_element_type3A_193, %cond3A_194 : i32
      scf.if %cond3A_195 {
        %ge3A = arith.constant 2 : i32
        %ge3A_196 = arith.cmpi sge, %add3A_170, %ge3A : i32
        %convert_element_type3A_197 = arith.extui %ge3A_196 : i1 to i32
        %cond3A_198 = arith.constant 0 : i32
        %cond3A_199 = arith.cmpi ne, %convert_element_type3A_197, %cond3A_198 : i32
        scf.if %cond3A_199 {
          %dma_wait3A_211 = arith.constant 1 : i32
          %dma_wait3A_212 = arith.constant 0 : i32
          %dma_wait3A_213 = arith.constant 0 : i32
          %dma_wait3A_214 = tpu.memref_slice %arg12[%dma_wait3A_211, %dma_wait3A_213] : memref<4x128xf32, #tpu.memory_space<vmem>> -> memref<1x128xf32, #tpu.memory_space<vmem>>
          %dma_wait3A_215 = tpu.memref_squeeze %dma_wait3A_214 : memref<1x128xf32, #tpu.memory_space<vmem>> -> memref<128xf32, #tpu.memory_space<vmem>>
          %dma_wait3A_216 = arith.constant 0 : i32
          %dma_wait3A_217 = tpu.memref_slice %arg11[%dma_wait3A_212, %dma_wait3A_216] : memref<40x128xi32, #tpu.memory_space<vmem>> -> memref<1x128xi32, #tpu.memory_space<vmem>>
          %dma_wait3A_218 = tpu.memref_squeeze %dma_wait3A_217 : memref<1x128xi32, #tpu.memory_space<vmem>> -> memref<128xi32, #tpu.memory_space<vmem>>
          %dma_wait3A_219 = arith.constant 0 : i32
          %dma_wait3A_220 = tpu.memref_slice %arg23[%dma_wait3A_219] : memref<10240xf32, #tpu.memory_space<vmem_shared>> -> memref<10240xf32, #tpu.memory_space<vmem_shared>>
          tpu.wait_indirect_dma semaphore(%arg19 : memref<!tpu.dma_semaphore, #tpu.memory_space<semaphore_mem>>) src(%dma_wait3A_215 : memref<128xf32, #tpu.memory_space<vmem>>) dst(%dma_wait3A_220 : memref<10240xf32, #tpu.memory_space<vmem_shared>>)
        } else {
        }
        %add3A_200 = arith.constant 2 : i32
        %add3A_201 = arith.addi %add3A_170, %add3A_200 : i32
        %dma_start3A_202 = arith.constant 1 : i32
        %dma_start3A_203 = arith.constant 0 : i32
        %dma_start3A_204 = tpu.memref_slice %arg12[%dma_start3A_202, %dma_start3A_203] : memref<4x128xf32, #tpu.memory_space<vmem>> -> memref<1x128xf32, #tpu.memory_space<vmem>>
        %dma_start3A_205 = tpu.memref_squeeze %dma_start3A_204 : memref<1x128xf32, #tpu.memory_space<vmem>> -> memref<128xf32, #tpu.memory_space<vmem>>
        %dma_start3A_206 = arith.constant 0 : i32
        %dma_start3A_207 = tpu.memref_slice %arg10[%add3A_201, %dma_start3A_206] : memref<40x128xi32, #tpu.memory_space<vmem>> -> memref<1x128xi32, #tpu.memory_space<vmem>>
        %dma_start3A_208 = tpu.memref_squeeze %dma_start3A_207 : memref<1x128xi32, #tpu.memory_space<vmem>> -> memref<128xi32, #tpu.memory_space<vmem>>
        %dma_start3A_209 = arith.constant 0 : i32
        %dma_start3A_210 = tpu.memref_slice %arg22[%dma_start3A_209] : memref<10240xf32, #tpu.memory_space<vmem_shared>> -> memref<10240xf32, #tpu.memory_space<vmem_shared>>
        tpu.enqueue_indirect_dma source(%dma_start3A_210 : memref<10240xf32, #tpu.memory_space<vmem_shared>>) target(%dma_start3A_205 : memref<128xf32, #tpu.memory_space<vmem>>) offsets(%dma_start3A_208 : memref<128xi32, #tpu.memory_space<vmem>>) semaphore(%arg15 : memref<!tpu.dma_semaphore, #tpu.memory_space<semaphore_mem>>)
      } else {
      }
    }
    %scan3A_38 = arith.constant 10 : i32
    %dma_wait3A = arith.constant 0 : i32
    %dma_wait3A_39 = arith.constant 0 : i32
    %dma_wait3A_40 = arith.constant 0 : i32
    %dma_wait3A_41 = tpu.memref_slice %arg12[%dma_wait3A, %dma_wait3A_40] : memref<4x128xf32, #tpu.memory_space<vmem>> -> memref<1x128xf32, #tpu.memory_space<vmem>>
    %dma_wait3A_42 = tpu.memref_squeeze %dma_wait3A_41 : memref<1x128xf32, #tpu.memory_space<vmem>> -> memref<128xf32, #tpu.memory_space<vmem>>
    %dma_wait3A_43 = arith.constant 0 : i32
    %dma_wait3A_44 = tpu.memref_slice %arg11[%dma_wait3A_39, %dma_wait3A_43] : memref<40x128xi32, #tpu.memory_space<vmem>> -> memref<1x128xi32, #tpu.memory_space<vmem>>
    %dma_wait3A_45 = tpu.memref_squeeze %dma_wait3A_44 : memref<1x128xi32, #tpu.memory_space<vmem>> -> memref<128xi32, #tpu.memory_space<vmem>>
    %dma_wait3A_46 = arith.constant 0 : i32
    %dma_wait3A_47 = tpu.memref_slice %arg23[%dma_wait3A_46] : memref<10240xf32, #tpu.memory_space<vmem_shared>> -> memref<10240xf32, #tpu.memory_space<vmem_shared>>
    tpu.wait_indirect_dma semaphore(%arg18 : memref<!tpu.dma_semaphore, #tpu.memory_space<semaphore_mem>>) src(%dma_wait3A_42 : memref<128xf32, #tpu.memory_space<vmem>>) dst(%dma_wait3A_47 : memref<10240xf32, #tpu.memory_space<vmem_shared>>)
    %dma_wait3A_48 = arith.constant 1 : i32
    %dma_wait3A_49 = arith.constant 0 : i32
    %dma_wait3A_50 = arith.constant 0 : i32
    %dma_wait3A_51 = tpu.memref_slice %arg12[%dma_wait3A_48, %dma_wait3A_50] : memref<4x128xf32, #tpu.memory_space<vmem>> -> memref<1x128xf32, #tpu.memory_space<vmem>>
    %dma_wait3A_52 = tpu.memref_squeeze %dma_wait3A_51 : memref<1x128xf32, #tpu.memory_space<vmem>> -> memref<128xf32, #tpu.memory_space<vmem>>
    %dma_wait3A_53 = arith.constant 0 : i32
    %dma_wait3A_54 = tpu.memref_slice %arg11[%dma_wait3A_49, %dma_wait3A_53] : memref<40x128xi32, #tpu.memory_space<vmem>> -> memref<1x128xi32, #tpu.memory_space<vmem>>
    %dma_wait3A_55 = tpu.memref_squeeze %dma_wait3A_54 : memref<1x128xi32, #tpu.memory_space<vmem>> -> memref<128xi32, #tpu.memory_space<vmem>>
    %dma_wait3A_56 = arith.constant 0 : i32
    %dma_wait3A_57 = tpu.memref_slice %arg23[%dma_wait3A_56] : memref<10240xf32, #tpu.memory_space<vmem_shared>> -> memref<10240xf32, #tpu.memory_space<vmem_shared>>
    tpu.wait_indirect_dma semaphore(%arg19 : memref<!tpu.dma_semaphore, #tpu.memory_space<semaphore_mem>>) src(%dma_wait3A_52 : memref<128xf32, #tpu.memory_space<vmem>>) dst(%dma_wait3A_57 : memref<10240xf32, #tpu.memory_space<vmem_shared>>)
    %dma_wait3A_58 = arith.constant 2 : i32
    %dma_wait3A_59 = arith.constant 0 : i32
    %dma_wait3A_60 = arith.constant 0 : i32
    %dma_wait3A_61 = tpu.memref_slice %arg12[%dma_wait3A_58, %dma_wait3A_60] : memref<4x128xf32, #tpu.memory_space<vmem>> -> memref<1x128xf32, #tpu.memory_space<vmem>>
    %dma_wait3A_62 = tpu.memref_squeeze %dma_wait3A_61 : memref<1x128xf32, #tpu.memory_space<vmem>> -> memref<128xf32, #tpu.memory_space<vmem>>
    %dma_wait3A_63 = arith.constant 0 : i32
    %dma_wait3A_64 = tpu.memref_slice %arg11[%dma_wait3A_59, %dma_wait3A_63] : memref<40x128xi32, #tpu.memory_space<vmem>> -> memref<1x128xi32, #tpu.memory_space<vmem>>
    %dma_wait3A_65 = tpu.memref_squeeze %dma_wait3A_64 : memref<1x128xi32, #tpu.memory_space<vmem>> -> memref<128xi32, #tpu.memory_space<vmem>>
    %dma_wait3A_66 = arith.constant 0 : i32
    %dma_wait3A_67 = tpu.memref_slice %arg23[%dma_wait3A_66] : memref<10240xf32, #tpu.memory_space<vmem_shared>> -> memref<10240xf32, #tpu.memory_space<vmem_shared>>
    tpu.wait_indirect_dma semaphore(%arg20 : memref<!tpu.dma_semaphore, #tpu.memory_space<semaphore_mem>>) src(%dma_wait3A_62 : memref<128xf32, #tpu.memory_space<vmem>>) dst(%dma_wait3A_67 : memref<10240xf32, #tpu.memory_space<vmem_shared>>)
    %dma_wait3A_68 = arith.constant 3 : i32
    %dma_wait3A_69 = arith.constant 0 : i32
    %dma_wait3A_70 = arith.constant 0 : i32
    %dma_wait3A_71 = tpu.memref_slice %arg12[%dma_wait3A_68, %dma_wait3A_70] : memref<4x128xf32, #tpu.memory_space<vmem>> -> memref<1x128xf32, #tpu.memory_space<vmem>>
    %dma_wait3A_72 = tpu.memref_squeeze %dma_wait3A_71 : memref<1x128xf32, #tpu.memory_space<vmem>> -> memref<128xf32, #tpu.memory_space<vmem>>
    %dma_wait3A_73 = arith.constant 0 : i32
    %dma_wait3A_74 = tpu.memref_slice %arg11[%dma_wait3A_69, %dma_wait3A_73] : memref<40x128xi32, #tpu.memory_space<vmem>> -> memref<1x128xi32, #tpu.memory_space<vmem>>
    %dma_wait3A_75 = tpu.memref_squeeze %dma_wait3A_74 : memref<1x128xi32, #tpu.memory_space<vmem>> -> memref<128xi32, #tpu.memory_space<vmem>>
    %dma_wait3A_76 = arith.constant 0 : i32
    %dma_wait3A_77 = tpu.memref_slice %arg23[%dma_wait3A_76] : memref<10240xf32, #tpu.memory_space<vmem_shared>> -> memref<10240xf32, #tpu.memory_space<vmem_shared>>
    tpu.wait_indirect_dma semaphore(%arg21 : memref<!tpu.dma_semaphore, #tpu.memory_space<semaphore_mem>>) src(%dma_wait3A_72 : memref<128xf32, #tpu.memory_space<vmem>>) dst(%dma_wait3A_77 : memref<10240xf32, #tpu.memory_space<vmem_shared>>)
    %barrier3A_78 = arith.constant 0 : index
    tpu.barrier barrier_id(%barrier3A_78)
    %mul3A_79 = arith.constant 640 : i32
    %mul3A_80 = arith.muli %arg1, %mul3A_79 : i32
    %mul3A_81 = arith.constant 10240 : i32
    %mul3A_82 = arith.muli %arg0, %mul3A_81 : i32
    %mul3A_83 = arith.constant 640 : i32
    %mul3A_84 = arith.muli %arg1, %mul3A_83 : i32
    %add3A_85 = arith.addi %mul3A_82, %mul3A_84 : i32
    "tpu.region"() ({
      %run_scoped3A = tpu.sem_alloc : memref<!tpu.dma_semaphore, #tpu.memory_space<semaphore_mem>>
      %dma_start3A_86 = tpu.memref_slice %arg7[%add3A_85] : memref<20480xf32, #tpu.memory_space<hbm>> -> memref<640xf32, #tpu.memory_space<hbm>>
      %dma_start3A_87 = tpu.memref_slice %arg23[%mul3A_80] : memref<10240xf32, #tpu.memory_space<vmem_shared>> -> memref<640xf32, #tpu.memory_space<vmem_shared>>
      tpu.enqueue_dma source(%dma_start3A_87 : memref<640xf32, #tpu.memory_space<vmem_shared>>) target(%dma_start3A_86 : memref<640xf32, #tpu.memory_space<hbm>>) target_semaphore(%run_scoped3A : memref<!tpu.dma_semaphore, #tpu.memory_space<semaphore_mem>>)
      %dma_wait3A_88 = tpu.memref_slice %arg7[%add3A_85] : memref<20480xf32, #tpu.memory_space<hbm>> -> memref<640xf32, #tpu.memory_space<hbm>>
      %dma_wait3A_89 = tpu.memref_slice %arg23[%mul3A_80] : memref<10240xf32, #tpu.memory_space<vmem_shared>> -> memref<640xf32, #tpu.memory_space<vmem_shared>>
      tpu.wait_dma2 semaphore(%run_scoped3A : memref<!tpu.dma_semaphore, #tpu.memory_space<semaphore_mem>>) src(%dma_wait3A_89 : memref<640xf32, #tpu.memory_space<vmem_shared>>) dst(%dma_wait3A_88 : memref<640xf32, #tpu.memory_space<hbm>>)
      tpu.yield
    }) : () -> ()
    return
  }
}

#map = affine_map<(d0, d1) -> (0, 0)>
#map1 = affine_map<(d0, d1) -> (0, 0, 0)>
module attributes {stable_mosaic.version = 14 : i64} {
  func.func @body(%arg0: i32, %arg1: i32, %arg2: memref<10240x128xf32, #tpu.memory_space<hbm>>, %arg3: memref<32x40x128xi32, #tpu.memory_space<hbm>>, %arg4: memref<32x40x128xi32, #tpu.memory_space<hbm>>, %arg5: memref<640x128xf32, #tpu.memory_space<hbm>>, %arg6: memref<2x10240x128xf32, #tpu.memory_space<hbm>>, %arg7: memref<40x128xi32, #tpu.memory_space<vmem>>, %arg8: memref<40x128xi32, #tpu.memory_space<vmem>>, %arg9: memref<2x128x128xf32, #tpu.memory_space<vmem>>, %arg10: memref<!tpu.dma_semaphore, #tpu.memory_space<semaphore_mem>>, %arg11: memref<!tpu.dma_semaphore, #tpu.memory_space<semaphore_mem>>, %arg12: memref<10240x128xf32, #tpu.memory_space<vmem_shared>>) attributes {dimension_semantics = [#tpu.dimension_semantics<core_parallel>, #tpu.dimension_semantics<subcore_parallel>], iteration_bounds = array<i64: 2, 16>, scalar_prefetch = 0 : i64, scratch_operands = 6 : i64, tpu.core_type = #tpu.core_type<sc_vector_subcore>, window_params = [{transform_indices = #map}, {transform_indices = #map1}, {transform_indices = #map1}, {transform_indices = #map}, {transform_indices = #map1}]} {
    %mul3A = arith.constant 16 : i32
    %mul3A_0 = arith.muli %arg0, %mul3A : i32
    %add3A = arith.addi %mul3A_0, %arg1 : i32
    "tpu.region"() ({
      %run_scoped3A = tpu.sem_alloc : memref<!tpu.dma_semaphore, #tpu.memory_space<semaphore_mem>>
      %dma_start3A_35 = arith.constant 0 : i32
      %dma_start3A_36 = arith.constant 0 : i32
      %dma_start3A_37 = tpu.memref_slice %arg3[%add3A, %dma_start3A_35, %dma_start3A_36] : memref<32x40x128xi32, #tpu.memory_space<hbm>> -> memref<1x40x128xi32, #tpu.memory_space<hbm>>
      %dma_start3A_38 = tpu.memref_squeeze %dma_start3A_37 : memref<1x40x128xi32, #tpu.memory_space<hbm>> -> memref<40x128xi32, #tpu.memory_space<hbm>>
      %dma_start3A_39 = arith.constant 0 : i32
      %dma_start3A_40 = arith.constant 0 : i32
      %dma_start3A_41 = tpu.memref_slice %arg3[%add3A, %dma_start3A_39, %dma_start3A_40] : memref<32x40x128xi32, #tpu.memory_space<hbm>> -> memref<1x40x128xi32, #tpu.memory_space<hbm>>
      %dma_start3A_42 = tpu.memref_squeeze %dma_start3A_41 : memref<1x40x128xi32, #tpu.memory_space<hbm>> -> memref<40x128xi32, #tpu.memory_space<hbm>>
      tpu.enqueue_dma source(%dma_start3A_42 : memref<40x128xi32, #tpu.memory_space<hbm>>) target(%arg7 : memref<40x128xi32, #tpu.memory_space<vmem>>) target_semaphore(%run_scoped3A : memref<!tpu.dma_semaphore, #tpu.memory_space<semaphore_mem>>)
      %dma_wait3A = arith.constant 0 : i32
      %dma_wait3A_43 = arith.constant 0 : i32
      %dma_wait3A_44 = tpu.memref_slice %arg3[%add3A, %dma_wait3A, %dma_wait3A_43] : memref<32x40x128xi32, #tpu.memory_space<hbm>> -> memref<1x40x128xi32, #tpu.memory_space<hbm>>
      %dma_wait3A_45 = tpu.memref_squeeze %dma_wait3A_44 : memref<1x40x128xi32, #tpu.memory_space<hbm>> -> memref<40x128xi32, #tpu.memory_space<hbm>>
      %dma_wait3A_46 = arith.constant 0 : i32
      %dma_wait3A_47 = arith.constant 0 : i32
      %dma_wait3A_48 = tpu.memref_slice %arg3[%add3A, %dma_wait3A_46, %dma_wait3A_47] : memref<32x40x128xi32, #tpu.memory_space<hbm>> -> memref<1x40x128xi32, #tpu.memory_space<hbm>>
      %dma_wait3A_49 = tpu.memref_squeeze %dma_wait3A_48 : memref<1x40x128xi32, #tpu.memory_space<hbm>> -> memref<40x128xi32, #tpu.memory_space<hbm>>
      tpu.wait_dma2 semaphore(%run_scoped3A : memref<!tpu.dma_semaphore, #tpu.memory_space<semaphore_mem>>) src(%dma_wait3A_49 : memref<40x128xi32, #tpu.memory_space<hbm>>) dst(%arg7 : memref<40x128xi32, #tpu.memory_space<vmem>>)
      tpu.yield
    }) : () -> ()
    "tpu.region"() ({
      %run_scoped3A = tpu.sem_alloc : memref<!tpu.dma_semaphore, #tpu.memory_space<semaphore_mem>>
      %dma_start3A_35 = arith.constant 0 : i32
      %dma_start3A_36 = arith.constant 0 : i32
      %dma_start3A_37 = tpu.memref_slice %arg4[%add3A, %dma_start3A_35, %dma_start3A_36] : memref<32x40x128xi32, #tpu.memory_space<hbm>> -> memref<1x40x128xi32, #tpu.memory_space<hbm>>
      %dma_start3A_38 = tpu.memref_squeeze %dma_start3A_37 : memref<1x40x128xi32, #tpu.memory_space<hbm>> -> memref<40x128xi32, #tpu.memory_space<hbm>>
      %dma_start3A_39 = arith.constant 0 : i32
      %dma_start3A_40 = arith.constant 0 : i32
      %dma_start3A_41 = tpu.memref_slice %arg4[%add3A, %dma_start3A_39, %dma_start3A_40] : memref<32x40x128xi32, #tpu.memory_space<hbm>> -> memref<1x40x128xi32, #tpu.memory_space<hbm>>
      %dma_start3A_42 = tpu.memref_squeeze %dma_start3A_41 : memref<1x40x128xi32, #tpu.memory_space<hbm>> -> memref<40x128xi32, #tpu.memory_space<hbm>>
      tpu.enqueue_dma source(%dma_start3A_42 : memref<40x128xi32, #tpu.memory_space<hbm>>) target(%arg8 : memref<40x128xi32, #tpu.memory_space<vmem>>) target_semaphore(%run_scoped3A : memref<!tpu.dma_semaphore, #tpu.memory_space<semaphore_mem>>)
      %dma_wait3A = arith.constant 0 : i32
      %dma_wait3A_43 = arith.constant 0 : i32
      %dma_wait3A_44 = tpu.memref_slice %arg4[%add3A, %dma_wait3A, %dma_wait3A_43] : memref<32x40x128xi32, #tpu.memory_space<hbm>> -> memref<1x40x128xi32, #tpu.memory_space<hbm>>
      %dma_wait3A_45 = tpu.memref_squeeze %dma_wait3A_44 : memref<1x40x128xi32, #tpu.memory_space<hbm>> -> memref<40x128xi32, #tpu.memory_space<hbm>>
      %dma_wait3A_46 = arith.constant 0 : i32
      %dma_wait3A_47 = arith.constant 0 : i32
      %dma_wait3A_48 = tpu.memref_slice %arg4[%add3A, %dma_wait3A_46, %dma_wait3A_47] : memref<32x40x128xi32, #tpu.memory_space<hbm>> -> memref<1x40x128xi32, #tpu.memory_space<hbm>>
      %dma_wait3A_49 = tpu.memref_squeeze %dma_wait3A_48 : memref<1x40x128xi32, #tpu.memory_space<hbm>> -> memref<40x128xi32, #tpu.memory_space<hbm>>
      tpu.wait_dma2 semaphore(%run_scoped3A : memref<!tpu.dma_semaphore, #tpu.memory_space<semaphore_mem>>) src(%dma_wait3A_49 : memref<40x128xi32, #tpu.memory_space<hbm>>) dst(%arg8 : memref<40x128xi32, #tpu.memory_space<vmem>>)
      tpu.yield
    }) : () -> ()
    %mul3A_1 = arith.constant 640 : i32
    %mul3A_2 = arith.muli %arg1, %mul3A_1 : i32
    "tpu.region"() ({
      %run_scoped3A = tpu.sem_alloc : memref<!tpu.dma_semaphore, #tpu.memory_space<semaphore_mem>>
      %dma_start3A_35 = arith.constant 0 : i32
      %dma_start3A_36 = tpu.memref_slice %arg12[%mul3A_2, %dma_start3A_35] : memref<10240x128xf32, #tpu.memory_space<vmem_shared>> -> memref<640x128xf32, #tpu.memory_space<vmem_shared>>
      %dma_start3A_37 = arith.constant 0 : i32
      %dma_start3A_38 = arith.constant 0 : i32
      %dma_start3A_39 = tpu.memref_slice %arg5[%dma_start3A_37, %dma_start3A_38] : memref<640x128xf32, #tpu.memory_space<hbm>> -> memref<640x128xf32, #tpu.memory_space<hbm>>
      tpu.enqueue_dma source(%dma_start3A_39 : memref<640x128xf32, #tpu.memory_space<hbm>>) target(%dma_start3A_36 : memref<640x128xf32, #tpu.memory_space<vmem_shared>>) target_semaphore(%run_scoped3A : memref<!tpu.dma_semaphore, #tpu.memory_space<semaphore_mem>>)
      %dma_wait3A = arith.constant 0 : i32
      %dma_wait3A_40 = tpu.memref_slice %arg12[%mul3A_2, %dma_wait3A] : memref<10240x128xf32, #tpu.memory_space<vmem_shared>> -> memref<640x128xf32, #tpu.memory_space<vmem_shared>>
      %dma_wait3A_41 = arith.constant 0 : i32
      %dma_wait3A_42 = arith.constant 0 : i32
      %dma_wait3A_43 = tpu.memref_slice %arg5[%dma_wait3A_41, %dma_wait3A_42] : memref<640x128xf32, #tpu.memory_space<hbm>> -> memref<640x128xf32, #tpu.memory_space<hbm>>
      tpu.wait_dma2 semaphore(%run_scoped3A : memref<!tpu.dma_semaphore, #tpu.memory_space<semaphore_mem>>) src(%dma_wait3A_43 : memref<640x128xf32, #tpu.memory_space<hbm>>) dst(%dma_wait3A_40 : memref<640x128xf32, #tpu.memory_space<vmem_shared>>)
      tpu.yield
    }) : () -> ()
    %barrier3A = arith.constant 0 : index
    tpu.barrier barrier_id(%barrier3A)
    %dma_start3A = arith.constant 0 : i32
    %dma_start3A_3 = arith.constant 0 : i32
    %dma_start3A_4 = arith.constant 0 : i32
    %dma_start3A_5 = arith.constant 0 : i32
    %dma_start3A_6 = tpu.memref_slice %arg9[%dma_start3A_3, %dma_start3A_4, %dma_start3A_5] : memref<2x128x128xf32, #tpu.memory_space<vmem>> -> memref<1x128x128xf32, #tpu.memory_space<vmem>>
    %dma_start3A_7 = tpu.memref_squeeze %dma_start3A_6 : memref<1x128x128xf32, #tpu.memory_space<vmem>> -> memref<128x128xf32, #tpu.memory_space<vmem>>
    %dma_start3A_8 = arith.constant 0 : i32
    %dma_start3A_9 = tpu.memref_slice %arg7[%dma_start3A, %dma_start3A_8] : memref<40x128xi32, #tpu.memory_space<vmem>> -> memref<1x128xi32, #tpu.memory_space<vmem>>
    %dma_start3A_10 = tpu.memref_squeeze %dma_start3A_9 : memref<1x128xi32, #tpu.memory_space<vmem>> -> memref<128xi32, #tpu.memory_space<vmem>>
    %dma_start3A_11 = arith.constant 0 : i32
    %dma_start3A_12 = arith.constant 0 : i32
    %dma_start3A_13 = tpu.memref_slice %arg2[%dma_start3A_11, %dma_start3A_12] : memref<10240x128xf32, #tpu.memory_space<hbm>> -> memref<10240x128xf32, #tpu.memory_space<hbm>>
    tpu.enqueue_indirect_dma source(%dma_start3A_13 : memref<10240x128xf32, #tpu.memory_space<hbm>>) target(%dma_start3A_7 : memref<128x128xf32, #tpu.memory_space<vmem>>) offsets(%dma_start3A_10 : memref<128xi32, #tpu.memory_space<vmem>>) semaphore(%arg10 : memref<!tpu.dma_semaphore, #tpu.memory_space<semaphore_mem>>)
    %dma_start3A_14 = arith.constant 1 : i32
    %dma_start3A_15 = arith.constant 1 : i32
    %dma_start3A_16 = arith.constant 0 : i32
    %dma_start3A_17 = arith.constant 0 : i32
    %dma_start3A_18 = tpu.memref_slice %arg9[%dma_start3A_15, %dma_start3A_16, %dma_start3A_17] : memref<2x128x128xf32, #tpu.memory_space<vmem>> -> memref<1x128x128xf32, #tpu.memory_space<vmem>>
    %dma_start3A_19 = tpu.memref_squeeze %dma_start3A_18 : memref<1x128x128xf32, #tpu.memory_space<vmem>> -> memref<128x128xf32, #tpu.memory_space<vmem>>
    %dma_start3A_20 = arith.constant 0 : i32
    %dma_start3A_21 = tpu.memref_slice %arg7[%dma_start3A_14, %dma_start3A_20] : memref<40x128xi32, #tpu.memory_space<vmem>> -> memref<1x128xi32, #tpu.memory_space<vmem>>
    %dma_start3A_22 = tpu.memref_squeeze %dma_start3A_21 : memref<1x128xi32, #tpu.memory_space<vmem>> -> memref<128xi32, #tpu.memory_space<vmem>>
    %dma_start3A_23 = arith.constant 0 : i32
    %dma_start3A_24 = arith.constant 0 : i32
    %dma_start3A_25 = tpu.memref_slice %arg2[%dma_start3A_23, %dma_start3A_24] : memref<10240x128xf32, #tpu.memory_space<hbm>> -> memref<10240x128xf32, #tpu.memory_space<hbm>>
    tpu.enqueue_indirect_dma source(%dma_start3A_25 : memref<10240x128xf32, #tpu.memory_space<hbm>>) target(%dma_start3A_19 : memref<128x128xf32, #tpu.memory_space<vmem>>) offsets(%dma_start3A_22 : memref<128xi32, #tpu.memory_space<vmem>>) semaphore(%arg11 : memref<!tpu.dma_semaphore, #tpu.memory_space<semaphore_mem>>)
    %scan3A = arith.constant 0 : i32
    %scan3A_26 = arith.constant 20 : i32
    %scan3A_27 = arith.addi %scan3A, %scan3A_26 : i32
    %scan3A_28 = arith.constant 1 : i32
    scf.for %scan3A_35 = %scan3A to %scan3A_27 step %scan3A_28  : i32 {
      %mul3A_36 = arith.constant 2 : i32
      %mul3A_37 = arith.muli %scan3A_35, %mul3A_36 : i32
      %add3A_38 = arith.constant 0 : i32
      %add3A_39 = arith.addi %add3A_38, %mul3A_37 : i32
      %add3A_40 = arith.constant 0 : i32
      %add3A_41 = arith.addi %add3A_39, %add3A_40 : i32
      %dma_wait3A = arith.constant 0 : i32
      %dma_wait3A_42 = arith.constant 0 : i32
      %dma_wait3A_43 = arith.constant 0 : i32
      %dma_wait3A_44 = tpu.memref_slice %arg9[%dma_wait3A, %dma_wait3A_42, %dma_wait3A_43] : memref<2x128x128xf32, #tpu.memory_space<vmem>> -> memref<1x128x128xf32, #tpu.memory_space<vmem>>
      %dma_wait3A_45 = tpu.memref_squeeze %dma_wait3A_44 : memref<1x128x128xf32, #tpu.memory_space<vmem>> -> memref<128x128xf32, #tpu.memory_space<vmem>>
      %dma_wait3A_46 = arith.constant 0 : i32
      %dma_wait3A_47 = tpu.memref_slice %arg7[%add3A_41, %dma_wait3A_46] : memref<40x128xi32, #tpu.memory_space<vmem>> -> memref<1x128xi32, #tpu.memory_space<vmem>>
      %dma_wait3A_48 = tpu.memref_squeeze %dma_wait3A_47 : memref<1x128xi32, #tpu.memory_space<vmem>> -> memref<128xi32, #tpu.memory_space<vmem>>
      %dma_wait3A_49 = arith.constant 0 : i32
      %dma_wait3A_50 = arith.constant 0 : i32
      %dma_wait3A_51 = tpu.memref_slice %arg2[%dma_wait3A_49, %dma_wait3A_50] : memref<10240x128xf32, #tpu.memory_space<hbm>> -> memref<10240x128xf32, #tpu.memory_space<hbm>>
      tpu.wait_indirect_dma semaphore(%arg10 : memref<!tpu.dma_semaphore, #tpu.memory_space<semaphore_mem>>) src(%dma_wait3A_51 : memref<10240x128xf32, #tpu.memory_space<hbm>>) dst(%dma_wait3A_45 : memref<128x128xf32, #tpu.memory_space<vmem>>)
      %run_scoped3A = arith.constant 0 : i32
      "tpu.region"() ({
        %run_scoped3A_77 = tpu.sem_alloc : memref<!tpu.dma_semaphore, #tpu.memory_space<semaphore_mem>>
        %dma_start3A_78 = arith.constant 0 : i32
        %dma_start3A_79 = arith.constant 0 : i32
        %dma_start3A_80 = tpu.memref_slice %arg9[%run_scoped3A, %dma_start3A_78, %dma_start3A_79] : memref<2x128x128xf32, #tpu.memory_space<vmem>> -> memref<1x128x128xf32, #tpu.memory_space<vmem>>
        %dma_start3A_81 = tpu.memref_squeeze %dma_start3A_80 : memref<1x128x128xf32, #tpu.memory_space<vmem>> -> memref<128x128xf32, #tpu.memory_space<vmem>>
        %dma_start3A_82 = arith.constant 0 : i32
        %dma_start3A_83 = tpu.memref_slice %arg8[%add3A_41, %dma_start3A_82] : memref<40x128xi32, #tpu.memory_space<vmem>> -> memref<1x128xi32, #tpu.memory_space<vmem>>
        %dma_start3A_84 = tpu.memref_squeeze %dma_start3A_83 : memref<1x128xi32, #tpu.memory_space<vmem>> -> memref<128xi32, #tpu.memory_space<vmem>>
        %dma_start3A_85 = arith.constant 0 : i32
        %dma_start3A_86 = arith.constant 0 : i32
        %dma_start3A_87 = tpu.memref_slice %arg12[%dma_start3A_85, %dma_start3A_86] : memref<10240x128xf32, #tpu.memory_space<vmem_shared>> -> memref<10240x128xf32, #tpu.memory_space<vmem_shared>>
        tpu.enqueue_indirect_dma source(%dma_start3A_81 : memref<128x128xf32, #tpu.memory_space<vmem>>) target(%dma_start3A_87 : memref<10240x128xf32, #tpu.memory_space<vmem_shared>>) offsets(%dma_start3A_84 : memref<128xi32, #tpu.memory_space<vmem>>) semaphore(%run_scoped3A_77 : memref<!tpu.dma_semaphore, #tpu.memory_space<semaphore_mem>>) {add = true}
        %dma_wait3A_88 = arith.constant 0 : i32
        %dma_wait3A_89 = arith.constant 0 : i32
        %dma_wait3A_90 = tpu.memref_slice %arg9[%run_scoped3A, %dma_wait3A_88, %dma_wait3A_89] : memref<2x128x128xf32, #tpu.memory_space<vmem>> -> memref<1x128x128xf32, #tpu.memory_space<vmem>>
        %dma_wait3A_91 = tpu.memref_squeeze %dma_wait3A_90 : memref<1x128x128xf32, #tpu.memory_space<vmem>> -> memref<128x128xf32, #tpu.memory_space<vmem>>
        %dma_wait3A_92 = arith.constant 0 : i32
        %dma_wait3A_93 = tpu.memref_slice %arg8[%add3A_41, %dma_wait3A_92] : memref<40x128xi32, #tpu.memory_space<vmem>> -> memref<1x128xi32, #tpu.memory_space<vmem>>
        %dma_wait3A_94 = tpu.memref_squeeze %dma_wait3A_93 : memref<1x128xi32, #tpu.memory_space<vmem>> -> memref<128xi32, #tpu.memory_space<vmem>>
        %dma_wait3A_95 = arith.constant 0 : i32
        %dma_wait3A_96 = arith.constant 0 : i32
        %dma_wait3A_97 = tpu.memref_slice %arg12[%dma_wait3A_95, %dma_wait3A_96] : memref<10240x128xf32, #tpu.memory_space<vmem_shared>> -> memref<10240x128xf32, #tpu.memory_space<vmem_shared>>
        tpu.wait_indirect_dma semaphore(%run_scoped3A_77 : memref<!tpu.dma_semaphore, #tpu.memory_space<semaphore_mem>>) src(%dma_wait3A_91 : memref<128x128xf32, #tpu.memory_space<vmem>>) dst(%dma_wait3A_97 : memref<10240x128xf32, #tpu.memory_space<vmem_shared>>)
        tpu.yield
      }) : () -> ()
      %add3A_52 = arith.constant 2 : i32
      %add3A_53 = arith.addi %add3A_41, %add3A_52 : i32
      %lt3A = arith.constant 40 : i32
      %lt3A_54 = arith.cmpi slt, %add3A_53, %lt3A : i32
      %convert_element_type3A = arith.extui %lt3A_54 : i1 to i32
      %cond3A = arith.constant 0 : i32
      %cond3A_55 = arith.cmpi ne, %convert_element_type3A, %cond3A : i32
      scf.if %cond3A_55 {
        %add3A_77 = arith.constant 2 : i32
        %add3A_78 = arith.addi %add3A_41, %add3A_77 : i32
        %dma_start3A_79 = arith.constant 0 : i32
        %dma_start3A_80 = arith.constant 0 : i32
        %dma_start3A_81 = arith.constant 0 : i32
        %dma_start3A_82 = tpu.memref_slice %arg9[%dma_start3A_79, %dma_start3A_80, %dma_start3A_81] : memref<2x128x128xf32, #tpu.memory_space<vmem>> -> memref<1x128x128xf32, #tpu.memory_space<vmem>>
        %dma_start3A_83 = tpu.memref_squeeze %dma_start3A_82 : memref<1x128x128xf32, #tpu.memory_space<vmem>> -> memref<128x128xf32, #tpu.memory_space<vmem>>
        %dma_start3A_84 = arith.constant 0 : i32
        %dma_start3A_85 = tpu.memref_slice %arg7[%add3A_78, %dma_start3A_84] : memref<40x128xi32, #tpu.memory_space<vmem>> -> memref<1x128xi32, #tpu.memory_space<vmem>>
        %dma_start3A_86 = tpu.memref_squeeze %dma_start3A_85 : memref<1x128xi32, #tpu.memory_space<vmem>> -> memref<128xi32, #tpu.memory_space<vmem>>
        %dma_start3A_87 = arith.constant 0 : i32
        %dma_start3A_88 = arith.constant 0 : i32
        %dma_start3A_89 = tpu.memref_slice %arg2[%dma_start3A_87, %dma_start3A_88] : memref<10240x128xf32, #tpu.memory_space<hbm>> -> memref<10240x128xf32, #tpu.memory_space<hbm>>
        tpu.enqueue_indirect_dma source(%dma_start3A_89 : memref<10240x128xf32, #tpu.memory_space<hbm>>) target(%dma_start3A_83 : memref<128x128xf32, #tpu.memory_space<vmem>>) offsets(%dma_start3A_86 : memref<128xi32, #tpu.memory_space<vmem>>) semaphore(%arg10 : memref<!tpu.dma_semaphore, #tpu.memory_space<semaphore_mem>>)
      } else {
      }
      %add3A_56 = arith.constant 1 : i32
      %add3A_57 = arith.addi %add3A_39, %add3A_56 : i32
      %dma_wait3A_58 = arith.constant 1 : i32
      %dma_wait3A_59 = arith.constant 0 : i32
      %dma_wait3A_60 = arith.constant 0 : i32
      %dma_wait3A_61 = tpu.memref_slice %arg9[%dma_wait3A_58, %dma_wait3A_59, %dma_wait3A_60] : memref<2x128x128xf32, #tpu.memory_space<vmem>> -> memref<1x128x128xf32, #tpu.memory_space<vmem>>
      %dma_wait3A_62 = tpu.memref_squeeze %dma_wait3A_61 : memref<1x128x128xf32, #tpu.memory_space<vmem>> -> memref<128x128xf32, #tpu.memory_space<vmem>>
      %dma_wait3A_63 = arith.constant 0 : i32
      %dma_wait3A_64 = tpu.memref_slice %arg7[%add3A_57, %dma_wait3A_63] : memref<40x128xi32, #tpu.memory_space<vmem>> -> memref<1x128xi32, #tpu.memory_space<vmem>>
      %dma_wait3A_65 = tpu.memref_squeeze %dma_wait3A_64 : memref<1x128xi32, #tpu.memory_space<vmem>> -> memref<128xi32, #tpu.memory_space<vmem>>
      %dma_wait3A_66 = arith.constant 0 : i32
      %dma_wait3A_67 = arith.constant 0 : i32
      %dma_wait3A_68 = tpu.memref_slice %arg2[%dma_wait3A_66, %dma_wait3A_67] : memref<10240x128xf32, #tpu.memory_space<hbm>> -> memref<10240x128xf32, #tpu.memory_space<hbm>>
      tpu.wait_indirect_dma semaphore(%arg11 : memref<!tpu.dma_semaphore, #tpu.memory_space<semaphore_mem>>) src(%dma_wait3A_68 : memref<10240x128xf32, #tpu.memory_space<hbm>>) dst(%dma_wait3A_62 : memref<128x128xf32, #tpu.memory_space<vmem>>)
      %run_scoped3A_69 = arith.constant 1 : i32
      "tpu.region"() ({
        %run_scoped3A_77 = tpu.sem_alloc : memref<!tpu.dma_semaphore, #tpu.memory_space<semaphore_mem>>
        %dma_start3A_78 = arith.constant 0 : i32
        %dma_start3A_79 = arith.constant 0 : i32
        %dma_start3A_80 = tpu.memref_slice %arg9[%run_scoped3A_69, %dma_start3A_78, %dma_start3A_79] : memref<2x128x128xf32, #tpu.memory_space<vmem>> -> memref<1x128x128xf32, #tpu.memory_space<vmem>>
        %dma_start3A_81 = tpu.memref_squeeze %dma_start3A_80 : memref<1x128x128xf32, #tpu.memory_space<vmem>> -> memref<128x128xf32, #tpu.memory_space<vmem>>
        %dma_start3A_82 = arith.constant 0 : i32
        %dma_start3A_83 = tpu.memref_slice %arg8[%add3A_57, %dma_start3A_82] : memref<40x128xi32, #tpu.memory_space<vmem>> -> memref<1x128xi32, #tpu.memory_space<vmem>>
        %dma_start3A_84 = tpu.memref_squeeze %dma_start3A_83 : memref<1x128xi32, #tpu.memory_space<vmem>> -> memref<128xi32, #tpu.memory_space<vmem>>
        %dma_start3A_85 = arith.constant 0 : i32
        %dma_start3A_86 = arith.constant 0 : i32
        %dma_start3A_87 = tpu.memref_slice %arg12[%dma_start3A_85, %dma_start3A_86] : memref<10240x128xf32, #tpu.memory_space<vmem_shared>> -> memref<10240x128xf32, #tpu.memory_space<vmem_shared>>
        tpu.enqueue_indirect_dma source(%dma_start3A_81 : memref<128x128xf32, #tpu.memory_space<vmem>>) target(%dma_start3A_87 : memref<10240x128xf32, #tpu.memory_space<vmem_shared>>) offsets(%dma_start3A_84 : memref<128xi32, #tpu.memory_space<vmem>>) semaphore(%run_scoped3A_77 : memref<!tpu.dma_semaphore, #tpu.memory_space<semaphore_mem>>) {add = true}
        %dma_wait3A_88 = arith.constant 0 : i32
        %dma_wait3A_89 = arith.constant 0 : i32
        %dma_wait3A_90 = tpu.memref_slice %arg9[%run_scoped3A_69, %dma_wait3A_88, %dma_wait3A_89] : memref<2x128x128xf32, #tpu.memory_space<vmem>> -> memref<1x128x128xf32, #tpu.memory_space<vmem>>
        %dma_wait3A_91 = tpu.memref_squeeze %dma_wait3A_90 : memref<1x128x128xf32, #tpu.memory_space<vmem>> -> memref<128x128xf32, #tpu.memory_space<vmem>>
        %dma_wait3A_92 = arith.constant 0 : i32
        %dma_wait3A_93 = tpu.memref_slice %arg8[%add3A_57, %dma_wait3A_92] : memref<40x128xi32, #tpu.memory_space<vmem>> -> memref<1x128xi32, #tpu.memory_space<vmem>>
        %dma_wait3A_94 = tpu.memref_squeeze %dma_wait3A_93 : memref<1x128xi32, #tpu.memory_space<vmem>> -> memref<128xi32, #tpu.memory_space<vmem>>
        %dma_wait3A_95 = arith.constant 0 : i32
        %dma_wait3A_96 = arith.constant 0 : i32
        %dma_wait3A_97 = tpu.memref_slice %arg12[%dma_wait3A_95, %dma_wait3A_96] : memref<10240x128xf32, #tpu.memory_space<vmem_shared>> -> memref<10240x128xf32, #tpu.memory_space<vmem_shared>>
        tpu.wait_indirect_dma semaphore(%run_scoped3A_77 : memref<!tpu.dma_semaphore, #tpu.memory_space<semaphore_mem>>) src(%dma_wait3A_91 : memref<128x128xf32, #tpu.memory_space<vmem>>) dst(%dma_wait3A_97 : memref<10240x128xf32, #tpu.memory_space<vmem_shared>>)
        tpu.yield
      }) : () -> ()
      %add3A_70 = arith.constant 2 : i32
      %add3A_71 = arith.addi %add3A_57, %add3A_70 : i32
      %lt3A_72 = arith.constant 40 : i32
      %lt3A_73 = arith.cmpi slt, %add3A_71, %lt3A_72 : i32
      %convert_element_type3A_74 = arith.extui %lt3A_73 : i1 to i32
      %cond3A_75 = arith.constant 0 : i32
      %cond3A_76 = arith.cmpi ne, %convert_element_type3A_74, %cond3A_75 : i32
      scf.if %cond3A_76 {
        %add3A_77 = arith.constant 2 : i32
        %add3A_78 = arith.addi %add3A_57, %add3A_77 : i32
        %dma_start3A_79 = arith.constant 1 : i32
        %dma_start3A_80 = arith.constant 0 : i32
        %dma_start3A_81 = arith.constant 0 : i32
        %dma_start3A_82 = tpu.memref_slice %arg9[%dma_start3A_79, %dma_start3A_80, %dma_start3A_81] : memref<2x128x128xf32, #tpu.memory_space<vmem>> -> memref<1x128x128xf32, #tpu.memory_space<vmem>>
        %dma_start3A_83 = tpu.memref_squeeze %dma_start3A_82 : memref<1x128x128xf32, #tpu.memory_space<vmem>> -> memref<128x128xf32, #tpu.memory_space<vmem>>
        %dma_start3A_84 = arith.constant 0 : i32
        %dma_start3A_85 = tpu.memref_slice %arg7[%add3A_78, %dma_start3A_84] : memref<40x128xi32, #tpu.memory_space<vmem>> -> memref<1x128xi32, #tpu.memory_space<vmem>>
        %dma_start3A_86 = tpu.memref_squeeze %dma_start3A_85 : memref<1x128xi32, #tpu.memory_space<vmem>> -> memref<128xi32, #tpu.memory_space<vmem>>
        %dma_start3A_87 = arith.constant 0 : i32
        %dma_start3A_88 = arith.constant 0 : i32
        %dma_start3A_89 = tpu.memref_slice %arg2[%dma_start3A_87, %dma_start3A_88] : memref<10240x128xf32, #tpu.memory_space<hbm>> -> memref<10240x128xf32, #tpu.memory_space<hbm>>
        tpu.enqueue_indirect_dma source(%dma_start3A_89 : memref<10240x128xf32, #tpu.memory_space<hbm>>) target(%dma_start3A_83 : memref<128x128xf32, #tpu.memory_space<vmem>>) offsets(%dma_start3A_86 : memref<128xi32, #tpu.memory_space<vmem>>) semaphore(%arg11 : memref<!tpu.dma_semaphore, #tpu.memory_space<semaphore_mem>>)
      } else {
      }
    }
    %scan3A_29 = arith.constant 20 : i32
    %barrier3A_30 = arith.constant 0 : index
    tpu.barrier barrier_id(%barrier3A_30)
    %mul3A_31 = arith.constant 640 : i32
    %mul3A_32 = arith.muli %arg1, %mul3A_31 : i32
    %mul3A_33 = arith.constant 640 : i32
    %mul3A_34 = arith.muli %arg1, %mul3A_33 : i32
    "tpu.region"() ({
      %run_scoped3A = tpu.sem_alloc : memref<!tpu.dma_semaphore, #tpu.memory_space<semaphore_mem>>
      %dma_start3A_35 = arith.constant 0 : i32
      %dma_start3A_36 = tpu.memref_slice %arg6[%arg0, %mul3A_34, %dma_start3A_35] : memref<2x10240x128xf32, #tpu.memory_space<hbm>> -> memref<1x640x128xf32, #tpu.memory_space<hbm>>
      %dma_start3A_37 = tpu.memref_squeeze %dma_start3A_36 : memref<1x640x128xf32, #tpu.memory_space<hbm>> -> memref<640x128xf32, #tpu.memory_space<hbm>>
      %dma_start3A_38 = arith.constant 0 : i32
      %dma_start3A_39 = tpu.memref_slice %arg12[%mul3A_32, %dma_start3A_38] : memref<10240x128xf32, #tpu.memory_space<vmem_shared>> -> memref<640x128xf32, #tpu.memory_space<vmem_shared>>
      tpu.enqueue_dma source(%dma_start3A_39 : memref<640x128xf32, #tpu.memory_space<vmem_shared>>) target(%dma_start3A_37 : memref<640x128xf32, #tpu.memory_space<hbm>>) target_semaphore(%run_scoped3A : memref<!tpu.dma_semaphore, #tpu.memory_space<semaphore_mem>>)
      %dma_wait3A = arith.constant 0 : i32
      %dma_wait3A_40 = tpu.memref_slice %arg6[%arg0, %mul3A_34, %dma_wait3A] : memref<2x10240x128xf32, #tpu.memory_space<hbm>> -> memref<1x640x128xf32, #tpu.memory_space<hbm>>
      %dma_wait3A_41 = tpu.memref_squeeze %dma_wait3A_40 : memref<1x640x128xf32, #tpu.memory_space<hbm>> -> memref<640x128xf32, #tpu.memory_space<hbm>>
      %dma_wait3A_42 = arith.constant 0 : i32
      %dma_wait3A_43 = tpu.memref_slice %arg12[%mul3A_32, %dma_wait3A_42] : memref<10240x128xf32, #tpu.memory_space<vmem_shared>> -> memref<640x128xf32, #tpu.memory_space<vmem_shared>>
      tpu.wait_dma2 semaphore(%run_scoped3A : memref<!tpu.dma_semaphore, #tpu.memory_space<semaphore_mem>>) src(%dma_wait3A_43 : memref<640x128xf32, #tpu.memory_space<vmem_shared>>) dst(%dma_wait3A_41 : memref<640x128xf32, #tpu.memory_space<hbm>>)
      tpu.yield
    }) : () -> ()
    return
  }
}

module attributes {stable_mosaic.version = 14 : i64} {
  func.func @body(%arg0: i32, %arg1: memref<1024x128xf32, #tpu.memory_space<vmem>>, %arg2: memref<1024x128xf32, #tpu.memory_space<vmem>>, %arg3: memref<1024x128xf32, #tpu.memory_space<vmem>>) attributes {dimension_semantics = [#tpu.dimension_semantics<arbitrary>], iteration_bounds = array<i64: 10>, scalar_prefetch = 0 : i64, scratch_operands = 0 : i64, tpu.core_type = #tpu.core_type<tc>, window_params = [{transform_indices = @transform_0, window_bounds = array<i64: 1024, 128>}, {transform_indices = @transform_1, window_bounds = array<i64: 1024, 128>}, {transform_indices = @transform_2, window_bounds = array<i64: 1024, 128>}]} {
    %get3A = arith.constant 0 : index
    %get3A_0 = arith.constant 0 : index
    %get3A_1 = vector.load %arg1[%get3A, %get3A_0] : memref<1024x128xf32, #tpu.memory_space<vmem>>, vector<1024x128xf32>
    %get3A_2 = arith.constant 0 : index
    %get3A_3 = arith.constant 0 : index
    %get3A_4 = vector.load %arg2[%get3A_2, %get3A_3] : memref<1024x128xf32, #tpu.memory_space<vmem>>, vector<1024x128xf32>
    %add3A = arith.addf %get3A_1, %get3A_4 : vector<1024x128xf32>
    %swap3A = arith.constant 0 : index
    %swap3A_5 = arith.constant 0 : index
    %swap3A_6 = vector.load %arg3[%swap3A, %swap3A_5] : memref<1024x128xf32, #tpu.memory_space<vmem>>, vector<1024x128xf32>
    tpu.vector_store %arg3[%swap3A, %swap3A_5], %add3A {strides = array<i32>} : memref<1024x128xf32, #tpu.memory_space<vmem>>, vector<1024x128xf32>,
    return
  }
  func.func @transform_0(%arg0: i32) -> (i32, i32) {
    %c0_i32 = arith.constant 0 : i32
    %c0_i32_0 = arith.constant 0 : i32
    return %arg0, %c0_i32 : i32, i32
  }
  func.func @transform_1(%arg0: i32) -> (i32, i32) {
    %c0_i32 = arith.constant 0 : i32
    %c0_i32_0 = arith.constant 0 : i32
    return %arg0, %c0_i32 : i32, i32
  }
  func.func @transform_2(%arg0: i32) -> (i32, i32) {
    %c0_i32 = arith.constant 0 : i32
    %c0_i32_0 = arith.constant 0 : i32
    return %arg0, %c0_i32 : i32, i32
  }
}

module attributes {stable_mosaic.version = 14 : i64} {
  func.func @body(%arg0: i32, %arg1: i32, %arg2: memref<2000x128xf32, #tpu.memory_space<vmem>>, %arg3: memref<2000x128xf32, #tpu.memory_space<vmem>>, %arg4: memref<128x128xf32, #tpu.memory_space<vmem>>, %arg5: memref<1x128xf32, #tpu.memory_space<vmem>>, %arg6: memref<1x128xf32, #tpu.memory_space<vmem>>, %arg7: memref<1x128xf32, #tpu.memory_space<vmem>>, %arg8: memref<128x128xf32, #tpu.memory_space<vmem>>, %arg9: memref<1x128xf32, #tpu.memory_space<vmem>>, %arg10: memref<1x128xf32, #tpu.memory_space<vmem>>, %arg11: memref<1x128xf32, #tpu.memory_space<vmem>>, %arg12: memref<2000x128xf32, #tpu.memory_space<vmem>>, %arg13: memref<10000x128xf32, #tpu.memory_space<vmem>>, %arg14: memref<10000x128xf32, #tpu.memory_space<vmem>>, %arg15: memref<8x128xf32, #tpu.memory_space<vmem>>, %arg16: memref<8x128xf32, #tpu.memory_space<vmem>>) attributes {dimension_semantics = [#tpu.dimension_semantics<arbitrary>, #tpu.dimension_semantics<arbitrary>], iteration_bounds = array<i64: 3, 5>, scalar_prefetch = 0 : i64, scratch_operands = 4 : i64, tpu.core_type = #tpu.core_type<tc>, window_params = [{transform_indices = @transform_0, window_bounds = array<i64: 2000, 128>}, {transform_indices = @transform_1, window_bounds = array<i64: 2000, 128>}, {pipeline_mode = #tpu.pipeline_mode<synchronous>, transform_indices = @transform_2, window_bounds = array<i64: 128, 128>}, {pipeline_mode = #tpu.pipeline_mode<synchronous>, transform_indices = @transform_3, window_bounds = array<i64: 1, 128>}, {pipeline_mode = #tpu.pipeline_mode<synchronous>, transform_indices = @transform_4, window_bounds = array<i64: 1, 128>}, {pipeline_mode = #tpu.pipeline_mode<synchronous>, transform_indices = @transform_5, window_bounds = array<i64: 1, 128>}, {pipeline_mode = #tpu.pipeline_mode<synchronous>, transform_indices = @transform_6, window_bounds = array<i64: 128, 128>}, {pipeline_mode = #tpu.pipeline_mode<synchronous>, transform_indices = @transform_7, window_bounds = array<i64: 1, 128>}, {pipeline_mode = #tpu.pipeline_mode<synchronous>, transform_indices = @transform_8, window_bounds = array<i64: 1, 128>}, {pipeline_mode = #tpu.pipeline_mode<synchronous>, transform_indices = @transform_9, window_bounds = array<i64: 1, 128>}, {transform_indices = @transform_10, window_bounds = array<i64: 2000, 128>}]} {
    %mul3A = arith.constant 2000 : i32
    %mul3A_0 = arith.muli %arg1, %mul3A : i32
    %eq3A = arith.constant 0 : i32
    %eq3A_1 = arith.cmpi eq, %arg0, %eq3A : i32
    %convert_element_type3A = arith.extui %eq3A_1 : i1 to i32
    %cond3A = arith.constant 0 : i32
    %cond3A_2 = arith.cmpi ne, %convert_element_type3A, %cond3A : i32
    scf.if %cond3A_2 {
      %eq3A_13 = arith.constant 0 : i32
      %eq3A_14 = arith.cmpi eq, %arg1, %eq3A_13 : i32
      %convert_element_type3A_15 = arith.extui %eq3A_14 : i1 to i32
      %cond3A_16 = arith.constant 0 : i32
      %cond3A_17 = arith.cmpi ne, %convert_element_type3A_15, %cond3A_16 : i32
      scf.if %cond3A_17 {
        %broadcast_in_dim3A_53 = arith.constant 0.000000e+00 : f32
        %broadcast_in_dim3A_54 = vector.broadcast %broadcast_in_dim3A_53 : f32 to vector<8x128xf32>
        %swap3A_55 = arith.constant 0 : index
        %swap3A_56 = arith.constant 0 : index
        %swap3A_57 = vector.load %arg15[%swap3A_55, %swap3A_56] : memref<8x128xf32, #tpu.memory_space<vmem>>, vector<8x128xf32>
        tpu.vector_store %arg15[%swap3A_55, %swap3A_56], %broadcast_in_dim3A_54 {strides = array<i32>} : memref<8x128xf32, #tpu.memory_space<vmem>>, vector<8x128xf32>,
        %broadcast_in_dim3A_58 = arith.constant 0.000000e+00 : f32
        %broadcast_in_dim3A_59 = vector.broadcast %broadcast_in_dim3A_58 : f32 to vector<8x128xf32>
        %swap3A_60 = arith.constant 0 : index
        %swap3A_61 = arith.constant 0 : index
        %swap3A_62 = vector.load %arg16[%swap3A_60, %swap3A_61] : memref<8x128xf32, #tpu.memory_space<vmem>>, vector<8x128xf32>
        tpu.vector_store %arg16[%swap3A_60, %swap3A_61], %broadcast_in_dim3A_59 {strides = array<i32>} : memref<8x128xf32, #tpu.memory_space<vmem>>, vector<8x128xf32>,
      } else {
      }
      %get3A = arith.constant 0 : index
      %get3A_18 = arith.constant 0 : index
      %get3A_19 = vector.load %arg2[%get3A, %get3A_18] : memref<2000x128xf32, #tpu.memory_space<vmem>>, vector<2000x128xf32>
      %get3A_20 = arith.constant 0 : index
      %get3A_21 = arith.constant 0 : index
      %get3A_22 = vector.load %arg3[%get3A_20, %get3A_21] : memref<2000x128xf32, #tpu.memory_space<vmem>>, vector<2000x128xf32>
      %add3A = arith.addf %get3A_19, %get3A_22 : vector<2000x128xf32>
      %get3A_23 = arith.constant 0 : index
      %get3A_24 = arith.constant 0 : index
      %get3A_25 = vector.load %arg4[%get3A_23, %get3A_24] : memref<128x128xf32, #tpu.memory_space<vmem>>, vector<128x128xf32>
      %dot_general3A = arith.constant dense<0.000000e+00> : vector<2000x128xf32>
      %dot_general3A_26 = tpu.matmul %add3A, %get3A_25, %dot_general3A {dimension_numbers = #tpu.dot_dimension_numbers<[1], [0], [0], [1], [0, 0, 1, 1], [], []>, transpose_lhs_hint = false} : vector<2000x128xf32>, vector<128x128xf32>, vector<2000x128xf32> -> vector<2000x128xf32>
      %get3A_27 = arith.constant 0 : index
      %get3A_28 = arith.constant 0 : index
      %get3A_29 = vector.load %arg5[%get3A_27, %get3A_28] : memref<1x128xf32, #tpu.memory_space<vmem>>, vector<1x128xf32>
      %add3A_30 = vector.broadcast %get3A_29 : vector<1x128xf32> to vector<2000x128xf32>
      %add3A_31 = arith.addf %dot_general3A_26, %add3A_30 : vector<2000x128xf32>
      %swap3A = arith.index_cast %mul3A_0 : i32 to index
      %swap3A_32 = arith.constant 0 : index
      %swap3A_33 = vector.load %arg13[%swap3A, %swap3A_32] : memref<10000x128xf32, #tpu.memory_space<vmem>>, vector<2000x128xf32>
      tpu.vector_store %arg13[%swap3A, %swap3A_32], %add3A_31 {strides = array<i32>} : memref<10000x128xf32, #tpu.memory_space<vmem>>, vector<2000x128xf32>,
      %get3A_34 = arith.constant 0 : index
      %get3A_35 = arith.constant 0 : index
      %get3A_36 = vector.load %arg15[%get3A_34, %get3A_35] : memref<8x128xf32, #tpu.memory_space<vmem>>, vector<1x128xf32>
      %reduce_sum3A = arith.constant dense<0.000000e+00> : vector<128xf32>
      %reduce_sum3A_37 = vector.multi_reduction <add>, %add3A_31, %reduce_sum3A [0] : vector<2000x128xf32> to vector<128xf32>
      %broadcast_in_dim3A = vector.shape_cast %reduce_sum3A_37 : vector<128xf32> to vector<1x128xf32>
      %add3A_38 = arith.addf %get3A_36, %broadcast_in_dim3A : vector<1x128xf32>
      %swap3A_39 = arith.constant 0 : index
      %swap3A_40 = arith.constant 0 : index
      %swap3A_41 = vector.load %arg15[%swap3A_39, %swap3A_40] : memref<8x128xf32, #tpu.memory_space<vmem>>, vector<1x128xf32>
      tpu.vector_store %arg15[%swap3A_39, %swap3A_40], %add3A_38 {strides = array<i32>} : memref<8x128xf32, #tpu.memory_space<vmem>>, vector<1x128xf32>,
      %get3A_42 = arith.constant 1 : index
      %get3A_43 = arith.constant 0 : index
      %get3A_44 = vector.load %arg15[%get3A_42, %get3A_43] : memref<8x128xf32, #tpu.memory_space<vmem>>, vector<1x128xf32>
      %mul3A_45 = arith.mulf %add3A_31, %add3A_31 : vector<2000x128xf32>
      %reduce_sum3A_46 = arith.constant dense<0.000000e+00> : vector<128xf32>
      %reduce_sum3A_47 = vector.multi_reduction <add>, %mul3A_45, %reduce_sum3A_46 [0] : vector<2000x128xf32> to vector<128xf32>
      %broadcast_in_dim3A_48 = vector.shape_cast %reduce_sum3A_47 : vector<128xf32> to vector<1x128xf32>
      %add3A_49 = arith.addf %get3A_44, %broadcast_in_dim3A_48 : vector<1x128xf32>
      %swap3A_50 = arith.constant 1 : index
      %swap3A_51 = arith.constant 0 : index
      %swap3A_52 = vector.load %arg15[%swap3A_50, %swap3A_51] : memref<8x128xf32, #tpu.memory_space<vmem>>, vector<1x128xf32>
      tpu.vector_store %arg15[%swap3A_50, %swap3A_51], %add3A_49 {strides = array<i32>} : memref<8x128xf32, #tpu.memory_space<vmem>>, vector<1x128xf32>,
    } else {
    }
    %eq3A_3 = arith.constant 1 : i32
    %eq3A_4 = arith.cmpi eq, %arg0, %eq3A_3 : i32
    %convert_element_type3A_5 = arith.extui %eq3A_4 : i1 to i32
    %cond3A_6 = arith.constant 0 : i32
    %cond3A_7 = arith.cmpi ne, %convert_element_type3A_5, %cond3A_6 : i32
    scf.if %cond3A_7 {
      %get3A = arith.constant 0 : index
      %get3A_13 = arith.constant 0 : index
      %get3A_14 = vector.load %arg6[%get3A, %get3A_13] : memref<1x128xf32, #tpu.memory_space<vmem>>, vector<1x128xf32>
      %get3A_15 = arith.constant 0 : index
      %get3A_16 = arith.constant 0 : index
      %get3A_17 = vector.load %arg7[%get3A_15, %get3A_16] : memref<1x128xf32, #tpu.memory_space<vmem>>, vector<1x128xf32>
      %get3A_18 = arith.constant 0 : index
      %get3A_19 = arith.constant 0 : index
      %get3A_20 = vector.load %arg15[%get3A_18, %get3A_19] : memref<8x128xf32, #tpu.memory_space<vmem>>, vector<1x128xf32>
      %mul3A_21 = arith.constant 9.99999974E-5 : f32
      %mul3A_22 = vector.broadcast %mul3A_21 : f32 to vector<1x128xf32>
      %mul3A_23 = arith.mulf %get3A_20, %mul3A_22 : vector<1x128xf32>
      %get3A_24 = arith.constant 1 : index
      %get3A_25 = arith.constant 0 : index
      %get3A_26 = vector.load %arg15[%get3A_24, %get3A_25] : memref<8x128xf32, #tpu.memory_space<vmem>>, vector<1x128xf32>
      %mul3A_27 = arith.constant 9.99999974E-5 : f32
      %mul3A_28 = vector.broadcast %mul3A_27 : f32 to vector<1x128xf32>
      %mul3A_29 = arith.mulf %get3A_26, %mul3A_28 : vector<1x128xf32>
      %mul3A_30 = arith.mulf %mul3A_23, %mul3A_23 : vector<1x128xf32>
      %sub3A = arith.subf %mul3A_29, %mul3A_30 : vector<1x128xf32>
      %add3A = arith.constant 9.99999974E-6 : f32
      %add3A_31 = vector.broadcast %add3A : f32 to vector<1x128xf32>
      %add3A_32 = arith.addf %sub3A, %add3A_31 : vector<1x128xf32>
      %rsqrt3A = math.rsqrt %add3A_32 : vector<1x128xf32>
      %mul3A_33 = arith.mulf %get3A_14, %rsqrt3A : vector<1x128xf32>
      %mul3A_34 = arith.mulf %mul3A_23, %mul3A_33 : vector<1x128xf32>
      %sub3A_35 = arith.subf %get3A_17, %mul3A_34 : vector<1x128xf32>
      %get3A_36 = arith.index_cast %mul3A_0 : i32 to index
      %get3A_37 = arith.constant 0 : index
      %get3A_38 = vector.load %arg13[%get3A_36, %get3A_37] : memref<10000x128xf32, #tpu.memory_space<vmem>>, vector<2000x128xf32>
      %mul3A_39 = vector.broadcast %mul3A_33 : vector<1x128xf32> to vector<2000x128xf32>
      %mul3A_40 = arith.mulf %get3A_38, %mul3A_39 : vector<2000x128xf32>
      %add3A_41 = vector.broadcast %sub3A_35 : vector<1x128xf32> to vector<2000x128xf32>
      %add3A_42 = arith.addf %mul3A_40, %add3A_41 : vector<2000x128xf32>
      %max3A = arith.constant 0.000000e+00 : f32
      %max3A_43 = vector.broadcast %max3A : f32 to vector<2000x128xf32>
      %max3A_44 = arith.maximumf %add3A_42, %max3A_43 : vector<2000x128xf32>
      %get3A_45 = arith.constant 0 : index
      %get3A_46 = arith.constant 0 : index
      %get3A_47 = vector.load %arg8[%get3A_45, %get3A_46] : memref<128x128xf32, #tpu.memory_space<vmem>>, vector<128x128xf32>
      %dot_general3A = arith.constant dense<0.000000e+00> : vector<2000x128xf32>
      %dot_general3A_48 = tpu.matmul %max3A_44, %get3A_47, %dot_general3A {dimension_numbers = #tpu.dot_dimension_numbers<[1], [0], [0], [1], [0, 0, 1, 1], [], []>, transpose_lhs_hint = false} : vector<2000x128xf32>, vector<128x128xf32>, vector<2000x128xf32> -> vector<2000x128xf32>
      %get3A_49 = arith.constant 0 : index
      %get3A_50 = arith.constant 0 : index
      %get3A_51 = vector.load %arg9[%get3A_49, %get3A_50] : memref<1x128xf32, #tpu.memory_space<vmem>>, vector<1x128xf32>
      %add3A_52 = vector.broadcast %get3A_51 : vector<1x128xf32> to vector<2000x128xf32>
      %add3A_53 = arith.addf %dot_general3A_48, %add3A_52 : vector<2000x128xf32>
      %swap3A = arith.index_cast %mul3A_0 : i32 to index
      %swap3A_54 = arith.constant 0 : index
      %swap3A_55 = vector.load %arg14[%swap3A, %swap3A_54] : memref<10000x128xf32, #tpu.memory_space<vmem>>, vector<2000x128xf32>
      tpu.vector_store %arg14[%swap3A, %swap3A_54], %add3A_53 {strides = array<i32>} : memref<10000x128xf32, #tpu.memory_space<vmem>>, vector<2000x128xf32>,
      %get3A_56 = arith.constant 0 : index
      %get3A_57 = arith.constant 0 : index
      %get3A_58 = vector.load %arg16[%get3A_56, %get3A_57] : memref<8x128xf32, #tpu.memory_space<vmem>>, vector<1x128xf32>
      %reduce_sum3A = arith.constant dense<0.000000e+00> : vector<128xf32>
      %reduce_sum3A_59 = vector.multi_reduction <add>, %add3A_53, %reduce_sum3A [0] : vector<2000x128xf32> to vector<128xf32>
      %broadcast_in_dim3A = vector.shape_cast %reduce_sum3A_59 : vector<128xf32> to vector<1x128xf32>
      %add3A_60 = arith.addf %get3A_58, %broadcast_in_dim3A : vector<1x128xf32>
      %swap3A_61 = arith.constant 0 : index
      %swap3A_62 = arith.constant 0 : index
      %swap3A_63 = vector.load %arg16[%swap3A_61, %swap3A_62] : memref<8x128xf32, #tpu.memory_space<vmem>>, vector<1x128xf32>
      tpu.vector_store %arg16[%swap3A_61, %swap3A_62], %add3A_60 {strides = array<i32>} : memref<8x128xf32, #tpu.memory_space<vmem>>, vector<1x128xf32>,
      %get3A_64 = arith.constant 1 : index
      %get3A_65 = arith.constant 0 : index
      %get3A_66 = vector.load %arg16[%get3A_64, %get3A_65] : memref<8x128xf32, #tpu.memory_space<vmem>>, vector<1x128xf32>
      %mul3A_67 = arith.mulf %add3A_53, %add3A_53 : vector<2000x128xf32>
      %reduce_sum3A_68 = arith.constant dense<0.000000e+00> : vector<128xf32>
      %reduce_sum3A_69 = vector.multi_reduction <add>, %mul3A_67, %reduce_sum3A_68 [0] : vector<2000x128xf32> to vector<128xf32>
      %broadcast_in_dim3A_70 = vector.shape_cast %reduce_sum3A_69 : vector<128xf32> to vector<1x128xf32>
      %add3A_71 = arith.addf %get3A_66, %broadcast_in_dim3A_70 : vector<1x128xf32>
      %swap3A_72 = arith.constant 1 : index
      %swap3A_73 = arith.constant 0 : index
      %swap3A_74 = vector.load %arg16[%swap3A_72, %swap3A_73] : memref<8x128xf32, #tpu.memory_space<vmem>>, vector<1x128xf32>
      tpu.vector_store %arg16[%swap3A_72, %swap3A_73], %add3A_71 {strides = array<i32>} : memref<8x128xf32, #tpu.memory_space<vmem>>, vector<1x128xf32>,
    } else {
    }
    %eq3A_8 = arith.constant 2 : i32
    %eq3A_9 = arith.cmpi eq, %arg0, %eq3A_8 : i32
    %convert_element_type3A_10 = arith.extui %eq3A_9 : i1 to i32
    %cond3A_11 = arith.constant 0 : i32
    %cond3A_12 = arith.cmpi ne, %convert_element_type3A_10, %cond3A_11 : i32
    scf.if %cond3A_12 {
      %get3A = arith.constant 0 : index
      %get3A_13 = arith.constant 0 : index
      %get3A_14 = vector.load %arg10[%get3A, %get3A_13] : memref<1x128xf32, #tpu.memory_space<vmem>>, vector<1x128xf32>
      %get3A_15 = arith.constant 0 : index
      %get3A_16 = arith.constant 0 : index
      %get3A_17 = vector.load %arg11[%get3A_15, %get3A_16] : memref<1x128xf32, #tpu.memory_space<vmem>>, vector<1x128xf32>
      %get3A_18 = arith.constant 0 : index
      %get3A_19 = arith.constant 0 : index
      %get3A_20 = vector.load %arg16[%get3A_18, %get3A_19] : memref<8x128xf32, #tpu.memory_space<vmem>>, vector<1x128xf32>
      %mul3A_21 = arith.constant 9.99999974E-5 : f32
      %mul3A_22 = vector.broadcast %mul3A_21 : f32 to vector<1x128xf32>
      %mul3A_23 = arith.mulf %get3A_20, %mul3A_22 : vector<1x128xf32>
      %get3A_24 = arith.constant 1 : index
      %get3A_25 = arith.constant 0 : index
      %get3A_26 = vector.load %arg16[%get3A_24, %get3A_25] : memref<8x128xf32, #tpu.memory_space<vmem>>, vector<1x128xf32>
      %mul3A_27 = arith.constant 9.99999974E-5 : f32
      %mul3A_28 = vector.broadcast %mul3A_27 : f32 to vector<1x128xf32>
      %mul3A_29 = arith.mulf %get3A_26, %mul3A_28 : vector<1x128xf32>
      %mul3A_30 = arith.mulf %mul3A_23, %mul3A_23 : vector<1x128xf32>
      %sub3A = arith.subf %mul3A_29, %mul3A_30 : vector<1x128xf32>
      %add3A = arith.constant 9.99999974E-6 : f32
      %add3A_31 = vector.broadcast %add3A : f32 to vector<1x128xf32>
      %add3A_32 = arith.addf %sub3A, %add3A_31 : vector<1x128xf32>
      %rsqrt3A = math.rsqrt %add3A_32 : vector<1x128xf32>
      %mul3A_33 = arith.mulf %get3A_14, %rsqrt3A : vector<1x128xf32>
      %mul3A_34 = arith.mulf %mul3A_23, %mul3A_33 : vector<1x128xf32>
      %sub3A_35 = arith.subf %get3A_17, %mul3A_34 : vector<1x128xf32>
      %get3A_36 = arith.index_cast %mul3A_0 : i32 to index
      %get3A_37 = arith.constant 0 : index
      %get3A_38 = vector.load %arg14[%get3A_36, %get3A_37] : memref<10000x128xf32, #tpu.memory_space<vmem>>, vector<2000x128xf32>
      %mul3A_39 = vector.broadcast %mul3A_33 : vector<1x128xf32> to vector<2000x128xf32>
      %mul3A_40 = arith.mulf %get3A_38, %mul3A_39 : vector<2000x128xf32>
      %add3A_41 = vector.broadcast %sub3A_35 : vector<1x128xf32> to vector<2000x128xf32>
      %add3A_42 = arith.addf %mul3A_40, %add3A_41 : vector<2000x128xf32>
      %max3A = arith.constant 0.000000e+00 : f32
      %max3A_43 = vector.broadcast %max3A : f32 to vector<2000x128xf32>
      %max3A_44 = arith.maximumf %add3A_42, %max3A_43 : vector<2000x128xf32>
      %swap3A = arith.constant 0 : index
      %swap3A_45 = arith.constant 0 : index
      %swap3A_46 = vector.load %arg12[%swap3A, %swap3A_45] : memref<2000x128xf32, #tpu.memory_space<vmem>>, vector<2000x128xf32>
      tpu.vector_store %arg12[%swap3A, %swap3A_45], %max3A_44 {strides = array<i32>} : memref<2000x128xf32, #tpu.memory_space<vmem>>, vector<2000x128xf32>,
    } else {
    }
    return
  }
  func.func @transform_0(%arg0: i32, %arg1: i32) -> (i32, i32) {
    %eq3A = arith.constant 0 : i32
    %eq3A_0 = arith.cmpi eq, %arg0, %eq3A : i32
    %convert_element_type3A = arith.extui %eq3A_0 : i1 to i32
    %mul3A = arith.muli %arg1, %convert_element_type3A : i32
    %c0_i32 = arith.constant 0 : i32
    %c0_i32_1 = arith.constant 0 : i32
    return %mul3A, %c0_i32 : i32, i32
  }
  func.func @transform_1(%arg0: i32, %arg1: i32) -> (i32, i32) {
    %eq3A = arith.constant 0 : i32
    %eq3A_0 = arith.cmpi eq, %arg0, %eq3A : i32
    %convert_element_type3A = arith.extui %eq3A_0 : i1 to i32
    %mul3A = arith.muli %arg1, %convert_element_type3A : i32
    %c0_i32 = arith.constant 0 : i32
    %c0_i32_1 = arith.constant 0 : i32
    return %mul3A, %c0_i32 : i32, i32
  }
  func.func @transform_2(%arg0: i32, %arg1: i32) -> (i32, i32) {
    %c0_i32 = arith.constant 0 : i32
    %c0_i32_0 = arith.constant 0 : i32
    %c0_i32_1 = arith.constant 0 : i32
    return %c0_i32, %c0_i32_0 : i32, i32
  }
  func.func @transform_3(%arg0: i32, %arg1: i32) -> (i32, i32) {
    %c0_i32 = arith.constant 0 : i32
    %c0_i32_0 = arith.constant 0 : i32
    %c0_i32_1 = arith.constant 0 : i32
    return %c0_i32, %c0_i32_0 : i32, i32
  }
  func.func @transform_4(%arg0: i32, %arg1: i32) -> (i32, i32) {
    %c0_i32 = arith.constant 0 : i32
    %c0_i32_0 = arith.constant 0 : i32
    %c0_i32_1 = arith.constant 0 : i32
    return %c0_i32, %c0_i32_0 : i32, i32
  }
  func.func @transform_5(%arg0: i32, %arg1: i32) -> (i32, i32) {
    %c0_i32 = arith.constant 0 : i32
    %c0_i32_0 = arith.constant 0 : i32
    %c0_i32_1 = arith.constant 0 : i32
    return %c0_i32, %c0_i32_0 : i32, i32
  }
  func.func @transform_6(%arg0: i32, %arg1: i32) -> (i32, i32) {
    %c0_i32 = arith.constant 0 : i32
    %c0_i32_0 = arith.constant 0 : i32
    %c0_i32_1 = arith.constant 0 : i32
    return %c0_i32, %c0_i32_0 : i32, i32
  }
  func.func @transform_7(%arg0: i32, %arg1: i32) -> (i32, i32) {
    %c0_i32 = arith.constant 0 : i32
    %c0_i32_0 = arith.constant 0 : i32
    %c0_i32_1 = arith.constant 0 : i32
    return %c0_i32, %c0_i32_0 : i32, i32
  }
  func.func @transform_8(%arg0: i32, %arg1: i32) -> (i32, i32) {
    %c0_i32 = arith.constant 0 : i32
    %c0_i32_0 = arith.constant 0 : i32
    %c0_i32_1 = arith.constant 0 : i32
    return %c0_i32, %c0_i32_0 : i32, i32
  }
  func.func @transform_9(%arg0: i32, %arg1: i32) -> (i32, i32) {
    %c0_i32 = arith.constant 0 : i32
    %c0_i32_0 = arith.constant 0 : i32
    %c0_i32_1 = arith.constant 0 : i32
    return %c0_i32, %c0_i32_0 : i32, i32
  }
  func.func @transform_10(%arg0: i32, %arg1: i32) -> (i32, i32) {
    %c0_i32 = arith.constant 0 : i32
    %c0_i32_0 = arith.constant 0 : i32
    return %arg1, %c0_i32 : i32, i32
  }
}

module attributes {stable_mosaic.version = 14 : i64} {
  func.func @body(%arg0: i32, %arg1: memref<2000x128xf32, #tpu.memory_space<vmem>>, %arg2: memref<2000x128xf32, #tpu.memory_space<vmem>>, %arg3: memref<2000x128xf32, #tpu.memory_space<vmem>>, %arg4: memref<2000x128xf32, #tpu.memory_space<vmem>>, %arg5: memref<1x1x2048xf32, #tpu.memory_space<vmem>>, %arg6: memref<1x1x2048xf32, #tpu.memory_space<vmem>>, %arg7: memref<1x1x2048xi32, #tpu.memory_space<vmem>>, %arg8: memref<128x40xf32, #tpu.memory_space<vmem>>, %arg9: memref<128x40xf32, #tpu.memory_space<vmem>>, %arg10: memref<1x40xf32, #tpu.memory_space<vmem>>, %arg11: memref<64x40xf32, #tpu.memory_space<vmem>>, %arg12: memref<64x40xf32, #tpu.memory_space<vmem>>, %arg13: memref<64x8xf32, #tpu.memory_space<vmem>>) attributes {dimension_semantics = [#tpu.dimension_semantics<arbitrary>], iteration_bounds = array<i64: 5>, scalar_prefetch = 0 : i64, scratch_operands = 2 : i64, tpu.core_type = #tpu.core_type<tc>, window_params = [{transform_indices = @transform_0, window_bounds = array<i64: 2000, 128>}, {transform_indices = @transform_1, window_bounds = array<i64: 2000, 128>}, {transform_indices = @transform_2, window_bounds = array<i64: 2000, 128>}, {transform_indices = @transform_3, window_bounds = array<i64: 2000, 128>}, {transform_indices = @transform_4, window_bounds = array<i64: 1, 1, 2048>}, {transform_indices = @transform_5, window_bounds = array<i64: 1, 1, 2048>}, {transform_indices = @transform_6, window_bounds = array<i64: 1, 1, 2048>}, {pipeline_mode = #tpu.pipeline_mode<synchronous>, transform_indices = @transform_7, window_bounds = array<i64: 128, 40>}, {pipeline_mode = #tpu.pipeline_mode<synchronous>, transform_indices = @transform_8, window_bounds = array<i64: 128, 40>}, {pipeline_mode = #tpu.pipeline_mode<synchronous>, transform_indices = @transform_9, window_bounds = array<i64: 1, 40>}, {pipeline_mode = #tpu.pipeline_mode<synchronous>, transform_indices = @transform_10, window_bounds = array<i64: 64, 40>}]} {
    %get3A = arith.constant 0 : index
    %get3A_0 = arith.constant 0 : index
    %get3A_1 = arith.constant 0 : index
    %get3A_2 = vector.load %arg5[%get3A, %get3A_0, %get3A_1] : memref<1x1x2048xf32, #tpu.memory_space<vmem>>, vector<1x1x2000xf32>
    %get3A_3 = vector.shape_cast %get3A_2 : vector<1x1x2000xf32> to vector<2000xf32>
    %get3A_4 = arith.constant 0 : index
    %get3A_5 = arith.constant 0 : index
    %get3A_6 = arith.constant 0 : index
    %get3A_7 = vector.load %arg6[%get3A_4, %get3A_5, %get3A_6] : memref<1x1x2048xf32, #tpu.memory_space<vmem>>, vector<1x1x2000xf32>
    %get3A_8 = vector.shape_cast %get3A_7 : vector<1x1x2000xf32> to vector<2000xf32>
    %add3A = arith.addf %get3A_3, %get3A_8 : vector<2000xf32>
    %eq3A = arith.constant 0.000000e+00 : f32
    %eq3A_9 = vector.broadcast %eq3A : f32 to vector<2000xf32>
    %eq3A_10 = arith.cmpf oeq, %add3A, %eq3A_9 : vector<2000xf32>
    %jit3A = arith.constant 1.000000e+00 : f32
    %broadcast_in_dim3A = vector.broadcast %jit3A : f32 to vector<2000xf32>
    %select_n3A = arith.select %eq3A_10, %broadcast_in_dim3A, %add3A : vector<2000xi1>, vector<2000xf32>
    %eq3A_11 = arith.constant 0.000000e+00 : f32
    %eq3A_12 = vector.broadcast %eq3A_11 : f32 to vector<2000xf32>
    %eq3A_13 = arith.cmpf oeq, %add3A, %eq3A_12 : vector<2000xf32>
    %div3A = arith.constant 1.000000e+00 : f32
    %div3A_14 = vector.broadcast %div3A : f32 to vector<2000xf32>
    %div3A_15 = arith.divf %div3A_14, %select_n3A : vector<2000xf32>
    %jit3A_16 = arith.constant 1.000000e+00 : f32
    %broadcast_in_dim3A_17 = vector.broadcast %jit3A_16 : f32 to vector<2000xf32>
    %select_n3A_18 = arith.select %eq3A_13, %broadcast_in_dim3A_17, %div3A_15 : vector<2000xi1>, vector<2000xf32>
    %get3A_19 = arith.constant 0 : index
    %get3A_20 = arith.constant 0 : index
    %get3A_21 = vector.load %arg1[%get3A_19, %get3A_20] : memref<2000x128xf32, #tpu.memory_space<vmem>>, vector<2000x128xf32>
    %get3A_22 = arith.constant 0 : index
    %get3A_23 = arith.constant 0 : index
    %get3A_24 = vector.load %arg2[%get3A_22, %get3A_23] : memref<2000x128xf32, #tpu.memory_space<vmem>>, vector<2000x128xf32>
    %add3A_25 = arith.addf %get3A_21, %get3A_24 : vector<2000x128xf32>
    %broadcast_in_dim3A_26 = vector.shape_cast %select_n3A_18 : vector<2000xf32> to vector<2000x1xf32>
    %mul3A = vector.broadcast %broadcast_in_dim3A_26 : vector<2000x1xf32> to vector<2000x128xf32>
    %mul3A_27 = arith.mulf %add3A_25, %mul3A : vector<2000x128xf32>
    %get3A_28 = arith.constant 0 : index
    %get3A_29 = arith.constant 0 : index
    %get3A_30 = vector.load %arg3[%get3A_28, %get3A_29] : memref<2000x128xf32, #tpu.memory_space<vmem>>, vector<2000x128xf32>
    %get3A_31 = arith.constant 0 : index
    %get3A_32 = arith.constant 0 : index
    %get3A_33 = vector.load %arg4[%get3A_31, %get3A_32] : memref<2000x128xf32, #tpu.memory_space<vmem>>, vector<2000x128xf32>
    %add3A_34 = arith.addf %get3A_30, %get3A_33 : vector<2000x128xf32>
    %broadcast_in_dim3A_35 = vector.shape_cast %select_n3A_18 : vector<2000xf32> to vector<2000x1xf32>
    %mul3A_36 = vector.broadcast %broadcast_in_dim3A_35 : vector<2000x1xf32> to vector<2000x128xf32>
    %mul3A_37 = arith.mulf %add3A_34, %mul3A_36 : vector<2000x128xf32>
    %get3A_38 = arith.constant 0 : index
    %get3A_39 = arith.constant 0 : index
    %get3A_40 = vector.load %arg8[%get3A_38, %get3A_39] : memref<128x40xf32, #tpu.memory_space<vmem>>, vector<128x40xf32>
    %dot_general3A = arith.constant dense<0.000000e+00> : vector<2000x40xf32>
    %dot_general3A_41 = tpu.matmul %mul3A_27, %get3A_40, %dot_general3A {dimension_numbers = #tpu.dot_dimension_numbers<[1], [0], [0], [1], [0, 0, 1, 1], [], []>, transpose_lhs_hint = false} : vector<2000x128xf32>, vector<128x40xf32>, vector<2000x40xf32> -> vector<2000x40xf32>
    %get3A_42 = arith.constant 0 : index
    %get3A_43 = arith.constant 0 : index
    %get3A_44 = vector.load %arg9[%get3A_42, %get3A_43] : memref<128x40xf32, #tpu.memory_space<vmem>>, vector<128x40xf32>
    %dot_general3A_45 = arith.constant dense<0.000000e+00> : vector<2000x40xf32>
    %dot_general3A_46 = tpu.matmul %mul3A_37, %get3A_44, %dot_general3A_45 {dimension_numbers = #tpu.dot_dimension_numbers<[1], [0], [0], [1], [0, 0, 1, 1], [], []>, transpose_lhs_hint = false} : vector<2000x128xf32>, vector<128x40xf32>, vector<2000x40xf32> -> vector<2000x40xf32>
    %add3A_47 = arith.addf %dot_general3A_41, %dot_general3A_46 : vector<2000x40xf32>
    %get3A_48 = arith.constant 0 : index
    %get3A_49 = arith.constant 0 : index
    %get3A_50 = vector.load %arg10[%get3A_48, %get3A_49] : memref<1x40xf32, #tpu.memory_space<vmem>>, vector<1x40xf32>
    %add3A_51 = vector.broadcast %get3A_50 : vector<1x40xf32> to vector<2000x40xf32>
    %add3A_52 = arith.addf %add3A_47, %add3A_51 : vector<2000x40xf32>
    %get3A_53 = arith.constant 0 : index
    %get3A_54 = arith.constant 0 : index
    %get3A_55 = arith.constant 0 : index
    %get3A_56 = vector.load %arg7[%get3A_53, %get3A_54, %get3A_55] : memref<1x1x2048xi32, #tpu.memory_space<vmem>>, vector<1x1x2000xi32>
    %get3A_57 = vector.shape_cast %get3A_56 : vector<1x1x2000xi32> to vector<2000xi32>
    %iota3A = tpu.iota {dimensions = array<i32: 0>} : vector<64x2000xi32>
    %broadcast_in_dim3A_58 = vector.shape_cast %get3A_57 : vector<2000xi32> to vector<1x2000xi32>
    %eq3A_59 = vector.broadcast %broadcast_in_dim3A_58 : vector<1x2000xi32> to vector<64x2000xi32>
    %eq3A_60 = arith.cmpi eq, %iota3A, %eq3A_59 : vector<64x2000xi32>
    %convert_element_type3A = arith.extui %eq3A_60 : vector<64x2000xi1> to vector<64x2000xi32>
    %convert_element_type3A_61 = arith.sitofp %convert_element_type3A : vector<64x2000xi32> to vector<64x2000xf32>
    %eq3A_62 = arith.constant 0 : i32
    %eq3A_63 = arith.cmpi eq, %arg0, %eq3A_62 : i32
    %convert_element_type3A_64 = arith.extui %eq3A_63 : i1 to i32
    %cond3A = arith.constant 0 : i32
    %cond3A_65 = arith.cmpi ne, %convert_element_type3A_64, %cond3A : i32
    scf.if %cond3A_65 {
      %broadcast_in_dim3A_96 = arith.constant 0.000000e+00 : f32
      %broadcast_in_dim3A_97 = vector.broadcast %broadcast_in_dim3A_96 : f32 to vector<64x40xf32>
      %swap3A_98 = arith.constant 0 : index
      %swap3A_99 = arith.constant 0 : index
      %swap3A_100 = vector.load %arg12[%swap3A_98, %swap3A_99] : memref<64x40xf32, #tpu.memory_space<vmem>>, vector<64x40xf32>
      tpu.vector_store %arg12[%swap3A_98, %swap3A_99], %broadcast_in_dim3A_97 {strides = array<i32>} : memref<64x40xf32, #tpu.memory_space<vmem>>, vector<64x40xf32>,
      %broadcast_in_dim3A_101 = arith.constant 0.000000e+00 : f32
      %broadcast_in_dim3A_102 = vector.broadcast %broadcast_in_dim3A_101 : f32 to vector<64x8xf32>
      %swap3A_103 = arith.constant 0 : index
      %swap3A_104 = arith.constant 0 : index
      %swap3A_105 = vector.load %arg13[%swap3A_103, %swap3A_104] : memref<64x8xf32, #tpu.memory_space<vmem>>, vector<64x8xf32>
      tpu.vector_store %arg13[%swap3A_103, %swap3A_104], %broadcast_in_dim3A_102 {strides = array<i32>} : memref<64x8xf32, #tpu.memory_space<vmem>>, vector<64x8xf32>,
    } else {
    }
    %get3A_66 = arith.constant 0 : index
    %get3A_67 = arith.constant 0 : index
    %get3A_68 = vector.load %arg12[%get3A_66, %get3A_67] : memref<64x40xf32, #tpu.memory_space<vmem>>, vector<64x40xf32>
    %dot_general3A_69 = arith.constant dense<0.000000e+00> : vector<64x40xf32>
    %dot_general3A_70 = tpu.matmul %convert_element_type3A_61, %add3A_52, %dot_general3A_69 {dimension_numbers = #tpu.dot_dimension_numbers<[1], [0], [0], [1], [0, 0, 1, 1], [], []>, transpose_lhs_hint = false} : vector<64x2000xf32>, vector<2000x40xf32>, vector<64x40xf32> -> vector<64x40xf32>
    %add3A_71 = arith.addf %get3A_68, %dot_general3A_70 : vector<64x40xf32>
    %swap3A = arith.constant 0 : index
    %swap3A_72 = arith.constant 0 : index
    %swap3A_73 = vector.load %arg12[%swap3A, %swap3A_72] : memref<64x40xf32, #tpu.memory_space<vmem>>, vector<64x40xf32>
    tpu.vector_store %arg12[%swap3A, %swap3A_72], %add3A_71 {strides = array<i32>} : memref<64x40xf32, #tpu.memory_space<vmem>>, vector<64x40xf32>,
    %get3A_74 = arith.constant 0 : index
    %get3A_75 = arith.constant 0 : index
    %get3A_76 = vector.load %arg13[%get3A_74, %get3A_75] : memref<64x8xf32, #tpu.memory_space<vmem>>, vector<64x1xf32>
    %reduce_sum3A = arith.constant dense<0.000000e+00> : vector<64xf32>
    %reduce_sum3A_77 = vector.multi_reduction <add>, %convert_element_type3A_61, %reduce_sum3A [1] : vector<64x2000xf32> to vector<64xf32>
    %broadcast_in_dim3A_78 = vector.shape_cast %reduce_sum3A_77 : vector<64xf32> to vector<64x1xf32>
    %add3A_79 = arith.addf %get3A_76, %broadcast_in_dim3A_78 : vector<64x1xf32>
    %swap3A_80 = arith.constant 0 : index
    %swap3A_81 = arith.constant 0 : index
    %swap3A_82 = vector.load %arg13[%swap3A_80, %swap3A_81] : memref<64x8xf32, #tpu.memory_space<vmem>>, vector<64x1xf32>
    tpu.vector_store %arg13[%swap3A_80, %swap3A_81], %add3A_79 {strides = array<i32>} : memref<64x8xf32, #tpu.memory_space<vmem>>, vector<64x1xf32>,
    %get3A_83 = arith.constant 0 : index
    %get3A_84 = arith.constant 0 : index
    %get3A_85 = vector.load %arg12[%get3A_83, %get3A_84] : memref<64x40xf32, #tpu.memory_space<vmem>>, vector<64x40xf32>
    %get3A_86 = arith.constant 0 : index
    %get3A_87 = arith.constant 0 : index
    %get3A_88 = vector.load %arg13[%get3A_86, %get3A_87] : memref<64x8xf32, #tpu.memory_space<vmem>>, vector<64x1xf32>
    %max3A = arith.constant 1.000000e+00 : f32
    %max3A_89 = vector.broadcast %max3A : f32 to vector<64x1xf32>
    %max3A_90 = arith.maximumf %get3A_88, %max3A_89 : vector<64x1xf32>
    %div3A_91 = vector.broadcast %max3A_90 : vector<64x1xf32> to vector<64x40xf32>
    %div3A_92 = arith.divf %get3A_85, %div3A_91 : vector<64x40xf32>
    %swap3A_93 = arith.constant 0 : index
    %swap3A_94 = arith.constant 0 : index
    %swap3A_95 = vector.load %arg11[%swap3A_93, %swap3A_94] : memref<64x40xf32, #tpu.memory_space<vmem>>, vector<64x40xf32>
    tpu.vector_store %arg11[%swap3A_93, %swap3A_94], %div3A_92 {strides = array<i32>} : memref<64x40xf32, #tpu.memory_space<vmem>>, vector<64x40xf32>,
    return
  }
  func.func @transform_0(%arg0: i32) -> (i32, i32) {
    %c0_i32 = arith.constant 0 : i32
    %c0_i32_0 = arith.constant 0 : i32
    return %arg0, %c0_i32 : i32, i32
  }
  func.func @transform_1(%arg0: i32) -> (i32, i32) {
    %c0_i32 = arith.constant 0 : i32
    %c0_i32_0 = arith.constant 0 : i32
    return %arg0, %c0_i32 : i32, i32
  }
  func.func @transform_2(%arg0: i32) -> (i32, i32) {
    %c0_i32 = arith.constant 0 : i32
    %c0_i32_0 = arith.constant 0 : i32
    return %arg0, %c0_i32 : i32, i32
  }
  func.func @transform_3(%arg0: i32) -> (i32, i32) {
    %c0_i32 = arith.constant 0 : i32
    %c0_i32_0 = arith.constant 0 : i32
    return %arg0, %c0_i32 : i32, i32
  }
  func.func @transform_4(%arg0: i32) -> (i32, i32, i32) {
    %c0_i32 = arith.constant 0 : i32
    %c0_i32_0 = arith.constant 0 : i32
    %c0_i32_1 = arith.constant 0 : i32
    return %arg0, %c0_i32, %c0_i32_0 : i32, i32, i32
  }
  func.func @transform_5(%arg0: i32) -> (i32, i32, i32) {
    %c0_i32 = arith.constant 0 : i32
    %c0_i32_0 = arith.constant 0 : i32
    %c0_i32_1 = arith.constant 0 : i32
    return %arg0, %c0_i32, %c0_i32_0 : i32, i32, i32
  }
  func.func @transform_6(%arg0: i32) -> (i32, i32, i32) {
    %c0_i32 = arith.constant 0 : i32
    %c0_i32_0 = arith.constant 0 : i32
    %c0_i32_1 = arith.constant 0 : i32
    return %arg0, %c0_i32, %c0_i32_0 : i32, i32, i32
  }
  func.func @transform_7(%arg0: i32) -> (i32, i32) {
    %c0_i32 = arith.constant 0 : i32
    %c0_i32_0 = arith.constant 0 : i32
    %c0_i32_1 = arith.constant 0 : i32
    return %c0_i32, %c0_i32_0 : i32, i32
  }
  func.func @transform_8(%arg0: i32) -> (i32, i32) {
    %c0_i32 = arith.constant 0 : i32
    %c0_i32_0 = arith.constant 0 : i32
    %c0_i32_1 = arith.constant 0 : i32
    return %c0_i32, %c0_i32_0 : i32, i32
  }
  func.func @transform_9(%arg0: i32) -> (i32, i32) {
    %c0_i32 = arith.constant 0 : i32
    %c0_i32_0 = arith.constant 0 : i32
    %c0_i32_1 = arith.constant 0 : i32
    return %c0_i32, %c0_i32_0 : i32, i32
  }
  func.func @transform_10(%arg0: i32) -> (i32, i32) {
    %c0_i32 = arith.constant 0 : i32
    %c0_i32_0 = arith.constant 0 : i32
    %c0_i32_1 = arith.constant 0 : i32
    return %c0_i32, %c0_i32_0 : i32, i32
  }
}

</mosaic_0001>

<sc_bundles>
// kernel: kernel.15.cloned.1.call-start
scs
__scs_entry_jumppad:
0x0: {  	(pc) =	sbr.rel $0x88, $3  }
0x1: {  	(tag) =	ssettag $0x0;
	lr =	simm.s32 $0x1  }
0x2: {  	[smem:$0x3F8B] =	sst lr;
	_ =	strace $0xD0000000  }
0x3: {  	_ = 	snop  }
0x4: {  	_ = 	snop  }
0x5: {  	_ = 	snop  }
0x6: {  	_ = 	snop  }
0x7: {  	_ = 	snop  }
__scs_overlays_trampoline_lowered:
0x8: {  	[smem:$0x3F9A] =	sst s0  }
0x9: {  	[smem:$0x3F9B] =	sst s1  }
0xa: {  	[smem:$0x3F9C] =	sst s2  }
0xb: {  	[smem:$0x3F9D] =	sst s3  }
0xc: {  	[smem:$0x3F9E] =	sst s4  }
0xd: {  	[smem:$0x3F9F] =	sst s5  }
0xe: {  	[smem:$0x3FA0] =	sst s6  }
0xf: {  	[smem:$0x3FA1] =	sst s7  }
0x10: {  	[smem:$0x3FA2] =	sst s8  }
0x11: {  	[smem:$0x3FA3] =	sst s9;
	s0 =	simm.s32 @!p0 $0x0  }
0x12: {  	s1 =	sld [smem:$0x3F89];
	s0 =	simm.s32 @p0 $0x1  }
0x13: {  	[smem:$0x3FA4] =	sst s0;
	s0 =	simm.s32 @!p1 $0x0  }
0x14: {  	s2 =	sld [smem:$0x3F88];
	s0 =	simm.s32 @p1 $0x1  }
0x15: {  	[smem:$0x3FA5] =	sst s0;
	s0 =	simm.s32 @!p2 $0x0  }
0x16: {  	s3 =	sld [smem:$0x3FDB];
	s0 =	simm.s32 @p2 $0x1  }
0x17: {  	s4 =	simm.s32 $0x1BF5;
	[smem:$0x3FA7] =	sst s0  }
0x18: {  	s0 =	sld [smem:$0x3F8A];
	_ =	swait.ge [sflag:s4], $0x0  }
0x19: {  	s7 =	sld [smem:$0x3F8B]  }
0x1a: {  	s8 =	sadd.s32 $0xFFFFE003, lr  }
0x1b: {  	s9 =	sadd.s32 $0xFFFFFEF7, lr;
	s5 =	simm.s32 $0xFFFFFFFF;
	p2 =	slt.u32 s8, $0xFFFFF086  }
0x1c: {  	p1 =	slt.u32 s9, $0xF7A;
	s5 =	simm.s32 @!p2 $0x0  }
0x1d: {  	s5 =	simm.s32 @p1 $0x1;
	p0 =	seq.s32 s7, s2  }
0x1e: {  	s7 =	smul.u32 @!p0 $0xF7A, s2;
	p2 =	seq.s32 @!p0 s5, $0x0  }
0x1f: {  	s9 =	smul.u32 $0xF7A, s1;
	s8 =	simm.s32 @!p0 $0x1BF5;
	p2 =	por !p2, p0  }
0x20: {  	[sflag:s8] =	ssyncset.s32 @!p0 $0xFFFFF086;
	s6 =	sadd.s32 @!p0 s3, s7;
	s7 =	simm.s32 @!p0 $0x108  }
0x21: {  	s3 =	sadd.s32 s3, s9;
	s6 =	sadd.s32 @!p0 $0x88, s6;
	s7 =	simm.s32 @p2 $0x1082  }
0x22: {  	[simem:s7], [sflag:s8] =	dma.local @!p0 [hbm:s6], $0xF7A  }
0x23: {  	s9 =	sor.u32 $0xD0000000, s2;
	s6 =	simm.s32 $0x108;
	_ =	swait.ge @!p0 [sflag:s8], $0x0  }
0x24: {  	s3 =	sadd.s32 $0x88, s3;
	s6 =	simm.s32 @!p1 $0x1082;
	[sflag:s4] =	ssyncset.s32 $0xFFFFF086  }
0x25: {  	[simem:s6], [sflag:s4] =	dma.local [hbm:s3], $0xF7A  }
0x26: {  	[smem:$0x3F8B] =	sst s1;
	(tag) =	ssettag s2;
	_ =	strace s9  }
0x27: {  	s1 =	sld [smem:$0x3F9B]  }
0x28: {  	s2 =	sld [smem:$0x3F9C]  }
0x29: {  	s4 =	sld [smem:$0x3F9E]  }
0x2a: {  	p0 =	seq.s32 s5, $0x0;
	s5 =	sld [smem:$0x3F9F]  }
0x2b: {  	s6 =	sld [smem:$0x3FA0]  }
0x2c: {  	s7 =	sld [smem:$0x3FA1]  }
0x2d: {  	s3 =	simm.s32 $0x108;
	s8 =	sld [smem:$0x3FA2]  }
0x2e: {  	s3 =	simm.s32 @!p0 $0x1082;
	s9 =	sld [smem:$0x3FA3]  }
0x2f: {  	lr =	sadd.s32 s0, s3;
	s0 =	sld [smem:$0x3F9A]  }
0x30: {  	s3 =	sld [smem:$0x3F9D]  }
0x31: {  	[smem:$0x3FA6] =	sst s10  }
0x32: {  	s10 =	sld [smem:$0x3FA4];
	_ =	sdelay $0x3  }
0x33: {  	p0 =	seq.s32 s10, $0x1;
	s10 =	sld [smem:$0x3FA6];
	_ =	sdelay $0x3  }
0x34: {  	[smem:$0x3FA6] =	sst s10  }
0x35: {  	s10 =	sld [smem:$0x3FA5];
	_ =	sdelay $0x3  }
0x36: {  	p1 =	seq.s32 s10, $0x1;
	s10 =	sld [smem:$0x3FA6];
	_ =	sdelay $0x3  }
0x37: {  	[smem:$0x3FA6] =	sst s10  }
0x38: {  	s10 =	sld [smem:$0x3FA7]  }
0x39: {  	_ = 	snop;
	(pc) =	sbr.ind lr, $3  }
0x3a: {  	_ = 	snop  }
0x3b: {  	_ = 	snop  }
0x3c: {  	p2 =	seq.s32 s10, $0x1;
	s10 =	sld [smem:$0x3FA6]  }
0x3d: {  	_ =	shalt  }
0x3e: {  	_ =	shalt  }
0x3f: {  	_ =	shalt  }
0x40: {  	_ =	shalt  }
0x41: {  	_ =	shalt  }
0x42: {  	_ =	shalt  }
0x43: {  	_ =	shalt  }
0x44: {  	_ =	shalt  }
0x45: {  	_ =	shalt  }
0x46: {  	_ =	shalt  }
0x47: {  	_ =	shalt  }
0x48: {  	_ =	shalt  }
0x49: {  	_ =	shalt  }
0x4a: {  	_ =	shalt  }
0x4b: {  	_ =	shalt  }
0x4c: {  	_ =	shalt  }
0x4d: {  	_ =	shalt  }
0x4e: {  	_ =	shalt  }
0x4f: {  	_ =	shalt  }
0x50: {  	_ =	shalt  }
0x51: {  	_ =	shalt  }
0x52: {  	_ =	shalt  }
0x53: {  	_ =	shalt  }
0x54: {  	_ =	shalt  }
0x55: {  	_ =	shalt  }
0x56: {  	_ =	shalt  }
0x57: {  	_ =	shalt  }
0x58: {  	_ =	shalt  }
0x59: {  	_ =	shalt  }
0x5a: {  	_ =	shalt  }
0x5b: {  	_ =	shalt  }
0x5c: {  	_ =	shalt  }
0x5d: {  	_ =	shalt  }
0x5e: {  	_ =	shalt  }
0x5f: {  	_ =	shalt  }
0x60: {  	_ =	shalt  }
0x61: {  	_ =	shalt  }
0x62: {  	_ =	shalt  }
0x63: {  	_ =	shalt  }
0x64: {  	_ =	shalt  }
0x65: {  	_ =	shalt  }
0x66: {  	_ =	shalt  }
0x67: {  	_ =	shalt  }
0x68: {  	_ =	shalt  }
0x69: {  	_ =	shalt  }
0x6a: {  	_ =	shalt  }
0x6b: {  	_ =	shalt  }
0x6c: {  	_ =	shalt  }
0x6d: {  	_ =	shalt  }
0x6e: {  	_ =	shalt  }
0x6f: {  	_ =	shalt  }
0x70: {  	_ =	shalt  }
0x71: {  	_ =	shalt  }
0x72: {  	_ =	shalt  }
0x73: {  	_ =	shalt  }
0x74: {  	_ =	shalt  }
0x75: {  	_ =	shalt  }
0x76: {  	_ =	shalt  }
0x77: {  	_ =	shalt  }
0x78: {  	_ =	shalt  }
0x79: {  	_ =	shalt  }
0x7a: {  	_ =	shalt  }
0x7b: {  	_ =	shalt  }
0x7c: {  	_ =	shalt  }
0x7d: {  	_ =	shalt  }
0x7e: {  	_ =	shalt  }
0x7f: {  	_ =	shalt  }
0x80: {  	_ =	shalt  }
0x81: {  	_ =	shalt  }
0x82: {  	_ =	shalt  }
0x83: {  	_ =	shalt  }
0x84: {  	_ =	shalt  }
0x85: {  	_ =	shalt  }
0x86: {  	_ =	shalt  }
0x87: {  	_ =	shalt  }
.Lfunc_end0:
.L_simem_size_0:
called_computation_lowered:
.L_overlay_start_0:
0x88: {  	s2 =	sld [smem:$0x3FD9]  }
0x89: {  	s3 =	sld [smem:$0x3FFE];
	_ =	sdelay $0x1  }
0x8a: {  	s1 =	srdreg.scid  }
0x8b: {  	s0 =	sand.u32 $0x1, s1  }
0x8c: {  	s17 =	sshll.u32 s0, $0xA;
	s2 =	sadd.s32 s3, s2  }
0x8d: {  	s2 =	sadd.s32 s2, s17  }
0x8e: {  	[smem:$0x3FB2] =	sst s2  }
0x8f: {  	_ = 	snop  }
0x90: {  	s18 =	sld [smem:$0x3FD0];
	(tm) =	ssettm $0x1  }
0x91: {  	s19 =	sld [smem:$0x3FFB];
	_ =	sdelay $0x3  }
0x92: {  	_ =	strace s19  }
0x93: {  	s2 =	sld [smem:$0x3FFC];
	_ =	sdelay $0x3  }
0x94: {  	_ =	strace s2  }
0x95: {  	s2 =	sld [smem:$0x3FFD];
	_ =	sdelay $0x3  }
0x96: {  	_ =	strace s2  }
0x97: {  	_ =	strace $0x8FFFFFFF  }
0x98: {  	s20 =	sld [smem:$0x3FDB];
	_ =	sdelay $0x1  }
0x99: {  	s4 =	simm.s32 $_scs_section_size  }
0x9a: {  	s5 =	simm.s32 $_size__tile_overlayer_lowered;
	s6 =	simm.s32 $_tile_overlayer_lowered  }
0x9b: {  	s7 =	simm.s32 $0x1BFF;
	s21 =	sshll.u32 s6, $0x1;
	s4 =	sadd.s32 s4, s20  }
0x9c: {  	s22 =	simm.s32 $0x0;
	s5 =	sshll.u32 s5, $0x1;
	s6 =	sadd.s32 s21, s4  }
0x9d: {  	[timem:s22], [sflag:s7] =	dma.local [hbm:s6], s5  }
0x9e: {  	_ =	swait.ge [sflag:s7], s5  }
0x9f: {  	s5 =	ssub.s32 $0x0, s5;
	[sflag:s7] =	ssyncset.done $0x0  }
0xa0: {  	[sflag:s7] =	ssyncadd.s32 s5;
	_ =	sdelay $0x1  }
0xa1: {  	s23 =	simm.s32 $0x1B8B  }
0xa2: {  	_ =	swait.ge [sflag:s23], $0x1  }
0xa3: {  	[sflag:s23] =	ssyncset.done $0x0  }
0xa4: {  	[sflag:s23] =	ssyncadd.s32 $0xFFFFFFFF  }
0xa5: {  	s5 =	sld [smem:$0x0]  }
0xa6: {  	s6 =	sand.u32 $0xFFFFFFFE, s1  }
0xa7: {  	p0 =	sne.s32 s1, s6  }
0xa8: {  	s6 =	sshll.u32 @p0 s6, $0xE  }
0xa9: {  	s6 =	sadd.s32 @p0 $0x11B8D, s6;
	s7 =	sshll.u32 @p0 s5, $0x11  }
0xaa: {  	s6 =	sor.u32 @p0 s7, s6  }
0xab: {  	[sflag:s6] =	ssyncadd.remote.s32 @p0 $0x1;
	_ =	sdelay $0x1  }
0xac: {  	s6 =	simm.s32 @p0 $0x1B8D  }
0xad: {  	_ =	swait.eq @p0 [sflag:s6], $0x1  }
0xae: {  	[sflag:s6] =	ssyncadd.s32 @p0 $0xFFFFFFFF  }
0xaf: {  	s7 =	sshll.u32 @!p0 s1, $0xE  }
0xb0: {  	s7 =	sor.u32 @!p0 $0x4000, s7;
	s6 =	simm.s32 @!p0 $0x1B8D  }
0xb1: {  	s5 =	sshll.u32 @!p0 s5, $0x11;
	s7 =	sadd.s32 @!p0 $0x11B8D, s7;
	_ =	swait.eq @!p0 [sflag:s6], $0x1  }
0xb2: {  	s5 =	sor.u32 @!p0 s5, s7;
	[sflag:s6] =	ssyncadd.s32 @!p0 $0xFFFFFFFF  }
0xb3: {  	s25 =	simm.s32 $0x1B8E;
	s24 =	sld [smem:$0x3FFE];
	[sflag:s5] =	ssyncadd.remote.s32 @!p0 $0x1  }
0xb4: {  	s26 =	simm.s32 $execute0_lowered;
	[smem:$0x3FD2] =	sst s25  }
0xb5: {  	s6 =	sshll.u32 s26, $0x1;
	_ =	strace $0x80000055;
	[dreg:$0x1] =	wrdreg $0xFFFFFFFF  }
0xb6: {  	s28 =	simm.s32 $_size_execute0_lowered;
	s4 =	sadd.s32 s4, s6;
	[dreg:$0x0] =	wrdreg $0x0  }
0xb7: {  	s6 =	sshll.u32 s28, $0x1;
	[dreg:$0x2] =	wrdreg s4  }
0xb8: {  	[dreg:$0x3] =	wrdreg s6  }
0xb9: {  	[dreg:$0x4] =	wrdreg $0xC0  }
0xba: {  	_ =	task [dreg:s22], $0x5FFFF  }
0xbb: {  	[dreg:$0x1] =	wrdreg $0xFFFFFFFF  }
0xbc: {  	[dreg:$0x0] =	wrdreg $0x60  }
0xbd: {  	[dreg:$0x2] =	wrdreg s24  }
0xbe: {  	[dreg:$0x3] =	wrdreg s18  }
0xbf: {  	[dreg:$0x4] =	wrdreg $0x52800  }
0xc0: {  	[dreg:$0x5] =	wrdreg $0x55000  }
0xc1: {  	[dreg:$0x6] =	wrdreg $0x9  }
0xc2: {  	_ =	task.clear_ibuf [dreg:s22], $0x7FFFF;
	_ =	strace $0x90000055  }
0xc3: {  	s29 =	simm.s32 $0x9;
	_ =	strace $0x80000057  }
0xc4: {  	_ =	swait.ge [sflag:s29], $0x1  }
0xc5: {  	[sflag:s29] =	ssyncadd.s32 $0xFFFFFFFF  }
0xc6: {  	_ =	strace $0x90000057  }
0xc7: {  	_ =	sfence  }
0xc8: {  	s30 =	sld [smem:$0x0];
	_ =	sdelay $0x2  }
0xc9: {  	s31 =	sshll.u32 s1, $0xD;
	s1 =	sshrl.u32 s1, $0x2  }
0xca: {  	s4 =	sand.u32 $0x4000, s31;
	s1 =	sadd.s32 s1, s30  }
0xcb: {  	s0 =	sor.u32 s4, s0;
	s1 =	sshll.u32 s1, $0x11  }
0xcc: {  	s0 =	sor.u32 s1, s0  }
0xcd: {  	s0 =	sadd.s32 $0x8F2B, s0  }
0xce: {  	[sflag:s0] =	ssyncadd.remote.s32 $0x1  }
0xcf: {  	_ =	sfence.sel $0xFFFF  }
0xd0: {  	[dreg:$0x0] =	wrdreg $0xFFFFFFFF;
	(pc) =	sbr.abs _section_cstart, $3  }
0xd1: {  	[dreg:$0x1] =	wrdreg $0xFFFFFFFF  }
0xd2: {  	_ =	task.clear_ibuf [dreg:s22], $0x2FFFF;
	_ =	strace $0x9FFFFFFF  }
0xd3: {  	(tm) =	ssettm $0x7FFFFFFF  }
tec
execute0_lowered:
.L_overlay_start_1:
0x0: {  	(tag) =	ssettag $0x1  }
0x1: {  	s0 =	rddreg [dreg:$0x0]  }
0x2: {  	s3 =	rddreg [dreg:$0x2]  }
0x3: {  	s4 =	rddreg [dreg:$0x3]  }
0x4: {  	s14 =	stileid.u32;
	s1 =	srdreg.scid;
	s5 =	simm.s32 $0x0  }
0x5: {  	s12 =	simm.s32 $0xA;
	s13 =	simm.s32 $0x80;
	s15 =	simm.s32 $0x3C80  }
0x6: {  	s19 =	simm.s32 $0x1;
	s20 =	simm.s32 $0x5080;
	s30 =	simm.s32 $0x5200  }
0x7: {  	s31 =	simm.s32 $0x4;
	s29 =	simm.s32 $0x7;
	s21 =	simm.s32 $0x8  }
0x8: {  	s28 =	simm.s32 $0x9;
	s2 =	smul.u32 $0x500, s14;
	s1 =	sand.u32 $0x1, s1  }
0x9: {  	s7 =	smul.u32 $0x280, s14;
	[smem:$0x7FF] =	sst s5;
	s9 =	sadd.s32 $0x3EC00, s0  }
0xa: {  	s26 =	sshll.u32 s14, $0x6;
	s6 =	sshll.u32 s1, $0x4;
	s8 =	smul.u32 $0x2800, s1  }
0xb: {  	_ =	strace $0x80000056;
	[dreg:$0x5] =	wrdreg s9;
	s1 =	ssub.s32 $0x2, s1  }
0xc: {  	s16 =	sor.u32 $0x1C0A, s26;
	s26 =	simm.s32 $0x3;
	s6 =	sor.u32 s14, s6  }
0xd: {  	s2 =	sadd.s32 s2, s0;
	s22 =	sshrl.u32 s1, $0x1;
	s24 =	sadd.s32 s7, s3  }
0xe: {  	s25 =	sadd.s32 s7, s4;
	s14 =	simm.s32 $0x2880;
	s6 =	smul.u32 $0x280, s6  }
0xf: {  	s8 =	sadd.s32 s7, s8;
	s1 =	ssub.s32 s1, s22;
	s2 =	sadd.s32 $0x39C00, s2  }
0x10: {  	s17 =	sshrl.u32 s24, $0x3;
	s18 =	sshrl.u32 s25, $0x3;
	s22 =	simm.s32 $0x5100  }
.Ltmp0:
0x11: {  	s25 =	simm.s32 $0x5180;
	s24 =	simm.s32 $0x5;
	(pc) =	sbr.rel .LBB2_1-.Ltmp0, $4  }
0x12: {  	s8 =	sshrl.u32 s8, $0x3;
	[dreg:$0x6] =	wrdreg s2;
	s11 =	smax.u32 s1, $0x1  }
0x13: {  	s1 =	simm.s32 $0x6;
	s6 =	sadd.s32 s6, s0;
	s0 =	sadd.s32 s8, s0  }
0x14: {  	s23 =	sadd.s32 $0x62A00, s6;
	s9 =	sadd.s32 $0x67A00, s6;
	s10 =	sadd.s32 $0x3EE00, s0  }
0x15: {  	s0 =	simm.s32 $0x0;
	[dreg:$0x7] =	wrdreg s23;
	s23 =	simm.s32 $0x2  }
.LBB2_8:
0x16: {  	_ =	swait.ge [sflag:s24], $0x80  }
0x17: {  	[sflag:s24] =	ssyncset.done $0x0  }
0x18: {  	[sflag:s24] =	ssyncadd.s32 $0xFFFFFF80  }
0x19: {  	[spmem:s4] =	stream.indirect.scatter.add.f32 [tilespmem:s30], [sflag:$0x9], $0x1, s7, s13, $0xb8;
	[tilespmem:$0x5780] =	vst v63  }
0x1a: {  	_ =	swait.ge [sflag:s1], $0x80  }
0x1b: {  	[sflag:s1] =	ssyncset.done $0x0  }
0x1c: {  	[sflag:s1] =	ssyncadd.s32 $0xFFFFFF80  }
0x1d: {  	_ =	swait.ge [sflag:s29], $0x80  }
0x1e: {  	[sflag:s29] =	ssyncset.done $0x0  }
0x1f: {  	[sflag:s29] =	ssyncadd.s32 $0xFFFFFF80  }
0x20: {  	_ =	swait.ge [sflag:s21], $0x80  }
0x21: {  	[sflag:s21] =	ssyncset.done $0x0  }
0x22: {  	[sflag:s21] =	ssyncadd.s32 $0xFFFFFF80  }
0x23: {  	_ =	swait.ge [sflag:s28], $0x80  }
0x24: {  	s0 =	sadd.s32 $0x1, s0;
	[sflag:s28] =	ssyncset.done $0x0  }
0x25: {  	p0 =	sne.s32 s0, s11;
	[sflag:s28] =	ssyncadd.s32 $0xFFFFFF80  }
.Ltmp1:
0x26: {  	[bflag:$0x0] =	sbarrier.arrive $0xFFFF;
	(pc) =	sbr.rel @!p0 .LBB2_9-.Ltmp1, $4  }
0x27: {  	[hbm:s10], [sflag:s16] =	dma.local [spmem:s18], $0x50  }
0x28: {  	_ =	swait.ge [sflag:s12], $0x50  }
0x29: {  	[sflag:s12] =	ssyncset.done $0x0  }
0x2a: {  	[sflag:s12] =	ssyncadd.s32 $0xFFFFFFB0  }
.LBB2_1:
0x2b: {  	s2 =	rddreg [dreg:$0x5]  }
0x2c: {  	[tilespmem:s5], [sflag:$0xA] =	stream.linear.gather [hbm4b:s2+s5], $0x80, $0x38;
	[tilespmem:$0x5780] =	vst v63  }
0x2d: {  	_ =	swait.ge [sflag:s12], $0x80  }
0x2e: {  	[sflag:s12] =	ssyncset.done $0x0  }
0x2f: {  	s6 =	rddreg [dreg:$0x6];
	[sflag:s12] =	ssyncadd.s32 $0xFFFFFF80  }
0x30: {  	[tilespmem:s13], [sflag:$0xA] =	stream.linear.gather [hbm4b:s6+s5], $0x2780, $0x38;
	[tilespmem:$0x5780] =	vst v63  }
0x31: {  	_ =	swait.ge [sflag:s12], $0x2780  }
0x32: {  	[sflag:s12] =	ssyncset.done $0x0  }
0x33: {  	s7 =	rddreg [dreg:$0x7];
	[sflag:s12] =	ssyncadd.s32 $0xFFFFD880  }
0x34: {  	[tilespmem:s14], [sflag:$0xA] =	stream.linear.gather [hbm4b:s7+s5], $0x1400, $0x38;
	[tilespmem:$0x5780] =	vst v63  }
0x35: {  	_ =	swait.ge [sflag:s12], $0x1400  }
0x36: {  	[sflag:s12] =	ssyncset.done $0x0  }
0x37: {  	[sflag:s12] =	ssyncadd.s32 $0xFFFFEC00  }
0x38: {  	[tilespmem:s15], [sflag:$0xA] =	stream.linear.gather [hbm4b:s9+s5], $0x1400, $0x38;
	[tilespmem:$0x5780] =	vst v63  }
0x39: {  	_ =	swait.ge [sflag:s12], $0x1400  }
0x3a: {  	[sflag:s12] =	ssyncset.done $0x0  }
0x3b: {  	[sflag:s12] =	ssyncadd.s32 $0xFFFFEC00  }
0x3c: {  	s8 =	rddreg [dreg:$0x1]  }
0x3d: {  	[spmem:s17], [sflag:s16] =	dma.local [hbm:s8], $0x50  }
0x3e: {  	_ =	swait.ge [sflag:s12], $0x50  }
0x3f: {  	[sflag:s12] =	ssyncset.done $0x0  }
0x40: {  	[sflag:s12] =	ssyncadd.s32 $0xFFFFFFB0  }
0x41: {  	[spmem:s18], [sflag:s16] =	dma.local [hbm:s8], $0x50  }
0x42: {  	_ =	swait.ge [sflag:s12], $0x50  }
0x43: {  	[sflag:s12] =	ssyncset.done $0x0  }
0x44: {  	[sflag:s12] =	ssyncadd.s32 $0xFFFFFFB0  }
0x45: {  	s2 =	simm.s32 $0x0;
	[bflag:$0x0] =	sbarrier.arrive $0xFFFF  }
.LBB2_2:
0x46: {  	p0 =	sne.s32 s2, $0x9C00  }
.Ltmp2:
0x47: {  	_ = 	snop;
	(pc) =	sbr.rel @p0 .LBB2_2-.Ltmp2, $4  }
0x48: {  	_ = 	snop  }
0x49: {  	s6 =	sshra.s32 s2, $0x2  }
0x4a: {  	s2 =	sadd.s32 $0x200, s2;
	s6 =	sadd.s32 $0x80, s6  }
0x4b: {  	[spmem:s3] =	stream.indirect.scatter.add.f32 [tilespmem:s5], [sflag:$0x1], $0x1, s6, s13, $0xb8;
	[tilespmem:$0x5780] =	vst v63  }
0x4c: {  	_ =	swait.ge [sflag:s19], $0x80  }
0x4d: {  	s2 =	simm.s32 $0x4E;
	[sflag:s19] =	ssyncset.done $0x0  }
.LBB2_4:
0x4e: {  	p0 =	sne.s32 s2, $0x1;
	s2 =	sadd.s32 $0xFFFFFFFF, s2;
	[sflag:s19] =	ssyncadd.s32 $0xFFFFFF80  }
.Ltmp3:
0x4f: {  	(pc) =	sbr.rel @p0 .LBB2_4-.Ltmp3, $3  }
0x50: {  	_ =	sdelay $0x1  }
0x51: {  	_ =	swait.ge [sflag:s19], $0x80  }
0x52: {  	[sflag:s19] =	ssyncset.done $0x0  }
0x53: {  	[sflag:s19] =	ssyncadd.s32 $0xFFFFFF80  }
0x54: {  	[bflag:$0x0] =	sbarrier.arrive $0xFFFF  }
0x55: {  	[tilespmem:s20], [sflag:$0x2] =	stream.indirect.gather [spmem:s3], $0x1, s14, s13, $0xb8;
	[tilespmem:$0x5780] =	vst v63  }
0x56: {  	s2 =	simm.s32 $0x2900  }
0x57: {  	[tilespmem:s22], [sflag:$0x3] =	stream.indirect.gather [spmem:s3], $0x1, s2, s13, $0xb8;
	[tilespmem:$0x5780] =	vst v63  }
0x58: {  	_ =	swait.ge [sflag:s23], $0x80  }
0x59: {  	[sflag:s23] =	ssyncset.done $0x0  }
0x5a: {  	[sflag:s23] =	ssyncadd.s32 $0xFFFFFF80  }
0x5b: {  	[spmem:s4] =	stream.indirect.scatter.add.f32 [tilespmem:s20], [sflag:$0x6], $0x1, s15, s13, $0xb8;
	[tilespmem:$0x5780] =	vst v63  }
0x5c: {  	s8 =	simm.s32 $0x2980  }
0x5d: {  	[tilespmem:s25], [sflag:$0x4] =	stream.indirect.gather [spmem:s3], $0x1, s8, s13, $0xb8;
	[tilespmem:$0x5780] =	vst v63  }
0x5e: {  	_ =	swait.ge [sflag:s26], $0x80  }
0x5f: {  	[sflag:s26] =	ssyncset.done $0x0  }
0x60: {  	s6 =	simm.s32 $0x3D00;
	[sflag:s26] =	ssyncadd.s32 $0xFFFFFF80  }
0x61: {  	[spmem:s4] =	stream.indirect.scatter.add.f32 [tilespmem:s22], [sflag:$0x7], $0x1, s6, s13, $0xb8;
	[tilespmem:$0x5780] =	vst v63  }
0x62: {  	s7 =	simm.s32 $0x2A00  }
0x63: {  	[tilespmem:s30], [sflag:$0x5] =	stream.indirect.gather [spmem:s3], $0x1, s7, s13, $0xb8;
	[tilespmem:$0x5780] =	vst v63  }
0x64: {  	_ =	swait.ge [sflag:s31], $0x80  }
0x65: {  	[sflag:s31] =	ssyncset.done $0x0  }
0x66: {  	s8 =	simm.s32 $0x3D80;
	[sflag:s31] =	ssyncadd.s32 $0xFFFFFF80  }
0x67: {  	[spmem:s4] =	stream.indirect.scatter.add.f32 [tilespmem:s25], [sflag:$0x8], $0x1, s8, s13, $0xb8;
	[tilespmem:$0x5780] =	vst v63  }
0x68: {  	_ =	swait.ge [sflag:s1], $0x80  }
0x69: {  	[sflag:s1] =	ssyncset.done $0x0  }
0x6a: {  	s6 =	simm.s32 $0x2A80;
	[sflag:s1] =	ssyncadd.s32 $0xFFFFFF80  }
0x6b: {  	[tilespmem:s20], [sflag:$0x2] =	stream.indirect.gather [spmem:s3], $0x1, s6, s13, $0xb8;
	[tilespmem:$0x5780] =	vst v63  }
0x6c: {  	_ =	swait.ge [sflag:s24], $0x80  }
0x6d: {  	[sflag:s24] =	ssyncset.done $0x0  }
0x6e: {  	s7 =	simm.s32 $0x3E00;
	[sflag:s24] =	ssyncadd.s32 $0xFFFFFF80  }
0x6f: {  	[spmem:s4] =	stream.indirect.scatter.add.f32 [tilespmem:s30], [sflag:$0x9], $0x1, s7, s13, $0xb8;
	[tilespmem:$0x5780] =	vst v63  }
0x70: {  	_ =	swait.ge [sflag:s29], $0x80  }
0x71: {  	[sflag:s29] =	ssyncset.done $0x0  }
0x72: {  	s2 =	simm.s32 $0x0;
	s8 =	simm.s32 $0x2B00;
	[sflag:s29] =	ssyncadd.s32 $0xFFFFFF80  }
0x73: {  	[tilespmem:s22], [sflag:$0x3] =	stream.indirect.gather [spmem:s3], $0x1, s8, s13, $0xb8;
	[tilespmem:$0x5780] =	vst v63  }
.LBB2_6:
0x74: {  	_ =	swait.ge [sflag:s23], $0x80  }
0x75: {  	s6 =	sshra.s32 s2, $0x2;
	[sflag:s23] =	ssyncset.done $0x0  }
0x76: {  	s7 =	sadd.s32 $0x3E80, s6;
	[sflag:s23] =	ssyncadd.s32 $0xFFFFFF80  }
0x77: {  	[spmem:s4] =	stream.indirect.scatter.add.f32 [tilespmem:s20], [sflag:$0x6], $0x1, s7, s13, $0xb8;
	[tilespmem:$0x5780] =	vst v63  }
0x78: {  	_ =	swait.ge [sflag:s21], $0x80  }
0x79: {  	[sflag:s21] =	ssyncset.done $0x0  }
0x7a: {  	s8 =	sadd.s32 $0x2B80, s6;
	[sflag:s21] =	ssyncadd.s32 $0xFFFFFF80  }
0x7b: {  	[tilespmem:s25], [sflag:$0x4] =	stream.indirect.gather [spmem:s3], $0x1, s8, s13, $0xb8;
	[tilespmem:$0x5780] =	vst v63  }
0x7c: {  	_ =	swait.ge [sflag:s26], $0x80  }
0x7d: {  	[sflag:s26] =	ssyncset.done $0x0  }
0x7e: {  	s8 =	sadd.s32 $0x3F00, s6;
	[sflag:s26] =	ssyncadd.s32 $0xFFFFFF80  }
0x7f: {  	[spmem:s4] =	stream.indirect.scatter.add.f32 [tilespmem:s22], [sflag:$0x7], $0x1, s8, s13, $0xb8;
	[tilespmem:$0x5780] =	vst v63  }
0x80: {  	_ =	swait.ge [sflag:s28], $0x80  }
0x81: {  	[sflag:s28] =	ssyncset.done $0x0  }
0x82: {  	p0 =	seq.s32 s2, $0x4000;
	s8 =	sadd.s32 $0x2C00, s6;
	[sflag:s28] =	ssyncadd.s32 $0xFFFFFF80  }
0x83: {  	[tilespmem:s30], [sflag:$0x5] =	stream.indirect.gather [spmem:s3], $0x1, s8, s13, $0xb8;
	[tilespmem:$0x5780] =	vst v63  }
.Ltmp4:
0x84: {  	_ = 	snop;
	(pc) =	sbr.rel @p0 .LBB2_8-.Ltmp4, $4  }
0x85: {  	_ =	swait.ge [sflag:s31], $0x80  }
0x86: {  	[sflag:s31] =	ssyncset.done $0x0  }
0x87: {  	s7 =	sadd.s32 $0x4000, s6;
	s8 =	sadd.s32 $0x3F80, s6;
	[sflag:s31] =	ssyncadd.s32 $0xFFFFFF80  }
0x88: {  	[spmem:s4] =	stream.indirect.scatter.add.f32 [tilespmem:s25], [sflag:$0x8], $0x1, s8, s13, $0xb8;
	[tilespmem:$0x5780] =	vst v63  }
0x89: {  	_ =	swait.ge [sflag:s1], $0x80  }
0x8a: {  	[sflag:s1] =	ssyncset.done $0x0  }
0x8b: {  	s8 =	sadd.s32 $0x2C80, s6;
	[sflag:s1] =	ssyncadd.s32 $0xFFFFFF80  }
0x8c: {  	[tilespmem:s20], [sflag:$0x2] =	stream.indirect.gather [spmem:s3], $0x1, s8, s13, $0xb8;
	[tilespmem:$0x5780] =	vst v63  }
0x8d: {  	_ =	swait.ge [sflag:s24], $0x80  }
0x8e: {  	[sflag:s24] =	ssyncset.done $0x0  }
0x8f: {  	[sflag:s24] =	ssyncadd.s32 $0xFFFFFF80  }
0x90: {  	[spmem:s4] =	stream.indirect.scatter.add.f32 [tilespmem:s30], [sflag:$0x9], $0x1, s7, s13, $0xb8;
	[tilespmem:$0x5780] =	vst v63  }
.Ltmp5:
0x91: {  	_ = 	snop;
	(pc) =	sbr.rel .LBB2_6-.Ltmp5, $4  }
0x92: {  	_ =	swait.ge [sflag:s29], $0x80  }
0x93: {  	[sflag:s29] =	ssyncset.done $0x0  }
0x94: {  	s2 =	sadd.s32 $0x800, s2;
	s8 =	sadd.s32 $0x2D00, s6;
	[sflag:s29] =	ssyncadd.s32 $0xFFFFFF80  }
0x95: {  	[tilespmem:s22], [sflag:$0x3] =	stream.indirect.gather [spmem:s3], $0x1, s8, s13, $0xb8;
	[tilespmem:$0x5780] =	vst v63  }
.LBB2_9:
0x96: {  	_ =	sfence.sel $0x180000  }
0x97: {  	[bflag:$0x0] =	sbarrier.arrive $0xFFFF  }
0x98: {  	_ =	strace $0x90000056  }
0x99: {  	s0 =	stileid.u32;
	[bflag:$0x2] =	sbarrier.arrive $0xFFFF  }
0x9a: {  	p0 =	sne.s32 s0, $0x0;
	s0 =	rddreg [dreg:$0x4]  }
0x9b: {  	s0 =	sadd.s32 @!p0 $0x100000, s0  }
0x9c: {  	[sflag:s0] =	ssyncadd.tile.s32 @!p0 $0x1;
	_ =	shalt  }
.Lfunc_end2:
_tile_overlayer_lowered:
.L_overlay_start_2:
0x9d: {  	(tag) =	ssettag $0x2  }
0x9e: {  	s0 =	rddreg [dreg:$0x0];
	s2 =	stileid.u32  }
0x9f: {  	s1 =	rddreg [dreg:$0x1];
	p0 =	sne.s32 s2, $0x0  }
0xa0: {  	s3 =	rddreg [dreg:$0x2];
	[bflag:$0x3] =	sbarrier.arrive $0xFFFF;
	s2 =	simm.s32 @!p0 $0x1C0A  }
0xa1: {  	[timem:s3], [sflag:s2] =	dma.local @!p0 [hbm:s0], s1  }
0xa2: {  	s0 =	simm.s32 @!p0 $0xA  }
0xa3: {  	_ =	swait.ge @!p0 [sflag:s0], s1  }
0xa4: {  	s1 =	ssub.s32 @!p0 $0x0, s1;
	[sflag:s0] =	ssyncset.done @!p0 $0x0  }
0xa5: {  	[sflag:s0] =	ssyncadd.s32 @!p0 s1  }
0xa6: {  	[bflag:$0x3] =	sbarrier.arrive $0xFFFF  }
0xa7: {  	_ =	shalt  }

// kernel: kernel.18.cloned.1.call-start
scs
__scs_entry_jumppad:
0x0: {  	(pc) =	sbr.rel $0x88, $3  }
0x1: {  	(tag) =	ssettag $0x0;
	lr =	simm.s32 $0x1  }
0x2: {  	[smem:$0x3F8B] =	sst lr;
	_ =	strace $0xD0000000  }
0x3: {  	_ = 	snop  }
0x4: {  	_ = 	snop  }
0x5: {  	_ = 	snop  }
0x6: {  	_ = 	snop  }
0x7: {  	_ = 	snop  }
__scs_overlays_trampoline_lowered:
0x8: {  	[smem:$0x3F9A] =	sst s0  }
0x9: {  	[smem:$0x3F9B] =	sst s1  }
0xa: {  	[smem:$0x3F9C] =	sst s2  }
0xb: {  	[smem:$0x3F9D] =	sst s3  }
0xc: {  	[smem:$0x3F9E] =	sst s4  }
0xd: {  	[smem:$0x3F9F] =	sst s5  }
0xe: {  	[smem:$0x3FA0] =	sst s6  }
0xf: {  	[smem:$0x3FA1] =	sst s7  }
0x10: {  	[smem:$0x3FA2] =	sst s8  }
0x11: {  	[smem:$0x3FA3] =	sst s9;
	s0 =	simm.s32 @!p0 $0x0  }
0x12: {  	s1 =	sld [smem:$0x3F89];
	s0 =	simm.s32 @p0 $0x1  }
0x13: {  	[smem:$0x3FA4] =	sst s0;
	s0 =	simm.s32 @!p1 $0x0  }
0x14: {  	s2 =	sld [smem:$0x3F88];
	s0 =	simm.s32 @p1 $0x1  }
0x15: {  	[smem:$0x3FA5] =	sst s0;
	s0 =	simm.s32 @!p2 $0x0  }
0x16: {  	s3 =	sld [smem:$0x3FDB];
	s0 =	simm.s32 @p2 $0x1  }
0x17: {  	s4 =	simm.s32 $0x1BF5;
	[smem:$0x3FA7] =	sst s0  }
0x18: {  	s0 =	sld [smem:$0x3F8A];
	_ =	swait.ge [sflag:s4], $0x0  }
0x19: {  	s7 =	sld [smem:$0x3F8B]  }
0x1a: {  	s8 =	sadd.s32 $0xFFFFE003, lr  }
0x1b: {  	s9 =	sadd.s32 $0xFFFFFEF7, lr;
	s5 =	simm.s32 $0xFFFFFFFF;
	p2 =	slt.u32 s8, $0xFFFFF086  }
0x1c: {  	p1 =	slt.u32 s9, $0xF7A;
	s5 =	simm.s32 @!p2 $0x0  }
0x1d: {  	s5 =	simm.s32 @p1 $0x1;
	p0 =	seq.s32 s7, s2  }
0x1e: {  	s7 =	smul.u32 @!p0 $0xF7A, s2;
	p2 =	seq.s32 @!p0 s5, $0x0  }
0x1f: {  	s9 =	smul.u32 $0xF7A, s1;
	s8 =	simm.s32 @!p0 $0x1BF5;
	p2 =	por !p2, p0  }
0x20: {  	[sflag:s8] =	ssyncset.s32 @!p0 $0xFFFFF086;
	s6 =	sadd.s32 @!p0 s3, s7;
	s7 =	simm.s32 @!p0 $0x108  }
0x21: {  	s3 =	sadd.s32 s3, s9;
	s6 =	sadd.s32 @!p0 $0x88, s6;
	s7 =	simm.s32 @p2 $0x1082  }
0x22: {  	[simem:s7], [sflag:s8] =	dma.local @!p0 [hbm:s6], $0xF7A  }
0x23: {  	s9 =	sor.u32 $0xD0000000, s2;
	s6 =	simm.s32 $0x108;
	_ =	swait.ge @!p0 [sflag:s8], $0x0  }
0x24: {  	s3 =	sadd.s32 $0x88, s3;
	s6 =	simm.s32 @!p1 $0x1082;
	[sflag:s4] =	ssyncset.s32 $0xFFFFF086  }
0x25: {  	[simem:s6], [sflag:s4] =	dma.local [hbm:s3], $0xF7A  }
0x26: {  	[smem:$0x3F8B] =	sst s1;
	(tag) =	ssettag s2;
	_ =	strace s9  }
0x27: {  	s1 =	sld [smem:$0x3F9B]  }
0x28: {  	s2 =	sld [smem:$0x3F9C]  }
0x29: {  	s4 =	sld [smem:$0x3F9E]  }
0x2a: {  	p0 =	seq.s32 s5, $0x0;
	s5 =	sld [smem:$0x3F9F]  }
0x2b: {  	s6 =	sld [smem:$0x3FA0]  }
0x2c: {  	s7 =	sld [smem:$0x3FA1]  }
0x2d: {  	s3 =	simm.s32 $0x108;
	s8 =	sld [smem:$0x3FA2]  }
0x2e: {  	s3 =	simm.s32 @!p0 $0x1082;
	s9 =	sld [smem:$0x3FA3]  }
0x2f: {  	lr =	sadd.s32 s0, s3;
	s0 =	sld [smem:$0x3F9A]  }
0x30: {  	s3 =	sld [smem:$0x3F9D]  }
0x31: {  	[smem:$0x3FA6] =	sst s10  }
0x32: {  	s10 =	sld [smem:$0x3FA4];
	_ =	sdelay $0x3  }
0x33: {  	p0 =	seq.s32 s10, $0x1;
	s10 =	sld [smem:$0x3FA6];
	_ =	sdelay $0x3  }
0x34: {  	[smem:$0x3FA6] =	sst s10  }
0x35: {  	s10 =	sld [smem:$0x3FA5];
	_ =	sdelay $0x3  }
0x36: {  	p1 =	seq.s32 s10, $0x1;
	s10 =	sld [smem:$0x3FA6];
	_ =	sdelay $0x3  }
0x37: {  	[smem:$0x3FA6] =	sst s10  }
0x38: {  	s10 =	sld [smem:$0x3FA7]  }
0x39: {  	_ = 	snop;
	(pc) =	sbr.ind lr, $3  }
0x3a: {  	_ = 	snop  }
0x3b: {  	_ = 	snop  }
0x3c: {  	p2 =	seq.s32 s10, $0x1;
	s10 =	sld [smem:$0x3FA6]  }
0x3d: {  	_ =	shalt  }
0x3e: {  	_ =	shalt  }
0x3f: {  	_ =	shalt  }
0x40: {  	_ =	shalt  }
0x41: {  	_ =	shalt  }
0x42: {  	_ =	shalt  }
0x43: {  	_ =	shalt  }
0x44: {  	_ =	shalt  }
0x45: {  	_ =	shalt  }
0x46: {  	_ =	shalt  }
0x47: {  	_ =	shalt  }
0x48: {  	_ =	shalt  }
0x49: {  	_ =	shalt  }
0x4a: {  	_ =	shalt  }
0x4b: {  	_ =	shalt  }
0x4c: {  	_ =	shalt  }
0x4d: {  	_ =	shalt  }
0x4e: {  	_ =	shalt  }
0x4f: {  	_ =	shalt  }
0x50: {  	_ =	shalt  }
0x51: {  	_ =	shalt  }
0x52: {  	_ =	shalt  }
0x53: {  	_ =	shalt  }
0x54: {  	_ =	shalt  }
0x55: {  	_ =	shalt  }
0x56: {  	_ =	shalt  }
0x57: {  	_ =	shalt  }
0x58: {  	_ =	shalt  }
0x59: {  	_ =	shalt  }
0x5a: {  	_ =	shalt  }
0x5b: {  	_ =	shalt  }
0x5c: {  	_ =	shalt  }
0x5d: {  	_ =	shalt  }
0x5e: {  	_ =	shalt  }
0x5f: {  	_ =	shalt  }
0x60: {  	_ =	shalt  }
0x61: {  	_ =	shalt  }
0x62: {  	_ =	shalt  }
0x63: {  	_ =	shalt  }
0x64: {  	_ =	shalt  }
0x65: {  	_ =	shalt  }
0x66: {  	_ =	shalt  }
0x67: {  	_ =	shalt  }
0x68: {  	_ =	shalt  }
0x69: {  	_ =	shalt  }
0x6a: {  	_ =	shalt  }
0x6b: {  	_ =	shalt  }
0x6c: {  	_ =	shalt  }
0x6d: {  	_ =	shalt  }
0x6e: {  	_ =	shalt  }
0x6f: {  	_ =	shalt  }
0x70: {  	_ =	shalt  }
0x71: {  	_ =	shalt  }
0x72: {  	_ =	shalt  }
0x73: {  	_ =	shalt  }
0x74: {  	_ =	shalt  }
0x75: {  	_ =	shalt  }
0x76: {  	_ =	shalt  }
0x77: {  	_ =	shalt  }
0x78: {  	_ =	shalt  }
0x79: {  	_ =	shalt  }
0x7a: {  	_ =	shalt  }
0x7b: {  	_ =	shalt  }
0x7c: {  	_ =	shalt  }
0x7d: {  	_ =	shalt  }
0x7e: {  	_ =	shalt  }
0x7f: {  	_ =	shalt  }
0x80: {  	_ =	shalt  }
0x81: {  	_ =	shalt  }
0x82: {  	_ =	shalt  }
0x83: {  	_ =	shalt  }
0x84: {  	_ =	shalt  }
0x85: {  	_ =	shalt  }
0x86: {  	_ =	shalt  }
0x87: {  	_ =	shalt  }
.Lfunc_end0:
.L_simem_size_0:
called_computation.1_lowered:
.L_overlay_start_0:
0x88: {  	s2 =	sld [smem:$0x3FD9]  }
0x89: {  	s3 =	sld [smem:$0x3FFE];
	_ =	sdelay $0x1  }
0x8a: {  	s1 =	srdreg.scid  }
0x8b: {  	s0 =	sand.u32 $0x1, s1  }
0x8c: {  	s17 =	sshll.u32 s0, $0xA;
	s2 =	sadd.s32 s3, s2  }
0x8d: {  	s2 =	sadd.s32 s2, s17  }
0x8e: {  	[smem:$0x3FB2] =	sst s2  }
0x8f: {  	_ = 	snop  }
0x90: {  	s2 =	sld [smem:$0x3FC9];
	(tm) =	ssettm $0x1  }
0x91: {  	s18 =	sld [smem:$0x3FFB];
	_ =	sdelay $0x3  }
0x92: {  	_ =	strace s18  }
0x93: {  	s3 =	sld [smem:$0x3FFC];
	_ =	sdelay $0x3  }
0x94: {  	_ =	strace s3  }
0x95: {  	s3 =	sld [smem:$0x3FFD];
	_ =	sdelay $0x3  }
0x96: {  	_ =	strace s3  }
0x97: {  	_ =	strace $0x8FFFFFFF  }
0x98: {  	s19 =	sld [smem:$0x3FDB];
	_ =	sdelay $0x1  }
0x99: {  	s4 =	simm.s32 $_scs_section_size  }
0x9a: {  	s5 =	simm.s32 $_size__tile_overlayer_lowered;
	s6 =	simm.s32 $_tile_overlayer_lowered  }
0x9b: {  	s22 =	simm.s32 $0x1BFF;
	s21 =	sshll.u32 s6, $0x1;
	s3 =	sadd.s32 s4, s19  }
0x9c: {  	s7 =	simm.s32 $0x0;
	s20 =	sshll.u32 s5, $0x1;
	s5 =	sadd.s32 s21, s3  }
0x9d: {  	[timem:s7], [sflag:s22] =	dma.local [hbm:s5], s20  }
0x9e: {  	_ =	swait.ge [sflag:s22], s20  }
0x9f: {  	s4 =	ssub.s32 $0x0, s20;
	[sflag:s22] =	ssyncset.done $0x0  }
0xa0: {  	[sflag:s22] =	ssyncadd.s32 s4;
	_ =	sdelay $0x1  }
0xa1: {  	s23 =	simm.s32 $0x1B8B  }
0xa2: {  	_ =	swait.ge [sflag:s23], $0x1  }
0xa3: {  	[sflag:s23] =	ssyncset.done $0x0  }
0xa4: {  	s25 =	simm.s32 $0x1B8E;
	s24 =	sld [smem:$0x3FFE];
	[sflag:s23] =	ssyncadd.s32 $0xFFFFFFFF  }
0xa5: {  	s26 =	simm.s32 $execute0_lowered;
	[smem:$0x3FD2] =	sst s25  }
0xa6: {  	s5 =	sshll.u32 s26, $0x1;
	_ =	strace $0x80000046;
	[dreg:$0x1] =	wrdreg $0xFFFFFFFF  }
0xa7: {  	s28 =	simm.s32 $_size_execute0_lowered;
	s3 =	sadd.s32 s3, s5;
	[dreg:$0x0] =	wrdreg $0x0  }
0xa8: {  	s5 =	sshll.u32 s28, $0x1;
	[dreg:$0x2] =	wrdreg s3  }
0xa9: {  	[dreg:$0x3] =	wrdreg s5  }
0xaa: {  	[dreg:$0x4] =	wrdreg $0xC0  }
0xab: {  	_ =	task [dreg:s7], $0x5FFFF  }
0xac: {  	[dreg:$0x1] =	wrdreg $0xFFFFFFFF  }
0xad: {  	[dreg:$0x0] =	wrdreg $0x60  }
0xae: {  	[dreg:$0x2] =	wrdreg s2  }
0xaf: {  	[dreg:$0x3] =	wrdreg s24  }
0xb0: {  	[dreg:$0x4] =	wrdreg $0xA8000  }
0xb1: {  	[dreg:$0x5] =	wrdreg $0x9  }
0xb2: {  	_ =	task.clear_ibuf [dreg:s7], $0x6FFFF;
	_ =	strace $0x90000046  }
0xb3: {  	s29 =	simm.s32 $0x9;
	_ =	strace $0x80000048  }
0xb4: {  	_ =	swait.ge [sflag:s29], $0x1  }
0xb5: {  	[sflag:s29] =	ssyncadd.s32 $0xFFFFFFFF  }
0xb6: {  	_ =	strace $0x90000048  }
0xb7: {  	_ =	sfence  }
0xb8: {  	s30 =	sld [smem:$0x0];
	_ =	sdelay $0x2  }
0xb9: {  	s31 =	sshll.u32 s1, $0xD;
	s1 =	sshrl.u32 s1, $0x2  }
0xba: {  	s3 =	sand.u32 $0x4000, s31;
	s1 =	sadd.s32 s1, s30  }
0xbb: {  	s0 =	sor.u32 s3, s0;
	s1 =	sshll.u32 s1, $0x11  }
0xbc: {  	s0 =	sor.u32 s1, s0  }
0xbd: {  	s0 =	sadd.s32 $0x8F2B, s0  }
0xbe: {  	[sflag:s0] =	ssyncadd.remote.s32 $0x1  }
0xbf: {  	_ =	sfence.sel $0xFFFF  }
0xc0: {  	[dreg:$0x0] =	wrdreg $0xFFFFFFFF;
	(pc) =	sbr.abs _section_cstart, $3  }
0xc1: {  	[dreg:$0x1] =	wrdreg $0xFFFFFFFF  }
0xc2: {  	_ =	task.clear_ibuf [dreg:s7], $0x2FFFF;
	_ =	strace $0x9FFFFFFF  }
0xc3: {  	(tm) =	ssettm $0x7FFFFFFF  }
tec
execute0_lowered:
.L_overlay_start_1:
0x0: {  	(tag) =	ssettag $0x1  }
0x1: {  	s1 =	rddreg [dreg:$0x0]  }
0x2: {  	s6 =	rddreg [dreg:$0x1]  }
0x3: {  	s0 =	srdreg.scid;
	s3 =	rddreg [dreg:$0x2]  }
0x4: {  	s4 =	simm.s32 $0x0;
	s14 =	simm.s32 $0x80;
	s15 =	simm.s32 $0x2800  }
0x5: {  	s16 =	simm.s32 $0x6800;
	s17 =	simm.s32 $0x1;
	s18 =	simm.s32 $0x2  }
0x6: {  	s19 =	simm.s32 $0x2700;
	s20 =	simm.s32 $0x2780;
	s5 =	sand.u32 $0x1, s0  }
0x7: {  	s21 =	simm.s32 $0x0;
	s0 =	stileid.u32;
	s8 =	smul.u32 $0x140000, s5  }
0x8: {  	[smem:$0x7FF] =	sst s4;
	s2 =	sshll.u32 s5, $0x4;
	s9 =	smul.u32 $0x14000, s0  }
0x9: {  	s31 =	ssub.s32 $0x2, s5;
	s10 =	smul.u32 $0x50000, s0;
	s5 =	sadd.s32 $0x10200, s6  }
0xa: {  	s12 =	sshll.u32 s0, $0x6;
	s2 =	sor.u32 s0, s2;
	s11 =	sshrl.u32 s31, $0x1  }
0xb: {  	s12 =	sor.u32 $0x1C03, s12;
	s7 =	smul.u32 $0x280, s2;
	s2 =	rddreg [dreg:$0x3]  }
0xc: {  	_ =	strace $0x80000047;
	s8 =	sadd.s32 s9, s8;
	s9 =	ssub.s32 s31, s11  }
0xd: {  	s10 =	sshrl.u32 s10, $0x2;
	s11 =	simm.s32 $0x1400;
	s8 =	sshrl.u32 s8, $0x3  }
0xe: {  	s13 =	sadd.s32 s10, s3;
	s9 =	smax.u32 s9, $0x1;
	s10 =	simm.s32 $0x3  }
0xf: {  	s7 =	sadd.s32 s7, s6;
	s8 =	sadd.s32 s8, s6;
	s13 =	sshrl.u32 s13, $0x3  }
0x10: {  	s6 =	sadd.s32 $0x6200, s7;
	s7 =	sadd.s32 $0xB200, s7;
	s8 =	sadd.s32 $0x12A00, s8  }
.LBB2_1:
0x11: {  	[tilespmem:s4], [sflag:$0x3] =	stream.linear.gather [hbm4b:s6+s4], $0x1400, $0x38;
	[tilespmem:$0x1E800] =	vst v63  }
0x12: {  	_ =	swait.ge [sflag:s10], $0x1400  }
0x13: {  	[sflag:s10] =	ssyncset.done $0x0  }
0x14: {  	[sflag:s10] =	ssyncadd.s32 $0xFFFFEC00  }
0x15: {  	[tilespmem:s11], [sflag:$0x3] =	stream.linear.gather [hbm4b:s7+s4], $0x1400, $0x38;
	[tilespmem:$0x1E800] =	vst v63  }
0x16: {  	_ =	swait.ge [sflag:s10], $0x1400  }
0x17: {  	[sflag:s10] =	ssyncset.done $0x0  }
0x18: {  	[sflag:s10] =	ssyncadd.s32 $0xFFFFEC00  }
0x19: {  	[spmem:s13], [sflag:s12] =	dma.local [hbm:s5], $0x2800  }
0x1a: {  	_ =	swait.ge [sflag:s10], $0x2800  }
0x1b: {  	[sflag:s10] =	ssyncset.done $0x0  }
0x1c: {  	[sflag:s10] =	ssyncadd.s32 $0xFFFFD800  }
0x1d: {  	[bflag:$0x0] =	sbarrier.arrive $0xFFFF  }
0x1e: {  	[tilespmem:s15], [sflag:$0x1] =	stream.indirect.gather [hbm4b:s1+s14], $0x80, s4, s14, $0xb8;
	[tilespmem:$0x1E800] =	vst v63  }
0x1f: {  	_ = 	snop  }
0x20: {  	[tilespmem:s16], [sflag:$0x2] =	stream.indirect.gather [hbm4b:s1+s14], $0x80, s14, s14, $0xb8;
	[tilespmem:$0x1E800] =	vst v63  }
0x21: {  	_ =	swait.ge [sflag:s17], $0x4000  }
0x22: {  	[sflag:s17] =	ssyncset.done $0x0  }
0x23: {  	s22 =	simm.s32 $0x1400;
	[sflag:s17] =	ssyncadd.s32 $0xFFFFC000  }
0x24: {  	[spmem:s3] =	stream.indirect.scatter.add.f32 [tilespmem:s15], [sflag:$0x3], $0x80, s22, s14, $0xb8;
	[tilespmem:$0x1E800] =	vst v63  }
0x25: {  	_ =	swait.ge [sflag:s10], $0x4000  }
0x26: {  	[sflag:s10] =	ssyncset.done $0x0  }
0x27: {  	s30 =	simm.s32 $0x100;
	[sflag:s10] =	ssyncadd.s32 $0xFFFFC000  }
0x28: {  	[tilespmem:s15], [sflag:$0x1] =	stream.indirect.gather [hbm4b:s1+s14], $0x80, s30, s14, $0xb8;
	[tilespmem:$0x1E800] =	vst v63  }
0x29: {  	_ =	swait.ge [sflag:s18], $0x4000  }
0x2a: {  	[sflag:s18] =	ssyncset.done $0x0  }
0x2b: {  	s31 =	simm.s32 $0x1480;
	[sflag:s18] =	ssyncadd.s32 $0xFFFFC000  }
0x2c: {  	[spmem:s3] =	stream.indirect.scatter.add.f32 [tilespmem:s16], [sflag:$0x3], $0x80, s31, s14, $0xb8;
	[tilespmem:$0x1E800] =	vst v63  }
0x2d: {  	_ =	swait.ge [sflag:s10], $0x4000  }
0x2e: {  	[sflag:s10] =	ssyncset.done $0x0  }
0x2f: {  	s23 =	simm.s32 $0x180;
	s22 =	simm.s32 $0x400;
	[sflag:s10] =	ssyncadd.s32 $0xFFFFC000  }
.LBB2_2:
0x30: {  	[tilespmem:s16], [sflag:$0x2] =	stream.indirect.gather [hbm4b:s1+s14], $0x80, s23, s14, $0xb8;
	[tilespmem:$0x1E800] =	vst v63  }
0x31: {  	s23 =	smov.u32 s22  }
0x32: {  	p0 =	sne.s32 s22, $0x4800;
	s22 =	sadd.s32 $0x400, s22;
	_ =	swait.ge [sflag:s17], $0x4000  }
0x33: {  	s23 =	sshra.s32 s23, $0x2;
	[sflag:s17] =	ssyncset.done $0x0  }
0x34: {  	s24 =	sadd.s32 $0x1400, s23;
	[sflag:s17] =	ssyncadd.s32 $0xFFFFC000  }
0x35: {  	[spmem:s3] =	stream.indirect.scatter.add.f32 [tilespmem:s15], [sflag:$0x3], $0x80, s24, s14, $0xb8;
	[tilespmem:$0x1E800] =	vst v63  }
0x36: {  	_ =	swait.ge [sflag:s10], $0x4000  }
0x37: {  	[sflag:s10] =	ssyncset.done $0x0  }
0x38: {  	s24 =	sadd.s32 $0x100, s23;
	[sflag:s10] =	ssyncadd.s32 $0xFFFFC000  }
0x39: {  	[tilespmem:s15], [sflag:$0x1] =	stream.indirect.gather [hbm4b:s1+s14], $0x80, s24, s14, $0xb8;
	[tilespmem:$0x1E800] =	vst v63  }
0x3a: {  	_ =	swait.ge [sflag:s18], $0x4000  }
0x3b: {  	[sflag:s18] =	ssyncset.done $0x0  }
.Ltmp0:
0x3c: {  	s24 =	sadd.s32 $0x1480, s23;
	[sflag:s18] =	ssyncadd.s32 $0xFFFFC000;
	(pc) =	sbr.rel @p0 .LBB2_2-.Ltmp0, $4  }
0x3d: {  	[spmem:s3] =	stream.indirect.scatter.add.f32 [tilespmem:s16], [sflag:$0x3], $0x80, s24, s14, $0xb8;
	[tilespmem:$0x1E800] =	vst v63  }
0x3e: {  	_ =	swait.ge [sflag:s10], $0x4000  }
0x3f: {  	[sflag:s10] =	ssyncset.done $0x0  }
0x40: {  	s23 =	sadd.s32 $0x180, s23;
	[sflag:s10] =	ssyncadd.s32 $0xFFFFC000  }
0x41: {  	[tilespmem:s16], [sflag:$0x2] =	stream.indirect.gather [hbm4b:s1+s14], $0x80, s23, s14, $0xb8;
	[tilespmem:$0x1E800] =	vst v63  }
0x42: {  	_ =	swait.ge [sflag:s17], $0x4000  }
0x43: {  	[sflag:s17] =	ssyncset.done $0x0  }
0x44: {  	[sflag:s17] =	ssyncadd.s32 $0xFFFFC000  }
0x45: {  	[spmem:s3] =	stream.indirect.scatter.add.f32 [tilespmem:s15], [sflag:$0x3], $0x80, s19, s14, $0xb8;
	[tilespmem:$0x1E800] =	vst v63  }
0x46: {  	_ =	swait.ge [sflag:s10], $0x4000  }
0x47: {  	[sflag:s10] =	ssyncset.done $0x0  }
0x48: {  	[sflag:s10] =	ssyncadd.s32 $0xFFFFC000  }
0x49: {  	_ =	swait.ge [sflag:s18], $0x4000  }
0x4a: {  	[sflag:s18] =	ssyncset.done $0x0  }
0x4b: {  	[sflag:s18] =	ssyncadd.s32 $0xFFFFC000  }
0x4c: {  	[spmem:s3] =	stream.indirect.scatter.add.f32 [tilespmem:s16], [sflag:$0x3], $0x80, s20, s14, $0xb8;
	[tilespmem:$0x1E800] =	vst v63  }
0x4d: {  	_ =	swait.ge [sflag:s10], $0x4000  }
0x4e: {  	s21 =	sadd.s32 $0x1, s21;
	[sflag:s10] =	ssyncset.done $0x0  }
0x4f: {  	p0 =	sne.s32 s21, s9;
	[sflag:s10] =	ssyncadd.s32 $0xFFFFC000  }
.Ltmp1:
0x50: {  	[bflag:$0x0] =	sbarrier.arrive $0xFFFF;
	(pc) =	sbr.rel @p0 .LBB2_1-.Ltmp1, $4  }
0x51: {  	[hbm:s8], [sflag:s12] =	dma.local [spmem:s13], $0x2800  }
0x52: {  	_ =	swait.ge [sflag:s10], $0x2800  }
0x53: {  	[sflag:s10] =	ssyncset.done $0x0  }
0x54: {  	[sflag:s10] =	ssyncadd.s32 $0xFFFFD800  }
0x55: {  	_ =	sfence.sel $0x180000  }
0x56: {  	[bflag:$0x0] =	sbarrier.arrive $0xFFFF  }
0x57: {  	p0 =	sne.s32 s0, $0x0;
	_ =	strace $0x90000047  }
0x58: {  	s0 =	sadd.s32 @!p0 $0x100000, s2;
	[bflag:$0x2] =	sbarrier.arrive $0xFFFF  }
0x59: {  	[sflag:s0] =	ssyncadd.tile.s32 @!p0 $0x1;
	_ =	shalt  }
.Lfunc_end2:
_tile_overlayer_lowered:
.L_overlay_start_2:
0x5a: {  	(tag) =	ssettag $0x2  }
0x5b: {  	s0 =	rddreg [dreg:$0x0];
	s2 =	stileid.u32  }
0x5c: {  	s1 =	rddreg [dreg:$0x1];
	p0 =	sne.s32 s2, $0x0  }
0x5d: {  	s3 =	rddreg [dreg:$0x2];
	[bflag:$0x3] =	sbarrier.arrive $0xFFFF;
	s2 =	simm.s32 @!p0 $0x1C03  }
0x5e: {  	[timem:s3], [sflag:s2] =	dma.local @!p0 [hbm:s0], s1  }
0x5f: {  	s0 =	simm.s32 @!p0 $0x3  }
0x60: {  	_ =	swait.ge @!p0 [sflag:s0], s1  }
0x61: {  	s1 =	ssub.s32 @!p0 $0x0, s1;
	[sflag:s0] =	ssyncset.done @!p0 $0x0  }
0x62: {  	[sflag:s0] =	ssyncadd.s32 @!p0 s1  }
0x63: {  	[bflag:$0x3] =	sbarrier.arrive $0xFFFF  }
0x64: {  	_ =	shalt  }

// kernel: kernel.21.cloned.1.call-start
scs
__scs_entry_jumppad:
0x0: {  	(pc) =	sbr.rel $0x88, $3  }
0x1: {  	(tag) =	ssettag $0x0;
	lr =	simm.s32 $0x1  }
0x2: {  	[smem:$0x3F8B] =	sst lr;
	_ =	strace $0xD0000000  }
0x3: {  	_ = 	snop  }
0x4: {  	_ = 	snop  }
0x5: {  	_ = 	snop  }
0x6: {  	_ = 	snop  }
0x7: {  	_ = 	snop  }
__scs_overlays_trampoline_lowered:
0x8: {  	[smem:$0x3F9A] =	sst s0  }
0x9: {  	[smem:$0x3F9B] =	sst s1  }
0xa: {  	[smem:$0x3F9C] =	sst s2  }
0xb: {  	[smem:$0x3F9D] =	sst s3  }
0xc: {  	[smem:$0x3F9E] =	sst s4  }
0xd: {  	[smem:$0x3F9F] =	sst s5  }
0xe: {  	[smem:$0x3FA0] =	sst s6  }
0xf: {  	[smem:$0x3FA1] =	sst s7  }
0x10: {  	[smem:$0x3FA2] =	sst s8  }
0x11: {  	[smem:$0x3FA3] =	sst s9;
	s0 =	simm.s32 @!p0 $0x0  }
0x12: {  	s1 =	sld [smem:$0x3F89];
	s0 =	simm.s32 @p0 $0x1  }
0x13: {  	[smem:$0x3FA4] =	sst s0;
	s0 =	simm.s32 @!p1 $0x0  }
0x14: {  	s2 =	sld [smem:$0x3F88];
	s0 =	simm.s32 @p1 $0x1  }
0x15: {  	[smem:$0x3FA5] =	sst s0;
	s0 =	simm.s32 @!p2 $0x0  }
0x16: {  	s3 =	sld [smem:$0x3FDB];
	s0 =	simm.s32 @p2 $0x1  }
0x17: {  	s4 =	simm.s32 $0x1BF5;
	[smem:$0x3FA7] =	sst s0  }
0x18: {  	s0 =	sld [smem:$0x3F8A];
	_ =	swait.ge [sflag:s4], $0x0  }
0x19: {  	s7 =	sld [smem:$0x3F8B]  }
0x1a: {  	s8 =	sadd.s32 $0xFFFFE003, lr  }
0x1b: {  	s9 =	sadd.s32 $0xFFFFFEF7, lr;
	s5 =	simm.s32 $0xFFFFFFFF;
	p2 =	slt.u32 s8, $0xFFFFF086  }
0x1c: {  	p1 =	slt.u32 s9, $0xF7A;
	s5 =	simm.s32 @!p2 $0x0  }
0x1d: {  	s5 =	simm.s32 @p1 $0x1;
	p0 =	seq.s32 s7, s2  }
0x1e: {  	s7 =	smul.u32 @!p0 $0xF7A, s2;
	p2 =	seq.s32 @!p0 s5, $0x0  }
0x1f: {  	s9 =	smul.u32 $0xF7A, s1;
	s8 =	simm.s32 @!p0 $0x1BF5;
	p2 =	por !p2, p0  }
0x20: {  	[sflag:s8] =	ssyncset.s32 @!p0 $0xFFFFF086;
	s6 =	sadd.s32 @!p0 s3, s7;
	s7 =	simm.s32 @!p0 $0x108  }
0x21: {  	s3 =	sadd.s32 s3, s9;
	s6 =	sadd.s32 @!p0 $0x88, s6;
	s7 =	simm.s32 @p2 $0x1082  }
0x22: {  	[simem:s7], [sflag:s8] =	dma.local @!p0 [hbm:s6], $0xF7A  }
0x23: {  	s9 =	sor.u32 $0xD0000000, s2;
	s6 =	simm.s32 $0x108;
	_ =	swait.ge @!p0 [sflag:s8], $0x0  }
0x24: {  	s3 =	sadd.s32 $0x88, s3;
	s6 =	simm.s32 @!p1 $0x1082;
	[sflag:s4] =	ssyncset.s32 $0xFFFFF086  }
0x25: {  	[simem:s6], [sflag:s4] =	dma.local [hbm:s3], $0xF7A  }
0x26: {  	[smem:$0x3F8B] =	sst s1;
	(tag) =	ssettag s2;
	_ =	strace s9  }
0x27: {  	s1 =	sld [smem:$0x3F9B]  }
0x28: {  	s2 =	sld [smem:$0x3F9C]  }
0x29: {  	s4 =	sld [smem:$0x3F9E]  }
0x2a: {  	p0 =	seq.s32 s5, $0x0;
	s5 =	sld [smem:$0x3F9F]  }
0x2b: {  	s6 =	sld [smem:$0x3FA0]  }
0x2c: {  	s7 =	sld [smem:$0x3FA1]  }
0x2d: {  	s3 =	simm.s32 $0x108;
	s8 =	sld [smem:$0x3FA2]  }
0x2e: {  	s3 =	simm.s32 @!p0 $0x1082;
	s9 =	sld [smem:$0x3FA3]  }
0x2f: {  	lr =	sadd.s32 s0, s3;
	s0 =	sld [smem:$0x3F9A]  }
0x30: {  	s3 =	sld [smem:$0x3F9D]  }
0x31: {  	[smem:$0x3FA6] =	sst s10  }
0x32: {  	s10 =	sld [smem:$0x3FA4];
	_ =	sdelay $0x3  }
0x33: {  	p0 =	seq.s32 s10, $0x1;
	s10 =	sld [smem:$0x3FA6];
	_ =	sdelay $0x3  }
0x34: {  	[smem:$0x3FA6] =	sst s10  }
0x35: {  	s10 =	sld [smem:$0x3FA5];
	_ =	sdelay $0x3  }
0x36: {  	p1 =	seq.s32 s10, $0x1;
	s10 =	sld [smem:$0x3FA6];
	_ =	sdelay $0x3  }
0x37: {  	[smem:$0x3FA6] =	sst s10  }
0x38: {  	s10 =	sld [smem:$0x3FA7]  }
0x39: {  	_ = 	snop;
	(pc) =	sbr.ind lr, $3  }
0x3a: {  	_ = 	snop  }
0x3b: {  	_ = 	snop  }
0x3c: {  	p2 =	seq.s32 s10, $0x1;
	s10 =	sld [smem:$0x3FA6]  }
0x3d: {  	_ =	shalt  }
0x3e: {  	_ =	shalt  }
0x3f: {  	_ =	shalt  }
0x40: {  	_ =	shalt  }
0x41: {  	_ =	shalt  }
0x42: {  	_ =	shalt  }
0x43: {  	_ =	shalt  }
0x44: {  	_ =	shalt  }
0x45: {  	_ =	shalt  }
0x46: {  	_ =	shalt  }
0x47: {  	_ =	shalt  }
0x48: {  	_ =	shalt  }
0x49: {  	_ =	shalt  }
0x4a: {  	_ =	shalt  }
0x4b: {  	_ =	shalt  }
0x4c: {  	_ =	shalt  }
0x4d: {  	_ =	shalt  }
0x4e: {  	_ =	shalt  }
0x4f: {  	_ =	shalt  }
0x50: {  	_ =	shalt  }
0x51: {  	_ =	shalt  }
0x52: {  	_ =	shalt  }
0x53: {  	_ =	shalt  }
0x54: {  	_ =	shalt  }
0x55: {  	_ =	shalt  }
0x56: {  	_ =	shalt  }
0x57: {  	_ =	shalt  }
0x58: {  	_ =	shalt  }
0x59: {  	_ =	shalt  }
0x5a: {  	_ =	shalt  }
0x5b: {  	_ =	shalt  }
0x5c: {  	_ =	shalt  }
0x5d: {  	_ =	shalt  }
0x5e: {  	_ =	shalt  }
0x5f: {  	_ =	shalt  }
0x60: {  	_ =	shalt  }
0x61: {  	_ =	shalt  }
0x62: {  	_ =	shalt  }
0x63: {  	_ =	shalt  }
0x64: {  	_ =	shalt  }
0x65: {  	_ =	shalt  }
0x66: {  	_ =	shalt  }
0x67: {  	_ =	shalt  }
0x68: {  	_ =	shalt  }
0x69: {  	_ =	shalt  }
0x6a: {  	_ =	shalt  }
0x6b: {  	_ =	shalt  }
0x6c: {  	_ =	shalt  }
0x6d: {  	_ =	shalt  }
0x6e: {  	_ =	shalt  }
0x6f: {  	_ =	shalt  }
0x70: {  	_ =	shalt  }
0x71: {  	_ =	shalt  }
0x72: {  	_ =	shalt  }
0x73: {  	_ =	shalt  }
0x74: {  	_ =	shalt  }
0x75: {  	_ =	shalt  }
0x76: {  	_ =	shalt  }
0x77: {  	_ =	shalt  }
0x78: {  	_ =	shalt  }
0x79: {  	_ =	shalt  }
0x7a: {  	_ =	shalt  }
0x7b: {  	_ =	shalt  }
0x7c: {  	_ =	shalt  }
0x7d: {  	_ =	shalt  }
0x7e: {  	_ =	shalt  }
0x7f: {  	_ =	shalt  }
0x80: {  	_ =	shalt  }
0x81: {  	_ =	shalt  }
0x82: {  	_ =	shalt  }
0x83: {  	_ =	shalt  }
0x84: {  	_ =	shalt  }
0x85: {  	_ =	shalt  }
0x86: {  	_ =	shalt  }
0x87: {  	_ =	shalt  }
.Lfunc_end0:
.L_simem_size_0:
called_computation.2_lowered:
.L_overlay_start_0:
0x88: {  	s2 =	sld [smem:$0x3FD9]  }
0x89: {  	s3 =	sld [smem:$0x3FFE];
	_ =	sdelay $0x1  }
0x8a: {  	s1 =	srdreg.scid  }
0x8b: {  	s0 =	sand.u32 $0x1, s1  }
0x8c: {  	s16 =	sshll.u32 s0, $0xA;
	s2 =	sadd.s32 s3, s2  }
0x8d: {  	s2 =	sadd.s32 s2, s16  }
0x8e: {  	[smem:$0x3FB2] =	sst s2  }
0x8f: {  	_ = 	snop  }
0x90: {  	(tm) =	ssettm $0x1  }
0x91: {  	s17 =	sld [smem:$0x3FFB];
	_ =	sdelay $0x3  }
0x92: {  	_ =	strace s17  }
0x93: {  	s2 =	sld [smem:$0x3FFC];
	_ =	sdelay $0x3  }
0x94: {  	_ =	strace s2  }
0x95: {  	s2 =	sld [smem:$0x3FFD];
	_ =	sdelay $0x3  }
0x96: {  	_ =	strace s2  }
0x97: {  	_ =	strace $0x8FFFFFFF  }
0x98: {  	s18 =	sld [smem:$0x3FDB];
	_ =	sdelay $0x1  }
0x99: {  	s19 =	simm.s32 $_scs_section_size  }
0x9a: {  	s4 =	simm.s32 $_size__tile_overlayer_lowered;
	s5 =	simm.s32 $_tile_overlayer_lowered  }
0x9b: {  	s22 =	simm.s32 $0x1BFF;
	s21 =	sshll.u32 s5, $0x1;
	s2 =	sadd.s32 s19, s18  }
0x9c: {  	s6 =	simm.s32 $0x0;
	s20 =	sshll.u32 s4, $0x1;
	s4 =	sadd.s32 s21, s2  }
0x9d: {  	[timem:s6], [sflag:s22] =	dma.local [hbm:s4], s20  }
0x9e: {  	_ =	swait.ge [sflag:s22], s20  }
0x9f: {  	s3 =	ssub.s32 $0x0, s20;
	[sflag:s22] =	ssyncset.done $0x0  }
0xa0: {  	[sflag:s22] =	ssyncadd.s32 s3;
	_ =	sdelay $0x1  }
0xa1: {  	s23 =	simm.s32 $0x1B8B  }
0xa2: {  	_ =	swait.ge [sflag:s23], $0x1  }
0xa3: {  	[sflag:s23] =	ssyncset.done $0x0  }
0xa4: {  	s25 =	simm.s32 $0x1B8E;
	s24 =	sld [smem:$0x3FFE];
	[sflag:s23] =	ssyncadd.s32 $0xFFFFFFFF  }
0xa5: {  	s26 =	simm.s32 $execute0_lowered;
	[smem:$0x3FD2] =	sst s25  }
0xa6: {  	s4 =	sshll.u32 s26, $0x1;
	_ =	strace $0x80000049;
	[dreg:$0x1] =	wrdreg $0xFFFFFFFF  }
0xa7: {  	s28 =	simm.s32 $_size_execute0_lowered;
	s2 =	sadd.s32 s2, s4;
	[dreg:$0x0] =	wrdreg $0x0  }
0xa8: {  	s4 =	sshll.u32 s28, $0x1;
	[dreg:$0x2] =	wrdreg s2  }
0xa9: {  	[dreg:$0x3] =	wrdreg s4  }
0xaa: {  	[dreg:$0x4] =	wrdreg $0xC0  }
0xab: {  	_ =	task [dreg:s6], $0x5FFFF  }
0xac: {  	[dreg:$0x1] =	wrdreg $0xFFFFFFFF  }
0xad: {  	[dreg:$0x0] =	wrdreg $0x60  }
0xae: {  	[dreg:$0x2] =	wrdreg s24  }
0xaf: {  	[dreg:$0x3] =	wrdreg $0xA8000  }
0xb0: {  	[dreg:$0x4] =	wrdreg $0x9  }
0xb1: {  	_ =	task.clear_ibuf [dreg:s6], $0x5FFFF;
	_ =	strace $0x90000049  }
0xb2: {  	s29 =	simm.s32 $0x9;
	_ =	strace $0x8000004B  }
0xb3: {  	_ =	swait.ge [sflag:s29], $0x1  }
0xb4: {  	[sflag:s29] =	ssyncadd.s32 $0xFFFFFFFF  }
0xb5: {  	_ =	strace $0x9000004B  }
0xb6: {  	_ =	sfence  }
0xb7: {  	s30 =	sld [smem:$0x0];
	_ =	sdelay $0x2  }
0xb8: {  	s31 =	sshll.u32 s1, $0xD;
	s1 =	sshrl.u32 s1, $0x2  }
0xb9: {  	s3 =	sand.u32 $0x4000, s31;
	s1 =	sadd.s32 s1, s30  }
0xba: {  	s0 =	sor.u32 s3, s0;
	s1 =	sshll.u32 s1, $0x11  }
0xbb: {  	s0 =	sor.u32 s1, s0  }
0xbc: {  	s0 =	sadd.s32 $0x8F2B, s0  }
0xbd: {  	[sflag:s0] =	ssyncadd.remote.s32 $0x1  }
0xbe: {  	_ =	sfence.sel $0xFFFF  }
0xbf: {  	[dreg:$0x0] =	wrdreg $0xFFFFFFFF;
	(pc) =	sbr.abs _section_cstart, $3  }
0xc0: {  	[dreg:$0x1] =	wrdreg $0xFFFFFFFF  }
0xc1: {  	_ =	task.clear_ibuf [dreg:s6], $0x2FFFF;
	_ =	strace $0x9FFFFFFF  }
0xc2: {  	(tm) =	ssettm $0x7FFFFFFF  }
0xc3: {  	_ =	shalt  }
tec
execute0_lowered:
.L_overlay_start_1:
0x0: {  	(tag) =	ssettag $0x1  }
0x1: {  	s6 =	rddreg [dreg:$0x0]  }
0x2: {  	s0 =	srdreg.scid;
	s2 =	rddreg [dreg:$0x1];
	s3 =	simm.s32 $0x0  }
0x3: {  	s14 =	simm.s32 $0x80;
	s15 =	simm.s32 $0x2800;
	s16 =	simm.s32 $0x6800  }
0x4: {  	s17 =	simm.s32 $0x1;
	s18 =	simm.s32 $0x2;
	s19 =	simm.s32 $0x2700  }
0x5: {  	s20 =	simm.s32 $0x2780;
	s5 =	sand.u32 $0x1, s0;
	s0 =	stileid.u32  }
0x6: {  	s21 =	simm.s32 $0x0;
	[smem:$0x7FF] =	sst s3;
	s8 =	smul.u32 $0x140000, s5  }
0x7: {  	s4 =	sadd.s32 $0x12A00, s6;
	s1 =	sshll.u32 s5, $0x4;
	s9 =	smul.u32 $0x14000, s0  }
0x8: {  	s31 =	ssub.s32 $0x2, s5;
	s10 =	smul.u32 $0x50000, s0;
	s5 =	sadd.s32 $0x10200, s6  }
0x9: {  	s12 =	sshll.u32 s0, $0x6;
	s1 =	sor.u32 s0, s1;
	s11 =	sshrl.u32 s31, $0x1  }
0xa: {  	s12 =	sor.u32 $0x1C03, s12;
	s7 =	smul.u32 $0x280, s1;
	s1 =	rddreg [dreg:$0x2]  }
0xb: {  	_ =	strace $0x8000004A;
	s8 =	sadd.s32 s9, s8;
	s9 =	ssub.s32 s31, s11  }
0xc: {  	s10 =	sshrl.u32 s10, $0x2;
	s11 =	simm.s32 $0x1400;
	s8 =	sshrl.u32 s8, $0x3  }
0xd: {  	s13 =	sadd.s32 s10, s2;
	s9 =	smax.u32 s9, $0x1;
	s10 =	simm.s32 $0x3  }
0xe: {  	s7 =	sadd.s32 s7, s6;
	s8 =	sadd.s32 s8, s6;
	s13 =	sshrl.u32 s13, $0x3  }
0xf: {  	s6 =	sadd.s32 $0x62A00, s7;
	s7 =	sadd.s32 $0x67A00, s7;
	s8 =	sadd.s32 $0x6CA00, s8  }
.LBB2_1:
0x10: {  	[tilespmem:s3], [sflag:$0x3] =	stream.linear.gather [hbm4b:s6+s3], $0x1400, $0x38;
	[tilespmem:$0x1E800] =	vst v63  }
0x11: {  	_ =	swait.ge [sflag:s10], $0x1400  }
0x12: {  	[sflag:s10] =	ssyncset.done $0x0  }
0x13: {  	[sflag:s10] =	ssyncadd.s32 $0xFFFFEC00  }
0x14: {  	[tilespmem:s11], [sflag:$0x3] =	stream.linear.gather [hbm4b:s7+s3], $0x1400, $0x38;
	[tilespmem:$0x1E800] =	vst v63  }
0x15: {  	_ =	swait.ge [sflag:s10], $0x1400  }
0x16: {  	[sflag:s10] =	ssyncset.done $0x0  }
0x17: {  	[sflag:s10] =	ssyncadd.s32 $0xFFFFEC00  }
0x18: {  	[spmem:s13], [sflag:s12] =	dma.local [hbm:s5], $0x2800  }
0x19: {  	_ =	swait.ge [sflag:s10], $0x2800  }
0x1a: {  	[sflag:s10] =	ssyncset.done $0x0  }
0x1b: {  	[sflag:s10] =	ssyncadd.s32 $0xFFFFD800  }
0x1c: {  	[bflag:$0x0] =	sbarrier.arrive $0xFFFF  }
0x1d: {  	[tilespmem:s15], [sflag:$0x1] =	stream.indirect.gather [hbm4b:s4+s14], $0x80, s3, s14, $0xb8;
	[tilespmem:$0x1E800] =	vst v63  }
0x1e: {  	_ = 	snop  }
0x1f: {  	[tilespmem:s16], [sflag:$0x2] =	stream.indirect.gather [hbm4b:s4+s14], $0x80, s14, s14, $0xb8;
	[tilespmem:$0x1E800] =	vst v63  }
0x20: {  	_ =	swait.ge [sflag:s17], $0x4000  }
0x21: {  	[sflag:s17] =	ssyncset.done $0x0  }
0x22: {  	s22 =	simm.s32 $0x1400;
	[sflag:s17] =	ssyncadd.s32 $0xFFFFC000  }
0x23: {  	[spmem:s2] =	stream.indirect.scatter.add.f32 [tilespmem:s15], [sflag:$0x3], $0x80, s22, s14, $0xb8;
	[tilespmem:$0x1E800] =	vst v63  }
0x24: {  	_ =	swait.ge [sflag:s10], $0x4000  }
0x25: {  	[sflag:s10] =	ssyncset.done $0x0  }
0x26: {  	s30 =	simm.s32 $0x100;
	[sflag:s10] =	ssyncadd.s32 $0xFFFFC000  }
0x27: {  	[tilespmem:s15], [sflag:$0x1] =	stream.indirect.gather [hbm4b:s4+s14], $0x80, s30, s14, $0xb8;
	[tilespmem:$0x1E800] =	vst v63  }
0x28: {  	_ =	swait.ge [sflag:s18], $0x4000  }
0x29: {  	[sflag:s18] =	ssyncset.done $0x0  }
0x2a: {  	s31 =	simm.s32 $0x1480;
	[sflag:s18] =	ssyncadd.s32 $0xFFFFC000  }
0x2b: {  	[spmem:s2] =	stream.indirect.scatter.add.f32 [tilespmem:s16], [sflag:$0x3], $0x80, s31, s14, $0xb8;
	[tilespmem:$0x1E800] =	vst v63  }
0x2c: {  	_ =	swait.ge [sflag:s10], $0x4000  }
0x2d: {  	[sflag:s10] =	ssyncset.done $0x0  }
0x2e: {  	s23 =	simm.s32 $0x180;
	s22 =	simm.s32 $0x400;
	[sflag:s10] =	ssyncadd.s32 $0xFFFFC000  }
.LBB2_2:
0x2f: {  	[tilespmem:s16], [sflag:$0x2] =	stream.indirect.gather [hbm4b:s4+s14], $0x80, s23, s14, $0xb8;
	[tilespmem:$0x1E800] =	vst v63  }
0x30: {  	s23 =	smov.u32 s22  }
0x31: {  	p0 =	sne.s32 s22, $0x4800;
	s22 =	sadd.s32 $0x400, s22;
	_ =	swait.ge [sflag:s17], $0x4000  }
0x32: {  	s23 =	sshra.s32 s23, $0x2;
	[sflag:s17] =	ssyncset.done $0x0  }
0x33: {  	s24 =	sadd.s32 $0x1400, s23;
	[sflag:s17] =	ssyncadd.s32 $0xFFFFC000  }
0x34: {  	[spmem:s2] =	stream.indirect.scatter.add.f32 [tilespmem:s15], [sflag:$0x3], $0x80, s24, s14, $0xb8;
	[tilespmem:$0x1E800] =	vst v63  }
0x35: {  	_ =	swait.ge [sflag:s10], $0x4000  }
0x36: {  	[sflag:s10] =	ssyncset.done $0x0  }
0x37: {  	s24 =	sadd.s32 $0x100, s23;
	[sflag:s10] =	ssyncadd.s32 $0xFFFFC000  }
0x38: {  	[tilespmem:s15], [sflag:$0x1] =	stream.indirect.gather [hbm4b:s4+s14], $0x80, s24, s14, $0xb8;
	[tilespmem:$0x1E800] =	vst v63  }
0x39: {  	_ =	swait.ge [sflag:s18], $0x4000  }
0x3a: {  	[sflag:s18] =	ssyncset.done $0x0  }
.Ltmp0:
0x3b: {  	s24 =	sadd.s32 $0x1480, s23;
	[sflag:s18] =	ssyncadd.s32 $0xFFFFC000;
	(pc) =	sbr.rel @p0 .LBB2_2-.Ltmp0, $4  }
0x3c: {  	[spmem:s2] =	stream.indirect.scatter.add.f32 [tilespmem:s16], [sflag:$0x3], $0x80, s24, s14, $0xb8;
	[tilespmem:$0x1E800] =	vst v63  }
0x3d: {  	_ =	swait.ge [sflag:s10], $0x4000  }
0x3e: {  	[sflag:s10] =	ssyncset.done $0x0  }
0x3f: {  	s23 =	sadd.s32 $0x180, s23;
	[sflag:s10] =	ssyncadd.s32 $0xFFFFC000  }
0x40: {  	[tilespmem:s16], [sflag:$0x2] =	stream.indirect.gather [hbm4b:s4+s14], $0x80, s23, s14, $0xb8;
	[tilespmem:$0x1E800] =	vst v63  }
0x41: {  	_ =	swait.ge [sflag:s17], $0x4000  }
0x42: {  	[sflag:s17] =	ssyncset.done $0x0  }
0x43: {  	[sflag:s17] =	ssyncadd.s32 $0xFFFFC000  }
0x44: {  	[spmem:s2] =	stream.indirect.scatter.add.f32 [tilespmem:s15], [sflag:$0x3], $0x80, s19, s14, $0xb8;
	[tilespmem:$0x1E800] =	vst v63  }
0x45: {  	_ =	swait.ge [sflag:s10], $0x4000  }
0x46: {  	[sflag:s10] =	ssyncset.done $0x0  }
0x47: {  	[sflag:s10] =	ssyncadd.s32 $0xFFFFC000  }
0x48: {  	_ =	swait.ge [sflag:s18], $0x4000  }
0x49: {  	[sflag:s18] =	ssyncset.done $0x0  }
0x4a: {  	[sflag:s18] =	ssyncadd.s32 $0xFFFFC000  }
0x4b: {  	[spmem:s2] =	stream.indirect.scatter.add.f32 [tilespmem:s16], [sflag:$0x3], $0x80, s20, s14, $0xb8;
	[tilespmem:$0x1E800] =	vst v63  }
0x4c: {  	_ =	swait.ge [sflag:s10], $0x4000  }
0x4d: {  	s21 =	sadd.s32 $0x1, s21;
	[sflag:s10] =	ssyncset.done $0x0  }
0x4e: {  	p0 =	sne.s32 s21, s9;
	[sflag:s10] =	ssyncadd.s32 $0xFFFFC000  }
.Ltmp1:
0x4f: {  	[bflag:$0x0] =	sbarrier.arrive $0xFFFF;
	(pc) =	sbr.rel @p0 .LBB2_1-.Ltmp1, $4  }
0x50: {  	[hbm:s8], [sflag:s12] =	dma.local [spmem:s13], $0x2800  }
0x51: {  	_ =	swait.ge [sflag:s10], $0x2800  }
0x52: {  	[sflag:s10] =	ssyncset.done $0x0  }
0x53: {  	[sflag:s10] =	ssyncadd.s32 $0xFFFFD800  }
0x54: {  	_ =	sfence.sel $0x180000  }
0x55: {  	[bflag:$0x0] =	sbarrier.arrive $0xFFFF  }
0x56: {  	p0 =	sne.s32 s0, $0x0;
	_ =	strace $0x9000004A  }
0x57: {  	s0 =	sadd.s32 @!p0 $0x100000, s1;
	[bflag:$0x2] =	sbarrier.arrive $0xFFFF  }
0x58: {  	[sflag:s0] =	ssyncadd.tile.s32 @!p0 $0x1;
	_ =	shalt  }
.Lfunc_end2:
_tile_overlayer_lowered:
.L_overlay_start_2:
0x59: {  	(tag) =	ssettag $0x2  }
0x5a: {  	s0 =	rddreg [dreg:$0x0];
	s2 =	stileid.u32  }
0x5b: {  	s1 =	rddreg [dreg:$0x1];
	p0 =	sne.s32 s2, $0x0  }
0x5c: {  	s3 =	rddreg [dreg:$0x2];
	[bflag:$0x3] =	sbarrier.arrive $0xFFFF;
	s2 =	simm.s32 @!p0 $0x1C03  }
0x5d: {  	[timem:s3], [sflag:s2] =	dma.local @!p0 [hbm:s0], s1  }
0x5e: {  	s0 =	simm.s32 @!p0 $0x3  }
0x5f: {  	_ =	swait.ge @!p0 [sflag:s0], s1  }
0x60: {  	s1 =	ssub.s32 @!p0 $0x0, s1;
	[sflag:s0] =	ssyncset.done @!p0 $0x0  }
0x61: {  	[sflag:s0] =	ssyncadd.s32 @!p0 s1  }
0x62: {  	[bflag:$0x3] =	sbarrier.arrive $0xFFFF  }
0x63: {  	_ =	shalt  }

// kernel: kernel.24.cloned.1.call-start
scs
__scs_entry_jumppad:
0x0: {  	(pc) =	sbr.rel $0x88, $3  }
0x1: {  	(tag) =	ssettag $0x0;
	lr =	simm.s32 $0x1  }
0x2: {  	[smem:$0x3F8B] =	sst lr;
	_ =	strace $0xD0000000  }
0x3: {  	_ = 	snop  }
0x4: {  	_ = 	snop  }
0x5: {  	_ = 	snop  }
0x6: {  	_ = 	snop  }
0x7: {  	_ = 	snop  }
__scs_overlays_trampoline_lowered:
0x8: {  	[smem:$0x3F9A] =	sst s0  }
0x9: {  	[smem:$0x3F9B] =	sst s1  }
0xa: {  	[smem:$0x3F9C] =	sst s2  }
0xb: {  	[smem:$0x3F9D] =	sst s3  }
0xc: {  	[smem:$0x3F9E] =	sst s4  }
0xd: {  	[smem:$0x3F9F] =	sst s5  }
0xe: {  	[smem:$0x3FA0] =	sst s6  }
0xf: {  	[smem:$0x3FA1] =	sst s7  }
0x10: {  	[smem:$0x3FA2] =	sst s8  }
0x11: {  	[smem:$0x3FA3] =	sst s9;
	s0 =	simm.s32 @!p0 $0x0  }
0x12: {  	s1 =	sld [smem:$0x3F89];
	s0 =	simm.s32 @p0 $0x1  }
0x13: {  	[smem:$0x3FA4] =	sst s0;
	s0 =	simm.s32 @!p1 $0x0  }
0x14: {  	s2 =	sld [smem:$0x3F88];
	s0 =	simm.s32 @p1 $0x1  }
0x15: {  	[smem:$0x3FA5] =	sst s0;
	s0 =	simm.s32 @!p2 $0x0  }
0x16: {  	s3 =	sld [smem:$0x3FDB];
	s0 =	simm.s32 @p2 $0x1  }
0x17: {  	s4 =	simm.s32 $0x1BF5;
	[smem:$0x3FA7] =	sst s0  }
0x18: {  	s0 =	sld [smem:$0x3F8A];
	_ =	swait.ge [sflag:s4], $0x0  }
0x19: {  	s7 =	sld [smem:$0x3F8B]  }
0x1a: {  	s8 =	sadd.s32 $0xFFFFE003, lr  }
0x1b: {  	s9 =	sadd.s32 $0xFFFFFEF7, lr;
	s5 =	simm.s32 $0xFFFFFFFF;
	p2 =	slt.u32 s8, $0xFFFFF086  }
0x1c: {  	p1 =	slt.u32 s9, $0xF7A;
	s5 =	simm.s32 @!p2 $0x0  }
0x1d: {  	s5 =	simm.s32 @p1 $0x1;
	p0 =	seq.s32 s7, s2  }
0x1e: {  	s7 =	smul.u32 @!p0 $0xF7A, s2;
	p2 =	seq.s32 @!p0 s5, $0x0  }
0x1f: {  	s9 =	smul.u32 $0xF7A, s1;
	s8 =	simm.s32 @!p0 $0x1BF5;
	p2 =	por !p2, p0  }
0x20: {  	[sflag:s8] =	ssyncset.s32 @!p0 $0xFFFFF086;
	s6 =	sadd.s32 @!p0 s3, s7;
	s7 =	simm.s32 @!p0 $0x108  }
0x21: {  	s3 =	sadd.s32 s3, s9;
	s6 =	sadd.s32 @!p0 $0x88, s6;
	s7 =	simm.s32 @p2 $0x1082  }
0x22: {  	[simem:s7], [sflag:s8] =	dma.local @!p0 [hbm:s6], $0xF7A  }
0x23: {  	s9 =	sor.u32 $0xD0000000, s2;
	s6 =	simm.s32 $0x108;
	_ =	swait.ge @!p0 [sflag:s8], $0x0  }
0x24: {  	s3 =	sadd.s32 $0x88, s3;
	s6 =	simm.s32 @!p1 $0x1082;
	[sflag:s4] =	ssyncset.s32 $0xFFFFF086  }
0x25: {  	[simem:s6], [sflag:s4] =	dma.local [hbm:s3], $0xF7A  }
0x26: {  	[smem:$0x3F8B] =	sst s1;
	(tag) =	ssettag s2;
	_ =	strace s9  }
0x27: {  	s1 =	sld [smem:$0x3F9B]  }
0x28: {  	s2 =	sld [smem:$0x3F9C]  }
0x29: {  	s4 =	sld [smem:$0x3F9E]  }
0x2a: {  	p0 =	seq.s32 s5, $0x0;
	s5 =	sld [smem:$0x3F9F]  }
0x2b: {  	s6 =	sld [smem:$0x3FA0]  }
0x2c: {  	s7 =	sld [smem:$0x3FA1]  }
0x2d: {  	s3 =	simm.s32 $0x108;
	s8 =	sld [smem:$0x3FA2]  }
0x2e: {  	s3 =	simm.s32 @!p0 $0x1082;
	s9 =	sld [smem:$0x3FA3]  }
0x2f: {  	lr =	sadd.s32 s0, s3;
	s0 =	sld [smem:$0x3F9A]  }
0x30: {  	s3 =	sld [smem:$0x3F9D]  }
0x31: {  	[smem:$0x3FA6] =	sst s10  }
0x32: {  	s10 =	sld [smem:$0x3FA4];
	_ =	sdelay $0x3  }
0x33: {  	p0 =	seq.s32 s10, $0x1;
	s10 =	sld [smem:$0x3FA6];
	_ =	sdelay $0x3  }
0x34: {  	[smem:$0x3FA6] =	sst s10  }
0x35: {  	s10 =	sld [smem:$0x3FA5];
	_ =	sdelay $0x3  }
0x36: {  	p1 =	seq.s32 s10, $0x1;
	s10 =	sld [smem:$0x3FA6];
	_ =	sdelay $0x3  }
0x37: {  	[smem:$0x3FA6] =	sst s10  }
0x38: {  	s10 =	sld [smem:$0x3FA7]  }
0x39: {  	_ = 	snop;
	(pc) =	sbr.ind lr, $3  }
0x3a: {  	_ = 	snop  }
0x3b: {  	_ = 	snop  }
0x3c: {  	p2 =	seq.s32 s10, $0x1;
	s10 =	sld [smem:$0x3FA6]  }
0x3d: {  	_ =	shalt  }
0x3e: {  	_ =	shalt  }
0x3f: {  	_ =	shalt  }
0x40: {  	_ =	shalt  }
0x41: {  	_ =	shalt  }
0x42: {  	_ =	shalt  }
0x43: {  	_ =	shalt  }
0x44: {  	_ =	shalt  }
0x45: {  	_ =	shalt  }
0x46: {  	_ =	shalt  }
0x47: {  	_ =	shalt  }
0x48: {  	_ =	shalt  }
0x49: {  	_ =	shalt  }
0x4a: {  	_ =	shalt  }
0x4b: {  	_ =	shalt  }
0x4c: {  	_ =	shalt  }
0x4d: {  	_ =	shalt  }
0x4e: {  	_ =	shalt  }
0x4f: {  	_ =	shalt  }
0x50: {  	_ =	shalt  }
0x51: {  	_ =	shalt  }
0x52: {  	_ =	shalt  }
0x53: {  	_ =	shalt  }
0x54: {  	_ =	shalt  }
0x55: {  	_ =	shalt  }
0x56: {  	_ =	shalt  }
0x57: {  	_ =	shalt  }
0x58: {  	_ =	shalt  }
0x59: {  	_ =	shalt  }
0x5a: {  	_ =	shalt  }
0x5b: {  	_ =	shalt  }
0x5c: {  	_ =	shalt  }
0x5d: {  	_ =	shalt  }
0x5e: {  	_ =	shalt  }
0x5f: {  	_ =	shalt  }
0x60: {  	_ =	shalt  }
0x61: {  	_ =	shalt  }
0x62: {  	_ =	shalt  }
0x63: {  	_ =	shalt  }
0x64: {  	_ =	shalt  }
0x65: {  	_ =	shalt  }
0x66: {  	_ =	shalt  }
0x67: {  	_ =	shalt  }
0x68: {  	_ =	shalt  }
0x69: {  	_ =	shalt  }
0x6a: {  	_ =	shalt  }
0x6b: {  	_ =	shalt  }
0x6c: {  	_ =	shalt  }
0x6d: {  	_ =	shalt  }
0x6e: {  	_ =	shalt  }
0x6f: {  	_ =	shalt  }
0x70: {  	_ =	shalt  }
0x71: {  	_ =	shalt  }
0x72: {  	_ =	shalt  }
0x73: {  	_ =	shalt  }
0x74: {  	_ =	shalt  }
0x75: {  	_ =	shalt  }
0x76: {  	_ =	shalt  }
0x77: {  	_ =	shalt  }
0x78: {  	_ =	shalt  }
0x79: {  	_ =	shalt  }
0x7a: {  	_ =	shalt  }
0x7b: {  	_ =	shalt  }
0x7c: {  	_ =	shalt  }
0x7d: {  	_ =	shalt  }
0x7e: {  	_ =	shalt  }
0x7f: {  	_ =	shalt  }
0x80: {  	_ =	shalt  }
0x81: {  	_ =	shalt  }
0x82: {  	_ =	shalt  }
0x83: {  	_ =	shalt  }
0x84: {  	_ =	shalt  }
0x85: {  	_ =	shalt  }
0x86: {  	_ =	shalt  }
0x87: {  	_ =	shalt  }
.Lfunc_end0:
.L_simem_size_0:
called_computation.3_lowered:
.L_overlay_start_0:
0x88: {  	s2 =	sld [smem:$0x3FD9]  }
0x89: {  	s3 =	sld [smem:$0x3FFE];
	_ =	sdelay $0x1  }
0x8a: {  	s1 =	srdreg.scid  }
0x8b: {  	s0 =	sand.u32 $0x1, s1  }
0x8c: {  	s16 =	sshll.u32 s0, $0xA;
	s2 =	sadd.s32 s3, s2  }
0x8d: {  	s2 =	sadd.s32 s2, s16  }
0x8e: {  	[smem:$0x3FB2] =	sst s2  }
0x8f: {  	_ = 	snop  }
0x90: {  	(tm) =	ssettm $0x1  }
0x91: {  	s17 =	sld [smem:$0x3FFB];
	_ =	sdelay $0x3  }
0x92: {  	_ =	strace s17  }
0x93: {  	s2 =	sld [smem:$0x3FFC];
	_ =	sdelay $0x3  }
0x94: {  	_ =	strace s2  }
0x95: {  	s2 =	sld [smem:$0x3FFD];
	_ =	sdelay $0x3  }
0x96: {  	_ =	strace s2  }
0x97: {  	_ =	strace $0x8FFFFFFF  }
0x98: {  	s18 =	sld [smem:$0x3FDB];
	_ =	sdelay $0x1  }
0x99: {  	s19 =	simm.s32 $_scs_section_size  }
0x9a: {  	s4 =	simm.s32 $_size__tile_overlayer_lowered;
	s5 =	simm.s32 $_tile_overlayer_lowered  }
0x9b: {  	s22 =	simm.s32 $0x1BFF;
	s21 =	sshll.u32 s5, $0x1;
	s2 =	sadd.s32 s19, s18  }
0x9c: {  	s6 =	simm.s32 $0x0;
	s20 =	sshll.u32 s4, $0x1;
	s4 =	sadd.s32 s21, s2  }
0x9d: {  	[timem:s6], [sflag:s22] =	dma.local [hbm:s4], s20  }
0x9e: {  	_ =	swait.ge [sflag:s22], s20  }
0x9f: {  	s3 =	ssub.s32 $0x0, s20;
	[sflag:s22] =	ssyncset.done $0x0  }
0xa0: {  	[sflag:s22] =	ssyncadd.s32 s3;
	_ =	sdelay $0x1  }
0xa1: {  	s23 =	simm.s32 $0x1B8B  }
0xa2: {  	_ =	swait.ge [sflag:s23], $0x1  }
0xa3: {  	[sflag:s23] =	ssyncset.done $0x0  }
0xa4: {  	s25 =	simm.s32 $0x1B8E;
	s24 =	sld [smem:$0x3FFE];
	[sflag:s23] =	ssyncadd.s32 $0xFFFFFFFF  }
0xa5: {  	s26 =	simm.s32 $execute0_lowered;
	[smem:$0x3FD2] =	sst s25  }
0xa6: {  	s4 =	sshll.u32 s26, $0x1;
	_ =	strace $0x8000004C;
	[dreg:$0x1] =	wrdreg $0xFFFFFFFF  }
0xa7: {  	s28 =	simm.s32 $_size_execute0_lowered;
	s2 =	sadd.s32 s2, s4;
	[dreg:$0x0] =	wrdreg $0x0  }
0xa8: {  	s4 =	sshll.u32 s28, $0x1;
	[dreg:$0x2] =	wrdreg s2  }
0xa9: {  	[dreg:$0x3] =	wrdreg s4  }
0xaa: {  	[dreg:$0x4] =	wrdreg $0xC0  }
0xab: {  	_ =	task [dreg:s6], $0x5FFFF  }
0xac: {  	[dreg:$0x1] =	wrdreg $0xFFFFFFFF  }
0xad: {  	[dreg:$0x0] =	wrdreg $0x60  }
0xae: {  	[dreg:$0x2] =	wrdreg s24  }
0xaf: {  	[dreg:$0x3] =	wrdreg $0xA8000  }
0xb0: {  	[dreg:$0x4] =	wrdreg $0x9  }
0xb1: {  	_ =	task.clear_ibuf [dreg:s6], $0x5FFFF;
	_ =	strace $0x9000004C  }
0xb2: {  	s29 =	simm.s32 $0x9;
	_ =	strace $0x8000004E  }
0xb3: {  	_ =	swait.ge [sflag:s29], $0x1  }
0xb4: {  	[sflag:s29] =	ssyncadd.s32 $0xFFFFFFFF  }
0xb5: {  	_ =	strace $0x9000004E  }
0xb6: {  	_ =	sfence  }
0xb7: {  	s30 =	sld [smem:$0x0];
	_ =	sdelay $0x2  }
0xb8: {  	s31 =	sshll.u32 s1, $0xD;
	s1 =	sshrl.u32 s1, $0x2  }
0xb9: {  	s3 =	sand.u32 $0x4000, s31;
	s1 =	sadd.s32 s1, s30  }
0xba: {  	s0 =	sor.u32 s3, s0;
	s1 =	sshll.u32 s1, $0x11  }
0xbb: {  	s0 =	sor.u32 s1, s0  }
0xbc: {  	s0 =	sadd.s32 $0x8F2B, s0  }
0xbd: {  	[sflag:s0] =	ssyncadd.remote.s32 $0x1  }
0xbe: {  	_ =	sfence.sel $0xFFFF  }
0xbf: {  	[dreg:$0x0] =	wrdreg $0xFFFFFFFF;
	(pc) =	sbr.abs _section_cstart, $3  }
0xc0: {  	[dreg:$0x1] =	wrdreg $0xFFFFFFFF  }
0xc1: {  	_ =	task.clear_ibuf [dreg:s6], $0x2FFFF;
	_ =	strace $0x9FFFFFFF  }
0xc2: {  	(tm) =	ssettm $0x7FFFFFFF  }
0xc3: {  	_ =	shalt  }
tec
execute0_lowered:
.L_overlay_start_1:
0x0: {  	(tag) =	ssettag $0x1  }
0x1: {  	s6 =	rddreg [dreg:$0x0]  }
0x2: {  	s0 =	srdreg.scid;
	s2 =	rddreg [dreg:$0x1];
	s3 =	simm.s32 $0x0  }
0x3: {  	s14 =	simm.s32 $0x80;
	s15 =	simm.s32 $0x2800;
	s16 =	simm.s32 $0x6800  }
0x4: {  	s17 =	simm.s32 $0x1;
	s18 =	simm.s32 $0x2;
	s19 =	simm.s32 $0x2700  }
0x5: {  	s20 =	simm.s32 $0x2780;
	s5 =	sand.u32 $0x1, s0;
	s0 =	stileid.u32  }
0x6: {  	s21 =	simm.s32 $0x0;
	[smem:$0x7FF] =	sst s3;
	s8 =	smul.u32 $0x140000, s5  }
0x7: {  	s4 =	sadd.s32 $0x12A00, s6;
	s1 =	sshll.u32 s5, $0x4;
	s9 =	smul.u32 $0x14000, s0  }
0x8: {  	s31 =	ssub.s32 $0x2, s5;
	s10 =	smul.u32 $0x50000, s0;
	s5 =	sadd.s32 $0x10200, s6  }
0x9: {  	s12 =	sshll.u32 s0, $0x6;
	s1 =	sor.u32 s0, s1;
	s11 =	sshrl.u32 s31, $0x1  }
0xa: {  	s12 =	sor.u32 $0x1C03, s12;
	s7 =	smul.u32 $0x280, s1;
	s1 =	rddreg [dreg:$0x2]  }
0xb: {  	_ =	strace $0x8000004D;
	s8 =	sadd.s32 s9, s8;
	s9 =	ssub.s32 s31, s11  }
0xc: {  	s10 =	sshrl.u32 s10, $0x2;
	s11 =	simm.s32 $0x1400;
	s8 =	sshrl.u32 s8, $0x3  }
0xd: {  	s13 =	sadd.s32 s10, s2;
	s9 =	smax.u32 s9, $0x1;
	s10 =	simm.s32 $0x3  }
0xe: {  	s7 =	sadd.s32 s7, s6;
	s8 =	sadd.s32 s8, s6;
	s13 =	sshrl.u32 s13, $0x3  }
0xf: {  	s6 =	sadd.s32 $0x6200, s7;
	s7 =	sadd.s32 $0xB200, s7;
	s8 =	sadd.s32 $0x6CA00, s8  }
.LBB2_1:
0x10: {  	[tilespmem:s3], [sflag:$0x3] =	stream.linear.gather [hbm4b:s6+s3], $0x1400, $0x38;
	[tilespmem:$0x1E800] =	vst v63  }
0x11: {  	_ =	swait.ge [sflag:s10], $0x1400  }
0x12: {  	[sflag:s10] =	ssyncset.done $0x0  }
0x13: {  	[sflag:s10] =	ssyncadd.s32 $0xFFFFEC00  }
0x14: {  	[tilespmem:s11], [sflag:$0x3] =	stream.linear.gather [hbm4b:s7+s3], $0x1400, $0x38;
	[tilespmem:$0x1E800] =	vst v63  }
0x15: {  	_ =	swait.ge [sflag:s10], $0x1400  }
0x16: {  	[sflag:s10] =	ssyncset.done $0x0  }
0x17: {  	[sflag:s10] =	ssyncadd.s32 $0xFFFFEC00  }
0x18: {  	[spmem:s13], [sflag:s12] =	dma.local [hbm:s5], $0x2800  }
0x19: {  	_ =	swait.ge [sflag:s10], $0x2800  }
0x1a: {  	[sflag:s10] =	ssyncset.done $0x0  }
0x1b: {  	[sflag:s10] =	ssyncadd.s32 $0xFFFFD800  }
0x1c: {  	[bflag:$0x0] =	sbarrier.arrive $0xFFFF  }
0x1d: {  	[tilespmem:s15], [sflag:$0x1] =	stream.indirect.gather [hbm4b:s4+s14], $0x80, s3, s14, $0xb8;
	[tilespmem:$0x1E800] =	vst v63  }
0x1e: {  	_ = 	snop  }
0x1f: {  	[tilespmem:s16], [sflag:$0x2] =	stream.indirect.gather [hbm4b:s4+s14], $0x80, s14, s14, $0xb8;
	[tilespmem:$0x1E800] =	vst v63  }
0x20: {  	_ =	swait.ge [sflag:s17], $0x4000  }
0x21: {  	[sflag:s17] =	ssyncset.done $0x0  }
0x22: {  	s22 =	simm.s32 $0x1400;
	[sflag:s17] =	ssyncadd.s32 $0xFFFFC000  }
0x23: {  	[spmem:s2] =	stream.indirect.scatter.add.f32 [tilespmem:s15], [sflag:$0x3], $0x80, s22, s14, $0xb8;
	[tilespmem:$0x1E800] =	vst v63  }
0x24: {  	_ =	swait.ge [sflag:s10], $0x4000  }
0x25: {  	[sflag:s10] =	ssyncset.done $0x0  }
0x26: {  	s30 =	simm.s32 $0x100;
	[sflag:s10] =	ssyncadd.s32 $0xFFFFC000  }
0x27: {  	[tilespmem:s15], [sflag:$0x1] =	stream.indirect.gather [hbm4b:s4+s14], $0x80, s30, s14, $0xb8;
	[tilespmem:$0x1E800] =	vst v63  }
0x28: {  	_ =	swait.ge [sflag:s18], $0x4000  }
0x29: {  	[sflag:s18] =	ssyncset.done $0x0  }
0x2a: {  	s31 =	simm.s32 $0x1480;
	[sflag:s18] =	ssyncadd.s32 $0xFFFFC000  }
0x2b: {  	[spmem:s2] =	stream.indirect.scatter.add.f32 [tilespmem:s16], [sflag:$0x3], $0x80, s31, s14, $0xb8;
	[tilespmem:$0x1E800] =	vst v63  }
0x2c: {  	_ =	swait.ge [sflag:s10], $0x4000  }
0x2d: {  	[sflag:s10] =	ssyncset.done $0x0  }
0x2e: {  	s23 =	simm.s32 $0x180;
	s22 =	simm.s32 $0x400;
	[sflag:s10] =	ssyncadd.s32 $0xFFFFC000  }
.LBB2_2:
0x2f: {  	[tilespmem:s16], [sflag:$0x2] =	stream.indirect.gather [hbm4b:s4+s14], $0x80, s23, s14, $0xb8;
	[tilespmem:$0x1E800] =	vst v63  }
0x30: {  	s23 =	smov.u32 s22  }
0x31: {  	p0 =	sne.s32 s22, $0x4800;
	s22 =	sadd.s32 $0x400, s22;
	_ =	swait.ge [sflag:s17], $0x4000  }
0x32: {  	s23 =	sshra.s32 s23, $0x2;
	[sflag:s17] =	ssyncset.done $0x0  }
0x33: {  	s24 =	sadd.s32 $0x1400, s23;
	[sflag:s17] =	ssyncadd.s32 $0xFFFFC000  }
0x34: {  	[spmem:s2] =	stream.indirect.scatter.add.f32 [tilespmem:s15], [sflag:$0x3], $0x80, s24, s14, $0xb8;
	[tilespmem:$0x1E800] =	vst v63  }
0x35: {  	_ =	swait.ge [sflag:s10], $0x4000  }
0x36: {  	[sflag:s10] =	ssyncset.done $0x0  }
0x37: {  	s24 =	sadd.s32 $0x100, s23;
	[sflag:s10] =	ssyncadd.s32 $0xFFFFC000  }
0x38: {  	[tilespmem:s15], [sflag:$0x1] =	stream.indirect.gather [hbm4b:s4+s14], $0x80, s24, s14, $0xb8;
	[tilespmem:$0x1E800] =	vst v63  }
0x39: {  	_ =	swait.ge [sflag:s18], $0x4000  }
0x3a: {  	[sflag:s18] =	ssyncset.done $0x0  }
.Ltmp0:
0x3b: {  	s24 =	sadd.s32 $0x1480, s23;
	[sflag:s18] =	ssyncadd.s32 $0xFFFFC000;
	(pc) =	sbr.rel @p0 .LBB2_2-.Ltmp0, $4  }
0x3c: {  	[spmem:s2] =	stream.indirect.scatter.add.f32 [tilespmem:s16], [sflag:$0x3], $0x80, s24, s14, $0xb8;
	[tilespmem:$0x1E800] =	vst v63  }
0x3d: {  	_ =	swait.ge [sflag:s10], $0x4000  }
0x3e: {  	[sflag:s10] =	ssyncset.done $0x0  }
0x3f: {  	s23 =	sadd.s32 $0x180, s23;
	[sflag:s10] =	ssyncadd.s32 $0xFFFFC000  }
0x40: {  	[tilespmem:s16], [sflag:$0x2] =	stream.indirect.gather [hbm4b:s4+s14], $0x80, s23, s14, $0xb8;
	[tilespmem:$0x1E800] =	vst v63  }
0x41: {  	_ =	swait.ge [sflag:s17], $0x4000  }
0x42: {  	[sflag:s17] =	ssyncset.done $0x0  }
0x43: {  	[sflag:s17] =	ssyncadd.s32 $0xFFFFC000  }
0x44: {  	[spmem:s2] =	stream.indirect.scatter.add.f32 [tilespmem:s15], [sflag:$0x3], $0x80, s19, s14, $0xb8;
	[tilespmem:$0x1E800] =	vst v63  }
0x45: {  	_ =	swait.ge [sflag:s10], $0x4000  }
0x46: {  	[sflag:s10] =	ssyncset.done $0x0  }
0x47: {  	[sflag:s10] =	ssyncadd.s32 $0xFFFFC000  }
0x48: {  	_ =	swait.ge [sflag:s18], $0x4000  }
0x49: {  	[sflag:s18] =	ssyncset.done $0x0  }
0x4a: {  	[sflag:s18] =	ssyncadd.s32 $0xFFFFC000  }
0x4b: {  	[spmem:s2] =	stream.indirect.scatter.add.f32 [tilespmem:s16], [sflag:$0x3], $0x80, s20, s14, $0xb8;
	[tilespmem:$0x1E800] =	vst v63  }
0x4c: {  	_ =	swait.ge [sflag:s10], $0x4000  }
0x4d: {  	s21 =	sadd.s32 $0x1, s21;
	[sflag:s10] =	ssyncset.done $0x0  }
0x4e: {  	p0 =	sne.s32 s21, s9;
	[sflag:s10] =	ssyncadd.s32 $0xFFFFC000  }
.Ltmp1:
0x4f: {  	[bflag:$0x0] =	sbarrier.arrive $0xFFFF;
	(pc) =	sbr.rel @p0 .LBB2_1-.Ltmp1, $4  }
0x50: {  	[hbm:s8], [sflag:s12] =	dma.local [spmem:s13], $0x2800  }
0x51: {  	_ =	swait.ge [sflag:s10], $0x2800  }
0x52: {  	[sflag:s10] =	ssyncset.done $0x0  }
0x53: {  	[sflag:s10] =	ssyncadd.s32 $0xFFFFD800  }
0x54: {  	_ =	sfence.sel $0x180000  }
0x55: {  	[bflag:$0x0] =	sbarrier.arrive $0xFFFF  }
0x56: {  	p0 =	sne.s32 s0, $0x0;
	_ =	strace $0x9000004D  }
0x57: {  	s0 =	sadd.s32 @!p0 $0x100000, s1;
	[bflag:$0x2] =	sbarrier.arrive $0xFFFF  }
0x58: {  	[sflag:s0] =	ssyncadd.tile.s32 @!p0 $0x1;
	_ =	shalt  }
.Lfunc_end2:
_tile_overlayer_lowered:
.L_overlay_start_2:
0x59: {  	(tag) =	ssettag $0x2  }
0x5a: {  	s0 =	rddreg [dreg:$0x0];
	s2 =	stileid.u32  }
0x5b: {  	s1 =	rddreg [dreg:$0x1];
	p0 =	sne.s32 s2, $0x0  }
0x5c: {  	s3 =	rddreg [dreg:$0x2];
	[bflag:$0x3] =	sbarrier.arrive $0xFFFF;
	s2 =	simm.s32 @!p0 $0x1C03  }
0x5d: {  	[timem:s3], [sflag:s2] =	dma.local @!p0 [hbm:s0], s1  }
0x5e: {  	s0 =	simm.s32 @!p0 $0x3  }
0x5f: {  	_ =	swait.ge @!p0 [sflag:s0], s1  }
0x60: {  	s1 =	ssub.s32 @!p0 $0x0, s1;
	[sflag:s0] =	ssyncset.done @!p0 $0x0  }
0x61: {  	[sflag:s0] =	ssyncadd.s32 @!p0 s1  }
0x62: {  	[bflag:$0x3] =	sbarrier.arrive $0xFFFF  }
0x63: {  	_ =	shalt  }

// kernel: kernel.27.cloned.1.call-start
scs
__scs_entry_jumppad:
0x0: {  	(pc) =	sbr.rel $0x88, $3  }
0x1: {  	(tag) =	ssettag $0x0;
	lr =	simm.s32 $0x1  }
0x2: {  	[smem:$0x3F8B] =	sst lr;
	_ =	strace $0xD0000000  }
0x3: {  	_ = 	snop  }
0x4: {  	_ = 	snop  }
0x5: {  	_ = 	snop  }
0x6: {  	_ = 	snop  }
0x7: {  	_ = 	snop  }
__scs_overlays_trampoline_lowered:
0x8: {  	[smem:$0x3F9A] =	sst s0  }
0x9: {  	[smem:$0x3F9B] =	sst s1  }
0xa: {  	[smem:$0x3F9C] =	sst s2  }
0xb: {  	[smem:$0x3F9D] =	sst s3  }
0xc: {  	[smem:$0x3F9E] =	sst s4  }
0xd: {  	[smem:$0x3F9F] =	sst s5  }
0xe: {  	[smem:$0x3FA0] =	sst s6  }
0xf: {  	[smem:$0x3FA1] =	sst s7  }
0x10: {  	[smem:$0x3FA2] =	sst s8  }
0x11: {  	[smem:$0x3FA3] =	sst s9;
	s0 =	simm.s32 @!p0 $0x0  }
0x12: {  	s1 =	sld [smem:$0x3F89];
	s0 =	simm.s32 @p0 $0x1  }
0x13: {  	[smem:$0x3FA4] =	sst s0;
	s0 =	simm.s32 @!p1 $0x0  }
0x14: {  	s2 =	sld [smem:$0x3F88];
	s0 =	simm.s32 @p1 $0x1  }
0x15: {  	[smem:$0x3FA5] =	sst s0;
	s0 =	simm.s32 @!p2 $0x0  }
0x16: {  	s3 =	sld [smem:$0x3FDB];
	s0 =	simm.s32 @p2 $0x1  }
0x17: {  	s4 =	simm.s32 $0x1BF5;
	[smem:$0x3FA7] =	sst s0  }
0x18: {  	s0 =	sld [smem:$0x3F8A];
	_ =	swait.ge [sflag:s4], $0x0  }
0x19: {  	s7 =	sld [smem:$0x3F8B]  }
0x1a: {  	s8 =	sadd.s32 $0xFFFFE003, lr  }
0x1b: {  	s9 =	sadd.s32 $0xFFFFFEF7, lr;
	s5 =	simm.s32 $0xFFFFFFFF;
	p2 =	slt.u32 s8, $0xFFFFF086  }
0x1c: {  	p1 =	slt.u32 s9, $0xF7A;
	s5 =	simm.s32 @!p2 $0x0  }
0x1d: {  	s5 =	simm.s32 @p1 $0x1;
	p0 =	seq.s32 s7, s2  }
0x1e: {  	s7 =	smul.u32 @!p0 $0xF7A, s2;
	p2 =	seq.s32 @!p0 s5, $0x0  }
0x1f: {  	s9 =	smul.u32 $0xF7A, s1;
	s8 =	simm.s32 @!p0 $0x1BF5;
	p2 =	por !p2, p0  }
0x20: {  	[sflag:s8] =	ssyncset.s32 @!p0 $0xFFFFF086;
	s6 =	sadd.s32 @!p0 s3, s7;
	s7 =	simm.s32 @!p0 $0x108  }
0x21: {  	s3 =	sadd.s32 s3, s9;
	s6 =	sadd.s32 @!p0 $0x88, s6;
	s7 =	simm.s32 @p2 $0x1082  }
0x22: {  	[simem:s7], [sflag:s8] =	dma.local @!p0 [hbm:s6], $0xF7A  }
0x23: {  	s9 =	sor.u32 $0xD0000000, s2;
	s6 =	simm.s32 $0x108;
	_ =	swait.ge @!p0 [sflag:s8], $0x0  }
0x24: {  	s3 =	sadd.s32 $0x88, s3;
	s6 =	simm.s32 @!p1 $0x1082;
	[sflag:s4] =	ssyncset.s32 $0xFFFFF086  }
0x25: {  	[simem:s6], [sflag:s4] =	dma.local [hbm:s3], $0xF7A  }
0x26: {  	[smem:$0x3F8B] =	sst s1;
	(tag) =	ssettag s2;
	_ =	strace s9  }
0x27: {  	s1 =	sld [smem:$0x3F9B]  }
0x28: {  	s2 =	sld [smem:$0x3F9C]  }
0x29: {  	s4 =	sld [smem:$0x3F9E]  }
0x2a: {  	p0 =	seq.s32 s5, $0x0;
	s5 =	sld [smem:$0x3F9F]  }
0x2b: {  	s6 =	sld [smem:$0x3FA0]  }
0x2c: {  	s7 =	sld [smem:$0x3FA1]  }
0x2d: {  	s3 =	simm.s32 $0x108;
	s8 =	sld [smem:$0x3FA2]  }
0x2e: {  	s3 =	simm.s32 @!p0 $0x1082;
	s9 =	sld [smem:$0x3FA3]  }
0x2f: {  	lr =	sadd.s32 s0, s3;
	s0 =	sld [smem:$0x3F9A]  }
0x30: {  	s3 =	sld [smem:$0x3F9D]  }
0x31: {  	[smem:$0x3FA6] =	sst s10  }
0x32: {  	s10 =	sld [smem:$0x3FA4];
	_ =	sdelay $0x3  }
0x33: {  	p0 =	seq.s32 s10, $0x1;
	s10 =	sld [smem:$0x3FA6];
	_ =	sdelay $0x3  }
0x34: {  	[smem:$0x3FA6] =	sst s10  }
0x35: {  	s10 =	sld [smem:$0x3FA5];
	_ =	sdelay $0x3  }
0x36: {  	p1 =	seq.s32 s10, $0x1;
	s10 =	sld [smem:$0x3FA6];
	_ =	sdelay $0x3  }
0x37: {  	[smem:$0x3FA6] =	sst s10  }
0x38: {  	s10 =	sld [smem:$0x3FA7]  }
0x39: {  	_ = 	snop;
	(pc) =	sbr.ind lr, $3  }
0x3a: {  	_ = 	snop  }
0x3b: {  	_ = 	snop  }
0x3c: {  	p2 =	seq.s32 s10, $0x1;
	s10 =	sld [smem:$0x3FA6]  }
0x3d: {  	_ =	shalt  }
0x3e: {  	_ =	shalt  }
0x3f: {  	_ =	shalt  }
0x40: {  	_ =	shalt  }
0x41: {  	_ =	shalt  }
0x42: {  	_ =	shalt  }
0x43: {  	_ =	shalt  }
0x44: {  	_ =	shalt  }
0x45: {  	_ =	shalt  }
0x46: {  	_ =	shalt  }
0x47: {  	_ =	shalt  }
0x48: {  	_ =	shalt  }
0x49: {  	_ =	shalt  }
0x4a: {  	_ =	shalt  }
0x4b: {  	_ =	shalt  }
0x4c: {  	_ =	shalt  }
0x4d: {  	_ =	shalt  }
0x4e: {  	_ =	shalt  }
0x4f: {  	_ =	shalt  }
0x50: {  	_ =	shalt  }
0x51: {  	_ =	shalt  }
0x52: {  	_ =	shalt  }
0x53: {  	_ =	shalt  }
0x54: {  	_ =	shalt  }
0x55: {  	_ =	shalt  }
0x56: {  	_ =	shalt  }
0x57: {  	_ =	shalt  }
0x58: {  	_ =	shalt  }
0x59: {  	_ =	shalt  }
0x5a: {  	_ =	shalt  }
0x5b: {  	_ =	shalt  }
0x5c: {  	_ =	shalt  }
0x5d: {  	_ =	shalt  }
0x5e: {  	_ =	shalt  }
0x5f: {  	_ =	shalt  }
0x60: {  	_ =	shalt  }
0x61: {  	_ =	shalt  }
0x62: {  	_ =	shalt  }
0x63: {  	_ =	shalt  }
0x64: {  	_ =	shalt  }
0x65: {  	_ =	shalt  }
0x66: {  	_ =	shalt  }
0x67: {  	_ =	shalt  }
0x68: {  	_ =	shalt  }
0x69: {  	_ =	shalt  }
0x6a: {  	_ =	shalt  }
0x6b: {  	_ =	shalt  }
0x6c: {  	_ =	shalt  }
0x6d: {  	_ =	shalt  }
0x6e: {  	_ =	shalt  }
0x6f: {  	_ =	shalt  }
0x70: {  	_ =	shalt  }
0x71: {  	_ =	shalt  }
0x72: {  	_ =	shalt  }
0x73: {  	_ =	shalt  }
0x74: {  	_ =	shalt  }
0x75: {  	_ =	shalt  }
0x76: {  	_ =	shalt  }
0x77: {  	_ =	shalt  }
0x78: {  	_ =	shalt  }
0x79: {  	_ =	shalt  }
0x7a: {  	_ =	shalt  }
0x7b: {  	_ =	shalt  }
0x7c: {  	_ =	shalt  }
0x7d: {  	_ =	shalt  }
0x7e: {  	_ =	shalt  }
0x7f: {  	_ =	shalt  }
0x80: {  	_ =	shalt  }
0x81: {  	_ =	shalt  }
0x82: {  	_ =	shalt  }
0x83: {  	_ =	shalt  }
0x84: {  	_ =	shalt  }
0x85: {  	_ =	shalt  }
0x86: {  	_ =	shalt  }
0x87: {  	_ =	shalt  }
.Lfunc_end0:
.L_simem_size_0:
called_computation.4_lowered:
.L_overlay_start_0:
0x88: {  	s2 =	sld [smem:$0x3FD9]  }
0x89: {  	s3 =	sld [smem:$0x3FFE];
	_ =	sdelay $0x1  }
0x8a: {  	s1 =	srdreg.scid  }
0x8b: {  	s0 =	sand.u32 $0x1, s1  }
0x8c: {  	s16 =	sshll.u32 s0, $0xA;
	s2 =	sadd.s32 s3, s2  }
0x8d: {  	s2 =	sadd.s32 s2, s16  }
0x8e: {  	[smem:$0x3FB2] =	sst s2  }
0x8f: {  	_ = 	snop  }
0x90: {  	(tm) =	ssettm $0x1  }
0x91: {  	s17 =	sld [smem:$0x3FFB];
	_ =	sdelay $0x3  }
0x92: {  	_ =	strace s17  }
0x93: {  	s2 =	sld [smem:$0x3FFC];
	_ =	sdelay $0x3  }
0x94: {  	_ =	strace s2  }
0x95: {  	s2 =	sld [smem:$0x3FFD];
	_ =	sdelay $0x3  }
0x96: {  	_ =	strace s2  }
0x97: {  	_ =	strace $0x8FFFFFFF  }
0x98: {  	s18 =	sld [smem:$0x3FDB];
	_ =	sdelay $0x1  }
0x99: {  	s19 =	simm.s32 $_scs_section_size  }
0x9a: {  	s4 =	simm.s32 $_size__tile_overlayer_lowered;
	s5 =	simm.s32 $_tile_overlayer_lowered  }
0x9b: {  	s22 =	simm.s32 $0x1BFF;
	s21 =	sshll.u32 s5, $0x1;
	s2 =	sadd.s32 s19, s18  }
0x9c: {  	s6 =	simm.s32 $0x0;
	s20 =	sshll.u32 s4, $0x1;
	s4 =	sadd.s32 s21, s2  }
0x9d: {  	[timem:s6], [sflag:s22] =	dma.local [hbm:s4], s20  }
0x9e: {  	_ =	swait.ge [sflag:s22], s20  }
0x9f: {  	s3 =	ssub.s32 $0x0, s20;
	[sflag:s22] =	ssyncset.done $0x0  }
0xa0: {  	[sflag:s22] =	ssyncadd.s32 s3;
	_ =	sdelay $0x1  }
0xa1: {  	s23 =	simm.s32 $0x1B8B  }
0xa2: {  	_ =	swait.ge [sflag:s23], $0x1  }
0xa3: {  	[sflag:s23] =	ssyncset.done $0x0  }
0xa4: {  	s25 =	simm.s32 $0x1B8E;
	s24 =	sld [smem:$0x3FFE];
	[sflag:s23] =	ssyncadd.s32 $0xFFFFFFFF  }
0xa5: {  	s26 =	simm.s32 $execute0_lowered;
	[smem:$0x3FD2] =	sst s25  }
0xa6: {  	s4 =	sshll.u32 s26, $0x1;
	_ =	strace $0x8000004F;
	[dreg:$0x1] =	wrdreg $0xFFFFFFFF  }
0xa7: {  	s28 =	simm.s32 $_size_execute0_lowered;
	s2 =	sadd.s32 s2, s4;
	[dreg:$0x0] =	wrdreg $0x0  }
0xa8: {  	s4 =	sshll.u32 s28, $0x1;
	[dreg:$0x2] =	wrdreg s2  }
0xa9: {  	[dreg:$0x3] =	wrdreg s4  }
0xaa: {  	[dreg:$0x4] =	wrdreg $0xC0  }
0xab: {  	_ =	task [dreg:s6], $0x5FFFF  }
0xac: {  	[dreg:$0x1] =	wrdreg $0xFFFFFFFF  }
0xad: {  	[dreg:$0x0] =	wrdreg $0x60  }
0xae: {  	[dreg:$0x2] =	wrdreg s24  }
0xaf: {  	[dreg:$0x3] =	wrdreg $0xA8000  }
0xb0: {  	[dreg:$0x4] =	wrdreg $0x9  }
0xb1: {  	_ =	task.clear_ibuf [dreg:s6], $0x5FFFF;
	_ =	strace $0x9000004F  }
0xb2: {  	s29 =	simm.s32 $0x9;
	_ =	strace $0x80000051  }
0xb3: {  	_ =	swait.ge [sflag:s29], $0x1  }
0xb4: {  	[sflag:s29] =	ssyncadd.s32 $0xFFFFFFFF  }
0xb5: {  	_ =	strace $0x90000051  }
0xb6: {  	_ =	sfence  }
0xb7: {  	s30 =	sld [smem:$0x0];
	_ =	sdelay $0x2  }
0xb8: {  	s31 =	sshll.u32 s1, $0xD;
	s1 =	sshrl.u32 s1, $0x2  }
0xb9: {  	s3 =	sand.u32 $0x4000, s31;
	s1 =	sadd.s32 s1, s30  }
0xba: {  	s0 =	sor.u32 s3, s0;
	s1 =	sshll.u32 s1, $0x11  }
0xbb: {  	s0 =	sor.u32 s1, s0  }
0xbc: {  	s0 =	sadd.s32 $0x8F2B, s0  }
0xbd: {  	[sflag:s0] =	ssyncadd.remote.s32 $0x1  }
0xbe: {  	_ =	sfence.sel $0xFFFF  }
0xbf: {  	[dreg:$0x0] =	wrdreg $0xFFFFFFFF;
	(pc) =	sbr.abs _section_cstart, $3  }
0xc0: {  	[dreg:$0x1] =	wrdreg $0xFFFFFFFF  }
0xc1: {  	_ =	task.clear_ibuf [dreg:s6], $0x2FFFF;
	_ =	strace $0x9FFFFFFF  }
0xc2: {  	(tm) =	ssettm $0x7FFFFFFF  }
0xc3: {  	_ =	shalt  }
tec
execute0_lowered:
.L_overlay_start_1:
0x0: {  	(tag) =	ssettag $0x1  }
0x1: {  	s6 =	rddreg [dreg:$0x0]  }
0x2: {  	s0 =	srdreg.scid;
	s2 =	rddreg [dreg:$0x1];
	s3 =	simm.s32 $0x0  }
0x3: {  	s14 =	simm.s32 $0x80;
	s15 =	simm.s32 $0x2800;
	s16 =	simm.s32 $0x6800  }
0x4: {  	s17 =	simm.s32 $0x1;
	s18 =	simm.s32 $0x2;
	s19 =	simm.s32 $0x2700  }
0x5: {  	s20 =	simm.s32 $0x2780;
	s5 =	sand.u32 $0x1, s0;
	s0 =	stileid.u32  }
0x6: {  	s21 =	simm.s32 $0x0;
	[smem:$0x7FF] =	sst s3;
	s8 =	smul.u32 $0x140000, s5  }
0x7: {  	s4 =	sadd.s32 $0x12A00, s6;
	s1 =	sshll.u32 s5, $0x4;
	s9 =	smul.u32 $0x14000, s0  }
0x8: {  	s31 =	ssub.s32 $0x2, s5;
	s10 =	smul.u32 $0x50000, s0;
	s5 =	sadd.s32 $0x10200, s6  }
0x9: {  	s12 =	sshll.u32 s0, $0x6;
	s1 =	sor.u32 s0, s1;
	s11 =	sshrl.u32 s31, $0x1  }
0xa: {  	s12 =	sor.u32 $0x1C03, s12;
	s7 =	smul.u32 $0x280, s1;
	s1 =	rddreg [dreg:$0x2]  }
0xb: {  	_ =	strace $0x80000050;
	s8 =	sadd.s32 s9, s8;
	s9 =	ssub.s32 s31, s11  }
0xc: {  	s10 =	sshrl.u32 s10, $0x2;
	s11 =	simm.s32 $0x1400;
	s8 =	sshrl.u32 s8, $0x3  }
0xd: {  	s13 =	sadd.s32 s10, s2;
	s9 =	smax.u32 s9, $0x1;
	s10 =	simm.s32 $0x3  }
0xe: {  	s7 =	sadd.s32 s7, s6;
	s8 =	sadd.s32 s8, s6;
	s13 =	sshrl.u32 s13, $0x3  }
0xf: {  	s6 =	sadd.s32 $0x62A00, s7;
	s7 =	sadd.s32 $0x67A00, s7;
	s8 =	sadd.s32 $0x6CA00, s8  }
.LBB2_1:
0x10: {  	[tilespmem:s3], [sflag:$0x3] =	stream.linear.gather [hbm4b:s6+s3], $0x1400, $0x38;
	[tilespmem:$0x1E800] =	vst v63  }
0x11: {  	_ =	swait.ge [sflag:s10], $0x1400  }
0x12: {  	[sflag:s10] =	ssyncset.done $0x0  }
0x13: {  	[sflag:s10] =	ssyncadd.s32 $0xFFFFEC00  }
0x14: {  	[tilespmem:s11], [sflag:$0x3] =	stream.linear.gather [hbm4b:s7+s3], $0x1400, $0x38;
	[tilespmem:$0x1E800] =	vst v63  }
0x15: {  	_ =	swait.ge [sflag:s10], $0x1400  }
0x16: {  	[sflag:s10] =	ssyncset.done $0x0  }
0x17: {  	[sflag:s10] =	ssyncadd.s32 $0xFFFFEC00  }
0x18: {  	[spmem:s13], [sflag:s12] =	dma.local [hbm:s5], $0x2800  }
0x19: {  	_ =	swait.ge [sflag:s10], $0x2800  }
0x1a: {  	[sflag:s10] =	ssyncset.done $0x0  }
0x1b: {  	[sflag:s10] =	ssyncadd.s32 $0xFFFFD800  }
0x1c: {  	[bflag:$0x0] =	sbarrier.arrive $0xFFFF  }
0x1d: {  	[tilespmem:s15], [sflag:$0x1] =	stream.indirect.gather [hbm4b:s4+s14], $0x80, s3, s14, $0xb8;
	[tilespmem:$0x1E800] =	vst v63  }
0x1e: {  	_ = 	snop  }
0x1f: {  	[tilespmem:s16], [sflag:$0x2] =	stream.indirect.gather [hbm4b:s4+s14], $0x80, s14, s14, $0xb8;
	[tilespmem:$0x1E800] =	vst v63  }
0x20: {  	_ =	swait.ge [sflag:s17], $0x4000  }
0x21: {  	[sflag:s17] =	ssyncset.done $0x0  }
0x22: {  	s22 =	simm.s32 $0x1400;
	[sflag:s17] =	ssyncadd.s32 $0xFFFFC000  }
0x23: {  	[spmem:s2] =	stream.indirect.scatter.add.f32 [tilespmem:s15], [sflag:$0x3], $0x80, s22, s14, $0xb8;
	[tilespmem:$0x1E800] =	vst v63  }
0x24: {  	_ =	swait.ge [sflag:s10], $0x4000  }
0x25: {  	[sflag:s10] =	ssyncset.done $0x0  }
0x26: {  	s30 =	simm.s32 $0x100;
	[sflag:s10] =	ssyncadd.s32 $0xFFFFC000  }
0x27: {  	[tilespmem:s15], [sflag:$0x1] =	stream.indirect.gather [hbm4b:s4+s14], $0x80, s30, s14, $0xb8;
	[tilespmem:$0x1E800] =	vst v63  }
0x28: {  	_ =	swait.ge [sflag:s18], $0x4000  }
0x29: {  	[sflag:s18] =	ssyncset.done $0x0  }
0x2a: {  	s31 =	simm.s32 $0x1480;
	[sflag:s18] =	ssyncadd.s32 $0xFFFFC000  }
0x2b: {  	[spmem:s2] =	stream.indirect.scatter.add.f32 [tilespmem:s16], [sflag:$0x3], $0x80, s31, s14, $0xb8;
	[tilespmem:$0x1E800] =	vst v63  }
0x2c: {  	_ =	swait.ge [sflag:s10], $0x4000  }
0x2d: {  	[sflag:s10] =	ssyncset.done $0x0  }
0x2e: {  	s23 =	simm.s32 $0x180;
	s22 =	simm.s32 $0x400;
	[sflag:s10] =	ssyncadd.s32 $0xFFFFC000  }
.LBB2_2:
0x2f: {  	[tilespmem:s16], [sflag:$0x2] =	stream.indirect.gather [hbm4b:s4+s14], $0x80, s23, s14, $0xb8;
	[tilespmem:$0x1E800] =	vst v63  }
0x30: {  	s23 =	smov.u32 s22  }
0x31: {  	p0 =	sne.s32 s22, $0x4800;
	s22 =	sadd.s32 $0x400, s22;
	_ =	swait.ge [sflag:s17], $0x4000  }
0x32: {  	s23 =	sshra.s32 s23, $0x2;
	[sflag:s17] =	ssyncset.done $0x0  }
0x33: {  	s24 =	sadd.s32 $0x1400, s23;
	[sflag:s17] =	ssyncadd.s32 $0xFFFFC000  }
0x34: {  	[spmem:s2] =	stream.indirect.scatter.add.f32 [tilespmem:s15], [sflag:$0x3], $0x80, s24, s14, $0xb8;
	[tilespmem:$0x1E800] =	vst v63  }
0x35: {  	_ =	swait.ge [sflag:s10], $0x4000  }
0x36: {  	[sflag:s10] =	ssyncset.done $0x0  }
0x37: {  	s24 =	sadd.s32 $0x100, s23;
	[sflag:s10] =	ssyncadd.s32 $0xFFFFC000  }
0x38: {  	[tilespmem:s15], [sflag:$0x1] =	stream.indirect.gather [hbm4b:s4+s14], $0x80, s24, s14, $0xb8;
	[tilespmem:$0x1E800] =	vst v63  }
0x39: {  	_ =	swait.ge [sflag:s18], $0x4000  }
0x3a: {  	[sflag:s18] =	ssyncset.done $0x0  }
.Ltmp0:
0x3b: {  	s24 =	sadd.s32 $0x1480, s23;
	[sflag:s18] =	ssyncadd.s32 $0xFFFFC000;
	(pc) =	sbr.rel @p0 .LBB2_2-.Ltmp0, $4  }
0x3c: {  	[spmem:s2] =	stream.indirect.scatter.add.f32 [tilespmem:s16], [sflag:$0x3], $0x80, s24, s14, $0xb8;
	[tilespmem:$0x1E800] =	vst v63  }
0x3d: {  	_ =	swait.ge [sflag:s10], $0x4000  }
0x3e: {  	[sflag:s10] =	ssyncset.done $0x0  }
0x3f: {  	s23 =	sadd.s32 $0x180, s23;
	[sflag:s10] =	ssyncadd.s32 $0xFFFFC000  }
0x40: {  	[tilespmem:s16], [sflag:$0x2] =	stream.indirect.gather [hbm4b:s4+s14], $0x80, s23, s14, $0xb8;
	[tilespmem:$0x1E800] =	vst v63  }
0x41: {  	_ =	swait.ge [sflag:s17], $0x4000  }
0x42: {  	[sflag:s17] =	ssyncset.done $0x0  }
0x43: {  	[sflag:s17] =	ssyncadd.s32 $0xFFFFC000  }
0x44: {  	[spmem:s2] =	stream.indirect.scatter.add.f32 [tilespmem:s15], [sflag:$0x3], $0x80, s19, s14, $0xb8;
	[tilespmem:$0x1E800] =	vst v63  }
0x45: {  	_ =	swait.ge [sflag:s10], $0x4000  }
0x46: {  	[sflag:s10] =	ssyncset.done $0x0  }
0x47: {  	[sflag:s10] =	ssyncadd.s32 $0xFFFFC000  }
0x48: {  	_ =	swait.ge [sflag:s18], $0x4000  }
0x49: {  	[sflag:s18] =	ssyncset.done $0x0  }
0x4a: {  	[sflag:s18] =	ssyncadd.s32 $0xFFFFC000  }
0x4b: {  	[spmem:s2] =	stream.indirect.scatter.add.f32 [tilespmem:s16], [sflag:$0x3], $0x80, s20, s14, $0xb8;
	[tilespmem:$0x1E800] =	vst v63  }
0x4c: {  	_ =	swait.ge [sflag:s10], $0x4000  }
0x4d: {  	s21 =	sadd.s32 $0x1, s21;
	[sflag:s10] =	ssyncset.done $0x0  }
0x4e: {  	p0 =	sne.s32 s21, s9;
	[sflag:s10] =	ssyncadd.s32 $0xFFFFC000  }
.Ltmp1:
0x4f: {  	[bflag:$0x0] =	sbarrier.arrive $0xFFFF;
	(pc) =	sbr.rel @p0 .LBB2_1-.Ltmp1, $4  }
0x50: {  	[hbm:s8], [sflag:s12] =	dma.local [spmem:s13], $0x2800  }
0x51: {  	_ =	swait.ge [sflag:s10], $0x2800  }
0x52: {  	[sflag:s10] =	ssyncset.done $0x0  }
0x53: {  	[sflag:s10] =	ssyncadd.s32 $0xFFFFD800  }
0x54: {  	_ =	sfence.sel $0x180000  }
0x55: {  	[bflag:$0x0] =	sbarrier.arrive $0xFFFF  }
0x56: {  	p0 =	sne.s32 s0, $0x0;
	_ =	strace $0x90000050  }
0x57: {  	s0 =	sadd.s32 @!p0 $0x100000, s1;
	[bflag:$0x2] =	sbarrier.arrive $0xFFFF  }
0x58: {  	[sflag:s0] =	ssyncadd.tile.s32 @!p0 $0x1;
	_ =	shalt  }
.Lfunc_end2:
_tile_overlayer_lowered:
.L_overlay_start_2:
0x59: {  	(tag) =	ssettag $0x2  }
0x5a: {  	s0 =	rddreg [dreg:$0x0];
	s2 =	stileid.u32  }
0x5b: {  	s1 =	rddreg [dreg:$0x1];
	p0 =	sne.s32 s2, $0x0  }
0x5c: {  	s3 =	rddreg [dreg:$0x2];
	[bflag:$0x3] =	sbarrier.arrive $0xFFFF;
	s2 =	simm.s32 @!p0 $0x1C03  }
0x5d: {  	[timem:s3], [sflag:s2] =	dma.local @!p0 [hbm:s0], s1  }
0x5e: {  	s0 =	simm.s32 @!p0 $0x3  }
0x5f: {  	_ =	swait.ge @!p0 [sflag:s0], s1  }
0x60: {  	s1 =	ssub.s32 @!p0 $0x0, s1;
	[sflag:s0] =	ssyncset.done @!p0 $0x0  }
0x61: {  	[sflag:s0] =	ssyncadd.s32 @!p0 s1  }
0x62: {  	[bflag:$0x3] =	sbarrier.arrive $0xFFFF  }
0x63: {  	_ =	shalt  }

// kernel: kernel.30.cloned.1.call-start
scs
__scs_entry_jumppad:
0x0: {  	(pc) =	sbr.rel $0x88, $3  }
0x1: {  	(tag) =	ssettag $0x0;
	lr =	simm.s32 $0x1  }
0x2: {  	[smem:$0x3F8B] =	sst lr;
	_ =	strace $0xD0000000  }
0x3: {  	_ = 	snop  }
0x4: {  	_ = 	snop  }
0x5: {  	_ = 	snop  }
0x6: {  	_ = 	snop  }
0x7: {  	_ = 	snop  }
__scs_overlays_trampoline_lowered:
0x8: {  	[smem:$0x3F9A] =	sst s0  }
0x9: {  	[smem:$0x3F9B] =	sst s1  }
0xa: {  	[smem:$0x3F9C] =	sst s2  }
0xb: {  	[smem:$0x3F9D] =	sst s3  }
0xc: {  	[smem:$0x3F9E] =	sst s4  }
0xd: {  	[smem:$0x3F9F] =	sst s5  }
0xe: {  	[smem:$0x3FA0] =	sst s6  }
0xf: {  	[smem:$0x3FA1] =	sst s7  }
0x10: {  	[smem:$0x3FA2] =	sst s8  }
0x11: {  	[smem:$0x3FA3] =	sst s9;
	s0 =	simm.s32 @!p0 $0x0  }
0x12: {  	s1 =	sld [smem:$0x3F89];
	s0 =	simm.s32 @p0 $0x1  }
0x13: {  	[smem:$0x3FA4] =	sst s0;
	s0 =	simm.s32 @!p1 $0x0  }
0x14: {  	s2 =	sld [smem:$0x3F88];
	s0 =	simm.s32 @p1 $0x1  }
0x15: {  	[smem:$0x3FA5] =	sst s0;
	s0 =	simm.s32 @!p2 $0x0  }
0x16: {  	s3 =	sld [smem:$0x3FDB];
	s0 =	simm.s32 @p2 $0x1  }
0x17: {  	s4 =	simm.s32 $0x1BF5;
	[smem:$0x3FA7] =	sst s0  }
0x18: {  	s0 =	sld [smem:$0x3F8A];
	_ =	swait.ge [sflag:s4], $0x0  }
0x19: {  	s7 =	sld [smem:$0x3F8B]  }
0x1a: {  	s8 =	sadd.s32 $0xFFFFE003, lr  }
0x1b: {  	s9 =	sadd.s32 $0xFFFFFEF7, lr;
	s5 =	simm.s32 $0xFFFFFFFF;
	p2 =	slt.u32 s8, $0xFFFFF086  }
0x1c: {  	p1 =	slt.u32 s9, $0xF7A;
	s5 =	simm.s32 @!p2 $0x0  }
0x1d: {  	s5 =	simm.s32 @p1 $0x1;
	p0 =	seq.s32 s7, s2  }
0x1e: {  	s7 =	smul.u32 @!p0 $0xF7A, s2;
	p2 =	seq.s32 @!p0 s5, $0x0  }
0x1f: {  	s9 =	smul.u32 $0xF7A, s1;
	s8 =	simm.s32 @!p0 $0x1BF5;
	p2 =	por !p2, p0  }
0x20: {  	[sflag:s8] =	ssyncset.s32 @!p0 $0xFFFFF086;
	s6 =	sadd.s32 @!p0 s3, s7;
	s7 =	simm.s32 @!p0 $0x108  }
0x21: {  	s3 =	sadd.s32 s3, s9;
	s6 =	sadd.s32 @!p0 $0x88, s6;
	s7 =	simm.s32 @p2 $0x1082  }
0x22: {  	[simem:s7], [sflag:s8] =	dma.local @!p0 [hbm:s6], $0xF7A  }
0x23: {  	s9 =	sor.u32 $0xD0000000, s2;
	s6 =	simm.s32 $0x108;
	_ =	swait.ge @!p0 [sflag:s8], $0x0  }
0x24: {  	s3 =	sadd.s32 $0x88, s3;
	s6 =	simm.s32 @!p1 $0x1082;
	[sflag:s4] =	ssyncset.s32 $0xFFFFF086  }
0x25: {  	[simem:s6], [sflag:s4] =	dma.local [hbm:s3], $0xF7A  }
0x26: {  	[smem:$0x3F8B] =	sst s1;
	(tag) =	ssettag s2;
	_ =	strace s9  }
0x27: {  	s1 =	sld [smem:$0x3F9B]  }
0x28: {  	s2 =	sld [smem:$0x3F9C]  }
0x29: {  	s4 =	sld [smem:$0x3F9E]  }
0x2a: {  	p0 =	seq.s32 s5, $0x0;
	s5 =	sld [smem:$0x3F9F]  }
0x2b: {  	s6 =	sld [smem:$0x3FA0]  }
0x2c: {  	s7 =	sld [smem:$0x3FA1]  }
0x2d: {  	s3 =	simm.s32 $0x108;
	s8 =	sld [smem:$0x3FA2]  }
0x2e: {  	s3 =	simm.s32 @!p0 $0x1082;
	s9 =	sld [smem:$0x3FA3]  }
0x2f: {  	lr =	sadd.s32 s0, s3;
	s0 =	sld [smem:$0x3F9A]  }
0x30: {  	s3 =	sld [smem:$0x3F9D]  }
0x31: {  	[smem:$0x3FA6] =	sst s10  }
0x32: {  	s10 =	sld [smem:$0x3FA4];
	_ =	sdelay $0x3  }
0x33: {  	p0 =	seq.s32 s10, $0x1;
	s10 =	sld [smem:$0x3FA6];
	_ =	sdelay $0x3  }
0x34: {  	[smem:$0x3FA6] =	sst s10  }
0x35: {  	s10 =	sld [smem:$0x3FA5];
	_ =	sdelay $0x3  }
0x36: {  	p1 =	seq.s32 s10, $0x1;
	s10 =	sld [smem:$0x3FA6];
	_ =	sdelay $0x3  }
0x37: {  	[smem:$0x3FA6] =	sst s10  }
0x38: {  	s10 =	sld [smem:$0x3FA7]  }
0x39: {  	_ = 	snop;
	(pc) =	sbr.ind lr, $3  }
0x3a: {  	_ = 	snop  }
0x3b: {  	_ = 	snop  }
0x3c: {  	p2 =	seq.s32 s10, $0x1;
	s10 =	sld [smem:$0x3FA6]  }
0x3d: {  	_ =	shalt  }
0x3e: {  	_ =	shalt  }
0x3f: {  	_ =	shalt  }
0x40: {  	_ =	shalt  }
0x41: {  	_ =	shalt  }
0x42: {  	_ =	shalt  }
0x43: {  	_ =	shalt  }
0x44: {  	_ =	shalt  }
0x45: {  	_ =	shalt  }
0x46: {  	_ =	shalt  }
0x47: {  	_ =	shalt  }
0x48: {  	_ =	shalt  }
0x49: {  	_ =	shalt  }
0x4a: {  	_ =	shalt  }
0x4b: {  	_ =	shalt  }
0x4c: {  	_ =	shalt  }
0x4d: {  	_ =	shalt  }
0x4e: {  	_ =	shalt  }
0x4f: {  	_ =	shalt  }
0x50: {  	_ =	shalt  }
0x51: {  	_ =	shalt  }
0x52: {  	_ =	shalt  }
0x53: {  	_ =	shalt  }
0x54: {  	_ =	shalt  }
0x55: {  	_ =	shalt  }
0x56: {  	_ =	shalt  }
0x57: {  	_ =	shalt  }
0x58: {  	_ =	shalt  }
0x59: {  	_ =	shalt  }
0x5a: {  	_ =	shalt  }
0x5b: {  	_ =	shalt  }
0x5c: {  	_ =	shalt  }
0x5d: {  	_ =	shalt  }
0x5e: {  	_ =	shalt  }
0x5f: {  	_ =	shalt  }
0x60: {  	_ =	shalt  }
0x61: {  	_ =	shalt  }
0x62: {  	_ =	shalt  }
0x63: {  	_ =	shalt  }
0x64: {  	_ =	shalt  }
0x65: {  	_ =	shalt  }
0x66: {  	_ =	shalt  }
0x67: {  	_ =	shalt  }
0x68: {  	_ =	shalt  }
0x69: {  	_ =	shalt  }
0x6a: {  	_ =	shalt  }
0x6b: {  	_ =	shalt  }
0x6c: {  	_ =	shalt  }
0x6d: {  	_ =	shalt  }
0x6e: {  	_ =	shalt  }
0x6f: {  	_ =	shalt  }
0x70: {  	_ =	shalt  }
0x71: {  	_ =	shalt  }
0x72: {  	_ =	shalt  }
0x73: {  	_ =	shalt  }
0x74: {  	_ =	shalt  }
0x75: {  	_ =	shalt  }
0x76: {  	_ =	shalt  }
0x77: {  	_ =	shalt  }
0x78: {  	_ =	shalt  }
0x79: {  	_ =	shalt  }
0x7a: {  	_ =	shalt  }
0x7b: {  	_ =	shalt  }
0x7c: {  	_ =	shalt  }
0x7d: {  	_ =	shalt  }
0x7e: {  	_ =	shalt  }
0x7f: {  	_ =	shalt  }
0x80: {  	_ =	shalt  }
0x81: {  	_ =	shalt  }
0x82: {  	_ =	shalt  }
0x83: {  	_ =	shalt  }
0x84: {  	_ =	shalt  }
0x85: {  	_ =	shalt  }
0x86: {  	_ =	shalt  }
0x87: {  	_ =	shalt  }
.Lfunc_end0:
.L_simem_size_0:
called_computation.5_lowered:
.L_overlay_start_0:
0x88: {  	s2 =	sld [smem:$0x3FD9]  }
0x89: {  	s3 =	sld [smem:$0x3FFE];
	_ =	sdelay $0x1  }
0x8a: {  	s1 =	srdreg.scid  }
0x8b: {  	s0 =	sand.u32 $0x1, s1  }
0x8c: {  	s16 =	sshll.u32 s0, $0xA;
	s2 =	sadd.s32 s3, s2  }
0x8d: {  	s2 =	sadd.s32 s2, s16  }
0x8e: {  	[smem:$0x3FB2] =	sst s2  }
0x8f: {  	_ = 	snop  }
0x90: {  	(tm) =	ssettm $0x1  }
0x91: {  	s17 =	sld [smem:$0x3FFB];
	_ =	sdelay $0x3  }
0x92: {  	_ =	strace s17  }
0x93: {  	s2 =	sld [smem:$0x3FFC];
	_ =	sdelay $0x3  }
0x94: {  	_ =	strace s2  }
0x95: {  	s2 =	sld [smem:$0x3FFD];
	_ =	sdelay $0x3  }
0x96: {  	_ =	strace s2  }
0x97: {  	_ =	strace $0x8FFFFFFF  }
0x98: {  	s18 =	sld [smem:$0x3FDB];
	_ =	sdelay $0x1  }
0x99: {  	s19 =	simm.s32 $_scs_section_size  }
0x9a: {  	s4 =	simm.s32 $_size__tile_overlayer_lowered;
	s5 =	simm.s32 $_tile_overlayer_lowered  }
0x9b: {  	s22 =	simm.s32 $0x1BFF;
	s21 =	sshll.u32 s5, $0x1;
	s2 =	sadd.s32 s19, s18  }
0x9c: {  	s6 =	simm.s32 $0x0;
	s20 =	sshll.u32 s4, $0x1;
	s4 =	sadd.s32 s21, s2  }
0x9d: {  	[timem:s6], [sflag:s22] =	dma.local [hbm:s4], s20  }
0x9e: {  	_ =	swait.ge [sflag:s22], s20  }
0x9f: {  	s3 =	ssub.s32 $0x0, s20;
	[sflag:s22] =	ssyncset.done $0x0  }
0xa0: {  	[sflag:s22] =	ssyncadd.s32 s3;
	_ =	sdelay $0x1  }
0xa1: {  	s23 =	simm.s32 $0x1B8B  }
0xa2: {  	_ =	swait.ge [sflag:s23], $0x1  }
0xa3: {  	[sflag:s23] =	ssyncset.done $0x0  }
0xa4: {  	s25 =	simm.s32 $0x1B8E;
	s24 =	sld [smem:$0x3FFE];
	[sflag:s23] =	ssyncadd.s32 $0xFFFFFFFF  }
0xa5: {  	s26 =	simm.s32 $execute0_lowered;
	[smem:$0x3FD2] =	sst s25  }
0xa6: {  	s4 =	sshll.u32 s26, $0x1;
	_ =	strace $0x80000052;
	[dreg:$0x1] =	wrdreg $0xFFFFFFFF  }
0xa7: {  	s28 =	simm.s32 $_size_execute0_lowered;
	s2 =	sadd.s32 s2, s4;
	[dreg:$0x0] =	wrdreg $0x0  }
0xa8: {  	s4 =	sshll.u32 s28, $0x1;
	[dreg:$0x2] =	wrdreg s2  }
0xa9: {  	[dreg:$0x3] =	wrdreg s4  }
0xaa: {  	[dreg:$0x4] =	wrdreg $0xC0  }
0xab: {  	_ =	task [dreg:s6], $0x5FFFF  }
0xac: {  	[dreg:$0x1] =	wrdreg $0xFFFFFFFF  }
0xad: {  	[dreg:$0x0] =	wrdreg $0x60  }
0xae: {  	[dreg:$0x2] =	wrdreg s24  }
0xaf: {  	[dreg:$0x3] =	wrdreg $0xA8000  }
0xb0: {  	[dreg:$0x4] =	wrdreg $0xA  }
0xb1: {  	_ =	task.clear_ibuf [dreg:s6], $0x5FFFF;
	_ =	strace $0x90000052  }
0xb2: {  	s29 =	simm.s32 $0xA;
	_ =	strace $0x80000054  }
0xb3: {  	_ =	swait.ge [sflag:s29], $0x1  }
0xb4: {  	[sflag:s29] =	ssyncadd.s32 $0xFFFFFFFF  }
0xb5: {  	_ =	strace $0x90000054  }
0xb6: {  	_ =	sfence  }
0xb7: {  	s30 =	sld [smem:$0x0];
	_ =	sdelay $0x2  }
0xb8: {  	s31 =	sshll.u32 s1, $0xD;
	s1 =	sshrl.u32 s1, $0x2  }
0xb9: {  	s3 =	sand.u32 $0x4000, s31;
	s1 =	sadd.s32 s1, s30  }
0xba: {  	s0 =	sor.u32 s3, s0;
	s1 =	sshll.u32 s1, $0x11  }
0xbb: {  	s0 =	sor.u32 s1, s0  }
0xbc: {  	s0 =	sadd.s32 $0x8F2B, s0  }
0xbd: {  	[sflag:s0] =	ssyncadd.remote.s32 $0x1  }
0xbe: {  	_ =	sfence.sel $0xFFFF  }
0xbf: {  	[dreg:$0x0] =	wrdreg $0xFFFFFFFF;
	(pc) =	sbr.abs _section_cstart, $3  }
0xc0: {  	[dreg:$0x1] =	wrdreg $0xFFFFFFFF  }
0xc1: {  	_ =	task.clear_ibuf [dreg:s6], $0x2FFFF;
	_ =	strace $0x9FFFFFFF  }
0xc2: {  	(tm) =	ssettm $0x7FFFFFFF  }
0xc3: {  	_ =	shalt  }
tec
execute0_lowered:
.L_overlay_start_1:
0x0: {  	(tag) =	ssettag $0x1  }
0x1: {  	s6 =	rddreg [dreg:$0x0]  }
0x2: {  	s0 =	srdreg.scid;
	s2 =	rddreg [dreg:$0x1];
	s3 =	simm.s32 $0x0  }
0x3: {  	s14 =	simm.s32 $0x80;
	s15 =	simm.s32 $0x2800;
	s16 =	simm.s32 $0x6800  }
0x4: {  	s17 =	simm.s32 $0x1;
	s18 =	simm.s32 $0x2;
	s19 =	simm.s32 $0x2700  }
0x5: {  	s20 =	simm.s32 $0x2780;
	s5 =	sand.u32 $0x1, s0;
	s0 =	stileid.u32  }
0x6: {  	s21 =	simm.s32 $0x0;
	[smem:$0x7FF] =	sst s3;
	s8 =	smul.u32 $0x140000, s5  }
0x7: {  	s4 =	sadd.s32 $0x12A00, s6;
	s1 =	sshll.u32 s5, $0x4;
	s9 =	smul.u32 $0x14000, s0  }
0x8: {  	s31 =	ssub.s32 $0x2, s5;
	s10 =	smul.u32 $0x50000, s0;
	s5 =	sadd.s32 $0x10200, s6  }
0x9: {  	s12 =	sshll.u32 s0, $0x6;
	s1 =	sor.u32 s0, s1;
	s11 =	sshrl.u32 s31, $0x1  }
0xa: {  	s12 =	sor.u32 $0x1C03, s12;
	s7 =	smul.u32 $0x280, s1;
	s1 =	rddreg [dreg:$0x2]  }
0xb: {  	_ =	strace $0x80000053;
	s8 =	sadd.s32 s9, s8;
	s9 =	ssub.s32 s31, s11  }
0xc: {  	s10 =	sshrl.u32 s10, $0x2;
	s11 =	simm.s32 $0x1400;
	s8 =	sshrl.u32 s8, $0x3  }
0xd: {  	s13 =	sadd.s32 s10, s2;
	s9 =	smax.u32 s9, $0x1;
	s10 =	simm.s32 $0x3  }
0xe: {  	s7 =	sadd.s32 s7, s6;
	s8 =	sadd.s32 s8, s6;
	s13 =	sshrl.u32 s13, $0x3  }
0xf: {  	s6 =	sadd.s32 $0x6200, s7;
	s7 =	sadd.s32 $0xB200, s7;
	s8 =	sadd.s32 $0x6CA00, s8  }
.LBB2_1:
0x10: {  	[tilespmem:s3], [sflag:$0x3] =	stream.linear.gather [hbm4b:s6+s3], $0x1400, $0x38;
	[tilespmem:$0x1E800] =	vst v63  }
0x11: {  	_ =	swait.ge [sflag:s10], $0x1400  }
0x12: {  	[sflag:s10] =	ssyncset.done $0x0  }
0x13: {  	[sflag:s10] =	ssyncadd.s32 $0xFFFFEC00  }
0x14: {  	[tilespmem:s11], [sflag:$0x3] =	stream.linear.gather [hbm4b:s7+s3], $0x1400, $0x38;
	[tilespmem:$0x1E800] =	vst v63  }
0x15: {  	_ =	swait.ge [sflag:s10], $0x1400  }
0x16: {  	[sflag:s10] =	ssyncset.done $0x0  }
0x17: {  	[sflag:s10] =	ssyncadd.s32 $0xFFFFEC00  }
0x18: {  	[spmem:s13], [sflag:s12] =	dma.local [hbm:s5], $0x2800  }
0x19: {  	_ =	swait.ge [sflag:s10], $0x2800  }
0x1a: {  	[sflag:s10] =	ssyncset.done $0x0  }
0x1b: {  	[sflag:s10] =	ssyncadd.s32 $0xFFFFD800  }
0x1c: {  	[bflag:$0x0] =	sbarrier.arrive $0xFFFF  }
0x1d: {  	[tilespmem:s15], [sflag:$0x1] =	stream.indirect.gather [hbm4b:s4+s14], $0x80, s3, s14, $0xb8;
	[tilespmem:$0x1E800] =	vst v63  }
0x1e: {  	_ = 	snop  }
0x1f: {  	[tilespmem:s16], [sflag:$0x2] =	stream.indirect.gather [hbm4b:s4+s14], $0x80, s14, s14, $0xb8;
	[tilespmem:$0x1E800] =	vst v63  }
0x20: {  	_ =	swait.ge [sflag:s17], $0x4000  }
0x21: {  	[sflag:s17] =	ssyncset.done $0x0  }
0x22: {  	s22 =	simm.s32 $0x1400;
	[sflag:s17] =	ssyncadd.s32 $0xFFFFC000  }
0x23: {  	[spmem:s2] =	stream.indirect.scatter.add.f32 [tilespmem:s15], [sflag:$0x3], $0x80, s22, s14, $0xb8;
	[tilespmem:$0x1E800] =	vst v63  }
0x24: {  	_ =	swait.ge [sflag:s10], $0x4000  }
0x25: {  	[sflag:s10] =	ssyncset.done $0x0  }
0x26: {  	s30 =	simm.s32 $0x100;
	[sflag:s10] =	ssyncadd.s32 $0xFFFFC000  }
0x27: {  	[tilespmem:s15], [sflag:$0x1] =	stream.indirect.gather [hbm4b:s4+s14], $0x80, s30, s14, $0xb8;
	[tilespmem:$0x1E800] =	vst v63  }
0x28: {  	_ =	swait.ge [sflag:s18], $0x4000  }
0x29: {  	[sflag:s18] =	ssyncset.done $0x0  }
0x2a: {  	s31 =	simm.s32 $0x1480;
	[sflag:s18] =	ssyncadd.s32 $0xFFFFC000  }
0x2b: {  	[spmem:s2] =	stream.indirect.scatter.add.f32 [tilespmem:s16], [sflag:$0x3], $0x80, s31, s14, $0xb8;
	[tilespmem:$0x1E800] =	vst v63  }
0x2c: {  	_ =	swait.ge [sflag:s10], $0x4000  }
0x2d: {  	[sflag:s10] =	ssyncset.done $0x0  }
0x2e: {  	s23 =	simm.s32 $0x180;
	s22 =	simm.s32 $0x400;
	[sflag:s10] =	ssyncadd.s32 $0xFFFFC000  }
.LBB2_2:
0x2f: {  	[tilespmem:s16], [sflag:$0x2] =	stream.indirect.gather [hbm4b:s4+s14], $0x80, s23, s14, $0xb8;
	[tilespmem:$0x1E800] =	vst v63  }
0x30: {  	s23 =	smov.u32 s22  }
0x31: {  	p0 =	sne.s32 s22, $0x4800;
	s22 =	sadd.s32 $0x400, s22;
	_ =	swait.ge [sflag:s17], $0x4000  }
0x32: {  	s23 =	sshra.s32 s23, $0x2;
	[sflag:s17] =	ssyncset.done $0x0  }
0x33: {  	s24 =	sadd.s32 $0x1400, s23;
	[sflag:s17] =	ssyncadd.s32 $0xFFFFC000  }
0x34: {  	[spmem:s2] =	stream.indirect.scatter.add.f32 [tilespmem:s15], [sflag:$0x3], $0x80, s24, s14, $0xb8;
	[tilespmem:$0x1E800] =	vst v63  }
0x35: {  	_ =	swait.ge [sflag:s10], $0x4000  }
0x36: {  	[sflag:s10] =	ssyncset.done $0x0  }
0x37: {  	s24 =	sadd.s32 $0x100, s23;
	[sflag:s10] =	ssyncadd.s32 $0xFFFFC000  }
0x38: {  	[tilespmem:s15], [sflag:$0x1] =	stream.indirect.gather [hbm4b:s4+s14], $0x80, s24, s14, $0xb8;
	[tilespmem:$0x1E800] =	vst v63  }
0x39: {  	_ =	swait.ge [sflag:s18], $0x4000  }
0x3a: {  	[sflag:s18] =	ssyncset.done $0x0  }
.Ltmp0:
0x3b: {  	s24 =	sadd.s32 $0x1480, s23;
	[sflag:s18] =	ssyncadd.s32 $0xFFFFC000;
	(pc) =	sbr.rel @p0 .LBB2_2-.Ltmp0, $4  }
0x3c: {  	[spmem:s2] =	stream.indirect.scatter.add.f32 [tilespmem:s16], [sflag:$0x3], $0x80, s24, s14, $0xb8;
	[tilespmem:$0x1E800] =	vst v63  }
0x3d: {  	_ =	swait.ge [sflag:s10], $0x4000  }
0x3e: {  	[sflag:s10] =	ssyncset.done $0x0  }
0x3f: {  	s23 =	sadd.s32 $0x180, s23;
	[sflag:s10] =	ssyncadd.s32 $0xFFFFC000  }
0x40: {  	[tilespmem:s16], [sflag:$0x2] =	stream.indirect.gather [hbm4b:s4+s14], $0x80, s23, s14, $0xb8;
	[tilespmem:$0x1E800] =	vst v63  }
0x41: {  	_ =	swait.ge [sflag:s17], $0x4000  }
0x42: {  	[sflag:s17] =	ssyncset.done $0x0  }
0x43: {  	[sflag:s17] =	ssyncadd.s32 $0xFFFFC000  }
0x44: {  	[spmem:s2] =	stream.indirect.scatter.add.f32 [tilespmem:s15], [sflag:$0x3], $0x80, s19, s14, $0xb8;
	[tilespmem:$0x1E800] =	vst v63  }
0x45: {  	_ =	swait.ge [sflag:s10], $0x4000  }
0x46: {  	[sflag:s10] =	ssyncset.done $0x0  }
0x47: {  	[sflag:s10] =	ssyncadd.s32 $0xFFFFC000  }
0x48: {  	_ =	swait.ge [sflag:s18], $0x4000  }
0x49: {  	[sflag:s18] =	ssyncset.done $0x0  }
0x4a: {  	[sflag:s18] =	ssyncadd.s32 $0xFFFFC000  }
0x4b: {  	[spmem:s2] =	stream.indirect.scatter.add.f32 [tilespmem:s16], [sflag:$0x3], $0x80, s20, s14, $0xb8;
	[tilespmem:$0x1E800] =	vst v63  }
0x4c: {  	_ =	swait.ge [sflag:s10], $0x4000  }
0x4d: {  	s21 =	sadd.s32 $0x1, s21;
	[sflag:s10] =	ssyncset.done $0x0  }
0x4e: {  	p0 =	sne.s32 s21, s9;
	[sflag:s10] =	ssyncadd.s32 $0xFFFFC000  }
.Ltmp1:
0x4f: {  	[bflag:$0x0] =	sbarrier.arrive $0xFFFF;
	(pc) =	sbr.rel @p0 .LBB2_1-.Ltmp1, $4  }
0x50: {  	[hbm:s8], [sflag:s12] =	dma.local [spmem:s13], $0x2800  }
0x51: {  	_ =	swait.ge [sflag:s10], $0x2800  }
0x52: {  	[sflag:s10] =	ssyncset.done $0x0  }
0x53: {  	[sflag:s10] =	ssyncadd.s32 $0xFFFFD800  }
0x54: {  	_ =	sfence.sel $0x180000  }
0x55: {  	[bflag:$0x0] =	sbarrier.arrive $0xFFFF  }
0x56: {  	p0 =	sne.s32 s0, $0x0;
	_ =	strace $0x90000053  }
0x57: {  	s0 =	sadd.s32 @!p0 $0x100000, s1;
	[bflag:$0x2] =	sbarrier.arrive $0xFFFF  }
0x58: {  	[sflag:s0] =	ssyncadd.tile.s32 @!p0 $0x1;
	_ =	shalt  }
.Lfunc_end2:
_tile_overlayer_lowered:
.L_overlay_start_2:
0x59: {  	(tag) =	ssettag $0x2  }
0x5a: {  	s0 =	rddreg [dreg:$0x0];
	s2 =	stileid.u32  }
0x5b: {  	s1 =	rddreg [dreg:$0x1];
	p0 =	sne.s32 s2, $0x0  }
0x5c: {  	s3 =	rddreg [dreg:$0x2];
	[bflag:$0x3] =	sbarrier.arrive $0xFFFF;
	s2 =	simm.s32 @!p0 $0x1C03  }
0x5d: {  	[timem:s3], [sflag:s2] =	dma.local @!p0 [hbm:s0], s1  }
0x5e: {  	s0 =	simm.s32 @!p0 $0x3  }
0x5f: {  	_ =	swait.ge @!p0 [sflag:s0], s1  }
0x60: {  	s1 =	ssub.s32 @!p0 $0x0, s1;
	[sflag:s0] =	ssyncset.done @!p0 $0x0  }
0x61: {  	[sflag:s0] =	ssyncadd.s32 @!p0 s1  }
0x62: {  	[bflag:$0x3] =	sbarrier.arrive $0xFFFF  }
0x63: {  	_ =	shalt  }

// kernel: kernel.33.cloned.1.call-start
scs
__scs_entry_jumppad:
0x0: {  	(pc) =	sbr.rel $0x88, $3  }
0x1: {  	(tag) =	ssettag $0x0;
	lr =	simm.s32 $0x1  }
0x2: {  	[smem:$0x3F8B] =	sst lr;
	_ =	strace $0xD0000000  }
0x3: {  	_ = 	snop  }
0x4: {  	_ = 	snop  }
0x5: {  	_ = 	snop  }
0x6: {  	_ = 	snop  }
0x7: {  	_ = 	snop  }
__scs_overlays_trampoline_lowered:
0x8: {  	[smem:$0x3F9A] =	sst s0  }
0x9: {  	[smem:$0x3F9B] =	sst s1  }
0xa: {  	[smem:$0x3F9C] =	sst s2  }
0xb: {  	[smem:$0x3F9D] =	sst s3  }
0xc: {  	[smem:$0x3F9E] =	sst s4  }
0xd: {  	[smem:$0x3F9F] =	sst s5  }
0xe: {  	[smem:$0x3FA0] =	sst s6  }
0xf: {  	[smem:$0x3FA1] =	sst s7  }
0x10: {  	[smem:$0x3FA2] =	sst s8  }
0x11: {  	[smem:$0x3FA3] =	sst s9;
	s0 =	simm.s32 @!p0 $0x0  }
0x12: {  	s1 =	sld [smem:$0x3F89];
	s0 =	simm.s32 @p0 $0x1  }
0x13: {  	[smem:$0x3FA4] =	sst s0;
	s0 =	simm.s32 @!p1 $0x0  }
0x14: {  	s2 =	sld [smem:$0x3F88];
	s0 =	simm.s32 @p1 $0x1  }
0x15: {  	[smem:$0x3FA5] =	sst s0;
	s0 =	simm.s32 @!p2 $0x0  }
0x16: {  	s3 =	sld [smem:$0x3FDB];
	s0 =	simm.s32 @p2 $0x1  }
0x17: {  	s4 =	simm.s32 $0x1BF5;
	[smem:$0x3FA7] =	sst s0  }
0x18: {  	s0 =	sld [smem:$0x3F8A];
	_ =	swait.ge [sflag:s4], $0x0  }
0x19: {  	s7 =	sld [smem:$0x3F8B]  }
0x1a: {  	s8 =	sadd.s32 $0xFFFFE003, lr  }
0x1b: {  	s9 =	sadd.s32 $0xFFFFFEF7, lr;
	s5 =	simm.s32 $0xFFFFFFFF;
	p2 =	slt.u32 s8, $0xFFFFF086  }
0x1c: {  	p1 =	slt.u32 s9, $0xF7A;
	s5 =	simm.s32 @!p2 $0x0  }
0x1d: {  	s5 =	simm.s32 @p1 $0x1;
	p0 =	seq.s32 s7, s2  }
0x1e: {  	s7 =	smul.u32 @!p0 $0xF7A, s2;
	p2 =	seq.s32 @!p0 s5, $0x0  }
0x1f: {  	s9 =	smul.u32 $0xF7A, s1;
	s8 =	simm.s32 @!p0 $0x1BF5;
	p2 =	por !p2, p0  }
0x20: {  	[sflag:s8] =	ssyncset.s32 @!p0 $0xFFFFF086;
	s6 =	sadd.s32 @!p0 s3, s7;
	s7 =	simm.s32 @!p0 $0x108  }
0x21: {  	s3 =	sadd.s32 s3, s9;
	s6 =	sadd.s32 @!p0 $0x88, s6;
	s7 =	simm.s32 @p2 $0x1082  }
0x22: {  	[simem:s7], [sflag:s8] =	dma.local @!p0 [hbm:s6], $0xF7A  }
0x23: {  	s9 =	sor.u32 $0xD0000000, s2;
	s6 =	simm.s32 $0x108;
	_ =	swait.ge @!p0 [sflag:s8], $0x0  }
0x24: {  	s3 =	sadd.s32 $0x88, s3;
	s6 =	simm.s32 @!p1 $0x1082;
	[sflag:s4] =	ssyncset.s32 $0xFFFFF086  }
0x25: {  	[simem:s6], [sflag:s4] =	dma.local [hbm:s3], $0xF7A  }
0x26: {  	[smem:$0x3F8B] =	sst s1;
	(tag) =	ssettag s2;
	_ =	strace s9  }
0x27: {  	s1 =	sld [smem:$0x3F9B]  }
0x28: {  	s2 =	sld [smem:$0x3F9C]  }
0x29: {  	s4 =	sld [smem:$0x3F9E]  }
0x2a: {  	p0 =	seq.s32 s5, $0x0;
	s5 =	sld [smem:$0x3F9F]  }
0x2b: {  	s6 =	sld [smem:$0x3FA0]  }
0x2c: {  	s7 =	sld [smem:$0x3FA1]  }
0x2d: {  	s3 =	simm.s32 $0x108;
	s8 =	sld [smem:$0x3FA2]  }
0x2e: {  	s3 =	simm.s32 @!p0 $0x1082;
	s9 =	sld [smem:$0x3FA3]  }
0x2f: {  	lr =	sadd.s32 s0, s3;
	s0 =	sld [smem:$0x3F9A]  }
0x30: {  	s3 =	sld [smem:$0x3F9D]  }
0x31: {  	[smem:$0x3FA6] =	sst s10  }
0x32: {  	s10 =	sld [smem:$0x3FA4];
	_ =	sdelay $0x3  }
0x33: {  	p0 =	seq.s32 s10, $0x1;
	s10 =	sld [smem:$0x3FA6];
	_ =	sdelay $0x3  }
0x34: {  	[smem:$0x3FA6] =	sst s10  }
0x35: {  	s10 =	sld [smem:$0x3FA5];
	_ =	sdelay $0x3  }
0x36: {  	p1 =	seq.s32 s10, $0x1;
	s10 =	sld [smem:$0x3FA6];
	_ =	sdelay $0x3  }
0x37: {  	[smem:$0x3FA6] =	sst s10  }
0x38: {  	s10 =	sld [smem:$0x3FA7]  }
0x39: {  	_ = 	snop;
	(pc) =	sbr.ind lr, $3  }
0x3a: {  	_ = 	snop  }
0x3b: {  	_ = 	snop  }
0x3c: {  	p2 =	seq.s32 s10, $0x1;
	s10 =	sld [smem:$0x3FA6]  }
0x3d: {  	_ =	shalt  }
0x3e: {  	_ =	shalt  }
0x3f: {  	_ =	shalt  }
0x40: {  	_ =	shalt  }
0x41: {  	_ =	shalt  }
0x42: {  	_ =	shalt  }
0x43: {  	_ =	shalt  }
0x44: {  	_ =	shalt  }
0x45: {  	_ =	shalt  }
0x46: {  	_ =	shalt  }
0x47: {  	_ =	shalt  }
0x48: {  	_ =	shalt  }
0x49: {  	_ =	shalt  }
0x4a: {  	_ =	shalt  }
0x4b: {  	_ =	shalt  }
0x4c: {  	_ =	shalt  }
0x4d: {  	_ =	shalt  }
0x4e: {  	_ =	shalt  }
0x4f: {  	_ =	shalt  }
0x50: {  	_ =	shalt  }
0x51: {  	_ =	shalt  }
0x52: {  	_ =	shalt  }
0x53: {  	_ =	shalt  }
0x54: {  	_ =	shalt  }
0x55: {  	_ =	shalt  }
0x56: {  	_ =	shalt  }
0x57: {  	_ =	shalt  }
0x58: {  	_ =	shalt  }
0x59: {  	_ =	shalt  }
0x5a: {  	_ =	shalt  }
0x5b: {  	_ =	shalt  }
0x5c: {  	_ =	shalt  }
0x5d: {  	_ =	shalt  }
0x5e: {  	_ =	shalt  }
0x5f: {  	_ =	shalt  }
0x60: {  	_ =	shalt  }
0x61: {  	_ =	shalt  }
0x62: {  	_ =	shalt  }
0x63: {  	_ =	shalt  }
0x64: {  	_ =	shalt  }
0x65: {  	_ =	shalt  }
0x66: {  	_ =	shalt  }
0x67: {  	_ =	shalt  }
0x68: {  	_ =	shalt  }
0x69: {  	_ =	shalt  }
0x6a: {  	_ =	shalt  }
0x6b: {  	_ =	shalt  }
0x6c: {  	_ =	shalt  }
0x6d: {  	_ =	shalt  }
0x6e: {  	_ =	shalt  }
0x6f: {  	_ =	shalt  }
0x70: {  	_ =	shalt  }
0x71: {  	_ =	shalt  }
0x72: {  	_ =	shalt  }
0x73: {  	_ =	shalt  }
0x74: {  	_ =	shalt  }
0x75: {  	_ =	shalt  }
0x76: {  	_ =	shalt  }
0x77: {  	_ =	shalt  }
0x78: {  	_ =	shalt  }
0x79: {  	_ =	shalt  }
0x7a: {  	_ =	shalt  }
0x7b: {  	_ =	shalt  }
0x7c: {  	_ =	shalt  }
0x7d: {  	_ =	shalt  }
0x7e: {  	_ =	shalt  }
0x7f: {  	_ =	shalt  }
0x80: {  	_ =	shalt  }
0x81: {  	_ =	shalt  }
0x82: {  	_ =	shalt  }
0x83: {  	_ =	shalt  }
0x84: {  	_ =	shalt  }
0x85: {  	_ =	shalt  }
0x86: {  	_ =	shalt  }
0x87: {  	_ =	shalt  }
.Lfunc_end0:
.L_simem_size_0:
called_computation.6_lowered:
.L_overlay_start_0:
0x88: {  	s2 =	sld [smem:$0x3FD9]  }
0x89: {  	s3 =	sld [smem:$0x3FFE];
	_ =	sdelay $0x1  }
0x8a: {  	s1 =	srdreg.scid  }
0x8b: {  	s0 =	sand.u32 $0x1, s1  }
0x8c: {  	s17 =	sshll.u32 s0, $0xA;
	s2 =	sadd.s32 s3, s2  }
0x8d: {  	s2 =	sadd.s32 s2, s17  }
0x8e: {  	[smem:$0x3FB2] =	sst s2  }
0x8f: {  	_ = 	snop  }
0x90: {  	(tm) =	ssettm $0x1  }
0x91: {  	s18 =	sld [smem:$0x3FFB];
	_ =	sdelay $0x3  }
0x92: {  	_ =	strace s18  }
0x93: {  	s2 =	sld [smem:$0x3FFC];
	_ =	sdelay $0x3  }
0x94: {  	_ =	strace s2  }
0x95: {  	s2 =	sld [smem:$0x3FFD];
	_ =	sdelay $0x3  }
0x96: {  	_ =	strace s2  }
0x97: {  	_ =	strace $0x8FFFFFFF  }
0x98: {  	s19 =	sld [smem:$0x3FDB];
	_ =	sdelay $0x1  }
0x99: {  	s20 =	simm.s32 $_scs_section_size  }
0x9a: {  	s4 =	simm.s32 $_size__tile_overlayer_lowered;
	s5 =	simm.s32 $_tile_overlayer_lowered  }
0x9b: {  	s6 =	simm.s32 $0x1BFF;
	s21 =	sshll.u32 s5, $0x1;
	s3 =	sadd.s32 s20, s19  }
0x9c: {  	s22 =	simm.s32 $0x0;
	s4 =	sshll.u32 s4, $0x1;
	s5 =	sadd.s32 s21, s3  }
0x9d: {  	[timem:s22], [sflag:s6] =	dma.local [hbm:s5], s4  }
0x9e: {  	_ =	swait.ge [sflag:s6], s4  }
0x9f: {  	s4 =	ssub.s32 $0x0, s4;
	[sflag:s6] =	ssyncset.done $0x0  }
0xa0: {  	[sflag:s6] =	ssyncadd.s32 s4;
	_ =	sdelay $0x1  }
0xa1: {  	s23 =	simm.s32 $0x1B8B  }
0xa2: {  	_ =	swait.ge [sflag:s23], $0x1  }
0xa3: {  	[sflag:s23] =	ssyncset.done $0x0  }
0xa4: {  	[sflag:s23] =	ssyncadd.s32 $0xFFFFFFFF  }
0xa5: {  	s4 =	sld [smem:$0x0]  }
0xa6: {  	s5 =	sand.u32 $0xFFFFFFFE, s1  }
0xa7: {  	p0 =	sne.s32 s1, s5  }
0xa8: {  	s5 =	sshll.u32 @p0 s5, $0xE  }
0xa9: {  	s5 =	sadd.s32 @p0 $0x11B8D, s5;
	s6 =	sshll.u32 @p0 s4, $0x11  }
0xaa: {  	s5 =	sor.u32 @p0 s6, s5  }
0xab: {  	[sflag:s5] =	ssyncadd.remote.s32 @p0 $0x1;
	_ =	sdelay $0x1  }
0xac: {  	s5 =	simm.s32 @p0 $0x1B8D  }
0xad: {  	_ =	swait.eq @p0 [sflag:s5], $0x1  }
0xae: {  	[sflag:s5] =	ssyncadd.s32 @p0 $0xFFFFFFFF  }
0xaf: {  	s6 =	sshll.u32 @!p0 s1, $0xE  }
0xb0: {  	s6 =	sor.u32 @!p0 $0x4000, s6;
	s5 =	simm.s32 @!p0 $0x1B8D  }
0xb1: {  	s4 =	sshll.u32 @!p0 s4, $0x11;
	s6 =	sadd.s32 @!p0 $0x11B8D, s6;
	_ =	swait.eq @!p0 [sflag:s5], $0x1  }
0xb2: {  	s4 =	sor.u32 @!p0 s4, s6;
	[sflag:s5] =	ssyncadd.s32 @!p0 $0xFFFFFFFF  }
0xb3: {  	s25 =	simm.s32 $0x1B8E;
	s24 =	sld [smem:$0x3FFE];
	[sflag:s4] =	ssyncadd.remote.s32 @!p0 $0x1  }
0xb4: {  	s26 =	simm.s32 $execute0_lowered;
	[smem:$0x3FD2] =	sst s25  }
0xb5: {  	s5 =	sshll.u32 s26, $0x1;
	_ =	strace $0x80000058;
	[dreg:$0x1] =	wrdreg $0xFFFFFFFF  }
0xb6: {  	s28 =	simm.s32 $_size_execute0_lowered;
	s3 =	sadd.s32 s3, s5;
	[dreg:$0x0] =	wrdreg $0x0  }
0xb7: {  	s5 =	sshll.u32 s28, $0x1;
	[dreg:$0x2] =	wrdreg s3  }
0xb8: {  	[dreg:$0x3] =	wrdreg s5  }
0xb9: {  	[dreg:$0x4] =	wrdreg $0xC0  }
0xba: {  	_ =	task [dreg:s22], $0x5FFFF  }
0xbb: {  	[dreg:$0x1] =	wrdreg $0xFFFFFFFF  }
0xbc: {  	[dreg:$0x0] =	wrdreg $0x60  }
0xbd: {  	[dreg:$0x2] =	wrdreg s24  }
0xbe: {  	[dreg:$0x3] =	wrdreg $0xA8000  }
0xbf: {  	[dreg:$0x4] =	wrdreg $0xA  }
0xc0: {  	_ =	task.clear_ibuf [dreg:s22], $0x5FFFF;
	_ =	strace $0x90000058  }
0xc1: {  	s29 =	simm.s32 $0xA;
	_ =	strace $0x8000005A  }
0xc2: {  	_ =	swait.ge [sflag:s29], $0x1  }
0xc3: {  	[sflag:s29] =	ssyncadd.s32 $0xFFFFFFFF  }
0xc4: {  	_ =	strace $0x9000005A  }
0xc5: {  	_ =	sfence  }
0xc6: {  	s30 =	sld [smem:$0x0];
	_ =	sdelay $0x2  }
0xc7: {  	s31 =	sshll.u32 s1, $0xD;
	s1 =	sshrl.u32 s1, $0x2  }
0xc8: {  	s4 =	sand.u32 $0x4000, s31;
	s1 =	sadd.s32 s1, s30  }
0xc9: {  	s0 =	sor.u32 s4, s0;
	s1 =	sshll.u32 s1, $0x11  }
0xca: {  	s0 =	sor.u32 s1, s0  }
0xcb: {  	s0 =	sadd.s32 $0x8F2B, s0  }
0xcc: {  	[sflag:s0] =	ssyncadd.remote.s32 $0x1  }
0xcd: {  	_ =	sfence.sel $0xFFFF  }
0xce: {  	[dreg:$0x0] =	wrdreg $0xFFFFFFFF;
	(pc) =	sbr.abs _section_cstart, $3  }
0xcf: {  	[dreg:$0x1] =	wrdreg $0xFFFFFFFF  }
0xd0: {  	_ =	task.clear_ibuf [dreg:s22], $0x2FFFF;
	_ =	strace $0x9FFFFFFF  }
0xd1: {  	(tm) =	ssettm $0x7FFFFFFF  }
tec
execute0_lowered:
.L_overlay_start_1:
0x0: {  	(tag) =	ssettag $0x1  }
0x1: {  	s6 =	rddreg [dreg:$0x0]  }
0x2: {  	s0 =	srdreg.scid;
	s2 =	rddreg [dreg:$0x1];
	s3 =	simm.s32 $0x0  }
0x3: {  	s14 =	simm.s32 $0x80;
	s15 =	simm.s32 $0x2800;
	s16 =	simm.s32 $0x6800  }
0x4: {  	s17 =	simm.s32 $0x1;
	s18 =	simm.s32 $0x2;
	s19 =	simm.s32 $0x2700  }
0x5: {  	s20 =	simm.s32 $0x2780;
	s5 =	sand.u32 $0x1, s0;
	s0 =	stileid.u32  }
0x6: {  	s21 =	simm.s32 $0x0;
	[smem:$0x7FF] =	sst s3;
	s8 =	smul.u32 $0x140000, s5  }
0x7: {  	s4 =	sadd.s32 $0x6CA00, s6;
	s1 =	sshll.u32 s5, $0x4;
	s9 =	smul.u32 $0x14000, s0  }
0x8: {  	s31 =	ssub.s32 $0x2, s5;
	s10 =	smul.u32 $0x50000, s0;
	s5 =	sadd.s32 $0x10200, s6  }
0x9: {  	s12 =	sshll.u32 s0, $0x6;
	s1 =	sor.u32 s0, s1;
	s11 =	sshrl.u32 s31, $0x1  }
0xa: {  	s12 =	sor.u32 $0x1C03, s12;
	s7 =	smul.u32 $0x280, s1;
	s1 =	rddreg [dreg:$0x2]  }
0xb: {  	_ =	strace $0x80000059;
	s8 =	sadd.s32 s9, s8;
	s9 =	ssub.s32 s31, s11  }
0xc: {  	s10 =	sshrl.u32 s10, $0x2;
	s11 =	simm.s32 $0x1400;
	s8 =	sshrl.u32 s8, $0x3  }
0xd: {  	s13 =	sadd.s32 s10, s2;
	s9 =	smax.u32 s9, $0x1;
	s10 =	simm.s32 $0x3  }
0xe: {  	s7 =	sadd.s32 s7, s6;
	s8 =	sadd.s32 s8, s6;
	s13 =	sshrl.u32 s13, $0x3  }
0xf: {  	s6 =	sadd.s32 $0x62A00, s7;
	s7 =	sadd.s32 $0x67A00, s7;
	s8 =	sadd.s32 $0x94A00, s8  }
.LBB2_1:
0x10: {  	[tilespmem:s3], [sflag:$0x3] =	stream.linear.gather [hbm4b:s6+s3], $0x1400, $0x38;
	[tilespmem:$0x1E800] =	vst v63  }
0x11: {  	_ =	swait.ge [sflag:s10], $0x1400  }
0x12: {  	[sflag:s10] =	ssyncset.done $0x0  }
0x13: {  	[sflag:s10] =	ssyncadd.s32 $0xFFFFEC00  }
0x14: {  	[tilespmem:s11], [sflag:$0x3] =	stream.linear.gather [hbm4b:s7+s3], $0x1400, $0x38;
	[tilespmem:$0x1E800] =	vst v63  }
0x15: {  	_ =	swait.ge [sflag:s10], $0x1400  }
0x16: {  	[sflag:s10] =	ssyncset.done $0x0  }
0x17: {  	[sflag:s10] =	ssyncadd.s32 $0xFFFFEC00  }
0x18: {  	[spmem:s13], [sflag:s12] =	dma.local [hbm:s5], $0x2800  }
0x19: {  	_ =	swait.ge [sflag:s10], $0x2800  }
0x1a: {  	[sflag:s10] =	ssyncset.done $0x0  }
0x1b: {  	[sflag:s10] =	ssyncadd.s32 $0xFFFFD800  }
0x1c: {  	[bflag:$0x0] =	sbarrier.arrive $0xFFFF  }
0x1d: {  	[tilespmem:s15], [sflag:$0x1] =	stream.indirect.gather [hbm4b:s4+s14], $0x80, s3, s14, $0xb8;
	[tilespmem:$0x1E800] =	vst v63  }
0x1e: {  	_ = 	snop  }
0x1f: {  	[tilespmem:s16], [sflag:$0x2] =	stream.indirect.gather [hbm4b:s4+s14], $0x80, s14, s14, $0xb8;
	[tilespmem:$0x1E800] =	vst v63  }
0x20: {  	_ =	swait.ge [sflag:s17], $0x4000  }
0x21: {  	[sflag:s17] =	ssyncset.done $0x0  }
0x22: {  	s22 =	simm.s32 $0x1400;
	[sflag:s17] =	ssyncadd.s32 $0xFFFFC000  }
0x23: {  	[spmem:s2] =	stream.indirect.scatter.add.f32 [tilespmem:s15], [sflag:$0x3], $0x80, s22, s14, $0xb8;
	[tilespmem:$0x1E800] =	vst v63  }
0x24: {  	_ =	swait.ge [sflag:s10], $0x4000  }
0x25: {  	[sflag:s10] =	ssyncset.done $0x0  }
0x26: {  	s30 =	simm.s32 $0x100;
	[sflag:s10] =	ssyncadd.s32 $0xFFFFC000  }
0x27: {  	[tilespmem:s15], [sflag:$0x1] =	stream.indirect.gather [hbm4b:s4+s14], $0x80, s30, s14, $0xb8;
	[tilespmem:$0x1E800] =	vst v63  }
0x28: {  	_ =	swait.ge [sflag:s18], $0x4000  }
0x29: {  	[sflag:s18] =	ssyncset.done $0x0  }
0x2a: {  	s31 =	simm.s32 $0x1480;
	[sflag:s18] =	ssyncadd.s32 $0xFFFFC000  }
0x2b: {  	[spmem:s2] =	stream.indirect.scatter.add.f32 [tilespmem:s16], [sflag:$0x3], $0x80, s31, s14, $0xb8;
	[tilespmem:$0x1E800] =	vst v63  }
0x2c: {  	_ =	swait.ge [sflag:s10], $0x4000  }
0x2d: {  	[sflag:s10] =	ssyncset.done $0x0  }
0x2e: {  	s23 =	simm.s32 $0x180;
	s22 =	simm.s32 $0x400;
	[sflag:s10] =	ssyncadd.s32 $0xFFFFC000  }
.LBB2_2:
0x2f: {  	[tilespmem:s16], [sflag:$0x2] =	stream.indirect.gather [hbm4b:s4+s14], $0x80, s23, s14, $0xb8;
	[tilespmem:$0x1E800] =	vst v63  }
0x30: {  	s23 =	smov.u32 s22  }
0x31: {  	p0 =	sne.s32 s22, $0x4800;
	s22 =	sadd.s32 $0x400, s22;
	_ =	swait.ge [sflag:s17], $0x4000  }
0x32: {  	s23 =	sshra.s32 s23, $0x2;
	[sflag:s17] =	ssyncset.done $0x0  }
0x33: {  	s24 =	sadd.s32 $0x1400, s23;
	[sflag:s17] =	ssyncadd.s32 $0xFFFFC000  }
0x34: {  	[spmem:s2] =	stream.indirect.scatter.add.f32 [tilespmem:s15], [sflag:$0x3], $0x80, s24, s14, $0xb8;
	[tilespmem:$0x1E800] =	vst v63  }
0x35: {  	_ =	swait.ge [sflag:s10], $0x4000  }
0x36: {  	[sflag:s10] =	ssyncset.done $0x0  }
0x37: {  	s24 =	sadd.s32 $0x100, s23;
	[sflag:s10] =	ssyncadd.s32 $0xFFFFC000  }
0x38: {  	[tilespmem:s15], [sflag:$0x1] =	stream.indirect.gather [hbm4b:s4+s14], $0x80, s24, s14, $0xb8;
	[tilespmem:$0x1E800] =	vst v63  }
0x39: {  	_ =	swait.ge [sflag:s18], $0x4000  }
0x3a: {  	[sflag:s18] =	ssyncset.done $0x0  }
.Ltmp0:
0x3b: {  	s24 =	sadd.s32 $0x1480, s23;
	[sflag:s18] =	ssyncadd.s32 $0xFFFFC000;
	(pc) =	sbr.rel @p0 .LBB2_2-.Ltmp0, $4  }
0x3c: {  	[spmem:s2] =	stream.indirect.scatter.add.f32 [tilespmem:s16], [sflag:$0x3], $0x80, s24, s14, $0xb8;
	[tilespmem:$0x1E800] =	vst v63  }
0x3d: {  	_ =	swait.ge [sflag:s10], $0x4000  }
0x3e: {  	[sflag:s10] =	ssyncset.done $0x0  }
0x3f: {  	s23 =	sadd.s32 $0x180, s23;
	[sflag:s10] =	ssyncadd.s32 $0xFFFFC000  }
0x40: {  	[tilespmem:s16], [sflag:$0x2] =	stream.indirect.gather [hbm4b:s4+s14], $0x80, s23, s14, $0xb8;
	[tilespmem:$0x1E800] =	vst v63  }
0x41: {  	_ =	swait.ge [sflag:s17], $0x4000  }
0x42: {  	[sflag:s17] =	ssyncset.done $0x0  }
0x43: {  	[sflag:s17] =	ssyncadd.s32 $0xFFFFC000  }
0x44: {  	[spmem:s2] =	stream.indirect.scatter.add.f32 [tilespmem:s15], [sflag:$0x3], $0x80, s19, s14, $0xb8;
	[tilespmem:$0x1E800] =	vst v63  }
0x45: {  	_ =	swait.ge [sflag:s10], $0x4000  }
0x46: {  	[sflag:s10] =	ssyncset.done $0x0  }
0x47: {  	[sflag:s10] =	ssyncadd.s32 $0xFFFFC000  }
0x48: {  	_ =	swait.ge [sflag:s18], $0x4000  }
0x49: {  	[sflag:s18] =	ssyncset.done $0x0  }
0x4a: {  	[sflag:s18] =	ssyncadd.s32 $0xFFFFC000  }
0x4b: {  	[spmem:s2] =	stream.indirect.scatter.add.f32 [tilespmem:s16], [sflag:$0x3], $0x80, s20, s14, $0xb8;
	[tilespmem:$0x1E800] =	vst v63  }
0x4c: {  	_ =	swait.ge [sflag:s10], $0x4000  }
0x4d: {  	s21 =	sadd.s32 $0x1, s21;
	[sflag:s10] =	ssyncset.done $0x0  }
0x4e: {  	p0 =	sne.s32 s21, s9;
	[sflag:s10] =	ssyncadd.s32 $0xFFFFC000  }
.Ltmp1:
0x4f: {  	[bflag:$0x0] =	sbarrier.arrive $0xFFFF;
	(pc) =	sbr.rel @p0 .LBB2_1-.Ltmp1, $4  }
0x50: {  	[hbm:s8], [sflag:s12] =	dma.local [spmem:s13], $0x2800  }
0x51: {  	_ =	swait.ge [sflag:s10], $0x2800  }
0x52: {  	[sflag:s10] =	ssyncset.done $0x0  }
0x53: {  	[sflag:s10] =	ssyncadd.s32 $0xFFFFD800  }
0x54: {  	_ =	sfence.sel $0x180000  }
0x55: {  	[bflag:$0x0] =	sbarrier.arrive $0xFFFF  }
0x56: {  	p0 =	sne.s32 s0, $0x0;
	_ =	strace $0x90000059  }
0x57: {  	s0 =	sadd.s32 @!p0 $0x100000, s1;
	[bflag:$0x2] =	sbarrier.arrive $0xFFFF  }
0x58: {  	[sflag:s0] =	ssyncadd.tile.s32 @!p0 $0x1;
	_ =	shalt  }
.Lfunc_end2:
_tile_overlayer_lowered:
.L_overlay_start_2:
0x59: {  	(tag) =	ssettag $0x2  }
0x5a: {  	s0 =	rddreg [dreg:$0x0];
	s2 =	stileid.u32  }
0x5b: {  	s1 =	rddreg [dreg:$0x1];
	p0 =	sne.s32 s2, $0x0  }
0x5c: {  	s3 =	rddreg [dreg:$0x2];
	[bflag:$0x3] =	sbarrier.arrive $0xFFFF;
	s2 =	simm.s32 @!p0 $0x1C03  }
0x5d: {  	[timem:s3], [sflag:s2] =	dma.local @!p0 [hbm:s0], s1  }
0x5e: {  	s0 =	simm.s32 @!p0 $0x3  }
0x5f: {  	_ =	swait.ge @!p0 [sflag:s0], s1  }
0x60: {  	s1 =	ssub.s32 @!p0 $0x0, s1;
	[sflag:s0] =	ssyncset.done @!p0 $0x0  }
0x61: {  	[sflag:s0] =	ssyncadd.s32 @!p0 s1  }
0x62: {  	[bflag:$0x3] =	sbarrier.arrive $0xFFFF  }
0x63: {  	_ =	shalt  }

</sc_bundles>
